<compile_context>
chip_gen: v7x
topology: tpu7x:2x2x1
jax: 0.10.2.dev20260603
libtpu: 0.0.44.dev20260713+nightly
codegen_flags: <defaults>
</compile_context>

<pallas_src>
import functools

import jax
import jax.numpy as jnp
from jax import lax
from jax.experimental import pallas as pl
from jax.experimental.pallas import tpu as pltpu
from jax.experimental.pallas import tpu_sc as plsc

N = 10000
E = 320000
D = 128

NC = 2
NS = 16
NW = NC * NS
CH = 128
NCHUNKS = E // CH
BASE_CH = NCHUNKS // NW
REM_CH = NCHUNKS % NW

DCH = 2560
NDCH = E // DCH
DBASE = NDCH // NW
DREM = NDCH % NW

N_PAD = 10240
RPT = 640
RPT_LAST = N - 15 * RPT
LANES = 16

BR = 256
GRID = N_PAD // BR
BR2 = 1024
GRID2 = N_PAD // BR2
BRE = 1024
GRIDE = N_PAD // BRE

_MESH = plsc.VectorSubcoreMesh(
    core_axis_name="c", subcore_axis_name="s", num_cores=NC, num_subcores=NS
)



def _sc_degree_body(ei, degp, dst0, dst1, dst2, dst3, degloc,
                    semi0, semi1, semi2, semi3):
    c = lax.axis_index("c")
    s = lax.axis_index("s")
    w = s * NC + c

    dsts = (dst0, dst1, dst2, dst3)
    semis = (semi0, semi1, semi2, semi3)

    def fetch_idx(j, q):
        off = (j * NW + w) * DCH
        pltpu.async_copy(ei.at[1, pl.ds(off, DCH)], dsts[q], semis[q])

    def wait_idx(j, q):
        off = (j * NW + w) * DCH
        pltpu.make_async_copy(ei.at[1, pl.ds(off, DCH)], dsts[q],
                              semis[q]).wait()

    nch = DBASE + jnp.where(w < DREM, 1, 0)

    for q in range(4):
        @pl.when(q < nch)
        def _():
            fetch_idx(q, q)

    zeros = jnp.zeros((LANES,), jnp.float32)

    def zinit(i, carry):
        degloc[pl.ds(i * LANES, LANES)] = zeros
        return carry

    lax.fori_loop(0, N_PAD // LANES, zinit, 0)

    ones = jnp.ones((LANES,), jnp.float32)

    for q in range(4):
        @pl.when(q < nch)
        def _():
            wait_idx(q, q)

            def group(k, carry2):
                idx = dsts[q][pl.ds(k * LANES, LANES)]
                plsc.addupdate_scatter(degloc, [idx], ones)
                return carry2

            lax.fori_loop(0, DCH // LANES, group, 0)

    pltpu.sync_copy(degloc, degp.at[w])


def _sc_gather_scatter_body(hp, ei, zz, gp,
                            src0, src1, src2, src3,
                            dst0, dst1, dst2, dst3,
                            rows0, rows1, rows2, acc,
                            semg0, semg1, semg2,
                            sems0, sems1, sems2,
                            semi0, semi1, semi2, semi3):
    c = lax.axis_index("c")
    s = lax.axis_index("s")
    w = s * NC + c
    r0 = s * RPT
    nch = BASE_CH + jnp.where(w < REM_CH, 1, 0)

    @pl.when(s < NS - 1)
    def _():
        pltpu.sync_copy(zz.at[pl.ds(r0, RPT), :], acc.at[pl.ds(r0, RPT), :])

    @pl.when(s == NS - 1)
    def _():
        pltpu.sync_copy(zz.at[pl.ds(r0, RPT_LAST), :],
                        acc.at[pl.ds(r0, RPT_LAST), :])

    rowss = (rows0, rows1, rows2)
    semgs = (semg0, semg1, semg2)
    semss = (sems0, sems1, sems2)
    semis = (semi0, semi1, semi2, semi3)
    srcs = (src0, src1, src2, src3)
    dsts = (dst0, dst1, dst2, dst3)

    def fetch_idx(j, q4):
        off = (j * NW + w) * CH
        pltpu.async_copy(ei.at[0, pl.ds(off, CH)], srcs[q4], semis[q4])
        pltpu.async_copy(ei.at[1, pl.ds(off, CH)], dsts[q4], semis[q4])

    def wait_idx(j, q4):
        off = (j * NW + w) * CH
        pltpu.make_async_copy(ei.at[0, pl.ds(off, CH)], srcs[q4],
                              semis[q4]).wait()
        pltpu.make_async_copy(ei.at[1, pl.ds(off, CH)], dsts[q4],
                              semis[q4]).wait()

    def start_gather(q4, q3):
        pltpu.async_copy(hp.at[srcs[q4]], rowss[q3], semgs[q3])

    def wait_gather(q4, q3):
        pltpu.make_async_copy(hp.at[srcs[q4]], rowss[q3], semgs[q3]).wait()

    def start_scatter(q4, q3):
        pltpu.async_copy(rowss[q3], acc.at[dsts[q4]], semss[q3], add=True)

    def wait_scatter(q4, q3):
        pltpu.make_async_copy(rowss[q3], acc.at[dsts[q4]],
                              semss[q3]).wait()

    for q in range(4):
        fetch_idx(q, q)
    for q in range(2):
        wait_idx(q, q)
        start_gather(q, q)
    plsc.subcore_barrier()

    def twelve(i, carry):
        for u in range(12):
            j = 12 * i + u

            @pl.when(j < nch)
            def _():
                wait_gather(u % 4, u % 3)
                start_scatter(u % 4, u % 3)

                @pl.when(j + 2 < nch)
                def _():
                    @pl.when(j >= 1)
                    def _():
                        wait_scatter((u + 3) % 4, (u + 2) % 3)

                        @pl.when(j + 3 < nch)
                        def _():
                            fetch_idx(j + 3, (u + 3) % 4)

                    wait_idx(j + 2, (u + 2) % 4)
                    start_gather((u + 2) % 4, (u + 2) % 3)

        return carry

    lax.fori_loop(0, (BASE_CH + 12) // 12, twelve, 0)

    for q in range(3):
        wait_scatter(q, q)

    plsc.subcore_barrier()

    @pl.when(s < NS - 1)
    def _():
        pltpu.sync_copy(acc.at[pl.ds(r0, RPT), :],
                        gp.at[c, pl.ds(r0, RPT), :])

    @pl.when(s == NS - 1)
    def _():
        pltpu.sync_copy(acc.at[pl.ds(r0, RPT_LAST), :],
                        gp.at[c, pl.ds(r0, RPT_LAST), :])


_DEG_SCRATCH = [
    pltpu.VMEM((DCH,), jnp.int32),
    pltpu.VMEM((DCH,), jnp.int32),
    pltpu.VMEM((DCH,), jnp.int32),
    pltpu.VMEM((DCH,), jnp.int32),
    pltpu.VMEM((N_PAD,), jnp.float32),
    pltpu.SemaphoreType.DMA,
    pltpu.SemaphoreType.DMA,
    pltpu.SemaphoreType.DMA,
    pltpu.SemaphoreType.DMA,
]
_GS_SCRATCH = [
    pltpu.VMEM((CH,), jnp.int32),
    pltpu.VMEM((CH,), jnp.int32),
    pltpu.VMEM((CH,), jnp.int32),
    pltpu.VMEM((CH,), jnp.int32),
    pltpu.VMEM((CH,), jnp.int32),
    pltpu.VMEM((CH,), jnp.int32),
    pltpu.VMEM((CH,), jnp.int32),
    pltpu.VMEM((CH,), jnp.int32),
    pltpu.VMEM((CH, D), jnp.float32),
    pltpu.VMEM((CH, D), jnp.float32),
    pltpu.VMEM((CH, D), jnp.float32),
    pltpu.VMEM_SHARED((N, D), jnp.float32),
] + [pltpu.SemaphoreType.DMA] * 10

_sc_degree = pl.kernel(
    _sc_degree_body,
    out_type=jax.ShapeDtypeStruct((NW, N_PAD), jnp.float32),
    mesh=_MESH,
    scratch_types=_DEG_SCRATCH,
    compiler_params=pltpu.CompilerParams(needs_layout_passes=False),
)

_sc_gather_scatter = pl.kernel(
    _sc_gather_scatter_body,
    out_type=jax.ShapeDtypeStruct((NC, N, D), jnp.float32),
    mesh=_MESH,
    scratch_types=_GS_SCRATCH,
)



def _dinv_col(degp_blk):
    deg = jnp.sum(degp_blk, axis=0) + 1.0
    return lax.rsqrt(deg)[:, None]


def _tc_mm1_body(x_ref, w1_ref, p1_ref):
    p1_ref[...] = jnp.dot(
        x_ref[...], w1_ref[...], preferred_element_type=jnp.float32
    )


def _tc_scale1_body(degp_ref, p1_ref, hp1_ref):
    hp1_ref[...] = _dinv_col(degp_ref[...]) * p1_ref[...]


def _tc2_body(degp_ref, g_ref, hp1_ref, b1_ref, w2_ref, hp2_ref):
    dinv = _dinv_col(degp_ref[...])
    g = g_ref[0] + g_ref[1]
    h1 = jnp.maximum(dinv * (g + hp1_ref[...]) + b1_ref[...], 0.0)
    hp2_ref[...] = dinv * jnp.dot(
        h1, w2_ref[...], preferred_element_type=jnp.float32
    )


def _tc3_body(degp_ref, g_ref, hp2_ref, b2_ref, out_ref):
    out_ref[...] = (
        _dinv_col(degp_ref[...]) * (g_ref[0] + g_ref[1] + hp2_ref[...])
        + b2_ref[...]
    )


_tc_mm1 = pl.pallas_call(
    _tc_mm1_body,
    grid=(GRIDE,),
    in_specs=[
        pl.BlockSpec((BRE, D), lambda i: (i, 0)),
        pl.BlockSpec((D, D), lambda i: (0, 0)),
    ],
    out_specs=pl.BlockSpec((BRE, D), lambda i: (i, 0)),
    out_shape=jax.ShapeDtypeStruct((N, D), jnp.float32),
)

_tc_scale1 = pl.pallas_call(
    _tc_scale1_body,
    grid=(GRIDE,),
    in_specs=[
        pl.BlockSpec((NW, BRE), lambda i: (0, i)),
        pl.BlockSpec((BRE, D), lambda i: (i, 0)),
    ],
    out_specs=pl.BlockSpec((BRE, D), lambda i: (i, 0)),
    out_shape=jax.ShapeDtypeStruct((N, D), jnp.float32),
)

_tc2 = pl.pallas_call(
    _tc2_body,
    grid=(GRID2,),
    in_specs=[
        pl.BlockSpec((NW, BR2), lambda i: (0, i)),
        pl.BlockSpec((2, BR2, D), lambda i: (0, i, 0)),
        pl.BlockSpec((BR2, D), lambda i: (i, 0)),
        pl.BlockSpec((1, D), lambda i: (0, 0)),
        pl.BlockSpec((D, D), lambda i: (0, 0)),
    ],
    out_specs=pl.BlockSpec((BR2, D), lambda i: (i, 0)),
    out_shape=jax.ShapeDtypeStruct((N, D), jnp.float32),
)

_tc3 = pl.pallas_call(
    _tc3_body,
    grid=(GRID2,),
    in_specs=[
        pl.BlockSpec((NW, BR2), lambda i: (0, i)),
        pl.BlockSpec((2, BR2, D), lambda i: (0, i, 0)),
        pl.BlockSpec((BR2, D), lambda i: (i, 0)),
        pl.BlockSpec((1, D), lambda i: (0, 0)),
    ],
    out_specs=pl.BlockSpec((BR2, D), lambda i: (i, 0)),
    out_shape=jax.ShapeDtypeStruct((N, D), jnp.float32),
)


def kernel(x, edge_index, W1, b1, W2, b2):
    zz = jnp.zeros((N, D), jnp.float32)
    ei = edge_index.astype(jnp.int32)

    degp = _sc_degree(ei)
    p1 = _tc_mm1(x, W1)
    hp1 = _tc_scale1(degp, p1)
    g1p = _sc_gather_scatter(hp1, ei, zz)
    hp2 = _tc2(degp, g1p, hp1, b1.reshape(1, D), W2)
    g2p = _sc_gather_scatter(hp2, ei, zz)
    out = _tc3(degp, g2p, hp2, b2.reshape(1, D))
    return out

# --- scband reference (transcript-rebuilt; emitter-appended) ---
"""Pipeline reference for scband-gcnencoder-87239375716439 (READ-ONLY COPY).

The authoritative reference and input builder live on the scoring server;
editing this copy changes nothing except your own understanding.
"""

import jax, jax.numpy as jnp
import numpy as np

N = 10000
E = 320000
D_IN = 128
D_HID = 128
D_OUT = 128


def setup_inputs(seed: int = 0) -> dict:
    key = jax.random.key(seed)
    k1, k2, k3, k4, k5, k6 = jax.random.split(key, 6)
    x = jax.random.normal(k1, (N, D_IN), dtype=jnp.float32)
    edge_index = jax.random.randint(k2, (2, E), 0, N, dtype=jnp.int32)
    W1 = jax.random.normal(k3, (D_IN, D_HID), dtype=jnp.float32) * (1.0 / np.sqrt(D_IN))
    b1 = jnp.zeros((D_HID,), dtype=jnp.float32)
    W2 = jax.random.normal(k4, (D_HID, D_OUT), dtype=jnp.float32) * (1.0 / np.sqrt(D_HID))
    b2 = jnp.zeros((D_OUT,), dtype=jnp.float32)
    return {"x": x, "edge_index": edge_index, "W1": W1, "b1": b1, "W2": W2, "b2": b2}


def gcn_conv(x, edge_index, W, b, num_nodes):
    # GenGCNConv with gnn_type='normal' ~ standard GCNConv:
    # h = x @ W; out = D^{-1/2} (A + I) D^{-1/2} h + b
    h = x @ W
    loop = jnp.arange(num_nodes, dtype=edge_index.dtype)
    src = jnp.concatenate([edge_index[0], loop])
    dst = jnp.concatenate([edge_index[1], loop])
    ones = jnp.ones(src.shape[0], dtype=h.dtype)
    deg = jax.ops.segment_sum(ones, dst, num_segments=num_nodes)
    dinv = jnp.where(deg > 0, jax.lax.rsqrt(deg), 0.0)
    norm = dinv[src] * dinv[dst]
    msg = h[src] * norm[:, None]
    agg = jax.ops.segment_sum(msg, dst, num_segments=num_nodes)
    return agg + b


def reference(x, edge_index, W1, b1, W2, b2):
    h = gcn_conv(x, edge_index, W1, b1, N)
    # forward applies x.relu() and then non_linearity (ReLU) -- idempotent
    h = jax.nn.relu(h)
    h = jax.nn.relu(h)
    out = gcn_conv(h, edge_index, W2, b2, N)
    return out

if __name__ == "__main__":
    import jax
    _d = setup_inputs()
    print(jax.jit(kernel)(*tuple(_d.values())))

</pallas_src>

<mosaic_0001>
#map = affine_map<(d0, d1) -> (0, 0)>
#map1 = affine_map<(d0, d1) -> (0, 0, 0)>
module attributes {stable_mosaic.version = 14 : i64} {
  func.func @_sc_gather_scatter_body(%arg0: i32, %arg1: i32, %arg2: memref<10000x128xf32, #tpu.memory_space<hbm>>, %arg3: memref<2x320000xi32, #tpu.memory_space<hbm>>, %arg4: memref<10000x128xf32, #tpu.memory_space<hbm>>, %arg5: memref<2x10000x128xf32, #tpu.memory_space<hbm>>, %arg6: memref<128xi32, #tpu.memory_space<vmem>>, %arg7: memref<128xi32, #tpu.memory_space<vmem>>, %arg8: memref<128xi32, #tpu.memory_space<vmem>>, %arg9: memref<128xi32, #tpu.memory_space<vmem>>, %arg10: memref<128xi32, #tpu.memory_space<vmem>>, %arg11: memref<128xi32, #tpu.memory_space<vmem>>, %arg12: memref<128xi32, #tpu.memory_space<vmem>>, %arg13: memref<128xi32, #tpu.memory_space<vmem>>, %arg14: memref<128x128xf32, #tpu.memory_space<vmem>>, %arg15: memref<128x128xf32, #tpu.memory_space<vmem>>, %arg16: memref<128x128xf32, #tpu.memory_space<vmem>>, %arg17: memref<10000x128xf32, #tpu.memory_space<vmem_shared>>, %arg18: memref<!tpu.dma_semaphore, #tpu.memory_space<semaphore_mem>>, %arg19: memref<!tpu.dma_semaphore, #tpu.memory_space<semaphore_mem>>, %arg20: memref<!tpu.dma_semaphore, #tpu.memory_space<semaphore_mem>>, %arg21: memref<!tpu.dma_semaphore, #tpu.memory_space<semaphore_mem>>, %arg22: memref<!tpu.dma_semaphore, #tpu.memory_space<semaphore_mem>>, %arg23: memref<!tpu.dma_semaphore, #tpu.memory_space<semaphore_mem>>, %arg24: memref<!tpu.dma_semaphore, #tpu.memory_space<semaphore_mem>>, %arg25: memref<!tpu.dma_semaphore, #tpu.memory_space<semaphore_mem>>, %arg26: memref<!tpu.dma_semaphore, #tpu.memory_space<semaphore_mem>>, %arg27: memref<!tpu.dma_semaphore, #tpu.memory_space<semaphore_mem>>) attributes {dimension_semantics = [#tpu.dimension_semantics<core_parallel>, #tpu.dimension_semantics<subcore_parallel>], iteration_bounds = array<i64: 2, 16>, scalar_prefetch = 0 : i64, scratch_operands = 22 : i64, tpu.core_type = #tpu.core_type<sc_vector_subcore>, window_params = [{transform_indices = #map}, {transform_indices = #map}, {transform_indices = #map}, {transform_indices = #map1}]} {
    %mul3A = arith.constant 2 : i32
    %mul3A_0 = arith.muli %arg1, %mul3A : i32
    %add3A = arith.addi %mul3A_0, %arg0 : i32
    %mul3A_1 = arith.constant 640 : i32
    %mul3A_2 = arith.muli %arg1, %mul3A_1 : i32
    %lt3A = arith.constant 4 : i32
    %lt3A_3 = arith.cmpi slt, %add3A, %lt3A : i32
    %jit3A = arith.constant 1 : i32
    %jit3A_4 = arith.constant 0 : i32
    %select_n3A = arith.select %lt3A_3, %jit3A, %jit3A_4 : i32
    %add3A_5 = arith.constant 78 : i32
    %add3A_6 = arith.addi %add3A_5, %select_n3A : i32
    %lt3A_7 = arith.constant 15 : i32
    %lt3A_8 = arith.cmpi slt, %arg1, %lt3A_7 : i32
    %convert_element_type3A = arith.extui %lt3A_8 : i1 to i32
    %cond3A = arith.constant 0 : i32
    %cond3A_9 = arith.cmpi ne, %convert_element_type3A, %cond3A : i32
    scf.if %cond3A_9 {
      "tpu.region"() ({
        %run_scoped3A = tpu.sem_alloc : memref<!tpu.dma_semaphore, #tpu.memory_space<semaphore_mem>>
        %dma_start3A_127 = arith.constant 0 : i32
        %dma_start3A_128 = tpu.memref_slice %arg17[%mul3A_2, %dma_start3A_127] : memref<10000x128xf32, #tpu.memory_space<vmem_shared>> -> memref<640x128xf32, #tpu.memory_space<vmem_shared>>
        %dma_start3A_129 = arith.constant 0 : i32
        %dma_start3A_130 = tpu.memref_slice %arg4[%mul3A_2, %dma_start3A_129] : memref<10000x128xf32, #tpu.memory_space<hbm>> -> memref<640x128xf32, #tpu.memory_space<hbm>>
        tpu.enqueue_dma source(%dma_start3A_130 : memref<640x128xf32, #tpu.memory_space<hbm>>) target(%dma_start3A_128 : memref<640x128xf32, #tpu.memory_space<vmem_shared>>) target_semaphore(%run_scoped3A : memref<!tpu.dma_semaphore, #tpu.memory_space<semaphore_mem>>)
        %dma_wait3A_131 = arith.constant 0 : i32
        %dma_wait3A_132 = tpu.memref_slice %arg17[%mul3A_2, %dma_wait3A_131] : memref<10000x128xf32, #tpu.memory_space<vmem_shared>> -> memref<640x128xf32, #tpu.memory_space<vmem_shared>>
        %dma_wait3A_133 = arith.constant 0 : i32
        %dma_wait3A_134 = tpu.memref_slice %arg4[%mul3A_2, %dma_wait3A_133] : memref<10000x128xf32, #tpu.memory_space<hbm>> -> memref<640x128xf32, #tpu.memory_space<hbm>>
        tpu.wait_dma2 semaphore(%run_scoped3A : memref<!tpu.dma_semaphore, #tpu.memory_space<semaphore_mem>>) src(%dma_wait3A_134 : memref<640x128xf32, #tpu.memory_space<hbm>>) dst(%dma_wait3A_132 : memref<640x128xf32, #tpu.memory_space<vmem_shared>>)
        tpu.yield
      }) : () -> ()
    } else {
    }
    %eq3A = arith.constant 15 : i32
    %eq3A_10 = arith.cmpi eq, %arg1, %eq3A : i32
    %convert_element_type3A_11 = arith.extui %eq3A_10 : i1 to i32
    %cond3A_12 = arith.constant 0 : i32
    %cond3A_13 = arith.cmpi ne, %convert_element_type3A_11, %cond3A_12 : i32
    scf.if %cond3A_13 {
      "tpu.region"() ({
        %run_scoped3A = tpu.sem_alloc : memref<!tpu.dma_semaphore, #tpu.memory_space<semaphore_mem>>
        %dma_start3A_127 = arith.constant 0 : i32
        %dma_start3A_128 = tpu.memref_slice %arg17[%mul3A_2, %dma_start3A_127] : memref<10000x128xf32, #tpu.memory_space<vmem_shared>> -> memref<400x128xf32, #tpu.memory_space<vmem_shared>>
        %dma_start3A_129 = arith.constant 0 : i32
        %dma_start3A_130 = tpu.memref_slice %arg4[%mul3A_2, %dma_start3A_129] : memref<10000x128xf32, #tpu.memory_space<hbm>> -> memref<400x128xf32, #tpu.memory_space<hbm>>
        tpu.enqueue_dma source(%dma_start3A_130 : memref<400x128xf32, #tpu.memory_space<hbm>>) target(%dma_start3A_128 : memref<400x128xf32, #tpu.memory_space<vmem_shared>>) target_semaphore(%run_scoped3A : memref<!tpu.dma_semaphore, #tpu.memory_space<semaphore_mem>>)
        %dma_wait3A_131 = arith.constant 0 : i32
        %dma_wait3A_132 = tpu.memref_slice %arg17[%mul3A_2, %dma_wait3A_131] : memref<10000x128xf32, #tpu.memory_space<vmem_shared>> -> memref<400x128xf32, #tpu.memory_space<vmem_shared>>
        %dma_wait3A_133 = arith.constant 0 : i32
        %dma_wait3A_134 = tpu.memref_slice %arg4[%mul3A_2, %dma_wait3A_133] : memref<10000x128xf32, #tpu.memory_space<hbm>> -> memref<400x128xf32, #tpu.memory_space<hbm>>
        tpu.wait_dma2 semaphore(%run_scoped3A : memref<!tpu.dma_semaphore, #tpu.memory_space<semaphore_mem>>) src(%dma_wait3A_134 : memref<400x128xf32, #tpu.memory_space<hbm>>) dst(%dma_wait3A_132 : memref<400x128xf32, #tpu.memory_space<vmem_shared>>)
        tpu.yield
      }) : () -> ()
    } else {
    }
    %add3A_14 = arith.constant 0 : i32
    %add3A_15 = arith.addi %add3A_14, %add3A : i32
    %mul3A_16 = arith.constant 128 : i32
    %mul3A_17 = arith.muli %add3A_15, %mul3A_16 : i32
    %dma_start3A = arith.constant 0 : i32
    %dma_start3A_18 = tpu.memref_slice %arg3[%dma_start3A, %mul3A_17] : memref<2x320000xi32, #tpu.memory_space<hbm>> -> memref<1x128xi32, #tpu.memory_space<hbm>>
    %dma_start3A_19 = tpu.memref_squeeze %dma_start3A_18 : memref<1x128xi32, #tpu.memory_space<hbm>> -> memref<128xi32, #tpu.memory_space<hbm>>
    %dma_start3A_20 = tpu.memref_slice %arg3[%dma_start3A, %mul3A_17] : memref<2x320000xi32, #tpu.memory_space<hbm>> -> memref<1x128xi32, #tpu.memory_space<hbm>>
    %dma_start3A_21 = tpu.memref_squeeze %dma_start3A_20 : memref<1x128xi32, #tpu.memory_space<hbm>> -> memref<128xi32, #tpu.memory_space<hbm>>
    tpu.enqueue_dma source(%dma_start3A_21 : memref<128xi32, #tpu.memory_space<hbm>>) target(%arg6 : memref<128xi32, #tpu.memory_space<vmem>>) target_semaphore(%arg24 : memref<!tpu.dma_semaphore, #tpu.memory_space<semaphore_mem>>)
    %dma_start3A_22 = arith.constant 1 : i32
    %dma_start3A_23 = tpu.memref_slice %arg3[%dma_start3A_22, %mul3A_17] : memref<2x320000xi32, #tpu.memory_space<hbm>> -> memref<1x128xi32, #tpu.memory_space<hbm>>
    %dma_start3A_24 = tpu.memref_squeeze %dma_start3A_23 : memref<1x128xi32, #tpu.memory_space<hbm>> -> memref<128xi32, #tpu.memory_space<hbm>>
    %dma_start3A_25 = tpu.memref_slice %arg3[%dma_start3A_22, %mul3A_17] : memref<2x320000xi32, #tpu.memory_space<hbm>> -> memref<1x128xi32, #tpu.memory_space<hbm>>
    %dma_start3A_26 = tpu.memref_squeeze %dma_start3A_25 : memref<1x128xi32, #tpu.memory_space<hbm>> -> memref<128xi32, #tpu.memory_space<hbm>>
    tpu.enqueue_dma source(%dma_start3A_26 : memref<128xi32, #tpu.memory_space<hbm>>) target(%arg10 : memref<128xi32, #tpu.memory_space<vmem>>) target_semaphore(%arg24 : memref<!tpu.dma_semaphore, #tpu.memory_space<semaphore_mem>>)
    %add3A_27 = arith.constant 32 : i32
    %add3A_28 = arith.addi %add3A_27, %add3A : i32
    %mul3A_29 = arith.constant 128 : i32
    %mul3A_30 = arith.muli %add3A_28, %mul3A_29 : i32
    %dma_start3A_31 = arith.constant 0 : i32
    %dma_start3A_32 = tpu.memref_slice %arg3[%dma_start3A_31, %mul3A_30] : memref<2x320000xi32, #tpu.memory_space<hbm>> -> memref<1x128xi32, #tpu.memory_space<hbm>>
    %dma_start3A_33 = tpu.memref_squeeze %dma_start3A_32 : memref<1x128xi32, #tpu.memory_space<hbm>> -> memref<128xi32, #tpu.memory_space<hbm>>
    %dma_start3A_34 = tpu.memref_slice %arg3[%dma_start3A_31, %mul3A_30] : memref<2x320000xi32, #tpu.memory_space<hbm>> -> memref<1x128xi32, #tpu.memory_space<hbm>>
    %dma_start3A_35 = tpu.memref_squeeze %dma_start3A_34 : memref<1x128xi32, #tpu.memory_space<hbm>> -> memref<128xi32, #tpu.memory_space<hbm>>
    tpu.enqueue_dma source(%dma_start3A_35 : memref<128xi32, #tpu.memory_space<hbm>>) target(%arg7 : memref<128xi32, #tpu.memory_space<vmem>>) target_semaphore(%arg25 : memref<!tpu.dma_semaphore, #tpu.memory_space<semaphore_mem>>)
    %dma_start3A_36 = arith.constant 1 : i32
    %dma_start3A_37 = tpu.memref_slice %arg3[%dma_start3A_36, %mul3A_30] : memref<2x320000xi32, #tpu.memory_space<hbm>> -> memref<1x128xi32, #tpu.memory_space<hbm>>
    %dma_start3A_38 = tpu.memref_squeeze %dma_start3A_37 : memref<1x128xi32, #tpu.memory_space<hbm>> -> memref<128xi32, #tpu.memory_space<hbm>>
    %dma_start3A_39 = tpu.memref_slice %arg3[%dma_start3A_36, %mul3A_30] : memref<2x320000xi32, #tpu.memory_space<hbm>> -> memref<1x128xi32, #tpu.memory_space<hbm>>
    %dma_start3A_40 = tpu.memref_squeeze %dma_start3A_39 : memref<1x128xi32, #tpu.memory_space<hbm>> -> memref<128xi32, #tpu.memory_space<hbm>>
    tpu.enqueue_dma source(%dma_start3A_40 : memref<128xi32, #tpu.memory_space<hbm>>) target(%arg11 : memref<128xi32, #tpu.memory_space<vmem>>) target_semaphore(%arg25 : memref<!tpu.dma_semaphore, #tpu.memory_space<semaphore_mem>>)
    %add3A_41 = arith.constant 64 : i32
    %add3A_42 = arith.addi %add3A_41, %add3A : i32
    %mul3A_43 = arith.constant 128 : i32
    %mul3A_44 = arith.muli %add3A_42, %mul3A_43 : i32
    %dma_start3A_45 = arith.constant 0 : i32
    %dma_start3A_46 = tpu.memref_slice %arg3[%dma_start3A_45, %mul3A_44] : memref<2x320000xi32, #tpu.memory_space<hbm>> -> memref<1x128xi32, #tpu.memory_space<hbm>>
    %dma_start3A_47 = tpu.memref_squeeze %dma_start3A_46 : memref<1x128xi32, #tpu.memory_space<hbm>> -> memref<128xi32, #tpu.memory_space<hbm>>
    %dma_start3A_48 = tpu.memref_slice %arg3[%dma_start3A_45, %mul3A_44] : memref<2x320000xi32, #tpu.memory_space<hbm>> -> memref<1x128xi32, #tpu.memory_space<hbm>>
    %dma_start3A_49 = tpu.memref_squeeze %dma_start3A_48 : memref<1x128xi32, #tpu.memory_space<hbm>> -> memref<128xi32, #tpu.memory_space<hbm>>
    tpu.enqueue_dma source(%dma_start3A_49 : memref<128xi32, #tpu.memory_space<hbm>>) target(%arg8 : memref<128xi32, #tpu.memory_space<vmem>>) target_semaphore(%arg26 : memref<!tpu.dma_semaphore, #tpu.memory_space<semaphore_mem>>)
    %dma_start3A_50 = arith.constant 1 : i32
    %dma_start3A_51 = tpu.memref_slice %arg3[%dma_start3A_50, %mul3A_44] : memref<2x320000xi32, #tpu.memory_space<hbm>> -> memref<1x128xi32, #tpu.memory_space<hbm>>
    %dma_start3A_52 = tpu.memref_squeeze %dma_start3A_51 : memref<1x128xi32, #tpu.memory_space<hbm>> -> memref<128xi32, #tpu.memory_space<hbm>>
    %dma_start3A_53 = tpu.memref_slice %arg3[%dma_start3A_50, %mul3A_44] : memref<2x320000xi32, #tpu.memory_space<hbm>> -> memref<1x128xi32, #tpu.memory_space<hbm>>
    %dma_start3A_54 = tpu.memref_squeeze %dma_start3A_53 : memref<1x128xi32, #tpu.memory_space<hbm>> -> memref<128xi32, #tpu.memory_space<hbm>>
    tpu.enqueue_dma source(%dma_start3A_54 : memref<128xi32, #tpu.memory_space<hbm>>) target(%arg12 : memref<128xi32, #tpu.memory_space<vmem>>) target_semaphore(%arg26 : memref<!tpu.dma_semaphore, #tpu.memory_space<semaphore_mem>>)
    %add3A_55 = arith.constant 96 : i32
    %add3A_56 = arith.addi %add3A_55, %add3A : i32
    %mul3A_57 = arith.constant 128 : i32
    %mul3A_58 = arith.muli %add3A_56, %mul3A_57 : i32
    %dma_start3A_59 = arith.constant 0 : i32
    %dma_start3A_60 = tpu.memref_slice %arg3[%dma_start3A_59, %mul3A_58] : memref<2x320000xi32, #tpu.memory_space<hbm>> -> memref<1x128xi32, #tpu.memory_space<hbm>>
    %dma_start3A_61 = tpu.memref_squeeze %dma_start3A_60 : memref<1x128xi32, #tpu.memory_space<hbm>> -> memref<128xi32, #tpu.memory_space<hbm>>
    %dma_start3A_62 = tpu.memref_slice %arg3[%dma_start3A_59, %mul3A_58] : memref<2x320000xi32, #tpu.memory_space<hbm>> -> memref<1x128xi32, #tpu.memory_space<hbm>>
    %dma_start3A_63 = tpu.memref_squeeze %dma_start3A_62 : memref<1x128xi32, #tpu.memory_space<hbm>> -> memref<128xi32, #tpu.memory_space<hbm>>
    tpu.enqueue_dma source(%dma_start3A_63 : memref<128xi32, #tpu.memory_space<hbm>>) target(%arg9 : memref<128xi32, #tpu.memory_space<vmem>>) target_semaphore(%arg27 : memref<!tpu.dma_semaphore, #tpu.memory_space<semaphore_mem>>)
    %dma_start3A_64 = arith.constant 1 : i32
    %dma_start3A_65 = tpu.memref_slice %arg3[%dma_start3A_64, %mul3A_58] : memref<2x320000xi32, #tpu.memory_space<hbm>> -> memref<1x128xi32, #tpu.memory_space<hbm>>
    %dma_start3A_66 = tpu.memref_squeeze %dma_start3A_65 : memref<1x128xi32, #tpu.memory_space<hbm>> -> memref<128xi32, #tpu.memory_space<hbm>>
    %dma_start3A_67 = tpu.memref_slice %arg3[%dma_start3A_64, %mul3A_58] : memref<2x320000xi32, #tpu.memory_space<hbm>> -> memref<1x128xi32, #tpu.memory_space<hbm>>
    %dma_start3A_68 = tpu.memref_squeeze %dma_start3A_67 : memref<1x128xi32, #tpu.memory_space<hbm>> -> memref<128xi32, #tpu.memory_space<hbm>>
    tpu.enqueue_dma source(%dma_start3A_68 : memref<128xi32, #tpu.memory_space<hbm>>) target(%arg13 : memref<128xi32, #tpu.memory_space<vmem>>) target_semaphore(%arg27 : memref<!tpu.dma_semaphore, #tpu.memory_space<semaphore_mem>>)
    %add3A_69 = arith.constant 0 : i32
    %add3A_70 = arith.addi %add3A_69, %add3A : i32
    %mul3A_71 = arith.constant 128 : i32
    %mul3A_72 = arith.muli %add3A_70, %mul3A_71 : i32
    %dma_wait3A = arith.constant 0 : i32
    %dma_wait3A_73 = tpu.memref_slice %arg3[%dma_wait3A, %mul3A_72] : memref<2x320000xi32, #tpu.memory_space<hbm>> -> memref<1x128xi32, #tpu.memory_space<hbm>>
    %dma_wait3A_74 = tpu.memref_squeeze %dma_wait3A_73 : memref<1x128xi32, #tpu.memory_space<hbm>> -> memref<128xi32, #tpu.memory_space<hbm>>
    %dma_wait3A_75 = tpu.memref_slice %arg3[%dma_wait3A, %mul3A_72] : memref<2x320000xi32, #tpu.memory_space<hbm>> -> memref<1x128xi32, #tpu.memory_space<hbm>>
    %dma_wait3A_76 = tpu.memref_squeeze %dma_wait3A_75 : memref<1x128xi32, #tpu.memory_space<hbm>> -> memref<128xi32, #tpu.memory_space<hbm>>
    tpu.wait_dma2 semaphore(%arg24 : memref<!tpu.dma_semaphore, #tpu.memory_space<semaphore_mem>>) src(%dma_wait3A_76 : memref<128xi32, #tpu.memory_space<hbm>>) dst(%arg6 : memref<128xi32, #tpu.memory_space<vmem>>)
    %dma_wait3A_77 = arith.constant 1 : i32
    %dma_wait3A_78 = tpu.memref_slice %arg3[%dma_wait3A_77, %mul3A_72] : memref<2x320000xi32, #tpu.memory_space<hbm>> -> memref<1x128xi32, #tpu.memory_space<hbm>>
    %dma_wait3A_79 = tpu.memref_squeeze %dma_wait3A_78 : memref<1x128xi32, #tpu.memory_space<hbm>> -> memref<128xi32, #tpu.memory_space<hbm>>
    %dma_wait3A_80 = tpu.memref_slice %arg3[%dma_wait3A_77, %mul3A_72] : memref<2x320000xi32, #tpu.memory_space<hbm>> -> memref<1x128xi32, #tpu.memory_space<hbm>>
    %dma_wait3A_81 = tpu.memref_squeeze %dma_wait3A_80 : memref<1x128xi32, #tpu.memory_space<hbm>> -> memref<128xi32, #tpu.memory_space<hbm>>
    tpu.wait_dma2 semaphore(%arg24 : memref<!tpu.dma_semaphore, #tpu.memory_space<semaphore_mem>>) src(%dma_wait3A_81 : memref<128xi32, #tpu.memory_space<hbm>>) dst(%arg10 : memref<128xi32, #tpu.memory_space<vmem>>)
    %dma_start3A_82 = arith.constant 0 : i32
    %dma_start3A_83 = arith.constant 0 : i32
    %dma_start3A_84 = tpu.memref_slice %arg2[%dma_start3A_82, %dma_start3A_83] : memref<10000x128xf32, #tpu.memory_space<hbm>> -> memref<10000x128xf32, #tpu.memory_space<hbm>>
    tpu.enqueue_indirect_dma source(%dma_start3A_84 : memref<10000x128xf32, #tpu.memory_space<hbm>>) target(%arg14 : memref<128x128xf32, #tpu.memory_space<vmem>>) offsets(%arg6 : memref<128xi32, #tpu.memory_space<vmem>>) semaphore(%arg18 : memref<!tpu.dma_semaphore, #tpu.memory_space<semaphore_mem>>)
    %add3A_85 = arith.constant 32 : i32
    %add3A_86 = arith.addi %add3A_85, %add3A : i32
    %mul3A_87 = arith.constant 128 : i32
    %mul3A_88 = arith.muli %add3A_86, %mul3A_87 : i32
    %dma_wait3A_89 = arith.constant 0 : i32
    %dma_wait3A_90 = tpu.memref_slice %arg3[%dma_wait3A_89, %mul3A_88] : memref<2x320000xi32, #tpu.memory_space<hbm>> -> memref<1x128xi32, #tpu.memory_space<hbm>>
    %dma_wait3A_91 = tpu.memref_squeeze %dma_wait3A_90 : memref<1x128xi32, #tpu.memory_space<hbm>> -> memref<128xi32, #tpu.memory_space<hbm>>
    %dma_wait3A_92 = tpu.memref_slice %arg3[%dma_wait3A_89, %mul3A_88] : memref<2x320000xi32, #tpu.memory_space<hbm>> -> memref<1x128xi32, #tpu.memory_space<hbm>>
    %dma_wait3A_93 = tpu.memref_squeeze %dma_wait3A_92 : memref<1x128xi32, #tpu.memory_space<hbm>> -> memref<128xi32, #tpu.memory_space<hbm>>
    tpu.wait_dma2 semaphore(%arg25 : memref<!tpu.dma_semaphore, #tpu.memory_space<semaphore_mem>>) src(%dma_wait3A_93 : memref<128xi32, #tpu.memory_space<hbm>>) dst(%arg7 : memref<128xi32, #tpu.memory_space<vmem>>)
    %dma_wait3A_94 = arith.constant 1 : i32
    %dma_wait3A_95 = tpu.memref_slice %arg3[%dma_wait3A_94, %mul3A_88] : memref<2x320000xi32, #tpu.memory_space<hbm>> -> memref<1x128xi32, #tpu.memory_space<hbm>>
    %dma_wait3A_96 = tpu.memref_squeeze %dma_wait3A_95 : memref<1x128xi32, #tpu.memory_space<hbm>> -> memref<128xi32, #tpu.memory_space<hbm>>
    %dma_wait3A_97 = tpu.memref_slice %arg3[%dma_wait3A_94, %mul3A_88] : memref<2x320000xi32, #tpu.memory_space<hbm>> -> memref<1x128xi32, #tpu.memory_space<hbm>>
    %dma_wait3A_98 = tpu.memref_squeeze %dma_wait3A_97 : memref<1x128xi32, #tpu.memory_space<hbm>> -> memref<128xi32, #tpu.memory_space<hbm>>
    tpu.wait_dma2 semaphore(%arg25 : memref<!tpu.dma_semaphore, #tpu.memory_space<semaphore_mem>>) src(%dma_wait3A_98 : memref<128xi32, #tpu.memory_space<hbm>>) dst(%arg11 : memref<128xi32, #tpu.memory_space<vmem>>)
    %dma_start3A_99 = arith.constant 0 : i32
    %dma_start3A_100 = arith.constant 0 : i32
    %dma_start3A_101 = tpu.memref_slice %arg2[%dma_start3A_99, %dma_start3A_100] : memref<10000x128xf32, #tpu.memory_space<hbm>> -> memref<10000x128xf32, #tpu.memory_space<hbm>>
    tpu.enqueue_indirect_dma source(%dma_start3A_101 : memref<10000x128xf32, #tpu.memory_space<hbm>>) target(%arg15 : memref<128x128xf32, #tpu.memory_space<vmem>>) offsets(%arg7 : memref<128xi32, #tpu.memory_space<vmem>>) semaphore(%arg19 : memref<!tpu.dma_semaphore, #tpu.memory_space<semaphore_mem>>)
    %barrier3A = arith.constant 0 : index
    tpu.barrier barrier_id(%barrier3A)
    %scan3A = arith.constant 0 : i32
    %scan3A_102 = arith.constant 0 : i32
    %scan3A_103 = arith.constant 7 : i32
    %scan3A_104 = arith.addi %scan3A_102, %scan3A_103 : i32
    %scan3A_105 = arith.constant 1 : i32
    scf.for %scan3A_127 = %scan3A_102 to %scan3A_104 step %scan3A_105  : i32 {
      %mul3A_128 = arith.constant 12 : i32
      %mul3A_129 = arith.muli %mul3A_128, %scan3A_127 : i32
      %add3A_130 = arith.constant 0 : i32
      %add3A_131 = arith.addi %mul3A_129, %add3A_130 : i32
      %lt3A_132 = arith.cmpi slt, %add3A_131, %add3A_6 : i32
      %convert_element_type3A_133 = arith.extui %lt3A_132 : i1 to i32
      %cond3A_134 = arith.constant 0 : i32
      %cond3A_135 = arith.cmpi ne, %convert_element_type3A_133, %cond3A_134 : i32
      scf.if %cond3A_135 {
        %dma_wait3A_224 = arith.constant 0 : i32
        %dma_wait3A_225 = arith.constant 0 : i32
        %dma_wait3A_226 = tpu.memref_slice %arg2[%dma_wait3A_224, %dma_wait3A_225] : memref<10000x128xf32, #tpu.memory_space<hbm>> -> memref<10000x128xf32, #tpu.memory_space<hbm>>
        tpu.wait_indirect_dma semaphore(%arg18 : memref<!tpu.dma_semaphore, #tpu.memory_space<semaphore_mem>>) src(%dma_wait3A_226 : memref<10000x128xf32, #tpu.memory_space<hbm>>) dst(%arg14 : memref<128x128xf32, #tpu.memory_space<vmem>>)
        %dma_start3A_227 = arith.constant 0 : i32
        %dma_start3A_228 = arith.constant 0 : i32
        %dma_start3A_229 = tpu.memref_slice %arg17[%dma_start3A_227, %dma_start3A_228] : memref<10000x128xf32, #tpu.memory_space<vmem_shared>> -> memref<10000x128xf32, #tpu.memory_space<vmem_shared>>
        tpu.enqueue_indirect_dma source(%arg14 : memref<128x128xf32, #tpu.memory_space<vmem>>) target(%dma_start3A_229 : memref<10000x128xf32, #tpu.memory_space<vmem_shared>>) offsets(%arg10 : memref<128xi32, #tpu.memory_space<vmem>>) semaphore(%arg21 : memref<!tpu.dma_semaphore, #tpu.memory_space<semaphore_mem>>) {add = true}
        %add3A_230 = arith.constant 2 : i32
        %add3A_231 = arith.addi %add3A_131, %add3A_230 : i32
        %lt3A_232 = arith.cmpi slt, %add3A_231, %add3A_6 : i32
        %convert_element_type3A_233 = arith.extui %lt3A_232 : i1 to i32
        %cond3A_234 = arith.constant 0 : i32
        %cond3A_235 = arith.cmpi ne, %convert_element_type3A_233, %cond3A_234 : i32
        scf.if %cond3A_235 {
          %ge3A = arith.constant 1 : i32
          %ge3A_236 = arith.cmpi sge, %add3A_131, %ge3A : i32
          %convert_element_type3A_237 = arith.extui %ge3A_236 : i1 to i32
          %cond3A_238 = arith.constant 0 : i32
          %cond3A_239 = arith.cmpi ne, %convert_element_type3A_237, %cond3A_238 : i32
          scf.if %cond3A_239 {
            %dma_wait3A_260 = arith.constant 0 : i32
            %dma_wait3A_261 = arith.constant 0 : i32
            %dma_wait3A_262 = tpu.memref_slice %arg17[%dma_wait3A_260, %dma_wait3A_261] : memref<10000x128xf32, #tpu.memory_space<vmem_shared>> -> memref<10000x128xf32, #tpu.memory_space<vmem_shared>>
            tpu.wait_indirect_dma semaphore(%arg23 : memref<!tpu.dma_semaphore, #tpu.memory_space<semaphore_mem>>) src(%arg16 : memref<128x128xf32, #tpu.memory_space<vmem>>) dst(%dma_wait3A_262 : memref<10000x128xf32, #tpu.memory_space<vmem_shared>>)
            %add3A_263 = arith.constant 3 : i32
            %add3A_264 = arith.addi %add3A_131, %add3A_263 : i32
            %lt3A_265 = arith.cmpi slt, %add3A_264, %add3A_6 : i32
            %convert_element_type3A_266 = arith.extui %lt3A_265 : i1 to i32
            %cond3A_267 = arith.constant 0 : i32
            %cond3A_268 = arith.cmpi ne, %convert_element_type3A_266, %cond3A_267 : i32
            scf.if %cond3A_268 {
              %add3A_269 = arith.constant 3 : i32
              %add3A_270 = arith.addi %add3A_131, %add3A_269 : i32
              %mul3A_271 = arith.constant 32 : i32
              %mul3A_272 = arith.muli %add3A_270, %mul3A_271 : i32
              %add3A_273 = arith.addi %mul3A_272, %add3A : i32
              %mul3A_274 = arith.constant 128 : i32
              %mul3A_275 = arith.muli %add3A_273, %mul3A_274 : i32
              %dma_start3A_276 = arith.constant 0 : i32
              %dma_start3A_277 = tpu.memref_slice %arg3[%dma_start3A_276, %mul3A_275] : memref<2x320000xi32, #tpu.memory_space<hbm>> -> memref<1x128xi32, #tpu.memory_space<hbm>>
              %dma_start3A_278 = tpu.memref_squeeze %dma_start3A_277 : memref<1x128xi32, #tpu.memory_space<hbm>> -> memref<128xi32, #tpu.memory_space<hbm>>
              %dma_start3A_279 = tpu.memref_slice %arg3[%dma_start3A_276, %mul3A_275] : memref<2x320000xi32, #tpu.memory_space<hbm>> -> memref<1x128xi32, #tpu.memory_space<hbm>>
              %dma_start3A_280 = tpu.memref_squeeze %dma_start3A_279 : memref<1x128xi32, #tpu.memory_space<hbm>> -> memref<128xi32, #tpu.memory_space<hbm>>
              tpu.enqueue_dma source(%dma_start3A_280 : memref<128xi32, #tpu.memory_space<hbm>>) target(%arg9 : memref<128xi32, #tpu.memory_space<vmem>>) target_semaphore(%arg27 : memref<!tpu.dma_semaphore, #tpu.memory_space<semaphore_mem>>)
              %dma_start3A_281 = arith.constant 1 : i32
              %dma_start3A_282 = tpu.memref_slice %arg3[%dma_start3A_281, %mul3A_275] : memref<2x320000xi32, #tpu.memory_space<hbm>> -> memref<1x128xi32, #tpu.memory_space<hbm>>
              %dma_start3A_283 = tpu.memref_squeeze %dma_start3A_282 : memref<1x128xi32, #tpu.memory_space<hbm>> -> memref<128xi32, #tpu.memory_space<hbm>>
              %dma_start3A_284 = tpu.memref_slice %arg3[%dma_start3A_281, %mul3A_275] : memref<2x320000xi32, #tpu.memory_space<hbm>> -> memref<1x128xi32, #tpu.memory_space<hbm>>
              %dma_start3A_285 = tpu.memref_squeeze %dma_start3A_284 : memref<1x128xi32, #tpu.memory_space<hbm>> -> memref<128xi32, #tpu.memory_space<hbm>>
              tpu.enqueue_dma source(%dma_start3A_285 : memref<128xi32, #tpu.memory_space<hbm>>) target(%arg13 : memref<128xi32, #tpu.memory_space<vmem>>) target_semaphore(%arg27 : memref<!tpu.dma_semaphore, #tpu.memory_space<semaphore_mem>>)
            } else {
            }
          } else {
          }
          %add3A_240 = arith.constant 2 : i32
          %add3A_241 = arith.addi %add3A_131, %add3A_240 : i32
          %mul3A_242 = arith.constant 32 : i32
          %mul3A_243 = arith.muli %add3A_241, %mul3A_242 : i32
          %add3A_244 = arith.addi %mul3A_243, %add3A : i32
          %mul3A_245 = arith.constant 128 : i32
          %mul3A_246 = arith.muli %add3A_244, %mul3A_245 : i32
          %dma_wait3A_247 = arith.constant 0 : i32
          %dma_wait3A_248 = tpu.memref_slice %arg3[%dma_wait3A_247, %mul3A_246] : memref<2x320000xi32, #tpu.memory_space<hbm>> -> memref<1x128xi32, #tpu.memory_space<hbm>>
          %dma_wait3A_249 = tpu.memref_squeeze %dma_wait3A_248 : memref<1x128xi32, #tpu.memory_space<hbm>> -> memref<128xi32, #tpu.memory_space<hbm>>
          %dma_wait3A_250 = tpu.memref_slice %arg3[%dma_wait3A_247, %mul3A_246] : memref<2x320000xi32, #tpu.memory_space<hbm>> -> memref<1x128xi32, #tpu.memory_space<hbm>>
          %dma_wait3A_251 = tpu.memref_squeeze %dma_wait3A_250 : memref<1x128xi32, #tpu.memory_space<hbm>> -> memref<128xi32, #tpu.memory_space<hbm>>
          tpu.wait_dma2 semaphore(%arg26 : memref<!tpu.dma_semaphore, #tpu.memory_space<semaphore_mem>>) src(%dma_wait3A_251 : memref<128xi32, #tpu.memory_space<hbm>>) dst(%arg8 : memref<128xi32, #tpu.memory_space<vmem>>)
          %dma_wait3A_252 = arith.constant 1 : i32
          %dma_wait3A_253 = tpu.memref_slice %arg3[%dma_wait3A_252, %mul3A_246] : memref<2x320000xi32, #tpu.memory_space<hbm>> -> memref<1x128xi32, #tpu.memory_space<hbm>>
          %dma_wait3A_254 = tpu.memref_squeeze %dma_wait3A_253 : memref<1x128xi32, #tpu.memory_space<hbm>> -> memref<128xi32, #tpu.memory_space<hbm>>
          %dma_wait3A_255 = tpu.memref_slice %arg3[%dma_wait3A_252, %mul3A_246] : memref<2x320000xi32, #tpu.memory_space<hbm>> -> memref<1x128xi32, #tpu.memory_space<hbm>>
          %dma_wait3A_256 = tpu.memref_squeeze %dma_wait3A_255 : memref<1x128xi32, #tpu.memory_space<hbm>> -> memref<128xi32, #tpu.memory_space<hbm>>
          tpu.wait_dma2 semaphore(%arg26 : memref<!tpu.dma_semaphore, #tpu.memory_space<semaphore_mem>>) src(%dma_wait3A_256 : memref<128xi32, #tpu.memory_space<hbm>>) dst(%arg12 : memref<128xi32, #tpu.memory_space<vmem>>)
          %dma_start3A_257 = arith.constant 0 : i32
          %dma_start3A_258 = arith.constant 0 : i32
          %dma_start3A_259 = tpu.memref_slice %arg2[%dma_start3A_257, %dma_start3A_258] : memref<10000x128xf32, #tpu.memory_space<hbm>> -> memref<10000x128xf32, #tpu.memory_space<hbm>>
          tpu.enqueue_indirect_dma source(%dma_start3A_259 : memref<10000x128xf32, #tpu.memory_space<hbm>>) target(%arg16 : memref<128x128xf32, #tpu.memory_space<vmem>>) offsets(%arg8 : memref<128xi32, #tpu.memory_space<vmem>>) semaphore(%arg20 : memref<!tpu.dma_semaphore, #tpu.memory_space<semaphore_mem>>)
        } else {
        }
      } else {
      }
      %mul3A_136 = arith.constant 12 : i32
      %mul3A_137 = arith.muli %mul3A_136, %scan3A_127 : i32
      %add3A_138 = arith.constant 1 : i32
      %add3A_139 = arith.addi %mul3A_137, %add3A_138 : i32
      %lt3A_140 = arith.cmpi slt, %add3A_139, %add3A_6 : i32
      %convert_element_type3A_141 = arith.extui %lt3A_140 : i1 to i32
      %cond3A_142 = arith.constant 0 : i32
      %cond3A_143 = arith.cmpi ne, %convert_element_type3A_141, %cond3A_142 : i32
      scf.if %cond3A_143 {
        %dma_wait3A_224 = arith.constant 0 : i32
        %dma_wait3A_225 = arith.constant 0 : i32
        %dma_wait3A_226 = tpu.memref_slice %arg2[%dma_wait3A_224, %dma_wait3A_225] : memref<10000x128xf32, #tpu.memory_space<hbm>> -> memref<10000x128xf32, #tpu.memory_space<hbm>>
        tpu.wait_indirect_dma semaphore(%arg19 : memref<!tpu.dma_semaphore, #tpu.memory_space<semaphore_mem>>) src(%dma_wait3A_226 : memref<10000x128xf32, #tpu.memory_space<hbm>>) dst(%arg15 : memref<128x128xf32, #tpu.memory_space<vmem>>)
        %dma_start3A_227 = arith.constant 0 : i32
        %dma_start3A_228 = arith.constant 0 : i32
        %dma_start3A_229 = tpu.memref_slice %arg17[%dma_start3A_227, %dma_start3A_228] : memref<10000x128xf32, #tpu.memory_space<vmem_shared>> -> memref<10000x128xf32, #tpu.memory_space<vmem_shared>>
        tpu.enqueue_indirect_dma source(%arg15 : memref<128x128xf32, #tpu.memory_space<vmem>>) target(%dma_start3A_229 : memref<10000x128xf32, #tpu.memory_space<vmem_shared>>) offsets(%arg11 : memref<128xi32, #tpu.memory_space<vmem>>) semaphore(%arg22 : memref<!tpu.dma_semaphore, #tpu.memory_space<semaphore_mem>>) {add = true}
        %add3A_230 = arith.constant 2 : i32
        %add3A_231 = arith.addi %add3A_139, %add3A_230 : i32
        %lt3A_232 = arith.cmpi slt, %add3A_231, %add3A_6 : i32
        %convert_element_type3A_233 = arith.extui %lt3A_232 : i1 to i32
        %cond3A_234 = arith.constant 0 : i32
        %cond3A_235 = arith.cmpi ne, %convert_element_type3A_233, %cond3A_234 : i32
        scf.if %cond3A_235 {
          %ge3A = arith.constant 1 : i32
          %ge3A_236 = arith.cmpi sge, %add3A_139, %ge3A : i32
          %convert_element_type3A_237 = arith.extui %ge3A_236 : i1 to i32
          %cond3A_238 = arith.constant 0 : i32
          %cond3A_239 = arith.cmpi ne, %convert_element_type3A_237, %cond3A_238 : i32
          scf.if %cond3A_239 {
            %dma_wait3A_260 = arith.constant 0 : i32
            %dma_wait3A_261 = arith.constant 0 : i32
            %dma_wait3A_262 = tpu.memref_slice %arg17[%dma_wait3A_260, %dma_wait3A_261] : memref<10000x128xf32, #tpu.memory_space<vmem_shared>> -> memref<10000x128xf32, #tpu.memory_space<vmem_shared>>
            tpu.wait_indirect_dma semaphore(%arg21 : memref<!tpu.dma_semaphore, #tpu.memory_space<semaphore_mem>>) src(%arg14 : memref<128x128xf32, #tpu.memory_space<vmem>>) dst(%dma_wait3A_262 : memref<10000x128xf32, #tpu.memory_space<vmem_shared>>)
            %add3A_263 = arith.constant 3 : i32
            %add3A_264 = arith.addi %add3A_139, %add3A_263 : i32
            %lt3A_265 = arith.cmpi slt, %add3A_264, %add3A_6 : i32
            %convert_element_type3A_266 = arith.extui %lt3A_265 : i1 to i32
            %cond3A_267 = arith.constant 0 : i32
            %cond3A_268 = arith.cmpi ne, %convert_element_type3A_266, %cond3A_267 : i32
            scf.if %cond3A_268 {
              %add3A_269 = arith.constant 3 : i32
              %add3A_270 = arith.addi %add3A_139, %add3A_269 : i32
              %mul3A_271 = arith.constant 32 : i32
              %mul3A_272 = arith.muli %add3A_270, %mul3A_271 : i32
              %add3A_273 = arith.addi %mul3A_272, %add3A : i32
              %mul3A_274 = arith.constant 128 : i32
              %mul3A_275 = arith.muli %add3A_273, %mul3A_274 : i32
              %dma_start3A_276 = arith.constant 0 : i32
              %dma_start3A_277 = tpu.memref_slice %arg3[%dma_start3A_276, %mul3A_275] : memref<2x320000xi32, #tpu.memory_space<hbm>> -> memref<1x128xi32, #tpu.memory_space<hbm>>
              %dma_start3A_278 = tpu.memref_squeeze %dma_start3A_277 : memref<1x128xi32, #tpu.memory_space<hbm>> -> memref<128xi32, #tpu.memory_space<hbm>>
              %dma_start3A_279 = tpu.memref_slice %arg3[%dma_start3A_276, %mul3A_275] : memref<2x320000xi32, #tpu.memory_space<hbm>> -> memref<1x128xi32, #tpu.memory_space<hbm>>
              %dma_start3A_280 = tpu.memref_squeeze %dma_start3A_279 : memref<1x128xi32, #tpu.memory_space<hbm>> -> memref<128xi32, #tpu.memory_space<hbm>>
              tpu.enqueue_dma source(%dma_start3A_280 : memref<128xi32, #tpu.memory_space<hbm>>) target(%arg6 : memref<128xi32, #tpu.memory_space<vmem>>) target_semaphore(%arg24 : memref<!tpu.dma_semaphore, #tpu.memory_space<semaphore_mem>>)
              %dma_start3A_281 = arith.constant 1 : i32
              %dma_start3A_282 = tpu.memref_slice %arg3[%dma_start3A_281, %mul3A_275] : memref<2x320000xi32, #tpu.memory_space<hbm>> -> memref<1x128xi32, #tpu.memory_space<hbm>>
              %dma_start3A_283 = tpu.memref_squeeze %dma_start3A_282 : memref<1x128xi32, #tpu.memory_space<hbm>> -> memref<128xi32, #tpu.memory_space<hbm>>
              %dma_start3A_284 = tpu.memref_slice %arg3[%dma_start3A_281, %mul3A_275] : memref<2x320000xi32, #tpu.memory_space<hbm>> -> memref<1x128xi32, #tpu.memory_space<hbm>>
              %dma_start3A_285 = tpu.memref_squeeze %dma_start3A_284 : memref<1x128xi32, #tpu.memory_space<hbm>> -> memref<128xi32, #tpu.memory_space<hbm>>
              tpu.enqueue_dma source(%dma_start3A_285 : memref<128xi32, #tpu.memory_space<hbm>>) target(%arg10 : memref<128xi32, #tpu.memory_space<vmem>>) target_semaphore(%arg24 : memref<!tpu.dma_semaphore, #tpu.memory_space<semaphore_mem>>)
            } else {
            }
          } else {
          }
          %add3A_240 = arith.constant 2 : i32
          %add3A_241 = arith.addi %add3A_139, %add3A_240 : i32
          %mul3A_242 = arith.constant 32 : i32
          %mul3A_243 = arith.muli %add3A_241, %mul3A_242 : i32
          %add3A_244 = arith.addi %mul3A_243, %add3A : i32
          %mul3A_245 = arith.constant 128 : i32
          %mul3A_246 = arith.muli %add3A_244, %mul3A_245 : i32
          %dma_wait3A_247 = arith.constant 0 : i32
          %dma_wait3A_248 = tpu.memref_slice %arg3[%dma_wait3A_247, %mul3A_246] : memref<2x320000xi32, #tpu.memory_space<hbm>> -> memref<1x128xi32, #tpu.memory_space<hbm>>
          %dma_wait3A_249 = tpu.memref_squeeze %dma_wait3A_248 : memref<1x128xi32, #tpu.memory_space<hbm>> -> memref<128xi32, #tpu.memory_space<hbm>>
          %dma_wait3A_250 = tpu.memref_slice %arg3[%dma_wait3A_247, %mul3A_246] : memref<2x320000xi32, #tpu.memory_space<hbm>> -> memref<1x128xi32, #tpu.memory_space<hbm>>
          %dma_wait3A_251 = tpu.memref_squeeze %dma_wait3A_250 : memref<1x128xi32, #tpu.memory_space<hbm>> -> memref<128xi32, #tpu.memory_space<hbm>>
          tpu.wait_dma2 semaphore(%arg27 : memref<!tpu.dma_semaphore, #tpu.memory_space<semaphore_mem>>) src(%dma_wait3A_251 : memref<128xi32, #tpu.memory_space<hbm>>) dst(%arg9 : memref<128xi32, #tpu.memory_space<vmem>>)
          %dma_wait3A_252 = arith.constant 1 : i32
          %dma_wait3A_253 = tpu.memref_slice %arg3[%dma_wait3A_252, %mul3A_246] : memref<2x320000xi32, #tpu.memory_space<hbm>> -> memref<1x128xi32, #tpu.memory_space<hbm>>
          %dma_wait3A_254 = tpu.memref_squeeze %dma_wait3A_253 : memref<1x128xi32, #tpu.memory_space<hbm>> -> memref<128xi32, #tpu.memory_space<hbm>>
          %dma_wait3A_255 = tpu.memref_slice %arg3[%dma_wait3A_252, %mul3A_246] : memref<2x320000xi32, #tpu.memory_space<hbm>> -> memref<1x128xi32, #tpu.memory_space<hbm>>
          %dma_wait3A_256 = tpu.memref_squeeze %dma_wait3A_255 : memref<1x128xi32, #tpu.memory_space<hbm>> -> memref<128xi32, #tpu.memory_space<hbm>>
          tpu.wait_dma2 semaphore(%arg27 : memref<!tpu.dma_semaphore, #tpu.memory_space<semaphore_mem>>) src(%dma_wait3A_256 : memref<128xi32, #tpu.memory_space<hbm>>) dst(%arg13 : memref<128xi32, #tpu.memory_space<vmem>>)
          %dma_start3A_257 = arith.constant 0 : i32
          %dma_start3A_258 = arith.constant 0 : i32
          %dma_start3A_259 = tpu.memref_slice %arg2[%dma_start3A_257, %dma_start3A_258] : memref<10000x128xf32, #tpu.memory_space<hbm>> -> memref<10000x128xf32, #tpu.memory_space<hbm>>
          tpu.enqueue_indirect_dma source(%dma_start3A_259 : memref<10000x128xf32, #tpu.memory_space<hbm>>) target(%arg14 : memref<128x128xf32, #tpu.memory_space<vmem>>) offsets(%arg9 : memref<128xi32, #tpu.memory_space<vmem>>) semaphore(%arg18 : memref<!tpu.dma_semaphore, #tpu.memory_space<semaphore_mem>>)
        } else {
        }
      } else {
      }
      %mul3A_144 = arith.constant 12 : i32
      %mul3A_145 = arith.muli %mul3A_144, %scan3A_127 : i32
      %add3A_146 = arith.constant 2 : i32
      %add3A_147 = arith.addi %mul3A_145, %add3A_146 : i32
      %lt3A_148 = arith.cmpi slt, %add3A_147, %add3A_6 : i32
      %convert_element_type3A_149 = arith.extui %lt3A_148 : i1 to i32
      %cond3A_150 = arith.constant 0 : i32
      %cond3A_151 = arith.cmpi ne, %convert_element_type3A_149, %cond3A_150 : i32
      scf.if %cond3A_151 {
        %dma_wait3A_224 = arith.constant 0 : i32
        %dma_wait3A_225 = arith.constant 0 : i32
        %dma_wait3A_226 = tpu.memref_slice %arg2[%dma_wait3A_224, %dma_wait3A_225] : memref<10000x128xf32, #tpu.memory_space<hbm>> -> memref<10000x128xf32, #tpu.memory_space<hbm>>
        tpu.wait_indirect_dma semaphore(%arg20 : memref<!tpu.dma_semaphore, #tpu.memory_space<semaphore_mem>>) src(%dma_wait3A_226 : memref<10000x128xf32, #tpu.memory_space<hbm>>) dst(%arg16 : memref<128x128xf32, #tpu.memory_space<vmem>>)
        %dma_start3A_227 = arith.constant 0 : i32
        %dma_start3A_228 = arith.constant 0 : i32
        %dma_start3A_229 = tpu.memref_slice %arg17[%dma_start3A_227, %dma_start3A_228] : memref<10000x128xf32, #tpu.memory_space<vmem_shared>> -> memref<10000x128xf32, #tpu.memory_space<vmem_shared>>
        tpu.enqueue_indirect_dma source(%arg16 : memref<128x128xf32, #tpu.memory_space<vmem>>) target(%dma_start3A_229 : memref<10000x128xf32, #tpu.memory_space<vmem_shared>>) offsets(%arg12 : memref<128xi32, #tpu.memory_space<vmem>>) semaphore(%arg23 : memref<!tpu.dma_semaphore, #tpu.memory_space<semaphore_mem>>) {add = true}
        %add3A_230 = arith.constant 2 : i32
        %add3A_231 = arith.addi %add3A_147, %add3A_230 : i32
        %lt3A_232 = arith.cmpi slt, %add3A_231, %add3A_6 : i32
        %convert_element_type3A_233 = arith.extui %lt3A_232 : i1 to i32
        %cond3A_234 = arith.constant 0 : i32
        %cond3A_235 = arith.cmpi ne, %convert_element_type3A_233, %cond3A_234 : i32
        scf.if %cond3A_235 {
          %ge3A = arith.constant 1 : i32
          %ge3A_236 = arith.cmpi sge, %add3A_147, %ge3A : i32
          %convert_element_type3A_237 = arith.extui %ge3A_236 : i1 to i32
          %cond3A_238 = arith.constant 0 : i32
          %cond3A_239 = arith.cmpi ne, %convert_element_type3A_237, %cond3A_238 : i32
          scf.if %cond3A_239 {
            %dma_wait3A_260 = arith.constant 0 : i32
            %dma_wait3A_261 = arith.constant 0 : i32
            %dma_wait3A_262 = tpu.memref_slice %arg17[%dma_wait3A_260, %dma_wait3A_261] : memref<10000x128xf32, #tpu.memory_space<vmem_shared>> -> memref<10000x128xf32, #tpu.memory_space<vmem_shared>>
            tpu.wait_indirect_dma semaphore(%arg22 : memref<!tpu.dma_semaphore, #tpu.memory_space<semaphore_mem>>) src(%arg15 : memref<128x128xf32, #tpu.memory_space<vmem>>) dst(%dma_wait3A_262 : memref<10000x128xf32, #tpu.memory_space<vmem_shared>>)
            %add3A_263 = arith.constant 3 : i32
            %add3A_264 = arith.addi %add3A_147, %add3A_263 : i32
            %lt3A_265 = arith.cmpi slt, %add3A_264, %add3A_6 : i32
            %convert_element_type3A_266 = arith.extui %lt3A_265 : i1 to i32
            %cond3A_267 = arith.constant 0 : i32
            %cond3A_268 = arith.cmpi ne, %convert_element_type3A_266, %cond3A_267 : i32
            scf.if %cond3A_268 {
              %add3A_269 = arith.constant 3 : i32
              %add3A_270 = arith.addi %add3A_147, %add3A_269 : i32
              %mul3A_271 = arith.constant 32 : i32
              %mul3A_272 = arith.muli %add3A_270, %mul3A_271 : i32
              %add3A_273 = arith.addi %mul3A_272, %add3A : i32
              %mul3A_274 = arith.constant 128 : i32
              %mul3A_275 = arith.muli %add3A_273, %mul3A_274 : i32
              %dma_start3A_276 = arith.constant 0 : i32
              %dma_start3A_277 = tpu.memref_slice %arg3[%dma_start3A_276, %mul3A_275] : memref<2x320000xi32, #tpu.memory_space<hbm>> -> memref<1x128xi32, #tpu.memory_space<hbm>>
              %dma_start3A_278 = tpu.memref_squeeze %dma_start3A_277 : memref<1x128xi32, #tpu.memory_space<hbm>> -> memref<128xi32, #tpu.memory_space<hbm>>
              %dma_start3A_279 = tpu.memref_slice %arg3[%dma_start3A_276, %mul3A_275] : memref<2x320000xi32, #tpu.memory_space<hbm>> -> memref<1x128xi32, #tpu.memory_space<hbm>>
              %dma_start3A_280 = tpu.memref_squeeze %dma_start3A_279 : memref<1x128xi32, #tpu.memory_space<hbm>> -> memref<128xi32, #tpu.memory_space<hbm>>
              tpu.enqueue_dma source(%dma_start3A_280 : memref<128xi32, #tpu.memory_space<hbm>>) target(%arg7 : memref<128xi32, #tpu.memory_space<vmem>>) target_semaphore(%arg25 : memref<!tpu.dma_semaphore, #tpu.memory_space<semaphore_mem>>)
              %dma_start3A_281 = arith.constant 1 : i32
              %dma_start3A_282 = tpu.memref_slice %arg3[%dma_start3A_281, %mul3A_275] : memref<2x320000xi32, #tpu.memory_space<hbm>> -> memref<1x128xi32, #tpu.memory_space<hbm>>
              %dma_start3A_283 = tpu.memref_squeeze %dma_start3A_282 : memref<1x128xi32, #tpu.memory_space<hbm>> -> memref<128xi32, #tpu.memory_space<hbm>>
              %dma_start3A_284 = tpu.memref_slice %arg3[%dma_start3A_281, %mul3A_275] : memref<2x320000xi32, #tpu.memory_space<hbm>> -> memref<1x128xi32, #tpu.memory_space<hbm>>
              %dma_start3A_285 = tpu.memref_squeeze %dma_start3A_284 : memref<1x128xi32, #tpu.memory_space<hbm>> -> memref<128xi32, #tpu.memory_space<hbm>>
              tpu.enqueue_dma source(%dma_start3A_285 : memref<128xi32, #tpu.memory_space<hbm>>) target(%arg11 : memref<128xi32, #tpu.memory_space<vmem>>) target_semaphore(%arg25 : memref<!tpu.dma_semaphore, #tpu.memory_space<semaphore_mem>>)
            } else {
            }
          } else {
          }
          %add3A_240 = arith.constant 2 : i32
          %add3A_241 = arith.addi %add3A_147, %add3A_240 : i32
          %mul3A_242 = arith.constant 32 : i32
          %mul3A_243 = arith.muli %add3A_241, %mul3A_242 : i32
          %add3A_244 = arith.addi %mul3A_243, %add3A : i32
          %mul3A_245 = arith.constant 128 : i32
          %mul3A_246 = arith.muli %add3A_244, %mul3A_245 : i32
          %dma_wait3A_247 = arith.constant 0 : i32
          %dma_wait3A_248 = tpu.memref_slice %arg3[%dma_wait3A_247, %mul3A_246] : memref<2x320000xi32, #tpu.memory_space<hbm>> -> memref<1x128xi32, #tpu.memory_space<hbm>>
          %dma_wait3A_249 = tpu.memref_squeeze %dma_wait3A_248 : memref<1x128xi32, #tpu.memory_space<hbm>> -> memref<128xi32, #tpu.memory_space<hbm>>
          %dma_wait3A_250 = tpu.memref_slice %arg3[%dma_wait3A_247, %mul3A_246] : memref<2x320000xi32, #tpu.memory_space<hbm>> -> memref<1x128xi32, #tpu.memory_space<hbm>>
          %dma_wait3A_251 = tpu.memref_squeeze %dma_wait3A_250 : memref<1x128xi32, #tpu.memory_space<hbm>> -> memref<128xi32, #tpu.memory_space<hbm>>
          tpu.wait_dma2 semaphore(%arg24 : memref<!tpu.dma_semaphore, #tpu.memory_space<semaphore_mem>>) src(%dma_wait3A_251 : memref<128xi32, #tpu.memory_space<hbm>>) dst(%arg6 : memref<128xi32, #tpu.memory_space<vmem>>)
          %dma_wait3A_252 = arith.constant 1 : i32
          %dma_wait3A_253 = tpu.memref_slice %arg3[%dma_wait3A_252, %mul3A_246] : memref<2x320000xi32, #tpu.memory_space<hbm>> -> memref<1x128xi32, #tpu.memory_space<hbm>>
          %dma_wait3A_254 = tpu.memref_squeeze %dma_wait3A_253 : memref<1x128xi32, #tpu.memory_space<hbm>> -> memref<128xi32, #tpu.memory_space<hbm>>
          %dma_wait3A_255 = tpu.memref_slice %arg3[%dma_wait3A_252, %mul3A_246] : memref<2x320000xi32, #tpu.memory_space<hbm>> -> memref<1x128xi32, #tpu.memory_space<hbm>>
          %dma_wait3A_256 = tpu.memref_squeeze %dma_wait3A_255 : memref<1x128xi32, #tpu.memory_space<hbm>> -> memref<128xi32, #tpu.memory_space<hbm>>
          tpu.wait_dma2 semaphore(%arg24 : memref<!tpu.dma_semaphore, #tpu.memory_space<semaphore_mem>>) src(%dma_wait3A_256 : memref<128xi32, #tpu.memory_space<hbm>>) dst(%arg10 : memref<128xi32, #tpu.memory_space<vmem>>)
          %dma_start3A_257 = arith.constant 0 : i32
          %dma_start3A_258 = arith.constant 0 : i32
          %dma_start3A_259 = tpu.memref_slice %arg2[%dma_start3A_257, %dma_start3A_258] : memref<10000x128xf32, #tpu.memory_space<hbm>> -> memref<10000x128xf32, #tpu.memory_space<hbm>>
          tpu.enqueue_indirect_dma source(%dma_start3A_259 : memref<10000x128xf32, #tpu.memory_space<hbm>>) target(%arg15 : memref<128x128xf32, #tpu.memory_space<vmem>>) offsets(%arg6 : memref<128xi32, #tpu.memory_space<vmem>>) semaphore(%arg19 : memref<!tpu.dma_semaphore, #tpu.memory_space<semaphore_mem>>)
        } else {
        }
      } else {
      }
      %mul3A_152 = arith.constant 12 : i32
      %mul3A_153 = arith.muli %mul3A_152, %scan3A_127 : i32
      %add3A_154 = arith.constant 3 : i32
      %add3A_155 = arith.addi %mul3A_153, %add3A_154 : i32
      %lt3A_156 = arith.cmpi slt, %add3A_155, %add3A_6 : i32
      %convert_element_type3A_157 = arith.extui %lt3A_156 : i1 to i32
      %cond3A_158 = arith.constant 0 : i32
      %cond3A_159 = arith.cmpi ne, %convert_element_type3A_157, %cond3A_158 : i32
      scf.if %cond3A_159 {
        %dma_wait3A_224 = arith.constant 0 : i32
        %dma_wait3A_225 = arith.constant 0 : i32
        %dma_wait3A_226 = tpu.memref_slice %arg2[%dma_wait3A_224, %dma_wait3A_225] : memref<10000x128xf32, #tpu.memory_space<hbm>> -> memref<10000x128xf32, #tpu.memory_space<hbm>>
        tpu.wait_indirect_dma semaphore(%arg18 : memref<!tpu.dma_semaphore, #tpu.memory_space<semaphore_mem>>) src(%dma_wait3A_226 : memref<10000x128xf32, #tpu.memory_space<hbm>>) dst(%arg14 : memref<128x128xf32, #tpu.memory_space<vmem>>)
        %dma_start3A_227 = arith.constant 0 : i32
        %dma_start3A_228 = arith.constant 0 : i32
        %dma_start3A_229 = tpu.memref_slice %arg17[%dma_start3A_227, %dma_start3A_228] : memref<10000x128xf32, #tpu.memory_space<vmem_shared>> -> memref<10000x128xf32, #tpu.memory_space<vmem_shared>>
        tpu.enqueue_indirect_dma source(%arg14 : memref<128x128xf32, #tpu.memory_space<vmem>>) target(%dma_start3A_229 : memref<10000x128xf32, #tpu.memory_space<vmem_shared>>) offsets(%arg13 : memref<128xi32, #tpu.memory_space<vmem>>) semaphore(%arg21 : memref<!tpu.dma_semaphore, #tpu.memory_space<semaphore_mem>>) {add = true}
        %add3A_230 = arith.constant 2 : i32
        %add3A_231 = arith.addi %add3A_155, %add3A_230 : i32
        %lt3A_232 = arith.cmpi slt, %add3A_231, %add3A_6 : i32
        %convert_element_type3A_233 = arith.extui %lt3A_232 : i1 to i32
        %cond3A_234 = arith.constant 0 : i32
        %cond3A_235 = arith.cmpi ne, %convert_element_type3A_233, %cond3A_234 : i32
        scf.if %cond3A_235 {
          %ge3A = arith.constant 1 : i32
          %ge3A_236 = arith.cmpi sge, %add3A_155, %ge3A : i32
          %convert_element_type3A_237 = arith.extui %ge3A_236 : i1 to i32
          %cond3A_238 = arith.constant 0 : i32
          %cond3A_239 = arith.cmpi ne, %convert_element_type3A_237, %cond3A_238 : i32
          scf.if %cond3A_239 {
            %dma_wait3A_260 = arith.constant 0 : i32
            %dma_wait3A_261 = arith.constant 0 : i32
            %dma_wait3A_262 = tpu.memref_slice %arg17[%dma_wait3A_260, %dma_wait3A_261] : memref<10000x128xf32, #tpu.memory_space<vmem_shared>> -> memref<10000x128xf32, #tpu.memory_space<vmem_shared>>
            tpu.wait_indirect_dma semaphore(%arg23 : memref<!tpu.dma_semaphore, #tpu.memory_space<semaphore_mem>>) src(%arg16 : memref<128x128xf32, #tpu.memory_space<vmem>>) dst(%dma_wait3A_262 : memref<10000x128xf32, #tpu.memory_space<vmem_shared>>)
            %add3A_263 = arith.constant 3 : i32
            %add3A_264 = arith.addi %add3A_155, %add3A_263 : i32
            %lt3A_265 = arith.cmpi slt, %add3A_264, %add3A_6 : i32
            %convert_element_type3A_266 = arith.extui %lt3A_265 : i1 to i32
            %cond3A_267 = arith.constant 0 : i32
            %cond3A_268 = arith.cmpi ne, %convert_element_type3A_266, %cond3A_267 : i32
            scf.if %cond3A_268 {
              %add3A_269 = arith.constant 3 : i32
              %add3A_270 = arith.addi %add3A_155, %add3A_269 : i32
              %mul3A_271 = arith.constant 32 : i32
              %mul3A_272 = arith.muli %add3A_270, %mul3A_271 : i32
              %add3A_273 = arith.addi %mul3A_272, %add3A : i32
              %mul3A_274 = arith.constant 128 : i32
              %mul3A_275 = arith.muli %add3A_273, %mul3A_274 : i32
              %dma_start3A_276 = arith.constant 0 : i32
              %dma_start3A_277 = tpu.memref_slice %arg3[%dma_start3A_276, %mul3A_275] : memref<2x320000xi32, #tpu.memory_space<hbm>> -> memref<1x128xi32, #tpu.memory_space<hbm>>
              %dma_start3A_278 = tpu.memref_squeeze %dma_start3A_277 : memref<1x128xi32, #tpu.memory_space<hbm>> -> memref<128xi32, #tpu.memory_space<hbm>>
              %dma_start3A_279 = tpu.memref_slice %arg3[%dma_start3A_276, %mul3A_275] : memref<2x320000xi32, #tpu.memory_space<hbm>> -> memref<1x128xi32, #tpu.memory_space<hbm>>
              %dma_start3A_280 = tpu.memref_squeeze %dma_start3A_279 : memref<1x128xi32, #tpu.memory_space<hbm>> -> memref<128xi32, #tpu.memory_space<hbm>>
              tpu.enqueue_dma source(%dma_start3A_280 : memref<128xi32, #tpu.memory_space<hbm>>) target(%arg8 : memref<128xi32, #tpu.memory_space<vmem>>) target_semaphore(%arg26 : memref<!tpu.dma_semaphore, #tpu.memory_space<semaphore_mem>>)
              %dma_start3A_281 = arith.constant 1 : i32
              %dma_start3A_282 = tpu.memref_slice %arg3[%dma_start3A_281, %mul3A_275] : memref<2x320000xi32, #tpu.memory_space<hbm>> -> memref<1x128xi32, #tpu.memory_space<hbm>>
              %dma_start3A_283 = tpu.memref_squeeze %dma_start3A_282 : memref<1x128xi32, #tpu.memory_space<hbm>> -> memref<128xi32, #tpu.memory_space<hbm>>
              %dma_start3A_284 = tpu.memref_slice %arg3[%dma_start3A_281, %mul3A_275] : memref<2x320000xi32, #tpu.memory_space<hbm>> -> memref<1x128xi32, #tpu.memory_space<hbm>>
              %dma_start3A_285 = tpu.memref_squeeze %dma_start3A_284 : memref<1x128xi32, #tpu.memory_space<hbm>> -> memref<128xi32, #tpu.memory_space<hbm>>
              tpu.enqueue_dma source(%dma_start3A_285 : memref<128xi32, #tpu.memory_space<hbm>>) target(%arg12 : memref<128xi32, #tpu.memory_space<vmem>>) target_semaphore(%arg26 : memref<!tpu.dma_semaphore, #tpu.memory_space<semaphore_mem>>)
            } else {
            }
          } else {
          }
          %add3A_240 = arith.constant 2 : i32
          %add3A_241 = arith.addi %add3A_155, %add3A_240 : i32
          %mul3A_242 = arith.constant 32 : i32
          %mul3A_243 = arith.muli %add3A_241, %mul3A_242 : i32
          %add3A_244 = arith.addi %mul3A_243, %add3A : i32
          %mul3A_245 = arith.constant 128 : i32
          %mul3A_246 = arith.muli %add3A_244, %mul3A_245 : i32
          %dma_wait3A_247 = arith.constant 0 : i32
          %dma_wait3A_248 = tpu.memref_slice %arg3[%dma_wait3A_247, %mul3A_246] : memref<2x320000xi32, #tpu.memory_space<hbm>> -> memref<1x128xi32, #tpu.memory_space<hbm>>
          %dma_wait3A_249 = tpu.memref_squeeze %dma_wait3A_248 : memref<1x128xi32, #tpu.memory_space<hbm>> -> memref<128xi32, #tpu.memory_space<hbm>>
          %dma_wait3A_250 = tpu.memref_slice %arg3[%dma_wait3A_247, %mul3A_246] : memref<2x320000xi32, #tpu.memory_space<hbm>> -> memref<1x128xi32, #tpu.memory_space<hbm>>
          %dma_wait3A_251 = tpu.memref_squeeze %dma_wait3A_250 : memref<1x128xi32, #tpu.memory_space<hbm>> -> memref<128xi32, #tpu.memory_space<hbm>>
          tpu.wait_dma2 semaphore(%arg25 : memref<!tpu.dma_semaphore, #tpu.memory_space<semaphore_mem>>) src(%dma_wait3A_251 : memref<128xi32, #tpu.memory_space<hbm>>) dst(%arg7 : memref<128xi32, #tpu.memory_space<vmem>>)
          %dma_wait3A_252 = arith.constant 1 : i32
          %dma_wait3A_253 = tpu.memref_slice %arg3[%dma_wait3A_252, %mul3A_246] : memref<2x320000xi32, #tpu.memory_space<hbm>> -> memref<1x128xi32, #tpu.memory_space<hbm>>
          %dma_wait3A_254 = tpu.memref_squeeze %dma_wait3A_253 : memref<1x128xi32, #tpu.memory_space<hbm>> -> memref<128xi32, #tpu.memory_space<hbm>>
          %dma_wait3A_255 = tpu.memref_slice %arg3[%dma_wait3A_252, %mul3A_246] : memref<2x320000xi32, #tpu.memory_space<hbm>> -> memref<1x128xi32, #tpu.memory_space<hbm>>
          %dma_wait3A_256 = tpu.memref_squeeze %dma_wait3A_255 : memref<1x128xi32, #tpu.memory_space<hbm>> -> memref<128xi32, #tpu.memory_space<hbm>>
          tpu.wait_dma2 semaphore(%arg25 : memref<!tpu.dma_semaphore, #tpu.memory_space<semaphore_mem>>) src(%dma_wait3A_256 : memref<128xi32, #tpu.memory_space<hbm>>) dst(%arg11 : memref<128xi32, #tpu.memory_space<vmem>>)
          %dma_start3A_257 = arith.constant 0 : i32
          %dma_start3A_258 = arith.constant 0 : i32
          %dma_start3A_259 = tpu.memref_slice %arg2[%dma_start3A_257, %dma_start3A_258] : memref<10000x128xf32, #tpu.memory_space<hbm>> -> memref<10000x128xf32, #tpu.memory_space<hbm>>
          tpu.enqueue_indirect_dma source(%dma_start3A_259 : memref<10000x128xf32, #tpu.memory_space<hbm>>) target(%arg16 : memref<128x128xf32, #tpu.memory_space<vmem>>) offsets(%arg7 : memref<128xi32, #tpu.memory_space<vmem>>) semaphore(%arg20 : memref<!tpu.dma_semaphore, #tpu.memory_space<semaphore_mem>>)
        } else {
        }
      } else {
      }
      %mul3A_160 = arith.constant 12 : i32
      %mul3A_161 = arith.muli %mul3A_160, %scan3A_127 : i32
      %add3A_162 = arith.constant 4 : i32
      %add3A_163 = arith.addi %mul3A_161, %add3A_162 : i32
      %lt3A_164 = arith.cmpi slt, %add3A_163, %add3A_6 : i32
      %convert_element_type3A_165 = arith.extui %lt3A_164 : i1 to i32
      %cond3A_166 = arith.constant 0 : i32
      %cond3A_167 = arith.cmpi ne, %convert_element_type3A_165, %cond3A_166 : i32
      scf.if %cond3A_167 {
        %dma_wait3A_224 = arith.constant 0 : i32
        %dma_wait3A_225 = arith.constant 0 : i32
        %dma_wait3A_226 = tpu.memref_slice %arg2[%dma_wait3A_224, %dma_wait3A_225] : memref<10000x128xf32, #tpu.memory_space<hbm>> -> memref<10000x128xf32, #tpu.memory_space<hbm>>
        tpu.wait_indirect_dma semaphore(%arg19 : memref<!tpu.dma_semaphore, #tpu.memory_space<semaphore_mem>>) src(%dma_wait3A_226 : memref<10000x128xf32, #tpu.memory_space<hbm>>) dst(%arg15 : memref<128x128xf32, #tpu.memory_space<vmem>>)
        %dma_start3A_227 = arith.constant 0 : i32
        %dma_start3A_228 = arith.constant 0 : i32
        %dma_start3A_229 = tpu.memref_slice %arg17[%dma_start3A_227, %dma_start3A_228] : memref<10000x128xf32, #tpu.memory_space<vmem_shared>> -> memref<10000x128xf32, #tpu.memory_space<vmem_shared>>
        tpu.enqueue_indirect_dma source(%arg15 : memref<128x128xf32, #tpu.memory_space<vmem>>) target(%dma_start3A_229 : memref<10000x128xf32, #tpu.memory_space<vmem_shared>>) offsets(%arg10 : memref<128xi32, #tpu.memory_space<vmem>>) semaphore(%arg22 : memref<!tpu.dma_semaphore, #tpu.memory_space<semaphore_mem>>) {add = true}
        %add3A_230 = arith.constant 2 : i32
        %add3A_231 = arith.addi %add3A_163, %add3A_230 : i32
        %lt3A_232 = arith.cmpi slt, %add3A_231, %add3A_6 : i32
        %convert_element_type3A_233 = arith.extui %lt3A_232 : i1 to i32
        %cond3A_234 = arith.constant 0 : i32
        %cond3A_235 = arith.cmpi ne, %convert_element_type3A_233, %cond3A_234 : i32
        scf.if %cond3A_235 {
          %ge3A = arith.constant 1 : i32
          %ge3A_236 = arith.cmpi sge, %add3A_163, %ge3A : i32
          %convert_element_type3A_237 = arith.extui %ge3A_236 : i1 to i32
          %cond3A_238 = arith.constant 0 : i32
          %cond3A_239 = arith.cmpi ne, %convert_element_type3A_237, %cond3A_238 : i32
          scf.if %cond3A_239 {
            %dma_wait3A_260 = arith.constant 0 : i32
            %dma_wait3A_261 = arith.constant 0 : i32
            %dma_wait3A_262 = tpu.memref_slice %arg17[%dma_wait3A_260, %dma_wait3A_261] : memref<10000x128xf32, #tpu.memory_space<vmem_shared>> -> memref<10000x128xf32, #tpu.memory_space<vmem_shared>>
            tpu.wait_indirect_dma semaphore(%arg21 : memref<!tpu.dma_semaphore, #tpu.memory_space<semaphore_mem>>) src(%arg14 : memref<128x128xf32, #tpu.memory_space<vmem>>) dst(%dma_wait3A_262 : memref<10000x128xf32, #tpu.memory_space<vmem_shared>>)
            %add3A_263 = arith.constant 3 : i32
            %add3A_264 = arith.addi %add3A_163, %add3A_263 : i32
            %lt3A_265 = arith.cmpi slt, %add3A_264, %add3A_6 : i32
            %convert_element_type3A_266 = arith.extui %lt3A_265 : i1 to i32
            %cond3A_267 = arith.constant 0 : i32
            %cond3A_268 = arith.cmpi ne, %convert_element_type3A_266, %cond3A_267 : i32
            scf.if %cond3A_268 {
              %add3A_269 = arith.constant 3 : i32
              %add3A_270 = arith.addi %add3A_163, %add3A_269 : i32
              %mul3A_271 = arith.constant 32 : i32
              %mul3A_272 = arith.muli %add3A_270, %mul3A_271 : i32
              %add3A_273 = arith.addi %mul3A_272, %add3A : i32
              %mul3A_274 = arith.constant 128 : i32
              %mul3A_275 = arith.muli %add3A_273, %mul3A_274 : i32
              %dma_start3A_276 = arith.constant 0 : i32
              %dma_start3A_277 = tpu.memref_slice %arg3[%dma_start3A_276, %mul3A_275] : memref<2x320000xi32, #tpu.memory_space<hbm>> -> memref<1x128xi32, #tpu.memory_space<hbm>>
              %dma_start3A_278 = tpu.memref_squeeze %dma_start3A_277 : memref<1x128xi32, #tpu.memory_space<hbm>> -> memref<128xi32, #tpu.memory_space<hbm>>
              %dma_start3A_279 = tpu.memref_slice %arg3[%dma_start3A_276, %mul3A_275] : memref<2x320000xi32, #tpu.memory_space<hbm>> -> memref<1x128xi32, #tpu.memory_space<hbm>>
              %dma_start3A_280 = tpu.memref_squeeze %dma_start3A_279 : memref<1x128xi32, #tpu.memory_space<hbm>> -> memref<128xi32, #tpu.memory_space<hbm>>
              tpu.enqueue_dma source(%dma_start3A_280 : memref<128xi32, #tpu.memory_space<hbm>>) target(%arg9 : memref<128xi32, #tpu.memory_space<vmem>>) target_semaphore(%arg27 : memref<!tpu.dma_semaphore, #tpu.memory_space<semaphore_mem>>)
              %dma_start3A_281 = arith.constant 1 : i32
              %dma_start3A_282 = tpu.memref_slice %arg3[%dma_start3A_281, %mul3A_275] : memref<2x320000xi32, #tpu.memory_space<hbm>> -> memref<1x128xi32, #tpu.memory_space<hbm>>
              %dma_start3A_283 = tpu.memref_squeeze %dma_start3A_282 : memref<1x128xi32, #tpu.memory_space<hbm>> -> memref<128xi32, #tpu.memory_space<hbm>>
              %dma_start3A_284 = tpu.memref_slice %arg3[%dma_start3A_281, %mul3A_275] : memref<2x320000xi32, #tpu.memory_space<hbm>> -> memref<1x128xi32, #tpu.memory_space<hbm>>
              %dma_start3A_285 = tpu.memref_squeeze %dma_start3A_284 : memref<1x128xi32, #tpu.memory_space<hbm>> -> memref<128xi32, #tpu.memory_space<hbm>>
              tpu.enqueue_dma source(%dma_start3A_285 : memref<128xi32, #tpu.memory_space<hbm>>) target(%arg13 : memref<128xi32, #tpu.memory_space<vmem>>) target_semaphore(%arg27 : memref<!tpu.dma_semaphore, #tpu.memory_space<semaphore_mem>>)
            } else {
            }
          } else {
          }
          %add3A_240 = arith.constant 2 : i32
          %add3A_241 = arith.addi %add3A_163, %add3A_240 : i32
          %mul3A_242 = arith.constant 32 : i32
          %mul3A_243 = arith.muli %add3A_241, %mul3A_242 : i32
          %add3A_244 = arith.addi %mul3A_243, %add3A : i32
          %mul3A_245 = arith.constant 128 : i32
          %mul3A_246 = arith.muli %add3A_244, %mul3A_245 : i32
          %dma_wait3A_247 = arith.constant 0 : i32
          %dma_wait3A_248 = tpu.memref_slice %arg3[%dma_wait3A_247, %mul3A_246] : memref<2x320000xi32, #tpu.memory_space<hbm>> -> memref<1x128xi32, #tpu.memory_space<hbm>>
          %dma_wait3A_249 = tpu.memref_squeeze %dma_wait3A_248 : memref<1x128xi32, #tpu.memory_space<hbm>> -> memref<128xi32, #tpu.memory_space<hbm>>
          %dma_wait3A_250 = tpu.memref_slice %arg3[%dma_wait3A_247, %mul3A_246] : memref<2x320000xi32, #tpu.memory_space<hbm>> -> memref<1x128xi32, #tpu.memory_space<hbm>>
          %dma_wait3A_251 = tpu.memref_squeeze %dma_wait3A_250 : memref<1x128xi32, #tpu.memory_space<hbm>> -> memref<128xi32, #tpu.memory_space<hbm>>
          tpu.wait_dma2 semaphore(%arg26 : memref<!tpu.dma_semaphore, #tpu.memory_space<semaphore_mem>>) src(%dma_wait3A_251 : memref<128xi32, #tpu.memory_space<hbm>>) dst(%arg8 : memref<128xi32, #tpu.memory_space<vmem>>)
          %dma_wait3A_252 = arith.constant 1 : i32
          %dma_wait3A_253 = tpu.memref_slice %arg3[%dma_wait3A_252, %mul3A_246] : memref<2x320000xi32, #tpu.memory_space<hbm>> -> memref<1x128xi32, #tpu.memory_space<hbm>>
          %dma_wait3A_254 = tpu.memref_squeeze %dma_wait3A_253 : memref<1x128xi32, #tpu.memory_space<hbm>> -> memref<128xi32, #tpu.memory_space<hbm>>
          %dma_wait3A_255 = tpu.memref_slice %arg3[%dma_wait3A_252, %mul3A_246] : memref<2x320000xi32, #tpu.memory_space<hbm>> -> memref<1x128xi32, #tpu.memory_space<hbm>>
          %dma_wait3A_256 = tpu.memref_squeeze %dma_wait3A_255 : memref<1x128xi32, #tpu.memory_space<hbm>> -> memref<128xi32, #tpu.memory_space<hbm>>
          tpu.wait_dma2 semaphore(%arg26 : memref<!tpu.dma_semaphore, #tpu.memory_space<semaphore_mem>>) src(%dma_wait3A_256 : memref<128xi32, #tpu.memory_space<hbm>>) dst(%arg12 : memref<128xi32, #tpu.memory_space<vmem>>)
          %dma_start3A_257 = arith.constant 0 : i32
          %dma_start3A_258 = arith.constant 0 : i32
          %dma_start3A_259 = tpu.memref_slice %arg2[%dma_start3A_257, %dma_start3A_258] : memref<10000x128xf32, #tpu.memory_space<hbm>> -> memref<10000x128xf32, #tpu.memory_space<hbm>>
          tpu.enqueue_indirect_dma source(%dma_start3A_259 : memref<10000x128xf32, #tpu.memory_space<hbm>>) target(%arg14 : memref<128x128xf32, #tpu.memory_space<vmem>>) offsets(%arg8 : memref<128xi32, #tpu.memory_space<vmem>>) semaphore(%arg18 : memref<!tpu.dma_semaphore, #tpu.memory_space<semaphore_mem>>)
        } else {
        }
      } else {
      }
      %mul3A_168 = arith.constant 12 : i32
      %mul3A_169 = arith.muli %mul3A_168, %scan3A_127 : i32
      %add3A_170 = arith.constant 5 : i32
      %add3A_171 = arith.addi %mul3A_169, %add3A_170 : i32
      %lt3A_172 = arith.cmpi slt, %add3A_171, %add3A_6 : i32
      %convert_element_type3A_173 = arith.extui %lt3A_172 : i1 to i32
      %cond3A_174 = arith.constant 0 : i32
      %cond3A_175 = arith.cmpi ne, %convert_element_type3A_173, %cond3A_174 : i32
      scf.if %cond3A_175 {
        %dma_wait3A_224 = arith.constant 0 : i32
        %dma_wait3A_225 = arith.constant 0 : i32
        %dma_wait3A_226 = tpu.memref_slice %arg2[%dma_wait3A_224, %dma_wait3A_225] : memref<10000x128xf32, #tpu.memory_space<hbm>> -> memref<10000x128xf32, #tpu.memory_space<hbm>>
        tpu.wait_indirect_dma semaphore(%arg20 : memref<!tpu.dma_semaphore, #tpu.memory_space<semaphore_mem>>) src(%dma_wait3A_226 : memref<10000x128xf32, #tpu.memory_space<hbm>>) dst(%arg16 : memref<128x128xf32, #tpu.memory_space<vmem>>)
        %dma_start3A_227 = arith.constant 0 : i32
        %dma_start3A_228 = arith.constant 0 : i32
        %dma_start3A_229 = tpu.memref_slice %arg17[%dma_start3A_227, %dma_start3A_228] : memref<10000x128xf32, #tpu.memory_space<vmem_shared>> -> memref<10000x128xf32, #tpu.memory_space<vmem_shared>>
        tpu.enqueue_indirect_dma source(%arg16 : memref<128x128xf32, #tpu.memory_space<vmem>>) target(%dma_start3A_229 : memref<10000x128xf32, #tpu.memory_space<vmem_shared>>) offsets(%arg11 : memref<128xi32, #tpu.memory_space<vmem>>) semaphore(%arg23 : memref<!tpu.dma_semaphore, #tpu.memory_space<semaphore_mem>>) {add = true}
        %add3A_230 = arith.constant 2 : i32
        %add3A_231 = arith.addi %add3A_171, %add3A_230 : i32
        %lt3A_232 = arith.cmpi slt, %add3A_231, %add3A_6 : i32
        %convert_element_type3A_233 = arith.extui %lt3A_232 : i1 to i32
        %cond3A_234 = arith.constant 0 : i32
        %cond3A_235 = arith.cmpi ne, %convert_element_type3A_233, %cond3A_234 : i32
        scf.if %cond3A_235 {
          %ge3A = arith.constant 1 : i32
          %ge3A_236 = arith.cmpi sge, %add3A_171, %ge3A : i32
          %convert_element_type3A_237 = arith.extui %ge3A_236 : i1 to i32
          %cond3A_238 = arith.constant 0 : i32
          %cond3A_239 = arith.cmpi ne, %convert_element_type3A_237, %cond3A_238 : i32
          scf.if %cond3A_239 {
            %dma_wait3A_260 = arith.constant 0 : i32
            %dma_wait3A_261 = arith.constant 0 : i32
            %dma_wait3A_262 = tpu.memref_slice %arg17[%dma_wait3A_260, %dma_wait3A_261] : memref<10000x128xf32, #tpu.memory_space<vmem_shared>> -> memref<10000x128xf32, #tpu.memory_space<vmem_shared>>
            tpu.wait_indirect_dma semaphore(%arg22 : memref<!tpu.dma_semaphore, #tpu.memory_space<semaphore_mem>>) src(%arg15 : memref<128x128xf32, #tpu.memory_space<vmem>>) dst(%dma_wait3A_262 : memref<10000x128xf32, #tpu.memory_space<vmem_shared>>)
            %add3A_263 = arith.constant 3 : i32
            %add3A_264 = arith.addi %add3A_171, %add3A_263 : i32
            %lt3A_265 = arith.cmpi slt, %add3A_264, %add3A_6 : i32
            %convert_element_type3A_266 = arith.extui %lt3A_265 : i1 to i32
            %cond3A_267 = arith.constant 0 : i32
            %cond3A_268 = arith.cmpi ne, %convert_element_type3A_266, %cond3A_267 : i32
            scf.if %cond3A_268 {
              %add3A_269 = arith.constant 3 : i32
              %add3A_270 = arith.addi %add3A_171, %add3A_269 : i32
              %mul3A_271 = arith.constant 32 : i32
              %mul3A_272 = arith.muli %add3A_270, %mul3A_271 : i32
              %add3A_273 = arith.addi %mul3A_272, %add3A : i32
              %mul3A_274 = arith.constant 128 : i32
              %mul3A_275 = arith.muli %add3A_273, %mul3A_274 : i32
              %dma_start3A_276 = arith.constant 0 : i32
              %dma_start3A_277 = tpu.memref_slice %arg3[%dma_start3A_276, %mul3A_275] : memref<2x320000xi32, #tpu.memory_space<hbm>> -> memref<1x128xi32, #tpu.memory_space<hbm>>
              %dma_start3A_278 = tpu.memref_squeeze %dma_start3A_277 : memref<1x128xi32, #tpu.memory_space<hbm>> -> memref<128xi32, #tpu.memory_space<hbm>>
              %dma_start3A_279 = tpu.memref_slice %arg3[%dma_start3A_276, %mul3A_275] : memref<2x320000xi32, #tpu.memory_space<hbm>> -> memref<1x128xi32, #tpu.memory_space<hbm>>
              %dma_start3A_280 = tpu.memref_squeeze %dma_start3A_279 : memref<1x128xi32, #tpu.memory_space<hbm>> -> memref<128xi32, #tpu.memory_space<hbm>>
              tpu.enqueue_dma source(%dma_start3A_280 : memref<128xi32, #tpu.memory_space<hbm>>) target(%arg6 : memref<128xi32, #tpu.memory_space<vmem>>) target_semaphore(%arg24 : memref<!tpu.dma_semaphore, #tpu.memory_space<semaphore_mem>>)
              %dma_start3A_281 = arith.constant 1 : i32
              %dma_start3A_282 = tpu.memref_slice %arg3[%dma_start3A_281, %mul3A_275] : memref<2x320000xi32, #tpu.memory_space<hbm>> -> memref<1x128xi32, #tpu.memory_space<hbm>>
              %dma_start3A_283 = tpu.memref_squeeze %dma_start3A_282 : memref<1x128xi32, #tpu.memory_space<hbm>> -> memref<128xi32, #tpu.memory_space<hbm>>
              %dma_start3A_284 = tpu.memref_slice %arg3[%dma_start3A_281, %mul3A_275] : memref<2x320000xi32, #tpu.memory_space<hbm>> -> memref<1x128xi32, #tpu.memory_space<hbm>>
              %dma_start3A_285 = tpu.memref_squeeze %dma_start3A_284 : memref<1x128xi32, #tpu.memory_space<hbm>> -> memref<128xi32, #tpu.memory_space<hbm>>
              tpu.enqueue_dma source(%dma_start3A_285 : memref<128xi32, #tpu.memory_space<hbm>>) target(%arg10 : memref<128xi32, #tpu.memory_space<vmem>>) target_semaphore(%arg24 : memref<!tpu.dma_semaphore, #tpu.memory_space<semaphore_mem>>)
            } else {
            }
          } else {
          }
          %add3A_240 = arith.constant 2 : i32
          %add3A_241 = arith.addi %add3A_171, %add3A_240 : i32
          %mul3A_242 = arith.constant 32 : i32
          %mul3A_243 = arith.muli %add3A_241, %mul3A_242 : i32
          %add3A_244 = arith.addi %mul3A_243, %add3A : i32
          %mul3A_245 = arith.constant 128 : i32
          %mul3A_246 = arith.muli %add3A_244, %mul3A_245 : i32
          %dma_wait3A_247 = arith.constant 0 : i32
          %dma_wait3A_248 = tpu.memref_slice %arg3[%dma_wait3A_247, %mul3A_246] : memref<2x320000xi32, #tpu.memory_space<hbm>> -> memref<1x128xi32, #tpu.memory_space<hbm>>
          %dma_wait3A_249 = tpu.memref_squeeze %dma_wait3A_248 : memref<1x128xi32, #tpu.memory_space<hbm>> -> memref<128xi32, #tpu.memory_space<hbm>>
          %dma_wait3A_250 = tpu.memref_slice %arg3[%dma_wait3A_247, %mul3A_246] : memref<2x320000xi32, #tpu.memory_space<hbm>> -> memref<1x128xi32, #tpu.memory_space<hbm>>
          %dma_wait3A_251 = tpu.memref_squeeze %dma_wait3A_250 : memref<1x128xi32, #tpu.memory_space<hbm>> -> memref<128xi32, #tpu.memory_space<hbm>>
          tpu.wait_dma2 semaphore(%arg27 : memref<!tpu.dma_semaphore, #tpu.memory_space<semaphore_mem>>) src(%dma_wait3A_251 : memref<128xi32, #tpu.memory_space<hbm>>) dst(%arg9 : memref<128xi32, #tpu.memory_space<vmem>>)
          %dma_wait3A_252 = arith.constant 1 : i32
          %dma_wait3A_253 = tpu.memref_slice %arg3[%dma_wait3A_252, %mul3A_246] : memref<2x320000xi32, #tpu.memory_space<hbm>> -> memref<1x128xi32, #tpu.memory_space<hbm>>
          %dma_wait3A_254 = tpu.memref_squeeze %dma_wait3A_253 : memref<1x128xi32, #tpu.memory_space<hbm>> -> memref<128xi32, #tpu.memory_space<hbm>>
          %dma_wait3A_255 = tpu.memref_slice %arg3[%dma_wait3A_252, %mul3A_246] : memref<2x320000xi32, #tpu.memory_space<hbm>> -> memref<1x128xi32, #tpu.memory_space<hbm>>
          %dma_wait3A_256 = tpu.memref_squeeze %dma_wait3A_255 : memref<1x128xi32, #tpu.memory_space<hbm>> -> memref<128xi32, #tpu.memory_space<hbm>>
          tpu.wait_dma2 semaphore(%arg27 : memref<!tpu.dma_semaphore, #tpu.memory_space<semaphore_mem>>) src(%dma_wait3A_256 : memref<128xi32, #tpu.memory_space<hbm>>) dst(%arg13 : memref<128xi32, #tpu.memory_space<vmem>>)
          %dma_start3A_257 = arith.constant 0 : i32
          %dma_start3A_258 = arith.constant 0 : i32
          %dma_start3A_259 = tpu.memref_slice %arg2[%dma_start3A_257, %dma_start3A_258] : memref<10000x128xf32, #tpu.memory_space<hbm>> -> memref<10000x128xf32, #tpu.memory_space<hbm>>
          tpu.enqueue_indirect_dma source(%dma_start3A_259 : memref<10000x128xf32, #tpu.memory_space<hbm>>) target(%arg15 : memref<128x128xf32, #tpu.memory_space<vmem>>) offsets(%arg9 : memref<128xi32, #tpu.memory_space<vmem>>) semaphore(%arg19 : memref<!tpu.dma_semaphore, #tpu.memory_space<semaphore_mem>>)
        } else {
        }
      } else {
      }
      %mul3A_176 = arith.constant 12 : i32
      %mul3A_177 = arith.muli %mul3A_176, %scan3A_127 : i32
      %add3A_178 = arith.constant 6 : i32
      %add3A_179 = arith.addi %mul3A_177, %add3A_178 : i32
      %lt3A_180 = arith.cmpi slt, %add3A_179, %add3A_6 : i32
      %convert_element_type3A_181 = arith.extui %lt3A_180 : i1 to i32
      %cond3A_182 = arith.constant 0 : i32
      %cond3A_183 = arith.cmpi ne, %convert_element_type3A_181, %cond3A_182 : i32
      scf.if %cond3A_183 {
        %dma_wait3A_224 = arith.constant 0 : i32
        %dma_wait3A_225 = arith.constant 0 : i32
        %dma_wait3A_226 = tpu.memref_slice %arg2[%dma_wait3A_224, %dma_wait3A_225] : memref<10000x128xf32, #tpu.memory_space<hbm>> -> memref<10000x128xf32, #tpu.memory_space<hbm>>
        tpu.wait_indirect_dma semaphore(%arg18 : memref<!tpu.dma_semaphore, #tpu.memory_space<semaphore_mem>>) src(%dma_wait3A_226 : memref<10000x128xf32, #tpu.memory_space<hbm>>) dst(%arg14 : memref<128x128xf32, #tpu.memory_space<vmem>>)
        %dma_start3A_227 = arith.constant 0 : i32
        %dma_start3A_228 = arith.constant 0 : i32
        %dma_start3A_229 = tpu.memref_slice %arg17[%dma_start3A_227, %dma_start3A_228] : memref<10000x128xf32, #tpu.memory_space<vmem_shared>> -> memref<10000x128xf32, #tpu.memory_space<vmem_shared>>
        tpu.enqueue_indirect_dma source(%arg14 : memref<128x128xf32, #tpu.memory_space<vmem>>) target(%dma_start3A_229 : memref<10000x128xf32, #tpu.memory_space<vmem_shared>>) offsets(%arg12 : memref<128xi32, #tpu.memory_space<vmem>>) semaphore(%arg21 : memref<!tpu.dma_semaphore, #tpu.memory_space<semaphore_mem>>) {add = true}
        %add3A_230 = arith.constant 2 : i32
        %add3A_231 = arith.addi %add3A_179, %add3A_230 : i32
        %lt3A_232 = arith.cmpi slt, %add3A_231, %add3A_6 : i32
        %convert_element_type3A_233 = arith.extui %lt3A_232 : i1 to i32
        %cond3A_234 = arith.constant 0 : i32
        %cond3A_235 = arith.cmpi ne, %convert_element_type3A_233, %cond3A_234 : i32
        scf.if %cond3A_235 {
          %ge3A = arith.constant 1 : i32
          %ge3A_236 = arith.cmpi sge, %add3A_179, %ge3A : i32
          %convert_element_type3A_237 = arith.extui %ge3A_236 : i1 to i32
          %cond3A_238 = arith.constant 0 : i32
          %cond3A_239 = arith.cmpi ne, %convert_element_type3A_237, %cond3A_238 : i32
          scf.if %cond3A_239 {
            %dma_wait3A_260 = arith.constant 0 : i32
            %dma_wait3A_261 = arith.constant 0 : i32
            %dma_wait3A_262 = tpu.memref_slice %arg17[%dma_wait3A_260, %dma_wait3A_261] : memref<10000x128xf32, #tpu.memory_space<vmem_shared>> -> memref<10000x128xf32, #tpu.memory_space<vmem_shared>>
            tpu.wait_indirect_dma semaphore(%arg23 : memref<!tpu.dma_semaphore, #tpu.memory_space<semaphore_mem>>) src(%arg16 : memref<128x128xf32, #tpu.memory_space<vmem>>) dst(%dma_wait3A_262 : memref<10000x128xf32, #tpu.memory_space<vmem_shared>>)
            %add3A_263 = arith.constant 3 : i32
            %add3A_264 = arith.addi %add3A_179, %add3A_263 : i32
            %lt3A_265 = arith.cmpi slt, %add3A_264, %add3A_6 : i32
            %convert_element_type3A_266 = arith.extui %lt3A_265 : i1 to i32
            %cond3A_267 = arith.constant 0 : i32
            %cond3A_268 = arith.cmpi ne, %convert_element_type3A_266, %cond3A_267 : i32
            scf.if %cond3A_268 {
              %add3A_269 = arith.constant 3 : i32
              %add3A_270 = arith.addi %add3A_179, %add3A_269 : i32
              %mul3A_271 = arith.constant 32 : i32
              %mul3A_272 = arith.muli %add3A_270, %mul3A_271 : i32
              %add3A_273 = arith.addi %mul3A_272, %add3A : i32
              %mul3A_274 = arith.constant 128 : i32
              %mul3A_275 = arith.muli %add3A_273, %mul3A_274 : i32
              %dma_start3A_276 = arith.constant 0 : i32
              %dma_start3A_277 = tpu.memref_slice %arg3[%dma_start3A_276, %mul3A_275] : memref<2x320000xi32, #tpu.memory_space<hbm>> -> memref<1x128xi32, #tpu.memory_space<hbm>>
              %dma_start3A_278 = tpu.memref_squeeze %dma_start3A_277 : memref<1x128xi32, #tpu.memory_space<hbm>> -> memref<128xi32, #tpu.memory_space<hbm>>
              %dma_start3A_279 = tpu.memref_slice %arg3[%dma_start3A_276, %mul3A_275] : memref<2x320000xi32, #tpu.memory_space<hbm>> -> memref<1x128xi32, #tpu.memory_space<hbm>>
              %dma_start3A_280 = tpu.memref_squeeze %dma_start3A_279 : memref<1x128xi32, #tpu.memory_space<hbm>> -> memref<128xi32, #tpu.memory_space<hbm>>
              tpu.enqueue_dma source(%dma_start3A_280 : memref<128xi32, #tpu.memory_space<hbm>>) target(%arg7 : memref<128xi32, #tpu.memory_space<vmem>>) target_semaphore(%arg25 : memref<!tpu.dma_semaphore, #tpu.memory_space<semaphore_mem>>)
              %dma_start3A_281 = arith.constant 1 : i32
              %dma_start3A_282 = tpu.memref_slice %arg3[%dma_start3A_281, %mul3A_275] : memref<2x320000xi32, #tpu.memory_space<hbm>> -> memref<1x128xi32, #tpu.memory_space<hbm>>
              %dma_start3A_283 = tpu.memref_squeeze %dma_start3A_282 : memref<1x128xi32, #tpu.memory_space<hbm>> -> memref<128xi32, #tpu.memory_space<hbm>>
              %dma_start3A_284 = tpu.memref_slice %arg3[%dma_start3A_281, %mul3A_275] : memref<2x320000xi32, #tpu.memory_space<hbm>> -> memref<1x128xi32, #tpu.memory_space<hbm>>
              %dma_start3A_285 = tpu.memref_squeeze %dma_start3A_284 : memref<1x128xi32, #tpu.memory_space<hbm>> -> memref<128xi32, #tpu.memory_space<hbm>>
              tpu.enqueue_dma source(%dma_start3A_285 : memref<128xi32, #tpu.memory_space<hbm>>) target(%arg11 : memref<128xi32, #tpu.memory_space<vmem>>) target_semaphore(%arg25 : memref<!tpu.dma_semaphore, #tpu.memory_space<semaphore_mem>>)
            } else {
            }
          } else {
          }
          %add3A_240 = arith.constant 2 : i32
          %add3A_241 = arith.addi %add3A_179, %add3A_240 : i32
          %mul3A_242 = arith.constant 32 : i32
          %mul3A_243 = arith.muli %add3A_241, %mul3A_242 : i32
          %add3A_244 = arith.addi %mul3A_243, %add3A : i32
          %mul3A_245 = arith.constant 128 : i32
          %mul3A_246 = arith.muli %add3A_244, %mul3A_245 : i32
          %dma_wait3A_247 = arith.constant 0 : i32
          %dma_wait3A_248 = tpu.memref_slice %arg3[%dma_wait3A_247, %mul3A_246] : memref<2x320000xi32, #tpu.memory_space<hbm>> -> memref<1x128xi32, #tpu.memory_space<hbm>>
          %dma_wait3A_249 = tpu.memref_squeeze %dma_wait3A_248 : memref<1x128xi32, #tpu.memory_space<hbm>> -> memref<128xi32, #tpu.memory_space<hbm>>
          %dma_wait3A_250 = tpu.memref_slice %arg3[%dma_wait3A_247, %mul3A_246] : memref<2x320000xi32, #tpu.memory_space<hbm>> -> memref<1x128xi32, #tpu.memory_space<hbm>>
          %dma_wait3A_251 = tpu.memref_squeeze %dma_wait3A_250 : memref<1x128xi32, #tpu.memory_space<hbm>> -> memref<128xi32, #tpu.memory_space<hbm>>
          tpu.wait_dma2 semaphore(%arg24 : memref<!tpu.dma_semaphore, #tpu.memory_space<semaphore_mem>>) src(%dma_wait3A_251 : memref<128xi32, #tpu.memory_space<hbm>>) dst(%arg6 : memref<128xi32, #tpu.memory_space<vmem>>)
          %dma_wait3A_252 = arith.constant 1 : i32
          %dma_wait3A_253 = tpu.memref_slice %arg3[%dma_wait3A_252, %mul3A_246] : memref<2x320000xi32, #tpu.memory_space<hbm>> -> memref<1x128xi32, #tpu.memory_space<hbm>>
          %dma_wait3A_254 = tpu.memref_squeeze %dma_wait3A_253 : memref<1x128xi32, #tpu.memory_space<hbm>> -> memref<128xi32, #tpu.memory_space<hbm>>
          %dma_wait3A_255 = tpu.memref_slice %arg3[%dma_wait3A_252, %mul3A_246] : memref<2x320000xi32, #tpu.memory_space<hbm>> -> memref<1x128xi32, #tpu.memory_space<hbm>>
          %dma_wait3A_256 = tpu.memref_squeeze %dma_wait3A_255 : memref<1x128xi32, #tpu.memory_space<hbm>> -> memref<128xi32, #tpu.memory_space<hbm>>
          tpu.wait_dma2 semaphore(%arg24 : memref<!tpu.dma_semaphore, #tpu.memory_space<semaphore_mem>>) src(%dma_wait3A_256 : memref<128xi32, #tpu.memory_space<hbm>>) dst(%arg10 : memref<128xi32, #tpu.memory_space<vmem>>)
          %dma_start3A_257 = arith.constant 0 : i32
          %dma_start3A_258 = arith.constant 0 : i32
          %dma_start3A_259 = tpu.memref_slice %arg2[%dma_start3A_257, %dma_start3A_258] : memref<10000x128xf32, #tpu.memory_space<hbm>> -> memref<10000x128xf32, #tpu.memory_space<hbm>>
          tpu.enqueue_indirect_dma source(%dma_start3A_259 : memref<10000x128xf32, #tpu.memory_space<hbm>>) target(%arg16 : memref<128x128xf32, #tpu.memory_space<vmem>>) offsets(%arg6 : memref<128xi32, #tpu.memory_space<vmem>>) semaphore(%arg20 : memref<!tpu.dma_semaphore, #tpu.memory_space<semaphore_mem>>)
        } else {
        }
      } else {
      }
      %mul3A_184 = arith.constant 12 : i32
      %mul3A_185 = arith.muli %mul3A_184, %scan3A_127 : i32
      %add3A_186 = arith.constant 7 : i32
      %add3A_187 = arith.addi %mul3A_185, %add3A_186 : i32
      %lt3A_188 = arith.cmpi slt, %add3A_187, %add3A_6 : i32
      %convert_element_type3A_189 = arith.extui %lt3A_188 : i1 to i32
      %cond3A_190 = arith.constant 0 : i32
      %cond3A_191 = arith.cmpi ne, %convert_element_type3A_189, %cond3A_190 : i32
      scf.if %cond3A_191 {
        %dma_wait3A_224 = arith.constant 0 : i32
        %dma_wait3A_225 = arith.constant 0 : i32
        %dma_wait3A_226 = tpu.memref_slice %arg2[%dma_wait3A_224, %dma_wait3A_225] : memref<10000x128xf32, #tpu.memory_space<hbm>> -> memref<10000x128xf32, #tpu.memory_space<hbm>>
        tpu.wait_indirect_dma semaphore(%arg19 : memref<!tpu.dma_semaphore, #tpu.memory_space<semaphore_mem>>) src(%dma_wait3A_226 : memref<10000x128xf32, #tpu.memory_space<hbm>>) dst(%arg15 : memref<128x128xf32, #tpu.memory_space<vmem>>)
        %dma_start3A_227 = arith.constant 0 : i32
        %dma_start3A_228 = arith.constant 0 : i32
        %dma_start3A_229 = tpu.memref_slice %arg17[%dma_start3A_227, %dma_start3A_228] : memref<10000x128xf32, #tpu.memory_space<vmem_shared>> -> memref<10000x128xf32, #tpu.memory_space<vmem_shared>>
        tpu.enqueue_indirect_dma source(%arg15 : memref<128x128xf32, #tpu.memory_space<vmem>>) target(%dma_start3A_229 : memref<10000x128xf32, #tpu.memory_space<vmem_shared>>) offsets(%arg13 : memref<128xi32, #tpu.memory_space<vmem>>) semaphore(%arg22 : memref<!tpu.dma_semaphore, #tpu.memory_space<semaphore_mem>>) {add = true}
        %add3A_230 = arith.constant 2 : i32
        %add3A_231 = arith.addi %add3A_187, %add3A_230 : i32
        %lt3A_232 = arith.cmpi slt, %add3A_231, %add3A_6 : i32
        %convert_element_type3A_233 = arith.extui %lt3A_232 : i1 to i32
        %cond3A_234 = arith.constant 0 : i32
        %cond3A_235 = arith.cmpi ne, %convert_element_type3A_233, %cond3A_234 : i32
        scf.if %cond3A_235 {
          %ge3A = arith.constant 1 : i32
          %ge3A_236 = arith.cmpi sge, %add3A_187, %ge3A : i32
          %convert_element_type3A_237 = arith.extui %ge3A_236 : i1 to i32
          %cond3A_238 = arith.constant 0 : i32
          %cond3A_239 = arith.cmpi ne, %convert_element_type3A_237, %cond3A_238 : i32
          scf.if %cond3A_239 {
            %dma_wait3A_260 = arith.constant 0 : i32
            %dma_wait3A_261 = arith.constant 0 : i32
            %dma_wait3A_262 = tpu.memref_slice %arg17[%dma_wait3A_260, %dma_wait3A_261] : memref<10000x128xf32, #tpu.memory_space<vmem_shared>> -> memref<10000x128xf32, #tpu.memory_space<vmem_shared>>
            tpu.wait_indirect_dma semaphore(%arg21 : memref<!tpu.dma_semaphore, #tpu.memory_space<semaphore_mem>>) src(%arg14 : memref<128x128xf32, #tpu.memory_space<vmem>>) dst(%dma_wait3A_262 : memref<10000x128xf32, #tpu.memory_space<vmem_shared>>)
            %add3A_263 = arith.constant 3 : i32
            %add3A_264 = arith.addi %add3A_187, %add3A_263 : i32
            %lt3A_265 = arith.cmpi slt, %add3A_264, %add3A_6 : i32
            %convert_element_type3A_266 = arith.extui %lt3A_265 : i1 to i32
            %cond3A_267 = arith.constant 0 : i32
            %cond3A_268 = arith.cmpi ne, %convert_element_type3A_266, %cond3A_267 : i32
            scf.if %cond3A_268 {
              %add3A_269 = arith.constant 3 : i32
              %add3A_270 = arith.addi %add3A_187, %add3A_269 : i32
              %mul3A_271 = arith.constant 32 : i32
              %mul3A_272 = arith.muli %add3A_270, %mul3A_271 : i32
              %add3A_273 = arith.addi %mul3A_272, %add3A : i32
              %mul3A_274 = arith.constant 128 : i32
              %mul3A_275 = arith.muli %add3A_273, %mul3A_274 : i32
              %dma_start3A_276 = arith.constant 0 : i32
              %dma_start3A_277 = tpu.memref_slice %arg3[%dma_start3A_276, %mul3A_275] : memref<2x320000xi32, #tpu.memory_space<hbm>> -> memref<1x128xi32, #tpu.memory_space<hbm>>
              %dma_start3A_278 = tpu.memref_squeeze %dma_start3A_277 : memref<1x128xi32, #tpu.memory_space<hbm>> -> memref<128xi32, #tpu.memory_space<hbm>>
              %dma_start3A_279 = tpu.memref_slice %arg3[%dma_start3A_276, %mul3A_275] : memref<2x320000xi32, #tpu.memory_space<hbm>> -> memref<1x128xi32, #tpu.memory_space<hbm>>
              %dma_start3A_280 = tpu.memref_squeeze %dma_start3A_279 : memref<1x128xi32, #tpu.memory_space<hbm>> -> memref<128xi32, #tpu.memory_space<hbm>>
              tpu.enqueue_dma source(%dma_start3A_280 : memref<128xi32, #tpu.memory_space<hbm>>) target(%arg8 : memref<128xi32, #tpu.memory_space<vmem>>) target_semaphore(%arg26 : memref<!tpu.dma_semaphore, #tpu.memory_space<semaphore_mem>>)
              %dma_start3A_281 = arith.constant 1 : i32
              %dma_start3A_282 = tpu.memref_slice %arg3[%dma_start3A_281, %mul3A_275] : memref<2x320000xi32, #tpu.memory_space<hbm>> -> memref<1x128xi32, #tpu.memory_space<hbm>>
              %dma_start3A_283 = tpu.memref_squeeze %dma_start3A_282 : memref<1x128xi32, #tpu.memory_space<hbm>> -> memref<128xi32, #tpu.memory_space<hbm>>
              %dma_start3A_284 = tpu.memref_slice %arg3[%dma_start3A_281, %mul3A_275] : memref<2x320000xi32, #tpu.memory_space<hbm>> -> memref<1x128xi32, #tpu.memory_space<hbm>>
              %dma_start3A_285 = tpu.memref_squeeze %dma_start3A_284 : memref<1x128xi32, #tpu.memory_space<hbm>> -> memref<128xi32, #tpu.memory_space<hbm>>
              tpu.enqueue_dma source(%dma_start3A_285 : memref<128xi32, #tpu.memory_space<hbm>>) target(%arg12 : memref<128xi32, #tpu.memory_space<vmem>>) target_semaphore(%arg26 : memref<!tpu.dma_semaphore, #tpu.memory_space<semaphore_mem>>)
            } else {
            }
          } else {
          }
          %add3A_240 = arith.constant 2 : i32
          %add3A_241 = arith.addi %add3A_187, %add3A_240 : i32
          %mul3A_242 = arith.constant 32 : i32
          %mul3A_243 = arith.muli %add3A_241, %mul3A_242 : i32
          %add3A_244 = arith.addi %mul3A_243, %add3A : i32
          %mul3A_245 = arith.constant 128 : i32
          %mul3A_246 = arith.muli %add3A_244, %mul3A_245 : i32
          %dma_wait3A_247 = arith.constant 0 : i32
          %dma_wait3A_248 = tpu.memref_slice %arg3[%dma_wait3A_247, %mul3A_246] : memref<2x320000xi32, #tpu.memory_space<hbm>> -> memref<1x128xi32, #tpu.memory_space<hbm>>
          %dma_wait3A_249 = tpu.memref_squeeze %dma_wait3A_248 : memref<1x128xi32, #tpu.memory_space<hbm>> -> memref<128xi32, #tpu.memory_space<hbm>>
          %dma_wait3A_250 = tpu.memref_slice %arg3[%dma_wait3A_247, %mul3A_246] : memref<2x320000xi32, #tpu.memory_space<hbm>> -> memref<1x128xi32, #tpu.memory_space<hbm>>
          %dma_wait3A_251 = tpu.memref_squeeze %dma_wait3A_250 : memref<1x128xi32, #tpu.memory_space<hbm>> -> memref<128xi32, #tpu.memory_space<hbm>>
          tpu.wait_dma2 semaphore(%arg25 : memref<!tpu.dma_semaphore, #tpu.memory_space<semaphore_mem>>) src(%dma_wait3A_251 : memref<128xi32, #tpu.memory_space<hbm>>) dst(%arg7 : memref<128xi32, #tpu.memory_space<vmem>>)
          %dma_wait3A_252 = arith.constant 1 : i32
          %dma_wait3A_253 = tpu.memref_slice %arg3[%dma_wait3A_252, %mul3A_246] : memref<2x320000xi32, #tpu.memory_space<hbm>> -> memref<1x128xi32, #tpu.memory_space<hbm>>
          %dma_wait3A_254 = tpu.memref_squeeze %dma_wait3A_253 : memref<1x128xi32, #tpu.memory_space<hbm>> -> memref<128xi32, #tpu.memory_space<hbm>>
          %dma_wait3A_255 = tpu.memref_slice %arg3[%dma_wait3A_252, %mul3A_246] : memref<2x320000xi32, #tpu.memory_space<hbm>> -> memref<1x128xi32, #tpu.memory_space<hbm>>
          %dma_wait3A_256 = tpu.memref_squeeze %dma_wait3A_255 : memref<1x128xi32, #tpu.memory_space<hbm>> -> memref<128xi32, #tpu.memory_space<hbm>>
          tpu.wait_dma2 semaphore(%arg25 : memref<!tpu.dma_semaphore, #tpu.memory_space<semaphore_mem>>) src(%dma_wait3A_256 : memref<128xi32, #tpu.memory_space<hbm>>) dst(%arg11 : memref<128xi32, #tpu.memory_space<vmem>>)
          %dma_start3A_257 = arith.constant 0 : i32
          %dma_start3A_258 = arith.constant 0 : i32
          %dma_start3A_259 = tpu.memref_slice %arg2[%dma_start3A_257, %dma_start3A_258] : memref<10000x128xf32, #tpu.memory_space<hbm>> -> memref<10000x128xf32, #tpu.memory_space<hbm>>
          tpu.enqueue_indirect_dma source(%dma_start3A_259 : memref<10000x128xf32, #tpu.memory_space<hbm>>) target(%arg14 : memref<128x128xf32, #tpu.memory_space<vmem>>) offsets(%arg7 : memref<128xi32, #tpu.memory_space<vmem>>) semaphore(%arg18 : memref<!tpu.dma_semaphore, #tpu.memory_space<semaphore_mem>>)
        } else {
        }
      } else {
      }
      %mul3A_192 = arith.constant 12 : i32
      %mul3A_193 = arith.muli %mul3A_192, %scan3A_127 : i32
      %add3A_194 = arith.constant 8 : i32
      %add3A_195 = arith.addi %mul3A_193, %add3A_194 : i32
      %lt3A_196 = arith.cmpi slt, %add3A_195, %add3A_6 : i32
      %convert_element_type3A_197 = arith.extui %lt3A_196 : i1 to i32
      %cond3A_198 = arith.constant 0 : i32
      %cond3A_199 = arith.cmpi ne, %convert_element_type3A_197, %cond3A_198 : i32
      scf.if %cond3A_199 {
        %dma_wait3A_224 = arith.constant 0 : i32
        %dma_wait3A_225 = arith.constant 0 : i32
        %dma_wait3A_226 = tpu.memref_slice %arg2[%dma_wait3A_224, %dma_wait3A_225] : memref<10000x128xf32, #tpu.memory_space<hbm>> -> memref<10000x128xf32, #tpu.memory_space<hbm>>
        tpu.wait_indirect_dma semaphore(%arg20 : memref<!tpu.dma_semaphore, #tpu.memory_space<semaphore_mem>>) src(%dma_wait3A_226 : memref<10000x128xf32, #tpu.memory_space<hbm>>) dst(%arg16 : memref<128x128xf32, #tpu.memory_space<vmem>>)
        %dma_start3A_227 = arith.constant 0 : i32
        %dma_start3A_228 = arith.constant 0 : i32
        %dma_start3A_229 = tpu.memref_slice %arg17[%dma_start3A_227, %dma_start3A_228] : memref<10000x128xf32, #tpu.memory_space<vmem_shared>> -> memref<10000x128xf32, #tpu.memory_space<vmem_shared>>
        tpu.enqueue_indirect_dma source(%arg16 : memref<128x128xf32, #tpu.memory_space<vmem>>) target(%dma_start3A_229 : memref<10000x128xf32, #tpu.memory_space<vmem_shared>>) offsets(%arg10 : memref<128xi32, #tpu.memory_space<vmem>>) semaphore(%arg23 : memref<!tpu.dma_semaphore, #tpu.memory_space<semaphore_mem>>) {add = true}
        %add3A_230 = arith.constant 2 : i32
        %add3A_231 = arith.addi %add3A_195, %add3A_230 : i32
        %lt3A_232 = arith.cmpi slt, %add3A_231, %add3A_6 : i32
        %convert_element_type3A_233 = arith.extui %lt3A_232 : i1 to i32
        %cond3A_234 = arith.constant 0 : i32
        %cond3A_235 = arith.cmpi ne, %convert_element_type3A_233, %cond3A_234 : i32
        scf.if %cond3A_235 {
          %ge3A = arith.constant 1 : i32
          %ge3A_236 = arith.cmpi sge, %add3A_195, %ge3A : i32
          %convert_element_type3A_237 = arith.extui %ge3A_236 : i1 to i32
          %cond3A_238 = arith.constant 0 : i32
          %cond3A_239 = arith.cmpi ne, %convert_element_type3A_237, %cond3A_238 : i32
          scf.if %cond3A_239 {
            %dma_wait3A_260 = arith.constant 0 : i32
            %dma_wait3A_261 = arith.constant 0 : i32
            %dma_wait3A_262 = tpu.memref_slice %arg17[%dma_wait3A_260, %dma_wait3A_261] : memref<10000x128xf32, #tpu.memory_space<vmem_shared>> -> memref<10000x128xf32, #tpu.memory_space<vmem_shared>>
            tpu.wait_indirect_dma semaphore(%arg22 : memref<!tpu.dma_semaphore, #tpu.memory_space<semaphore_mem>>) src(%arg15 : memref<128x128xf32, #tpu.memory_space<vmem>>) dst(%dma_wait3A_262 : memref<10000x128xf32, #tpu.memory_space<vmem_shared>>)
            %add3A_263 = arith.constant 3 : i32
            %add3A_264 = arith.addi %add3A_195, %add3A_263 : i32
            %lt3A_265 = arith.cmpi slt, %add3A_264, %add3A_6 : i32
            %convert_element_type3A_266 = arith.extui %lt3A_265 : i1 to i32
            %cond3A_267 = arith.constant 0 : i32
            %cond3A_268 = arith.cmpi ne, %convert_element_type3A_266, %cond3A_267 : i32
            scf.if %cond3A_268 {
              %add3A_269 = arith.constant 3 : i32
              %add3A_270 = arith.addi %add3A_195, %add3A_269 : i32
              %mul3A_271 = arith.constant 32 : i32
              %mul3A_272 = arith.muli %add3A_270, %mul3A_271 : i32
              %add3A_273 = arith.addi %mul3A_272, %add3A : i32
              %mul3A_274 = arith.constant 128 : i32
              %mul3A_275 = arith.muli %add3A_273, %mul3A_274 : i32
              %dma_start3A_276 = arith.constant 0 : i32
              %dma_start3A_277 = tpu.memref_slice %arg3[%dma_start3A_276, %mul3A_275] : memref<2x320000xi32, #tpu.memory_space<hbm>> -> memref<1x128xi32, #tpu.memory_space<hbm>>
              %dma_start3A_278 = tpu.memref_squeeze %dma_start3A_277 : memref<1x128xi32, #tpu.memory_space<hbm>> -> memref<128xi32, #tpu.memory_space<hbm>>
              %dma_start3A_279 = tpu.memref_slice %arg3[%dma_start3A_276, %mul3A_275] : memref<2x320000xi32, #tpu.memory_space<hbm>> -> memref<1x128xi32, #tpu.memory_space<hbm>>
              %dma_start3A_280 = tpu.memref_squeeze %dma_start3A_279 : memref<1x128xi32, #tpu.memory_space<hbm>> -> memref<128xi32, #tpu.memory_space<hbm>>
              tpu.enqueue_dma source(%dma_start3A_280 : memref<128xi32, #tpu.memory_space<hbm>>) target(%arg9 : memref<128xi32, #tpu.memory_space<vmem>>) target_semaphore(%arg27 : memref<!tpu.dma_semaphore, #tpu.memory_space<semaphore_mem>>)
              %dma_start3A_281 = arith.constant 1 : i32
              %dma_start3A_282 = tpu.memref_slice %arg3[%dma_start3A_281, %mul3A_275] : memref<2x320000xi32, #tpu.memory_space<hbm>> -> memref<1x128xi32, #tpu.memory_space<hbm>>
              %dma_start3A_283 = tpu.memref_squeeze %dma_start3A_282 : memref<1x128xi32, #tpu.memory_space<hbm>> -> memref<128xi32, #tpu.memory_space<hbm>>
              %dma_start3A_284 = tpu.memref_slice %arg3[%dma_start3A_281, %mul3A_275] : memref<2x320000xi32, #tpu.memory_space<hbm>> -> memref<1x128xi32, #tpu.memory_space<hbm>>
              %dma_start3A_285 = tpu.memref_squeeze %dma_start3A_284 : memref<1x128xi32, #tpu.memory_space<hbm>> -> memref<128xi32, #tpu.memory_space<hbm>>
              tpu.enqueue_dma source(%dma_start3A_285 : memref<128xi32, #tpu.memory_space<hbm>>) target(%arg13 : memref<128xi32, #tpu.memory_space<vmem>>) target_semaphore(%arg27 : memref<!tpu.dma_semaphore, #tpu.memory_space<semaphore_mem>>)
            } else {
            }
          } else {
          }
          %add3A_240 = arith.constant 2 : i32
          %add3A_241 = arith.addi %add3A_195, %add3A_240 : i32
          %mul3A_242 = arith.constant 32 : i32
          %mul3A_243 = arith.muli %add3A_241, %mul3A_242 : i32
          %add3A_244 = arith.addi %mul3A_243, %add3A : i32
          %mul3A_245 = arith.constant 128 : i32
          %mul3A_246 = arith.muli %add3A_244, %mul3A_245 : i32
          %dma_wait3A_247 = arith.constant 0 : i32
          %dma_wait3A_248 = tpu.memref_slice %arg3[%dma_wait3A_247, %mul3A_246] : memref<2x320000xi32, #tpu.memory_space<hbm>> -> memref<1x128xi32, #tpu.memory_space<hbm>>
          %dma_wait3A_249 = tpu.memref_squeeze %dma_wait3A_248 : memref<1x128xi32, #tpu.memory_space<hbm>> -> memref<128xi32, #tpu.memory_space<hbm>>
          %dma_wait3A_250 = tpu.memref_slice %arg3[%dma_wait3A_247, %mul3A_246] : memref<2x320000xi32, #tpu.memory_space<hbm>> -> memref<1x128xi32, #tpu.memory_space<hbm>>
          %dma_wait3A_251 = tpu.memref_squeeze %dma_wait3A_250 : memref<1x128xi32, #tpu.memory_space<hbm>> -> memref<128xi32, #tpu.memory_space<hbm>>
          tpu.wait_dma2 semaphore(%arg26 : memref<!tpu.dma_semaphore, #tpu.memory_space<semaphore_mem>>) src(%dma_wait3A_251 : memref<128xi32, #tpu.memory_space<hbm>>) dst(%arg8 : memref<128xi32, #tpu.memory_space<vmem>>)
          %dma_wait3A_252 = arith.constant 1 : i32
          %dma_wait3A_253 = tpu.memref_slice %arg3[%dma_wait3A_252, %mul3A_246] : memref<2x320000xi32, #tpu.memory_space<hbm>> -> memref<1x128xi32, #tpu.memory_space<hbm>>
          %dma_wait3A_254 = tpu.memref_squeeze %dma_wait3A_253 : memref<1x128xi32, #tpu.memory_space<hbm>> -> memref<128xi32, #tpu.memory_space<hbm>>
          %dma_wait3A_255 = tpu.memref_slice %arg3[%dma_wait3A_252, %mul3A_246] : memref<2x320000xi32, #tpu.memory_space<hbm>> -> memref<1x128xi32, #tpu.memory_space<hbm>>
          %dma_wait3A_256 = tpu.memref_squeeze %dma_wait3A_255 : memref<1x128xi32, #tpu.memory_space<hbm>> -> memref<128xi32, #tpu.memory_space<hbm>>
          tpu.wait_dma2 semaphore(%arg26 : memref<!tpu.dma_semaphore, #tpu.memory_space<semaphore_mem>>) src(%dma_wait3A_256 : memref<128xi32, #tpu.memory_space<hbm>>) dst(%arg12 : memref<128xi32, #tpu.memory_space<vmem>>)
          %dma_start3A_257 = arith.constant 0 : i32
          %dma_start3A_258 = arith.constant 0 : i32
          %dma_start3A_259 = tpu.memref_slice %arg2[%dma_start3A_257, %dma_start3A_258] : memref<10000x128xf32, #tpu.memory_space<hbm>> -> memref<10000x128xf32, #tpu.memory_space<hbm>>
          tpu.enqueue_indirect_dma source(%dma_start3A_259 : memref<10000x128xf32, #tpu.memory_space<hbm>>) target(%arg15 : memref<128x128xf32, #tpu.memory_space<vmem>>) offsets(%arg8 : memref<128xi32, #tpu.memory_space<vmem>>) semaphore(%arg19 : memref<!tpu.dma_semaphore, #tpu.memory_space<semaphore_mem>>)
        } else {
        }
      } else {
      }
      %mul3A_200 = arith.constant 12 : i32
      %mul3A_201 = arith.muli %mul3A_200, %scan3A_127 : i32
      %add3A_202 = arith.constant 9 : i32
      %add3A_203 = arith.addi %mul3A_201, %add3A_202 : i32
      %lt3A_204 = arith.cmpi slt, %add3A_203, %add3A_6 : i32
      %convert_element_type3A_205 = arith.extui %lt3A_204 : i1 to i32
      %cond3A_206 = arith.constant 0 : i32
      %cond3A_207 = arith.cmpi ne, %convert_element_type3A_205, %cond3A_206 : i32
      scf.if %cond3A_207 {
        %dma_wait3A_224 = arith.constant 0 : i32
        %dma_wait3A_225 = arith.constant 0 : i32
        %dma_wait3A_226 = tpu.memref_slice %arg2[%dma_wait3A_224, %dma_wait3A_225] : memref<10000x128xf32, #tpu.memory_space<hbm>> -> memref<10000x128xf32, #tpu.memory_space<hbm>>
        tpu.wait_indirect_dma semaphore(%arg18 : memref<!tpu.dma_semaphore, #tpu.memory_space<semaphore_mem>>) src(%dma_wait3A_226 : memref<10000x128xf32, #tpu.memory_space<hbm>>) dst(%arg14 : memref<128x128xf32, #tpu.memory_space<vmem>>)
        %dma_start3A_227 = arith.constant 0 : i32
        %dma_start3A_228 = arith.constant 0 : i32
        %dma_start3A_229 = tpu.memref_slice %arg17[%dma_start3A_227, %dma_start3A_228] : memref<10000x128xf32, #tpu.memory_space<vmem_shared>> -> memref<10000x128xf32, #tpu.memory_space<vmem_shared>>
        tpu.enqueue_indirect_dma source(%arg14 : memref<128x128xf32, #tpu.memory_space<vmem>>) target(%dma_start3A_229 : memref<10000x128xf32, #tpu.memory_space<vmem_shared>>) offsets(%arg11 : memref<128xi32, #tpu.memory_space<vmem>>) semaphore(%arg21 : memref<!tpu.dma_semaphore, #tpu.memory_space<semaphore_mem>>) {add = true}
        %add3A_230 = arith.constant 2 : i32
        %add3A_231 = arith.addi %add3A_203, %add3A_230 : i32
        %lt3A_232 = arith.cmpi slt, %add3A_231, %add3A_6 : i32
        %convert_element_type3A_233 = arith.extui %lt3A_232 : i1 to i32
        %cond3A_234 = arith.constant 0 : i32
        %cond3A_235 = arith.cmpi ne, %convert_element_type3A_233, %cond3A_234 : i32
        scf.if %cond3A_235 {
          %ge3A = arith.constant 1 : i32
          %ge3A_236 = arith.cmpi sge, %add3A_203, %ge3A : i32
          %convert_element_type3A_237 = arith.extui %ge3A_236 : i1 to i32
          %cond3A_238 = arith.constant 0 : i32
          %cond3A_239 = arith.cmpi ne, %convert_element_type3A_237, %cond3A_238 : i32
          scf.if %cond3A_239 {
            %dma_wait3A_260 = arith.constant 0 : i32
            %dma_wait3A_261 = arith.constant 0 : i32
            %dma_wait3A_262 = tpu.memref_slice %arg17[%dma_wait3A_260, %dma_wait3A_261] : memref<10000x128xf32, #tpu.memory_space<vmem_shared>> -> memref<10000x128xf32, #tpu.memory_space<vmem_shared>>
            tpu.wait_indirect_dma semaphore(%arg23 : memref<!tpu.dma_semaphore, #tpu.memory_space<semaphore_mem>>) src(%arg16 : memref<128x128xf32, #tpu.memory_space<vmem>>) dst(%dma_wait3A_262 : memref<10000x128xf32, #tpu.memory_space<vmem_shared>>)
            %add3A_263 = arith.constant 3 : i32
            %add3A_264 = arith.addi %add3A_203, %add3A_263 : i32
            %lt3A_265 = arith.cmpi slt, %add3A_264, %add3A_6 : i32
            %convert_element_type3A_266 = arith.extui %lt3A_265 : i1 to i32
            %cond3A_267 = arith.constant 0 : i32
            %cond3A_268 = arith.cmpi ne, %convert_element_type3A_266, %cond3A_267 : i32
            scf.if %cond3A_268 {
              %add3A_269 = arith.constant 3 : i32
              %add3A_270 = arith.addi %add3A_203, %add3A_269 : i32
              %mul3A_271 = arith.constant 32 : i32
              %mul3A_272 = arith.muli %add3A_270, %mul3A_271 : i32
              %add3A_273 = arith.addi %mul3A_272, %add3A : i32
              %mul3A_274 = arith.constant 128 : i32
              %mul3A_275 = arith.muli %add3A_273, %mul3A_274 : i32
              %dma_start3A_276 = arith.constant 0 : i32
              %dma_start3A_277 = tpu.memref_slice %arg3[%dma_start3A_276, %mul3A_275] : memref<2x320000xi32, #tpu.memory_space<hbm>> -> memref<1x128xi32, #tpu.memory_space<hbm>>
              %dma_start3A_278 = tpu.memref_squeeze %dma_start3A_277 : memref<1x128xi32, #tpu.memory_space<hbm>> -> memref<128xi32, #tpu.memory_space<hbm>>
              %dma_start3A_279 = tpu.memref_slice %arg3[%dma_start3A_276, %mul3A_275] : memref<2x320000xi32, #tpu.memory_space<hbm>> -> memref<1x128xi32, #tpu.memory_space<hbm>>
              %dma_start3A_280 = tpu.memref_squeeze %dma_start3A_279 : memref<1x128xi32, #tpu.memory_space<hbm>> -> memref<128xi32, #tpu.memory_space<hbm>>
              tpu.enqueue_dma source(%dma_start3A_280 : memref<128xi32, #tpu.memory_space<hbm>>) target(%arg6 : memref<128xi32, #tpu.memory_space<vmem>>) target_semaphore(%arg24 : memref<!tpu.dma_semaphore, #tpu.memory_space<semaphore_mem>>)
              %dma_start3A_281 = arith.constant 1 : i32
              %dma_start3A_282 = tpu.memref_slice %arg3[%dma_start3A_281, %mul3A_275] : memref<2x320000xi32, #tpu.memory_space<hbm>> -> memref<1x128xi32, #tpu.memory_space<hbm>>
              %dma_start3A_283 = tpu.memref_squeeze %dma_start3A_282 : memref<1x128xi32, #tpu.memory_space<hbm>> -> memref<128xi32, #tpu.memory_space<hbm>>
              %dma_start3A_284 = tpu.memref_slice %arg3[%dma_start3A_281, %mul3A_275] : memref<2x320000xi32, #tpu.memory_space<hbm>> -> memref<1x128xi32, #tpu.memory_space<hbm>>
              %dma_start3A_285 = tpu.memref_squeeze %dma_start3A_284 : memref<1x128xi32, #tpu.memory_space<hbm>> -> memref<128xi32, #tpu.memory_space<hbm>>
              tpu.enqueue_dma source(%dma_start3A_285 : memref<128xi32, #tpu.memory_space<hbm>>) target(%arg10 : memref<128xi32, #tpu.memory_space<vmem>>) target_semaphore(%arg24 : memref<!tpu.dma_semaphore, #tpu.memory_space<semaphore_mem>>)
            } else {
            }
          } else {
          }
          %add3A_240 = arith.constant 2 : i32
          %add3A_241 = arith.addi %add3A_203, %add3A_240 : i32
          %mul3A_242 = arith.constant 32 : i32
          %mul3A_243 = arith.muli %add3A_241, %mul3A_242 : i32
          %add3A_244 = arith.addi %mul3A_243, %add3A : i32
          %mul3A_245 = arith.constant 128 : i32
          %mul3A_246 = arith.muli %add3A_244, %mul3A_245 : i32
          %dma_wait3A_247 = arith.constant 0 : i32
          %dma_wait3A_248 = tpu.memref_slice %arg3[%dma_wait3A_247, %mul3A_246] : memref<2x320000xi32, #tpu.memory_space<hbm>> -> memref<1x128xi32, #tpu.memory_space<hbm>>
          %dma_wait3A_249 = tpu.memref_squeeze %dma_wait3A_248 : memref<1x128xi32, #tpu.memory_space<hbm>> -> memref<128xi32, #tpu.memory_space<hbm>>
          %dma_wait3A_250 = tpu.memref_slice %arg3[%dma_wait3A_247, %mul3A_246] : memref<2x320000xi32, #tpu.memory_space<hbm>> -> memref<1x128xi32, #tpu.memory_space<hbm>>
          %dma_wait3A_251 = tpu.memref_squeeze %dma_wait3A_250 : memref<1x128xi32, #tpu.memory_space<hbm>> -> memref<128xi32, #tpu.memory_space<hbm>>
          tpu.wait_dma2 semaphore(%arg27 : memref<!tpu.dma_semaphore, #tpu.memory_space<semaphore_mem>>) src(%dma_wait3A_251 : memref<128xi32, #tpu.memory_space<hbm>>) dst(%arg9 : memref<128xi32, #tpu.memory_space<vmem>>)
          %dma_wait3A_252 = arith.constant 1 : i32
          %dma_wait3A_253 = tpu.memref_slice %arg3[%dma_wait3A_252, %mul3A_246] : memref<2x320000xi32, #tpu.memory_space<hbm>> -> memref<1x128xi32, #tpu.memory_space<hbm>>
          %dma_wait3A_254 = tpu.memref_squeeze %dma_wait3A_253 : memref<1x128xi32, #tpu.memory_space<hbm>> -> memref<128xi32, #tpu.memory_space<hbm>>
          %dma_wait3A_255 = tpu.memref_slice %arg3[%dma_wait3A_252, %mul3A_246] : memref<2x320000xi32, #tpu.memory_space<hbm>> -> memref<1x128xi32, #tpu.memory_space<hbm>>
          %dma_wait3A_256 = tpu.memref_squeeze %dma_wait3A_255 : memref<1x128xi32, #tpu.memory_space<hbm>> -> memref<128xi32, #tpu.memory_space<hbm>>
          tpu.wait_dma2 semaphore(%arg27 : memref<!tpu.dma_semaphore, #tpu.memory_space<semaphore_mem>>) src(%dma_wait3A_256 : memref<128xi32, #tpu.memory_space<hbm>>) dst(%arg13 : memref<128xi32, #tpu.memory_space<vmem>>)
          %dma_start3A_257 = arith.constant 0 : i32
          %dma_start3A_258 = arith.constant 0 : i32
          %dma_start3A_259 = tpu.memref_slice %arg2[%dma_start3A_257, %dma_start3A_258] : memref<10000x128xf32, #tpu.memory_space<hbm>> -> memref<10000x128xf32, #tpu.memory_space<hbm>>
          tpu.enqueue_indirect_dma source(%dma_start3A_259 : memref<10000x128xf32, #tpu.memory_space<hbm>>) target(%arg16 : memref<128x128xf32, #tpu.memory_space<vmem>>) offsets(%arg9 : memref<128xi32, #tpu.memory_space<vmem>>) semaphore(%arg20 : memref<!tpu.dma_semaphore, #tpu.memory_space<semaphore_mem>>)
        } else {
        }
      } else {
      }
      %mul3A_208 = arith.constant 12 : i32
      %mul3A_209 = arith.muli %mul3A_208, %scan3A_127 : i32
      %add3A_210 = arith.constant 10 : i32
      %add3A_211 = arith.addi %mul3A_209, %add3A_210 : i32
      %lt3A_212 = arith.cmpi slt, %add3A_211, %add3A_6 : i32
      %convert_element_type3A_213 = arith.extui %lt3A_212 : i1 to i32
      %cond3A_214 = arith.constant 0 : i32
      %cond3A_215 = arith.cmpi ne, %convert_element_type3A_213, %cond3A_214 : i32
      scf.if %cond3A_215 {
        %dma_wait3A_224 = arith.constant 0 : i32
        %dma_wait3A_225 = arith.constant 0 : i32
        %dma_wait3A_226 = tpu.memref_slice %arg2[%dma_wait3A_224, %dma_wait3A_225] : memref<10000x128xf32, #tpu.memory_space<hbm>> -> memref<10000x128xf32, #tpu.memory_space<hbm>>
        tpu.wait_indirect_dma semaphore(%arg19 : memref<!tpu.dma_semaphore, #tpu.memory_space<semaphore_mem>>) src(%dma_wait3A_226 : memref<10000x128xf32, #tpu.memory_space<hbm>>) dst(%arg15 : memref<128x128xf32, #tpu.memory_space<vmem>>)
        %dma_start3A_227 = arith.constant 0 : i32
        %dma_start3A_228 = arith.constant 0 : i32
        %dma_start3A_229 = tpu.memref_slice %arg17[%dma_start3A_227, %dma_start3A_228] : memref<10000x128xf32, #tpu.memory_space<vmem_shared>> -> memref<10000x128xf32, #tpu.memory_space<vmem_shared>>
        tpu.enqueue_indirect_dma source(%arg15 : memref<128x128xf32, #tpu.memory_space<vmem>>) target(%dma_start3A_229 : memref<10000x128xf32, #tpu.memory_space<vmem_shared>>) offsets(%arg12 : memref<128xi32, #tpu.memory_space<vmem>>) semaphore(%arg22 : memref<!tpu.dma_semaphore, #tpu.memory_space<semaphore_mem>>) {add = true}
        %add3A_230 = arith.constant 2 : i32
        %add3A_231 = arith.addi %add3A_211, %add3A_230 : i32
        %lt3A_232 = arith.cmpi slt, %add3A_231, %add3A_6 : i32
        %convert_element_type3A_233 = arith.extui %lt3A_232 : i1 to i32
        %cond3A_234 = arith.constant 0 : i32
        %cond3A_235 = arith.cmpi ne, %convert_element_type3A_233, %cond3A_234 : i32
        scf.if %cond3A_235 {
          %ge3A = arith.constant 1 : i32
          %ge3A_236 = arith.cmpi sge, %add3A_211, %ge3A : i32
          %convert_element_type3A_237 = arith.extui %ge3A_236 : i1 to i32
          %cond3A_238 = arith.constant 0 : i32
          %cond3A_239 = arith.cmpi ne, %convert_element_type3A_237, %cond3A_238 : i32
          scf.if %cond3A_239 {
            %dma_wait3A_260 = arith.constant 0 : i32
            %dma_wait3A_261 = arith.constant 0 : i32
            %dma_wait3A_262 = tpu.memref_slice %arg17[%dma_wait3A_260, %dma_wait3A_261] : memref<10000x128xf32, #tpu.memory_space<vmem_shared>> -> memref<10000x128xf32, #tpu.memory_space<vmem_shared>>
            tpu.wait_indirect_dma semaphore(%arg21 : memref<!tpu.dma_semaphore, #tpu.memory_space<semaphore_mem>>) src(%arg14 : memref<128x128xf32, #tpu.memory_space<vmem>>) dst(%dma_wait3A_262 : memref<10000x128xf32, #tpu.memory_space<vmem_shared>>)
            %add3A_263 = arith.constant 3 : i32
            %add3A_264 = arith.addi %add3A_211, %add3A_263 : i32
            %lt3A_265 = arith.cmpi slt, %add3A_264, %add3A_6 : i32
            %convert_element_type3A_266 = arith.extui %lt3A_265 : i1 to i32
            %cond3A_267 = arith.constant 0 : i32
            %cond3A_268 = arith.cmpi ne, %convert_element_type3A_266, %cond3A_267 : i32
            scf.if %cond3A_268 {
              %add3A_269 = arith.constant 3 : i32
              %add3A_270 = arith.addi %add3A_211, %add3A_269 : i32
              %mul3A_271 = arith.constant 32 : i32
              %mul3A_272 = arith.muli %add3A_270, %mul3A_271 : i32
              %add3A_273 = arith.addi %mul3A_272, %add3A : i32
              %mul3A_274 = arith.constant 128 : i32
              %mul3A_275 = arith.muli %add3A_273, %mul3A_274 : i32
              %dma_start3A_276 = arith.constant 0 : i32
              %dma_start3A_277 = tpu.memref_slice %arg3[%dma_start3A_276, %mul3A_275] : memref<2x320000xi32, #tpu.memory_space<hbm>> -> memref<1x128xi32, #tpu.memory_space<hbm>>
              %dma_start3A_278 = tpu.memref_squeeze %dma_start3A_277 : memref<1x128xi32, #tpu.memory_space<hbm>> -> memref<128xi32, #tpu.memory_space<hbm>>
              %dma_start3A_279 = tpu.memref_slice %arg3[%dma_start3A_276, %mul3A_275] : memref<2x320000xi32, #tpu.memory_space<hbm>> -> memref<1x128xi32, #tpu.memory_space<hbm>>
              %dma_start3A_280 = tpu.memref_squeeze %dma_start3A_279 : memref<1x128xi32, #tpu.memory_space<hbm>> -> memref<128xi32, #tpu.memory_space<hbm>>
              tpu.enqueue_dma source(%dma_start3A_280 : memref<128xi32, #tpu.memory_space<hbm>>) target(%arg7 : memref<128xi32, #tpu.memory_space<vmem>>) target_semaphore(%arg25 : memref<!tpu.dma_semaphore, #tpu.memory_space<semaphore_mem>>)
              %dma_start3A_281 = arith.constant 1 : i32
              %dma_start3A_282 = tpu.memref_slice %arg3[%dma_start3A_281, %mul3A_275] : memref<2x320000xi32, #tpu.memory_space<hbm>> -> memref<1x128xi32, #tpu.memory_space<hbm>>
              %dma_start3A_283 = tpu.memref_squeeze %dma_start3A_282 : memref<1x128xi32, #tpu.memory_space<hbm>> -> memref<128xi32, #tpu.memory_space<hbm>>
              %dma_start3A_284 = tpu.memref_slice %arg3[%dma_start3A_281, %mul3A_275] : memref<2x320000xi32, #tpu.memory_space<hbm>> -> memref<1x128xi32, #tpu.memory_space<hbm>>
              %dma_start3A_285 = tpu.memref_squeeze %dma_start3A_284 : memref<1x128xi32, #tpu.memory_space<hbm>> -> memref<128xi32, #tpu.memory_space<hbm>>
              tpu.enqueue_dma source(%dma_start3A_285 : memref<128xi32, #tpu.memory_space<hbm>>) target(%arg11 : memref<128xi32, #tpu.memory_space<vmem>>) target_semaphore(%arg25 : memref<!tpu.dma_semaphore, #tpu.memory_space<semaphore_mem>>)
            } else {
            }
          } else {
          }
          %add3A_240 = arith.constant 2 : i32
          %add3A_241 = arith.addi %add3A_211, %add3A_240 : i32
          %mul3A_242 = arith.constant 32 : i32
          %mul3A_243 = arith.muli %add3A_241, %mul3A_242 : i32
          %add3A_244 = arith.addi %mul3A_243, %add3A : i32
          %mul3A_245 = arith.constant 128 : i32
          %mul3A_246 = arith.muli %add3A_244, %mul3A_245 : i32
          %dma_wait3A_247 = arith.constant 0 : i32
          %dma_wait3A_248 = tpu.memref_slice %arg3[%dma_wait3A_247, %mul3A_246] : memref<2x320000xi32, #tpu.memory_space<hbm>> -> memref<1x128xi32, #tpu.memory_space<hbm>>
          %dma_wait3A_249 = tpu.memref_squeeze %dma_wait3A_248 : memref<1x128xi32, #tpu.memory_space<hbm>> -> memref<128xi32, #tpu.memory_space<hbm>>
          %dma_wait3A_250 = tpu.memref_slice %arg3[%dma_wait3A_247, %mul3A_246] : memref<2x320000xi32, #tpu.memory_space<hbm>> -> memref<1x128xi32, #tpu.memory_space<hbm>>
          %dma_wait3A_251 = tpu.memref_squeeze %dma_wait3A_250 : memref<1x128xi32, #tpu.memory_space<hbm>> -> memref<128xi32, #tpu.memory_space<hbm>>
          tpu.wait_dma2 semaphore(%arg24 : memref<!tpu.dma_semaphore, #tpu.memory_space<semaphore_mem>>) src(%dma_wait3A_251 : memref<128xi32, #tpu.memory_space<hbm>>) dst(%arg6 : memref<128xi32, #tpu.memory_space<vmem>>)
          %dma_wait3A_252 = arith.constant 1 : i32
          %dma_wait3A_253 = tpu.memref_slice %arg3[%dma_wait3A_252, %mul3A_246] : memref<2x320000xi32, #tpu.memory_space<hbm>> -> memref<1x128xi32, #tpu.memory_space<hbm>>
          %dma_wait3A_254 = tpu.memref_squeeze %dma_wait3A_253 : memref<1x128xi32, #tpu.memory_space<hbm>> -> memref<128xi32, #tpu.memory_space<hbm>>
          %dma_wait3A_255 = tpu.memref_slice %arg3[%dma_wait3A_252, %mul3A_246] : memref<2x320000xi32, #tpu.memory_space<hbm>> -> memref<1x128xi32, #tpu.memory_space<hbm>>
          %dma_wait3A_256 = tpu.memref_squeeze %dma_wait3A_255 : memref<1x128xi32, #tpu.memory_space<hbm>> -> memref<128xi32, #tpu.memory_space<hbm>>
          tpu.wait_dma2 semaphore(%arg24 : memref<!tpu.dma_semaphore, #tpu.memory_space<semaphore_mem>>) src(%dma_wait3A_256 : memref<128xi32, #tpu.memory_space<hbm>>) dst(%arg10 : memref<128xi32, #tpu.memory_space<vmem>>)
          %dma_start3A_257 = arith.constant 0 : i32
          %dma_start3A_258 = arith.constant 0 : i32
          %dma_start3A_259 = tpu.memref_slice %arg2[%dma_start3A_257, %dma_start3A_258] : memref<10000x128xf32, #tpu.memory_space<hbm>> -> memref<10000x128xf32, #tpu.memory_space<hbm>>
          tpu.enqueue_indirect_dma source(%dma_start3A_259 : memref<10000x128xf32, #tpu.memory_space<hbm>>) target(%arg14 : memref<128x128xf32, #tpu.memory_space<vmem>>) offsets(%arg6 : memref<128xi32, #tpu.memory_space<vmem>>) semaphore(%arg18 : memref<!tpu.dma_semaphore, #tpu.memory_space<semaphore_mem>>)
        } else {
        }
      } else {
      }
      %mul3A_216 = arith.constant 12 : i32
      %mul3A_217 = arith.muli %mul3A_216, %scan3A_127 : i32
      %add3A_218 = arith.constant 11 : i32
      %add3A_219 = arith.addi %mul3A_217, %add3A_218 : i32
      %lt3A_220 = arith.cmpi slt, %add3A_219, %add3A_6 : i32
      %convert_element_type3A_221 = arith.extui %lt3A_220 : i1 to i32
      %cond3A_222 = arith.constant 0 : i32
      %cond3A_223 = arith.cmpi ne, %convert_element_type3A_221, %cond3A_222 : i32
      scf.if %cond3A_223 {
        %dma_wait3A_224 = arith.constant 0 : i32
        %dma_wait3A_225 = arith.constant 0 : i32
        %dma_wait3A_226 = tpu.memref_slice %arg2[%dma_wait3A_224, %dma_wait3A_225] : memref<10000x128xf32, #tpu.memory_space<hbm>> -> memref<10000x128xf32, #tpu.memory_space<hbm>>
        tpu.wait_indirect_dma semaphore(%arg20 : memref<!tpu.dma_semaphore, #tpu.memory_space<semaphore_mem>>) src(%dma_wait3A_226 : memref<10000x128xf32, #tpu.memory_space<hbm>>) dst(%arg16 : memref<128x128xf32, #tpu.memory_space<vmem>>)
        %dma_start3A_227 = arith.constant 0 : i32
        %dma_start3A_228 = arith.constant 0 : i32
        %dma_start3A_229 = tpu.memref_slice %arg17[%dma_start3A_227, %dma_start3A_228] : memref<10000x128xf32, #tpu.memory_space<vmem_shared>> -> memref<10000x128xf32, #tpu.memory_space<vmem_shared>>
        tpu.enqueue_indirect_dma source(%arg16 : memref<128x128xf32, #tpu.memory_space<vmem>>) target(%dma_start3A_229 : memref<10000x128xf32, #tpu.memory_space<vmem_shared>>) offsets(%arg13 : memref<128xi32, #tpu.memory_space<vmem>>) semaphore(%arg23 : memref<!tpu.dma_semaphore, #tpu.memory_space<semaphore_mem>>) {add = true}
        %add3A_230 = arith.constant 2 : i32
        %add3A_231 = arith.addi %add3A_219, %add3A_230 : i32
        %lt3A_232 = arith.cmpi slt, %add3A_231, %add3A_6 : i32
        %convert_element_type3A_233 = arith.extui %lt3A_232 : i1 to i32
        %cond3A_234 = arith.constant 0 : i32
        %cond3A_235 = arith.cmpi ne, %convert_element_type3A_233, %cond3A_234 : i32
        scf.if %cond3A_235 {
          %ge3A = arith.constant 1 : i32
          %ge3A_236 = arith.cmpi sge, %add3A_219, %ge3A : i32
          %convert_element_type3A_237 = arith.extui %ge3A_236 : i1 to i32
          %cond3A_238 = arith.constant 0 : i32
          %cond3A_239 = arith.cmpi ne, %convert_element_type3A_237, %cond3A_238 : i32
          scf.if %cond3A_239 {
            %dma_wait3A_260 = arith.constant 0 : i32
            %dma_wait3A_261 = arith.constant 0 : i32
            %dma_wait3A_262 = tpu.memref_slice %arg17[%dma_wait3A_260, %dma_wait3A_261] : memref<10000x128xf32, #tpu.memory_space<vmem_shared>> -> memref<10000x128xf32, #tpu.memory_space<vmem_shared>>
            tpu.wait_indirect_dma semaphore(%arg22 : memref<!tpu.dma_semaphore, #tpu.memory_space<semaphore_mem>>) src(%arg15 : memref<128x128xf32, #tpu.memory_space<vmem>>) dst(%dma_wait3A_262 : memref<10000x128xf32, #tpu.memory_space<vmem_shared>>)
            %add3A_263 = arith.constant 3 : i32
            %add3A_264 = arith.addi %add3A_219, %add3A_263 : i32
            %lt3A_265 = arith.cmpi slt, %add3A_264, %add3A_6 : i32
            %convert_element_type3A_266 = arith.extui %lt3A_265 : i1 to i32
            %cond3A_267 = arith.constant 0 : i32
            %cond3A_268 = arith.cmpi ne, %convert_element_type3A_266, %cond3A_267 : i32
            scf.if %cond3A_268 {
              %add3A_269 = arith.constant 3 : i32
              %add3A_270 = arith.addi %add3A_219, %add3A_269 : i32
              %mul3A_271 = arith.constant 32 : i32
              %mul3A_272 = arith.muli %add3A_270, %mul3A_271 : i32
              %add3A_273 = arith.addi %mul3A_272, %add3A : i32
              %mul3A_274 = arith.constant 128 : i32
              %mul3A_275 = arith.muli %add3A_273, %mul3A_274 : i32
              %dma_start3A_276 = arith.constant 0 : i32
              %dma_start3A_277 = tpu.memref_slice %arg3[%dma_start3A_276, %mul3A_275] : memref<2x320000xi32, #tpu.memory_space<hbm>> -> memref<1x128xi32, #tpu.memory_space<hbm>>
              %dma_start3A_278 = tpu.memref_squeeze %dma_start3A_277 : memref<1x128xi32, #tpu.memory_space<hbm>> -> memref<128xi32, #tpu.memory_space<hbm>>
              %dma_start3A_279 = tpu.memref_slice %arg3[%dma_start3A_276, %mul3A_275] : memref<2x320000xi32, #tpu.memory_space<hbm>> -> memref<1x128xi32, #tpu.memory_space<hbm>>
              %dma_start3A_280 = tpu.memref_squeeze %dma_start3A_279 : memref<1x128xi32, #tpu.memory_space<hbm>> -> memref<128xi32, #tpu.memory_space<hbm>>
              tpu.enqueue_dma source(%dma_start3A_280 : memref<128xi32, #tpu.memory_space<hbm>>) target(%arg8 : memref<128xi32, #tpu.memory_space<vmem>>) target_semaphore(%arg26 : memref<!tpu.dma_semaphore, #tpu.memory_space<semaphore_mem>>)
              %dma_start3A_281 = arith.constant 1 : i32
              %dma_start3A_282 = tpu.memref_slice %arg3[%dma_start3A_281, %mul3A_275] : memref<2x320000xi32, #tpu.memory_space<hbm>> -> memref<1x128xi32, #tpu.memory_space<hbm>>
              %dma_start3A_283 = tpu.memref_squeeze %dma_start3A_282 : memref<1x128xi32, #tpu.memory_space<hbm>> -> memref<128xi32, #tpu.memory_space<hbm>>
              %dma_start3A_284 = tpu.memref_slice %arg3[%dma_start3A_281, %mul3A_275] : memref<2x320000xi32, #tpu.memory_space<hbm>> -> memref<1x128xi32, #tpu.memory_space<hbm>>
              %dma_start3A_285 = tpu.memref_squeeze %dma_start3A_284 : memref<1x128xi32, #tpu.memory_space<hbm>> -> memref<128xi32, #tpu.memory_space<hbm>>
              tpu.enqueue_dma source(%dma_start3A_285 : memref<128xi32, #tpu.memory_space<hbm>>) target(%arg12 : memref<128xi32, #tpu.memory_space<vmem>>) target_semaphore(%arg26 : memref<!tpu.dma_semaphore, #tpu.memory_space<semaphore_mem>>)
            } else {
            }
          } else {
          }
          %add3A_240 = arith.constant 2 : i32
          %add3A_241 = arith.addi %add3A_219, %add3A_240 : i32
          %mul3A_242 = arith.constant 32 : i32
          %mul3A_243 = arith.muli %add3A_241, %mul3A_242 : i32
          %add3A_244 = arith.addi %mul3A_243, %add3A : i32
          %mul3A_245 = arith.constant 128 : i32
          %mul3A_246 = arith.muli %add3A_244, %mul3A_245 : i32
          %dma_wait3A_247 = arith.constant 0 : i32
          %dma_wait3A_248 = tpu.memref_slice %arg3[%dma_wait3A_247, %mul3A_246] : memref<2x320000xi32, #tpu.memory_space<hbm>> -> memref<1x128xi32, #tpu.memory_space<hbm>>
          %dma_wait3A_249 = tpu.memref_squeeze %dma_wait3A_248 : memref<1x128xi32, #tpu.memory_space<hbm>> -> memref<128xi32, #tpu.memory_space<hbm>>
          %dma_wait3A_250 = tpu.memref_slice %arg3[%dma_wait3A_247, %mul3A_246] : memref<2x320000xi32, #tpu.memory_space<hbm>> -> memref<1x128xi32, #tpu.memory_space<hbm>>
          %dma_wait3A_251 = tpu.memref_squeeze %dma_wait3A_250 : memref<1x128xi32, #tpu.memory_space<hbm>> -> memref<128xi32, #tpu.memory_space<hbm>>
          tpu.wait_dma2 semaphore(%arg25 : memref<!tpu.dma_semaphore, #tpu.memory_space<semaphore_mem>>) src(%dma_wait3A_251 : memref<128xi32, #tpu.memory_space<hbm>>) dst(%arg7 : memref<128xi32, #tpu.memory_space<vmem>>)
          %dma_wait3A_252 = arith.constant 1 : i32
          %dma_wait3A_253 = tpu.memref_slice %arg3[%dma_wait3A_252, %mul3A_246] : memref<2x320000xi32, #tpu.memory_space<hbm>> -> memref<1x128xi32, #tpu.memory_space<hbm>>
          %dma_wait3A_254 = tpu.memref_squeeze %dma_wait3A_253 : memref<1x128xi32, #tpu.memory_space<hbm>> -> memref<128xi32, #tpu.memory_space<hbm>>
          %dma_wait3A_255 = tpu.memref_slice %arg3[%dma_wait3A_252, %mul3A_246] : memref<2x320000xi32, #tpu.memory_space<hbm>> -> memref<1x128xi32, #tpu.memory_space<hbm>>
          %dma_wait3A_256 = tpu.memref_squeeze %dma_wait3A_255 : memref<1x128xi32, #tpu.memory_space<hbm>> -> memref<128xi32, #tpu.memory_space<hbm>>
          tpu.wait_dma2 semaphore(%arg25 : memref<!tpu.dma_semaphore, #tpu.memory_space<semaphore_mem>>) src(%dma_wait3A_256 : memref<128xi32, #tpu.memory_space<hbm>>) dst(%arg11 : memref<128xi32, #tpu.memory_space<vmem>>)
          %dma_start3A_257 = arith.constant 0 : i32
          %dma_start3A_258 = arith.constant 0 : i32
          %dma_start3A_259 = tpu.memref_slice %arg2[%dma_start3A_257, %dma_start3A_258] : memref<10000x128xf32, #tpu.memory_space<hbm>> -> memref<10000x128xf32, #tpu.memory_space<hbm>>
          tpu.enqueue_indirect_dma source(%dma_start3A_259 : memref<10000x128xf32, #tpu.memory_space<hbm>>) target(%arg15 : memref<128x128xf32, #tpu.memory_space<vmem>>) offsets(%arg7 : memref<128xi32, #tpu.memory_space<vmem>>) semaphore(%arg19 : memref<!tpu.dma_semaphore, #tpu.memory_space<semaphore_mem>>)
        } else {
        }
      } else {
      }
    }
    %scan3A_106 = arith.constant 7 : i32
    %dma_wait3A_107 = arith.constant 0 : i32
    %dma_wait3A_108 = arith.constant 0 : i32
    %dma_wait3A_109 = tpu.memref_slice %arg17[%dma_wait3A_107, %dma_wait3A_108] : memref<10000x128xf32, #tpu.memory_space<vmem_shared>> -> memref<10000x128xf32, #tpu.memory_space<vmem_shared>>
    tpu.wait_indirect_dma semaphore(%arg21 : memref<!tpu.dma_semaphore, #tpu.memory_space<semaphore_mem>>) src(%arg14 : memref<128x128xf32, #tpu.memory_space<vmem>>) dst(%dma_wait3A_109 : memref<10000x128xf32, #tpu.memory_space<vmem_shared>>)
    %dma_wait3A_110 = arith.constant 0 : i32
    %dma_wait3A_111 = arith.constant 0 : i32
    %dma_wait3A_112 = tpu.memref_slice %arg17[%dma_wait3A_110, %dma_wait3A_111] : memref<10000x128xf32, #tpu.memory_space<vmem_shared>> -> memref<10000x128xf32, #tpu.memory_space<vmem_shared>>
    tpu.wait_indirect_dma semaphore(%arg22 : memref<!tpu.dma_semaphore, #tpu.memory_space<semaphore_mem>>) src(%arg15 : memref<128x128xf32, #tpu.memory_space<vmem>>) dst(%dma_wait3A_112 : memref<10000x128xf32, #tpu.memory_space<vmem_shared>>)
    %dma_wait3A_113 = arith.constant 0 : i32
    %dma_wait3A_114 = arith.constant 0 : i32
    %dma_wait3A_115 = tpu.memref_slice %arg17[%dma_wait3A_113, %dma_wait3A_114] : memref<10000x128xf32, #tpu.memory_space<vmem_shared>> -> memref<10000x128xf32, #tpu.memory_space<vmem_shared>>
    tpu.wait_indirect_dma semaphore(%arg23 : memref<!tpu.dma_semaphore, #tpu.memory_space<semaphore_mem>>) src(%arg16 : memref<128x128xf32, #tpu.memory_space<vmem>>) dst(%dma_wait3A_115 : memref<10000x128xf32, #tpu.memory_space<vmem_shared>>)
    %barrier3A_116 = arith.constant 0 : index
    tpu.barrier barrier_id(%barrier3A_116)
    %lt3A_117 = arith.constant 15 : i32
    %lt3A_118 = arith.cmpi slt, %arg1, %lt3A_117 : i32
    %convert_element_type3A_119 = arith.extui %lt3A_118 : i1 to i32
    %cond3A_120 = arith.constant 0 : i32
    %cond3A_121 = arith.cmpi ne, %convert_element_type3A_119, %cond3A_120 : i32
    scf.if %cond3A_121 {
      "tpu.region"() ({
        %run_scoped3A = tpu.sem_alloc : memref<!tpu.dma_semaphore, #tpu.memory_space<semaphore_mem>>
        %dma_start3A_127 = arith.constant 0 : i32
        %dma_start3A_128 = tpu.memref_slice %arg5[%arg0, %mul3A_2, %dma_start3A_127] : memref<2x10000x128xf32, #tpu.memory_space<hbm>> -> memref<1x640x128xf32, #tpu.memory_space<hbm>>
        %dma_start3A_129 = tpu.memref_squeeze %dma_start3A_128 : memref<1x640x128xf32, #tpu.memory_space<hbm>> -> memref<640x128xf32, #tpu.memory_space<hbm>>
        %dma_start3A_130 = arith.constant 0 : i32
        %dma_start3A_131 = tpu.memref_slice %arg17[%mul3A_2, %dma_start3A_130] : memref<10000x128xf32, #tpu.memory_space<vmem_shared>> -> memref<640x128xf32, #tpu.memory_space<vmem_shared>>
        tpu.enqueue_dma source(%dma_start3A_131 : memref<640x128xf32, #tpu.memory_space<vmem_shared>>) target(%dma_start3A_129 : memref<640x128xf32, #tpu.memory_space<hbm>>) target_semaphore(%run_scoped3A : memref<!tpu.dma_semaphore, #tpu.memory_space<semaphore_mem>>)
        %dma_wait3A_132 = arith.constant 0 : i32
        %dma_wait3A_133 = tpu.memref_slice %arg5[%arg0, %mul3A_2, %dma_wait3A_132] : memref<2x10000x128xf32, #tpu.memory_space<hbm>> -> memref<1x640x128xf32, #tpu.memory_space<hbm>>
        %dma_wait3A_134 = tpu.memref_squeeze %dma_wait3A_133 : memref<1x640x128xf32, #tpu.memory_space<hbm>> -> memref<640x128xf32, #tpu.memory_space<hbm>>
        %dma_wait3A_135 = arith.constant 0 : i32
        %dma_wait3A_136 = tpu.memref_slice %arg17[%mul3A_2, %dma_wait3A_135] : memref<10000x128xf32, #tpu.memory_space<vmem_shared>> -> memref<640x128xf32, #tpu.memory_space<vmem_shared>>
        tpu.wait_dma2 semaphore(%run_scoped3A : memref<!tpu.dma_semaphore, #tpu.memory_space<semaphore_mem>>) src(%dma_wait3A_136 : memref<640x128xf32, #tpu.memory_space<vmem_shared>>) dst(%dma_wait3A_134 : memref<640x128xf32, #tpu.memory_space<hbm>>)
        tpu.yield
      }) : () -> ()
    } else {
    }
    %eq3A_122 = arith.constant 15 : i32
    %eq3A_123 = arith.cmpi eq, %arg1, %eq3A_122 : i32
    %convert_element_type3A_124 = arith.extui %eq3A_123 : i1 to i32
    %cond3A_125 = arith.constant 0 : i32
    %cond3A_126 = arith.cmpi ne, %convert_element_type3A_124, %cond3A_125 : i32
    scf.if %cond3A_126 {
      "tpu.region"() ({
        %run_scoped3A = tpu.sem_alloc : memref<!tpu.dma_semaphore, #tpu.memory_space<semaphore_mem>>
        %dma_start3A_127 = arith.constant 0 : i32
        %dma_start3A_128 = tpu.memref_slice %arg5[%arg0, %mul3A_2, %dma_start3A_127] : memref<2x10000x128xf32, #tpu.memory_space<hbm>> -> memref<1x400x128xf32, #tpu.memory_space<hbm>>
        %dma_start3A_129 = tpu.memref_squeeze %dma_start3A_128 : memref<1x400x128xf32, #tpu.memory_space<hbm>> -> memref<400x128xf32, #tpu.memory_space<hbm>>
        %dma_start3A_130 = arith.constant 0 : i32
        %dma_start3A_131 = tpu.memref_slice %arg17[%mul3A_2, %dma_start3A_130] : memref<10000x128xf32, #tpu.memory_space<vmem_shared>> -> memref<400x128xf32, #tpu.memory_space<vmem_shared>>
        tpu.enqueue_dma source(%dma_start3A_131 : memref<400x128xf32, #tpu.memory_space<vmem_shared>>) target(%dma_start3A_129 : memref<400x128xf32, #tpu.memory_space<hbm>>) target_semaphore(%run_scoped3A : memref<!tpu.dma_semaphore, #tpu.memory_space<semaphore_mem>>)
        %dma_wait3A_132 = arith.constant 0 : i32
        %dma_wait3A_133 = tpu.memref_slice %arg5[%arg0, %mul3A_2, %dma_wait3A_132] : memref<2x10000x128xf32, #tpu.memory_space<hbm>> -> memref<1x400x128xf32, #tpu.memory_space<hbm>>
        %dma_wait3A_134 = tpu.memref_squeeze %dma_wait3A_133 : memref<1x400x128xf32, #tpu.memory_space<hbm>> -> memref<400x128xf32, #tpu.memory_space<hbm>>
        %dma_wait3A_135 = arith.constant 0 : i32
        %dma_wait3A_136 = tpu.memref_slice %arg17[%mul3A_2, %dma_wait3A_135] : memref<10000x128xf32, #tpu.memory_space<vmem_shared>> -> memref<400x128xf32, #tpu.memory_space<vmem_shared>>
        tpu.wait_dma2 semaphore(%run_scoped3A : memref<!tpu.dma_semaphore, #tpu.memory_space<semaphore_mem>>) src(%dma_wait3A_136 : memref<400x128xf32, #tpu.memory_space<vmem_shared>>) dst(%dma_wait3A_134 : memref<400x128xf32, #tpu.memory_space<hbm>>)
        tpu.yield
      }) : () -> ()
    } else {
    }
    return
  }
}

#map = affine_map<(d0, d1) -> (0, 0)>
#map1 = affine_map<(d0, d1) -> (0, 0, 0)>
module attributes {stable_mosaic.version = 14 : i64} {
  func.func @_sc_gather_scatter_body(%arg0: i32, %arg1: i32, %arg2: memref<10000x128xf32, #tpu.memory_space<hbm>>, %arg3: memref<2x320000xi32, #tpu.memory_space<hbm>>, %arg4: memref<10000x128xf32, #tpu.memory_space<hbm>>, %arg5: memref<2x10000x128xf32, #tpu.memory_space<hbm>>, %arg6: memref<128xi32, #tpu.memory_space<vmem>>, %arg7: memref<128xi32, #tpu.memory_space<vmem>>, %arg8: memref<128xi32, #tpu.memory_space<vmem>>, %arg9: memref<128xi32, #tpu.memory_space<vmem>>, %arg10: memref<128xi32, #tpu.memory_space<vmem>>, %arg11: memref<128xi32, #tpu.memory_space<vmem>>, %arg12: memref<128xi32, #tpu.memory_space<vmem>>, %arg13: memref<128xi32, #tpu.memory_space<vmem>>, %arg14: memref<128x128xf32, #tpu.memory_space<vmem>>, %arg15: memref<128x128xf32, #tpu.memory_space<vmem>>, %arg16: memref<128x128xf32, #tpu.memory_space<vmem>>, %arg17: memref<10000x128xf32, #tpu.memory_space<vmem_shared>>, %arg18: memref<!tpu.dma_semaphore, #tpu.memory_space<semaphore_mem>>, %arg19: memref<!tpu.dma_semaphore, #tpu.memory_space<semaphore_mem>>, %arg20: memref<!tpu.dma_semaphore, #tpu.memory_space<semaphore_mem>>, %arg21: memref<!tpu.dma_semaphore, #tpu.memory_space<semaphore_mem>>, %arg22: memref<!tpu.dma_semaphore, #tpu.memory_space<semaphore_mem>>, %arg23: memref<!tpu.dma_semaphore, #tpu.memory_space<semaphore_mem>>, %arg24: memref<!tpu.dma_semaphore, #tpu.memory_space<semaphore_mem>>, %arg25: memref<!tpu.dma_semaphore, #tpu.memory_space<semaphore_mem>>, %arg26: memref<!tpu.dma_semaphore, #tpu.memory_space<semaphore_mem>>, %arg27: memref<!tpu.dma_semaphore, #tpu.memory_space<semaphore_mem>>) attributes {dimension_semantics = [#tpu.dimension_semantics<core_parallel>, #tpu.dimension_semantics<subcore_parallel>], iteration_bounds = array<i64: 2, 16>, scalar_prefetch = 0 : i64, scratch_operands = 22 : i64, tpu.core_type = #tpu.core_type<sc_vector_subcore>, window_params = [{transform_indices = #map}, {transform_indices = #map}, {transform_indices = #map}, {transform_indices = #map1}]} {
    %mul3A = arith.constant 2 : i32
    %mul3A_0 = arith.muli %arg1, %mul3A : i32
    %add3A = arith.addi %mul3A_0, %arg0 : i32
    %mul3A_1 = arith.constant 640 : i32
    %mul3A_2 = arith.muli %arg1, %mul3A_1 : i32
    %lt3A = arith.constant 4 : i32
    %lt3A_3 = arith.cmpi slt, %add3A, %lt3A : i32
    %jit3A = arith.constant 1 : i32
    %jit3A_4 = arith.constant 0 : i32
    %select_n3A = arith.select %lt3A_3, %jit3A, %jit3A_4 : i32
    %add3A_5 = arith.constant 78 : i32
    %add3A_6 = arith.addi %add3A_5, %select_n3A : i32
    %lt3A_7 = arith.constant 15 : i32
    %lt3A_8 = arith.cmpi slt, %arg1, %lt3A_7 : i32
    %convert_element_type3A = arith.extui %lt3A_8 : i1 to i32
    %cond3A = arith.constant 0 : i32
    %cond3A_9 = arith.cmpi ne, %convert_element_type3A, %cond3A : i32
    scf.if %cond3A_9 {
      "tpu.region"() ({
        %run_scoped3A = tpu.sem_alloc : memref<!tpu.dma_semaphore, #tpu.memory_space<semaphore_mem>>
        %dma_start3A_127 = arith.constant 0 : i32
        %dma_start3A_128 = tpu.memref_slice %arg17[%mul3A_2, %dma_start3A_127] : memref<10000x128xf32, #tpu.memory_space<vmem_shared>> -> memref<640x128xf32, #tpu.memory_space<vmem_shared>>
        %dma_start3A_129 = arith.constant 0 : i32
        %dma_start3A_130 = tpu.memref_slice %arg4[%mul3A_2, %dma_start3A_129] : memref<10000x128xf32, #tpu.memory_space<hbm>> -> memref<640x128xf32, #tpu.memory_space<hbm>>
        tpu.enqueue_dma source(%dma_start3A_130 : memref<640x128xf32, #tpu.memory_space<hbm>>) target(%dma_start3A_128 : memref<640x128xf32, #tpu.memory_space<vmem_shared>>) target_semaphore(%run_scoped3A : memref<!tpu.dma_semaphore, #tpu.memory_space<semaphore_mem>>)
        %dma_wait3A_131 = arith.constant 0 : i32
        %dma_wait3A_132 = tpu.memref_slice %arg17[%mul3A_2, %dma_wait3A_131] : memref<10000x128xf32, #tpu.memory_space<vmem_shared>> -> memref<640x128xf32, #tpu.memory_space<vmem_shared>>
        %dma_wait3A_133 = arith.constant 0 : i32
        %dma_wait3A_134 = tpu.memref_slice %arg4[%mul3A_2, %dma_wait3A_133] : memref<10000x128xf32, #tpu.memory_space<hbm>> -> memref<640x128xf32, #tpu.memory_space<hbm>>
        tpu.wait_dma2 semaphore(%run_scoped3A : memref<!tpu.dma_semaphore, #tpu.memory_space<semaphore_mem>>) src(%dma_wait3A_134 : memref<640x128xf32, #tpu.memory_space<hbm>>) dst(%dma_wait3A_132 : memref<640x128xf32, #tpu.memory_space<vmem_shared>>)
        tpu.yield
      }) : () -> ()
    } else {
    }
    %eq3A = arith.constant 15 : i32
    %eq3A_10 = arith.cmpi eq, %arg1, %eq3A : i32
    %convert_element_type3A_11 = arith.extui %eq3A_10 : i1 to i32
    %cond3A_12 = arith.constant 0 : i32
    %cond3A_13 = arith.cmpi ne, %convert_element_type3A_11, %cond3A_12 : i32
    scf.if %cond3A_13 {
      "tpu.region"() ({
        %run_scoped3A = tpu.sem_alloc : memref<!tpu.dma_semaphore, #tpu.memory_space<semaphore_mem>>
        %dma_start3A_127 = arith.constant 0 : i32
        %dma_start3A_128 = tpu.memref_slice %arg17[%mul3A_2, %dma_start3A_127] : memref<10000x128xf32, #tpu.memory_space<vmem_shared>> -> memref<400x128xf32, #tpu.memory_space<vmem_shared>>
        %dma_start3A_129 = arith.constant 0 : i32
        %dma_start3A_130 = tpu.memref_slice %arg4[%mul3A_2, %dma_start3A_129] : memref<10000x128xf32, #tpu.memory_space<hbm>> -> memref<400x128xf32, #tpu.memory_space<hbm>>
        tpu.enqueue_dma source(%dma_start3A_130 : memref<400x128xf32, #tpu.memory_space<hbm>>) target(%dma_start3A_128 : memref<400x128xf32, #tpu.memory_space<vmem_shared>>) target_semaphore(%run_scoped3A : memref<!tpu.dma_semaphore, #tpu.memory_space<semaphore_mem>>)
        %dma_wait3A_131 = arith.constant 0 : i32
        %dma_wait3A_132 = tpu.memref_slice %arg17[%mul3A_2, %dma_wait3A_131] : memref<10000x128xf32, #tpu.memory_space<vmem_shared>> -> memref<400x128xf32, #tpu.memory_space<vmem_shared>>
        %dma_wait3A_133 = arith.constant 0 : i32
        %dma_wait3A_134 = tpu.memref_slice %arg4[%mul3A_2, %dma_wait3A_133] : memref<10000x128xf32, #tpu.memory_space<hbm>> -> memref<400x128xf32, #tpu.memory_space<hbm>>
        tpu.wait_dma2 semaphore(%run_scoped3A : memref<!tpu.dma_semaphore, #tpu.memory_space<semaphore_mem>>) src(%dma_wait3A_134 : memref<400x128xf32, #tpu.memory_space<hbm>>) dst(%dma_wait3A_132 : memref<400x128xf32, #tpu.memory_space<vmem_shared>>)
        tpu.yield
      }) : () -> ()
    } else {
    }
    %add3A_14 = arith.constant 0 : i32
    %add3A_15 = arith.addi %add3A_14, %add3A : i32
    %mul3A_16 = arith.constant 128 : i32
    %mul3A_17 = arith.muli %add3A_15, %mul3A_16 : i32
    %dma_start3A = arith.constant 0 : i32
    %dma_start3A_18 = tpu.memref_slice %arg3[%dma_start3A, %mul3A_17] : memref<2x320000xi32, #tpu.memory_space<hbm>> -> memref<1x128xi32, #tpu.memory_space<hbm>>
    %dma_start3A_19 = tpu.memref_squeeze %dma_start3A_18 : memref<1x128xi32, #tpu.memory_space<hbm>> -> memref<128xi32, #tpu.memory_space<hbm>>
    %dma_start3A_20 = tpu.memref_slice %arg3[%dma_start3A, %mul3A_17] : memref<2x320000xi32, #tpu.memory_space<hbm>> -> memref<1x128xi32, #tpu.memory_space<hbm>>
    %dma_start3A_21 = tpu.memref_squeeze %dma_start3A_20 : memref<1x128xi32, #tpu.memory_space<hbm>> -> memref<128xi32, #tpu.memory_space<hbm>>
    tpu.enqueue_dma source(%dma_start3A_21 : memref<128xi32, #tpu.memory_space<hbm>>) target(%arg6 : memref<128xi32, #tpu.memory_space<vmem>>) target_semaphore(%arg24 : memref<!tpu.dma_semaphore, #tpu.memory_space<semaphore_mem>>)
    %dma_start3A_22 = arith.constant 1 : i32
    %dma_start3A_23 = tpu.memref_slice %arg3[%dma_start3A_22, %mul3A_17] : memref<2x320000xi32, #tpu.memory_space<hbm>> -> memref<1x128xi32, #tpu.memory_space<hbm>>
    %dma_start3A_24 = tpu.memref_squeeze %dma_start3A_23 : memref<1x128xi32, #tpu.memory_space<hbm>> -> memref<128xi32, #tpu.memory_space<hbm>>
    %dma_start3A_25 = tpu.memref_slice %arg3[%dma_start3A_22, %mul3A_17] : memref<2x320000xi32, #tpu.memory_space<hbm>> -> memref<1x128xi32, #tpu.memory_space<hbm>>
    %dma_start3A_26 = tpu.memref_squeeze %dma_start3A_25 : memref<1x128xi32, #tpu.memory_space<hbm>> -> memref<128xi32, #tpu.memory_space<hbm>>
    tpu.enqueue_dma source(%dma_start3A_26 : memref<128xi32, #tpu.memory_space<hbm>>) target(%arg10 : memref<128xi32, #tpu.memory_space<vmem>>) target_semaphore(%arg24 : memref<!tpu.dma_semaphore, #tpu.memory_space<semaphore_mem>>)
    %add3A_27 = arith.constant 32 : i32
    %add3A_28 = arith.addi %add3A_27, %add3A : i32
    %mul3A_29 = arith.constant 128 : i32
    %mul3A_30 = arith.muli %add3A_28, %mul3A_29 : i32
    %dma_start3A_31 = arith.constant 0 : i32
    %dma_start3A_32 = tpu.memref_slice %arg3[%dma_start3A_31, %mul3A_30] : memref<2x320000xi32, #tpu.memory_space<hbm>> -> memref<1x128xi32, #tpu.memory_space<hbm>>
    %dma_start3A_33 = tpu.memref_squeeze %dma_start3A_32 : memref<1x128xi32, #tpu.memory_space<hbm>> -> memref<128xi32, #tpu.memory_space<hbm>>
    %dma_start3A_34 = tpu.memref_slice %arg3[%dma_start3A_31, %mul3A_30] : memref<2x320000xi32, #tpu.memory_space<hbm>> -> memref<1x128xi32, #tpu.memory_space<hbm>>
    %dma_start3A_35 = tpu.memref_squeeze %dma_start3A_34 : memref<1x128xi32, #tpu.memory_space<hbm>> -> memref<128xi32, #tpu.memory_space<hbm>>
    tpu.enqueue_dma source(%dma_start3A_35 : memref<128xi32, #tpu.memory_space<hbm>>) target(%arg7 : memref<128xi32, #tpu.memory_space<vmem>>) target_semaphore(%arg25 : memref<!tpu.dma_semaphore, #tpu.memory_space<semaphore_mem>>)
    %dma_start3A_36 = arith.constant 1 : i32
    %dma_start3A_37 = tpu.memref_slice %arg3[%dma_start3A_36, %mul3A_30] : memref<2x320000xi32, #tpu.memory_space<hbm>> -> memref<1x128xi32, #tpu.memory_space<hbm>>
    %dma_start3A_38 = tpu.memref_squeeze %dma_start3A_37 : memref<1x128xi32, #tpu.memory_space<hbm>> -> memref<128xi32, #tpu.memory_space<hbm>>
    %dma_start3A_39 = tpu.memref_slice %arg3[%dma_start3A_36, %mul3A_30] : memref<2x320000xi32, #tpu.memory_space<hbm>> -> memref<1x128xi32, #tpu.memory_space<hbm>>
    %dma_start3A_40 = tpu.memref_squeeze %dma_start3A_39 : memref<1x128xi32, #tpu.memory_space<hbm>> -> memref<128xi32, #tpu.memory_space<hbm>>
    tpu.enqueue_dma source(%dma_start3A_40 : memref<128xi32, #tpu.memory_space<hbm>>) target(%arg11 : memref<128xi32, #tpu.memory_space<vmem>>) target_semaphore(%arg25 : memref<!tpu.dma_semaphore, #tpu.memory_space<semaphore_mem>>)
    %add3A_41 = arith.constant 64 : i32
    %add3A_42 = arith.addi %add3A_41, %add3A : i32
    %mul3A_43 = arith.constant 128 : i32
    %mul3A_44 = arith.muli %add3A_42, %mul3A_43 : i32
    %dma_start3A_45 = arith.constant 0 : i32
    %dma_start3A_46 = tpu.memref_slice %arg3[%dma_start3A_45, %mul3A_44] : memref<2x320000xi32, #tpu.memory_space<hbm>> -> memref<1x128xi32, #tpu.memory_space<hbm>>
    %dma_start3A_47 = tpu.memref_squeeze %dma_start3A_46 : memref<1x128xi32, #tpu.memory_space<hbm>> -> memref<128xi32, #tpu.memory_space<hbm>>
    %dma_start3A_48 = tpu.memref_slice %arg3[%dma_start3A_45, %mul3A_44] : memref<2x320000xi32, #tpu.memory_space<hbm>> -> memref<1x128xi32, #tpu.memory_space<hbm>>
    %dma_start3A_49 = tpu.memref_squeeze %dma_start3A_48 : memref<1x128xi32, #tpu.memory_space<hbm>> -> memref<128xi32, #tpu.memory_space<hbm>>
    tpu.enqueue_dma source(%dma_start3A_49 : memref<128xi32, #tpu.memory_space<hbm>>) target(%arg8 : memref<128xi32, #tpu.memory_space<vmem>>) target_semaphore(%arg26 : memref<!tpu.dma_semaphore, #tpu.memory_space<semaphore_mem>>)
    %dma_start3A_50 = arith.constant 1 : i32
    %dma_start3A_51 = tpu.memref_slice %arg3[%dma_start3A_50, %mul3A_44] : memref<2x320000xi32, #tpu.memory_space<hbm>> -> memref<1x128xi32, #tpu.memory_space<hbm>>
    %dma_start3A_52 = tpu.memref_squeeze %dma_start3A_51 : memref<1x128xi32, #tpu.memory_space<hbm>> -> memref<128xi32, #tpu.memory_space<hbm>>
    %dma_start3A_53 = tpu.memref_slice %arg3[%dma_start3A_50, %mul3A_44] : memref<2x320000xi32, #tpu.memory_space<hbm>> -> memref<1x128xi32, #tpu.memory_space<hbm>>
    %dma_start3A_54 = tpu.memref_squeeze %dma_start3A_53 : memref<1x128xi32, #tpu.memory_space<hbm>> -> memref<128xi32, #tpu.memory_space<hbm>>
    tpu.enqueue_dma source(%dma_start3A_54 : memref<128xi32, #tpu.memory_space<hbm>>) target(%arg12 : memref<128xi32, #tpu.memory_space<vmem>>) target_semaphore(%arg26 : memref<!tpu.dma_semaphore, #tpu.memory_space<semaphore_mem>>)
    %add3A_55 = arith.constant 96 : i32
    %add3A_56 = arith.addi %add3A_55, %add3A : i32
    %mul3A_57 = arith.constant 128 : i32
    %mul3A_58 = arith.muli %add3A_56, %mul3A_57 : i32
    %dma_start3A_59 = arith.constant 0 : i32
    %dma_start3A_60 = tpu.memref_slice %arg3[%dma_start3A_59, %mul3A_58] : memref<2x320000xi32, #tpu.memory_space<hbm>> -> memref<1x128xi32, #tpu.memory_space<hbm>>
    %dma_start3A_61 = tpu.memref_squeeze %dma_start3A_60 : memref<1x128xi32, #tpu.memory_space<hbm>> -> memref<128xi32, #tpu.memory_space<hbm>>
    %dma_start3A_62 = tpu.memref_slice %arg3[%dma_start3A_59, %mul3A_58] : memref<2x320000xi32, #tpu.memory_space<hbm>> -> memref<1x128xi32, #tpu.memory_space<hbm>>
    %dma_start3A_63 = tpu.memref_squeeze %dma_start3A_62 : memref<1x128xi32, #tpu.memory_space<hbm>> -> memref<128xi32, #tpu.memory_space<hbm>>
    tpu.enqueue_dma source(%dma_start3A_63 : memref<128xi32, #tpu.memory_space<hbm>>) target(%arg9 : memref<128xi32, #tpu.memory_space<vmem>>) target_semaphore(%arg27 : memref<!tpu.dma_semaphore, #tpu.memory_space<semaphore_mem>>)
    %dma_start3A_64 = arith.constant 1 : i32
    %dma_start3A_65 = tpu.memref_slice %arg3[%dma_start3A_64, %mul3A_58] : memref<2x320000xi32, #tpu.memory_space<hbm>> -> memref<1x128xi32, #tpu.memory_space<hbm>>
    %dma_start3A_66 = tpu.memref_squeeze %dma_start3A_65 : memref<1x128xi32, #tpu.memory_space<hbm>> -> memref<128xi32, #tpu.memory_space<hbm>>
    %dma_start3A_67 = tpu.memref_slice %arg3[%dma_start3A_64, %mul3A_58] : memref<2x320000xi32, #tpu.memory_space<hbm>> -> memref<1x128xi32, #tpu.memory_space<hbm>>
    %dma_start3A_68 = tpu.memref_squeeze %dma_start3A_67 : memref<1x128xi32, #tpu.memory_space<hbm>> -> memref<128xi32, #tpu.memory_space<hbm>>
    tpu.enqueue_dma source(%dma_start3A_68 : memref<128xi32, #tpu.memory_space<hbm>>) target(%arg13 : memref<128xi32, #tpu.memory_space<vmem>>) target_semaphore(%arg27 : memref<!tpu.dma_semaphore, #tpu.memory_space<semaphore_mem>>)
    %add3A_69 = arith.constant 0 : i32
    %add3A_70 = arith.addi %add3A_69, %add3A : i32
    %mul3A_71 = arith.constant 128 : i32
    %mul3A_72 = arith.muli %add3A_70, %mul3A_71 : i32
    %dma_wait3A = arith.constant 0 : i32
    %dma_wait3A_73 = tpu.memref_slice %arg3[%dma_wait3A, %mul3A_72] : memref<2x320000xi32, #tpu.memory_space<hbm>> -> memref<1x128xi32, #tpu.memory_space<hbm>>
    %dma_wait3A_74 = tpu.memref_squeeze %dma_wait3A_73 : memref<1x128xi32, #tpu.memory_space<hbm>> -> memref<128xi32, #tpu.memory_space<hbm>>
    %dma_wait3A_75 = tpu.memref_slice %arg3[%dma_wait3A, %mul3A_72] : memref<2x320000xi32, #tpu.memory_space<hbm>> -> memref<1x128xi32, #tpu.memory_space<hbm>>
    %dma_wait3A_76 = tpu.memref_squeeze %dma_wait3A_75 : memref<1x128xi32, #tpu.memory_space<hbm>> -> memref<128xi32, #tpu.memory_space<hbm>>
    tpu.wait_dma2 semaphore(%arg24 : memref<!tpu.dma_semaphore, #tpu.memory_space<semaphore_mem>>) src(%dma_wait3A_76 : memref<128xi32, #tpu.memory_space<hbm>>) dst(%arg6 : memref<128xi32, #tpu.memory_space<vmem>>)
    %dma_wait3A_77 = arith.constant 1 : i32
    %dma_wait3A_78 = tpu.memref_slice %arg3[%dma_wait3A_77, %mul3A_72] : memref<2x320000xi32, #tpu.memory_space<hbm>> -> memref<1x128xi32, #tpu.memory_space<hbm>>
    %dma_wait3A_79 = tpu.memref_squeeze %dma_wait3A_78 : memref<1x128xi32, #tpu.memory_space<hbm>> -> memref<128xi32, #tpu.memory_space<hbm>>
    %dma_wait3A_80 = tpu.memref_slice %arg3[%dma_wait3A_77, %mul3A_72] : memref<2x320000xi32, #tpu.memory_space<hbm>> -> memref<1x128xi32, #tpu.memory_space<hbm>>
    %dma_wait3A_81 = tpu.memref_squeeze %dma_wait3A_80 : memref<1x128xi32, #tpu.memory_space<hbm>> -> memref<128xi32, #tpu.memory_space<hbm>>
    tpu.wait_dma2 semaphore(%arg24 : memref<!tpu.dma_semaphore, #tpu.memory_space<semaphore_mem>>) src(%dma_wait3A_81 : memref<128xi32, #tpu.memory_space<hbm>>) dst(%arg10 : memref<128xi32, #tpu.memory_space<vmem>>)
    %dma_start3A_82 = arith.constant 0 : i32
    %dma_start3A_83 = arith.constant 0 : i32
    %dma_start3A_84 = tpu.memref_slice %arg2[%dma_start3A_82, %dma_start3A_83] : memref<10000x128xf32, #tpu.memory_space<hbm>> -> memref<10000x128xf32, #tpu.memory_space<hbm>>
    tpu.enqueue_indirect_dma source(%dma_start3A_84 : memref<10000x128xf32, #tpu.memory_space<hbm>>) target(%arg14 : memref<128x128xf32, #tpu.memory_space<vmem>>) offsets(%arg6 : memref<128xi32, #tpu.memory_space<vmem>>) semaphore(%arg18 : memref<!tpu.dma_semaphore, #tpu.memory_space<semaphore_mem>>)
    %add3A_85 = arith.constant 32 : i32
    %add3A_86 = arith.addi %add3A_85, %add3A : i32
    %mul3A_87 = arith.constant 128 : i32
    %mul3A_88 = arith.muli %add3A_86, %mul3A_87 : i32
    %dma_wait3A_89 = arith.constant 0 : i32
    %dma_wait3A_90 = tpu.memref_slice %arg3[%dma_wait3A_89, %mul3A_88] : memref<2x320000xi32, #tpu.memory_space<hbm>> -> memref<1x128xi32, #tpu.memory_space<hbm>>
    %dma_wait3A_91 = tpu.memref_squeeze %dma_wait3A_90 : memref<1x128xi32, #tpu.memory_space<hbm>> -> memref<128xi32, #tpu.memory_space<hbm>>
    %dma_wait3A_92 = tpu.memref_slice %arg3[%dma_wait3A_89, %mul3A_88] : memref<2x320000xi32, #tpu.memory_space<hbm>> -> memref<1x128xi32, #tpu.memory_space<hbm>>
    %dma_wait3A_93 = tpu.memref_squeeze %dma_wait3A_92 : memref<1x128xi32, #tpu.memory_space<hbm>> -> memref<128xi32, #tpu.memory_space<hbm>>
    tpu.wait_dma2 semaphore(%arg25 : memref<!tpu.dma_semaphore, #tpu.memory_space<semaphore_mem>>) src(%dma_wait3A_93 : memref<128xi32, #tpu.memory_space<hbm>>) dst(%arg7 : memref<128xi32, #tpu.memory_space<vmem>>)
    %dma_wait3A_94 = arith.constant 1 : i32
    %dma_wait3A_95 = tpu.memref_slice %arg3[%dma_wait3A_94, %mul3A_88] : memref<2x320000xi32, #tpu.memory_space<hbm>> -> memref<1x128xi32, #tpu.memory_space<hbm>>
    %dma_wait3A_96 = tpu.memref_squeeze %dma_wait3A_95 : memref<1x128xi32, #tpu.memory_space<hbm>> -> memref<128xi32, #tpu.memory_space<hbm>>
    %dma_wait3A_97 = tpu.memref_slice %arg3[%dma_wait3A_94, %mul3A_88] : memref<2x320000xi32, #tpu.memory_space<hbm>> -> memref<1x128xi32, #tpu.memory_space<hbm>>
    %dma_wait3A_98 = tpu.memref_squeeze %dma_wait3A_97 : memref<1x128xi32, #tpu.memory_space<hbm>> -> memref<128xi32, #tpu.memory_space<hbm>>
    tpu.wait_dma2 semaphore(%arg25 : memref<!tpu.dma_semaphore, #tpu.memory_space<semaphore_mem>>) src(%dma_wait3A_98 : memref<128xi32, #tpu.memory_space<hbm>>) dst(%arg11 : memref<128xi32, #tpu.memory_space<vmem>>)
    %dma_start3A_99 = arith.constant 0 : i32
    %dma_start3A_100 = arith.constant 0 : i32
    %dma_start3A_101 = tpu.memref_slice %arg2[%dma_start3A_99, %dma_start3A_100] : memref<10000x128xf32, #tpu.memory_space<hbm>> -> memref<10000x128xf32, #tpu.memory_space<hbm>>
    tpu.enqueue_indirect_dma source(%dma_start3A_101 : memref<10000x128xf32, #tpu.memory_space<hbm>>) target(%arg15 : memref<128x128xf32, #tpu.memory_space<vmem>>) offsets(%arg7 : memref<128xi32, #tpu.memory_space<vmem>>) semaphore(%arg19 : memref<!tpu.dma_semaphore, #tpu.memory_space<semaphore_mem>>)
    %barrier3A = arith.constant 0 : index
    tpu.barrier barrier_id(%barrier3A)
    %scan3A = arith.constant 0 : i32
    %scan3A_102 = arith.constant 0 : i32
    %scan3A_103 = arith.constant 7 : i32
    %scan3A_104 = arith.addi %scan3A_102, %scan3A_103 : i32
    %scan3A_105 = arith.constant 1 : i32
    scf.for %scan3A_127 = %scan3A_102 to %scan3A_104 step %scan3A_105  : i32 {
      %mul3A_128 = arith.constant 12 : i32
      %mul3A_129 = arith.muli %mul3A_128, %scan3A_127 : i32
      %add3A_130 = arith.constant 0 : i32
      %add3A_131 = arith.addi %mul3A_129, %add3A_130 : i32
      %lt3A_132 = arith.cmpi slt, %add3A_131, %add3A_6 : i32
      %convert_element_type3A_133 = arith.extui %lt3A_132 : i1 to i32
      %cond3A_134 = arith.constant 0 : i32
      %cond3A_135 = arith.cmpi ne, %convert_element_type3A_133, %cond3A_134 : i32
      scf.if %cond3A_135 {
        %dma_wait3A_224 = arith.constant 0 : i32
        %dma_wait3A_225 = arith.constant 0 : i32
        %dma_wait3A_226 = tpu.memref_slice %arg2[%dma_wait3A_224, %dma_wait3A_225] : memref<10000x128xf32, #tpu.memory_space<hbm>> -> memref<10000x128xf32, #tpu.memory_space<hbm>>
        tpu.wait_indirect_dma semaphore(%arg18 : memref<!tpu.dma_semaphore, #tpu.memory_space<semaphore_mem>>) src(%dma_wait3A_226 : memref<10000x128xf32, #tpu.memory_space<hbm>>) dst(%arg14 : memref<128x128xf32, #tpu.memory_space<vmem>>)
        %dma_start3A_227 = arith.constant 0 : i32
        %dma_start3A_228 = arith.constant 0 : i32
        %dma_start3A_229 = tpu.memref_slice %arg17[%dma_start3A_227, %dma_start3A_228] : memref<10000x128xf32, #tpu.memory_space<vmem_shared>> -> memref<10000x128xf32, #tpu.memory_space<vmem_shared>>
        tpu.enqueue_indirect_dma source(%arg14 : memref<128x128xf32, #tpu.memory_space<vmem>>) target(%dma_start3A_229 : memref<10000x128xf32, #tpu.memory_space<vmem_shared>>) offsets(%arg10 : memref<128xi32, #tpu.memory_space<vmem>>) semaphore(%arg21 : memref<!tpu.dma_semaphore, #tpu.memory_space<semaphore_mem>>) {add = true}
        %add3A_230 = arith.constant 2 : i32
        %add3A_231 = arith.addi %add3A_131, %add3A_230 : i32
        %lt3A_232 = arith.cmpi slt, %add3A_231, %add3A_6 : i32
        %convert_element_type3A_233 = arith.extui %lt3A_232 : i1 to i32
        %cond3A_234 = arith.constant 0 : i32
        %cond3A_235 = arith.cmpi ne, %convert_element_type3A_233, %cond3A_234 : i32
        scf.if %cond3A_235 {
          %ge3A = arith.constant 1 : i32
          %ge3A_236 = arith.cmpi sge, %add3A_131, %ge3A : i32
          %convert_element_type3A_237 = arith.extui %ge3A_236 : i1 to i32
          %cond3A_238 = arith.constant 0 : i32
          %cond3A_239 = arith.cmpi ne, %convert_element_type3A_237, %cond3A_238 : i32
          scf.if %cond3A_239 {
            %dma_wait3A_260 = arith.constant 0 : i32
            %dma_wait3A_261 = arith.constant 0 : i32
            %dma_wait3A_262 = tpu.memref_slice %arg17[%dma_wait3A_260, %dma_wait3A_261] : memref<10000x128xf32, #tpu.memory_space<vmem_shared>> -> memref<10000x128xf32, #tpu.memory_space<vmem_shared>>
            tpu.wait_indirect_dma semaphore(%arg23 : memref<!tpu.dma_semaphore, #tpu.memory_space<semaphore_mem>>) src(%arg16 : memref<128x128xf32, #tpu.memory_space<vmem>>) dst(%dma_wait3A_262 : memref<10000x128xf32, #tpu.memory_space<vmem_shared>>)
            %add3A_263 = arith.constant 3 : i32
            %add3A_264 = arith.addi %add3A_131, %add3A_263 : i32
            %lt3A_265 = arith.cmpi slt, %add3A_264, %add3A_6 : i32
            %convert_element_type3A_266 = arith.extui %lt3A_265 : i1 to i32
            %cond3A_267 = arith.constant 0 : i32
            %cond3A_268 = arith.cmpi ne, %convert_element_type3A_266, %cond3A_267 : i32
            scf.if %cond3A_268 {
              %add3A_269 = arith.constant 3 : i32
              %add3A_270 = arith.addi %add3A_131, %add3A_269 : i32
              %mul3A_271 = arith.constant 32 : i32
              %mul3A_272 = arith.muli %add3A_270, %mul3A_271 : i32
              %add3A_273 = arith.addi %mul3A_272, %add3A : i32
              %mul3A_274 = arith.constant 128 : i32
              %mul3A_275 = arith.muli %add3A_273, %mul3A_274 : i32
              %dma_start3A_276 = arith.constant 0 : i32
              %dma_start3A_277 = tpu.memref_slice %arg3[%dma_start3A_276, %mul3A_275] : memref<2x320000xi32, #tpu.memory_space<hbm>> -> memref<1x128xi32, #tpu.memory_space<hbm>>
              %dma_start3A_278 = tpu.memref_squeeze %dma_start3A_277 : memref<1x128xi32, #tpu.memory_space<hbm>> -> memref<128xi32, #tpu.memory_space<hbm>>
              %dma_start3A_279 = tpu.memref_slice %arg3[%dma_start3A_276, %mul3A_275] : memref<2x320000xi32, #tpu.memory_space<hbm>> -> memref<1x128xi32, #tpu.memory_space<hbm>>
              %dma_start3A_280 = tpu.memref_squeeze %dma_start3A_279 : memref<1x128xi32, #tpu.memory_space<hbm>> -> memref<128xi32, #tpu.memory_space<hbm>>
              tpu.enqueue_dma source(%dma_start3A_280 : memref<128xi32, #tpu.memory_space<hbm>>) target(%arg9 : memref<128xi32, #tpu.memory_space<vmem>>) target_semaphore(%arg27 : memref<!tpu.dma_semaphore, #tpu.memory_space<semaphore_mem>>)
              %dma_start3A_281 = arith.constant 1 : i32
              %dma_start3A_282 = tpu.memref_slice %arg3[%dma_start3A_281, %mul3A_275] : memref<2x320000xi32, #tpu.memory_space<hbm>> -> memref<1x128xi32, #tpu.memory_space<hbm>>
              %dma_start3A_283 = tpu.memref_squeeze %dma_start3A_282 : memref<1x128xi32, #tpu.memory_space<hbm>> -> memref<128xi32, #tpu.memory_space<hbm>>
              %dma_start3A_284 = tpu.memref_slice %arg3[%dma_start3A_281, %mul3A_275] : memref<2x320000xi32, #tpu.memory_space<hbm>> -> memref<1x128xi32, #tpu.memory_space<hbm>>
              %dma_start3A_285 = tpu.memref_squeeze %dma_start3A_284 : memref<1x128xi32, #tpu.memory_space<hbm>> -> memref<128xi32, #tpu.memory_space<hbm>>
              tpu.enqueue_dma source(%dma_start3A_285 : memref<128xi32, #tpu.memory_space<hbm>>) target(%arg13 : memref<128xi32, #tpu.memory_space<vmem>>) target_semaphore(%arg27 : memref<!tpu.dma_semaphore, #tpu.memory_space<semaphore_mem>>)
            } else {
            }
          } else {
          }
          %add3A_240 = arith.constant 2 : i32
          %add3A_241 = arith.addi %add3A_131, %add3A_240 : i32
          %mul3A_242 = arith.constant 32 : i32
          %mul3A_243 = arith.muli %add3A_241, %mul3A_242 : i32
          %add3A_244 = arith.addi %mul3A_243, %add3A : i32
          %mul3A_245 = arith.constant 128 : i32
          %mul3A_246 = arith.muli %add3A_244, %mul3A_245 : i32
          %dma_wait3A_247 = arith.constant 0 : i32
          %dma_wait3A_248 = tpu.memref_slice %arg3[%dma_wait3A_247, %mul3A_246] : memref<2x320000xi32, #tpu.memory_space<hbm>> -> memref<1x128xi32, #tpu.memory_space<hbm>>
          %dma_wait3A_249 = tpu.memref_squeeze %dma_wait3A_248 : memref<1x128xi32, #tpu.memory_space<hbm>> -> memref<128xi32, #tpu.memory_space<hbm>>
          %dma_wait3A_250 = tpu.memref_slice %arg3[%dma_wait3A_247, %mul3A_246] : memref<2x320000xi32, #tpu.memory_space<hbm>> -> memref<1x128xi32, #tpu.memory_space<hbm>>
          %dma_wait3A_251 = tpu.memref_squeeze %dma_wait3A_250 : memref<1x128xi32, #tpu.memory_space<hbm>> -> memref<128xi32, #tpu.memory_space<hbm>>
          tpu.wait_dma2 semaphore(%arg26 : memref<!tpu.dma_semaphore, #tpu.memory_space<semaphore_mem>>) src(%dma_wait3A_251 : memref<128xi32, #tpu.memory_space<hbm>>) dst(%arg8 : memref<128xi32, #tpu.memory_space<vmem>>)
          %dma_wait3A_252 = arith.constant 1 : i32
          %dma_wait3A_253 = tpu.memref_slice %arg3[%dma_wait3A_252, %mul3A_246] : memref<2x320000xi32, #tpu.memory_space<hbm>> -> memref<1x128xi32, #tpu.memory_space<hbm>>
          %dma_wait3A_254 = tpu.memref_squeeze %dma_wait3A_253 : memref<1x128xi32, #tpu.memory_space<hbm>> -> memref<128xi32, #tpu.memory_space<hbm>>
          %dma_wait3A_255 = tpu.memref_slice %arg3[%dma_wait3A_252, %mul3A_246] : memref<2x320000xi32, #tpu.memory_space<hbm>> -> memref<1x128xi32, #tpu.memory_space<hbm>>
          %dma_wait3A_256 = tpu.memref_squeeze %dma_wait3A_255 : memref<1x128xi32, #tpu.memory_space<hbm>> -> memref<128xi32, #tpu.memory_space<hbm>>
          tpu.wait_dma2 semaphore(%arg26 : memref<!tpu.dma_semaphore, #tpu.memory_space<semaphore_mem>>) src(%dma_wait3A_256 : memref<128xi32, #tpu.memory_space<hbm>>) dst(%arg12 : memref<128xi32, #tpu.memory_space<vmem>>)
          %dma_start3A_257 = arith.constant 0 : i32
          %dma_start3A_258 = arith.constant 0 : i32
          %dma_start3A_259 = tpu.memref_slice %arg2[%dma_start3A_257, %dma_start3A_258] : memref<10000x128xf32, #tpu.memory_space<hbm>> -> memref<10000x128xf32, #tpu.memory_space<hbm>>
          tpu.enqueue_indirect_dma source(%dma_start3A_259 : memref<10000x128xf32, #tpu.memory_space<hbm>>) target(%arg16 : memref<128x128xf32, #tpu.memory_space<vmem>>) offsets(%arg8 : memref<128xi32, #tpu.memory_space<vmem>>) semaphore(%arg20 : memref<!tpu.dma_semaphore, #tpu.memory_space<semaphore_mem>>)
        } else {
        }
      } else {
      }
      %mul3A_136 = arith.constant 12 : i32
      %mul3A_137 = arith.muli %mul3A_136, %scan3A_127 : i32
      %add3A_138 = arith.constant 1 : i32
      %add3A_139 = arith.addi %mul3A_137, %add3A_138 : i32
      %lt3A_140 = arith.cmpi slt, %add3A_139, %add3A_6 : i32
      %convert_element_type3A_141 = arith.extui %lt3A_140 : i1 to i32
      %cond3A_142 = arith.constant 0 : i32
      %cond3A_143 = arith.cmpi ne, %convert_element_type3A_141, %cond3A_142 : i32
      scf.if %cond3A_143 {
        %dma_wait3A_224 = arith.constant 0 : i32
        %dma_wait3A_225 = arith.constant 0 : i32
        %dma_wait3A_226 = tpu.memref_slice %arg2[%dma_wait3A_224, %dma_wait3A_225] : memref<10000x128xf32, #tpu.memory_space<hbm>> -> memref<10000x128xf32, #tpu.memory_space<hbm>>
        tpu.wait_indirect_dma semaphore(%arg19 : memref<!tpu.dma_semaphore, #tpu.memory_space<semaphore_mem>>) src(%dma_wait3A_226 : memref<10000x128xf32, #tpu.memory_space<hbm>>) dst(%arg15 : memref<128x128xf32, #tpu.memory_space<vmem>>)
        %dma_start3A_227 = arith.constant 0 : i32
        %dma_start3A_228 = arith.constant 0 : i32
        %dma_start3A_229 = tpu.memref_slice %arg17[%dma_start3A_227, %dma_start3A_228] : memref<10000x128xf32, #tpu.memory_space<vmem_shared>> -> memref<10000x128xf32, #tpu.memory_space<vmem_shared>>
        tpu.enqueue_indirect_dma source(%arg15 : memref<128x128xf32, #tpu.memory_space<vmem>>) target(%dma_start3A_229 : memref<10000x128xf32, #tpu.memory_space<vmem_shared>>) offsets(%arg11 : memref<128xi32, #tpu.memory_space<vmem>>) semaphore(%arg22 : memref<!tpu.dma_semaphore, #tpu.memory_space<semaphore_mem>>) {add = true}
        %add3A_230 = arith.constant 2 : i32
        %add3A_231 = arith.addi %add3A_139, %add3A_230 : i32
        %lt3A_232 = arith.cmpi slt, %add3A_231, %add3A_6 : i32
        %convert_element_type3A_233 = arith.extui %lt3A_232 : i1 to i32
        %cond3A_234 = arith.constant 0 : i32
        %cond3A_235 = arith.cmpi ne, %convert_element_type3A_233, %cond3A_234 : i32
        scf.if %cond3A_235 {
          %ge3A = arith.constant 1 : i32
          %ge3A_236 = arith.cmpi sge, %add3A_139, %ge3A : i32
          %convert_element_type3A_237 = arith.extui %ge3A_236 : i1 to i32
          %cond3A_238 = arith.constant 0 : i32
          %cond3A_239 = arith.cmpi ne, %convert_element_type3A_237, %cond3A_238 : i32
          scf.if %cond3A_239 {
            %dma_wait3A_260 = arith.constant 0 : i32
            %dma_wait3A_261 = arith.constant 0 : i32
            %dma_wait3A_262 = tpu.memref_slice %arg17[%dma_wait3A_260, %dma_wait3A_261] : memref<10000x128xf32, #tpu.memory_space<vmem_shared>> -> memref<10000x128xf32, #tpu.memory_space<vmem_shared>>
            tpu.wait_indirect_dma semaphore(%arg21 : memref<!tpu.dma_semaphore, #tpu.memory_space<semaphore_mem>>) src(%arg14 : memref<128x128xf32, #tpu.memory_space<vmem>>) dst(%dma_wait3A_262 : memref<10000x128xf32, #tpu.memory_space<vmem_shared>>)
            %add3A_263 = arith.constant 3 : i32
            %add3A_264 = arith.addi %add3A_139, %add3A_263 : i32
            %lt3A_265 = arith.cmpi slt, %add3A_264, %add3A_6 : i32
            %convert_element_type3A_266 = arith.extui %lt3A_265 : i1 to i32
            %cond3A_267 = arith.constant 0 : i32
            %cond3A_268 = arith.cmpi ne, %convert_element_type3A_266, %cond3A_267 : i32
            scf.if %cond3A_268 {
              %add3A_269 = arith.constant 3 : i32
              %add3A_270 = arith.addi %add3A_139, %add3A_269 : i32
              %mul3A_271 = arith.constant 32 : i32
              %mul3A_272 = arith.muli %add3A_270, %mul3A_271 : i32
              %add3A_273 = arith.addi %mul3A_272, %add3A : i32
              %mul3A_274 = arith.constant 128 : i32
              %mul3A_275 = arith.muli %add3A_273, %mul3A_274 : i32
              %dma_start3A_276 = arith.constant 0 : i32
              %dma_start3A_277 = tpu.memref_slice %arg3[%dma_start3A_276, %mul3A_275] : memref<2x320000xi32, #tpu.memory_space<hbm>> -> memref<1x128xi32, #tpu.memory_space<hbm>>
              %dma_start3A_278 = tpu.memref_squeeze %dma_start3A_277 : memref<1x128xi32, #tpu.memory_space<hbm>> -> memref<128xi32, #tpu.memory_space<hbm>>
              %dma_start3A_279 = tpu.memref_slice %arg3[%dma_start3A_276, %mul3A_275] : memref<2x320000xi32, #tpu.memory_space<hbm>> -> memref<1x128xi32, #tpu.memory_space<hbm>>
              %dma_start3A_280 = tpu.memref_squeeze %dma_start3A_279 : memref<1x128xi32, #tpu.memory_space<hbm>> -> memref<128xi32, #tpu.memory_space<hbm>>
              tpu.enqueue_dma source(%dma_start3A_280 : memref<128xi32, #tpu.memory_space<hbm>>) target(%arg6 : memref<128xi32, #tpu.memory_space<vmem>>) target_semaphore(%arg24 : memref<!tpu.dma_semaphore, #tpu.memory_space<semaphore_mem>>)
              %dma_start3A_281 = arith.constant 1 : i32
              %dma_start3A_282 = tpu.memref_slice %arg3[%dma_start3A_281, %mul3A_275] : memref<2x320000xi32, #tpu.memory_space<hbm>> -> memref<1x128xi32, #tpu.memory_space<hbm>>
              %dma_start3A_283 = tpu.memref_squeeze %dma_start3A_282 : memref<1x128xi32, #tpu.memory_space<hbm>> -> memref<128xi32, #tpu.memory_space<hbm>>
              %dma_start3A_284 = tpu.memref_slice %arg3[%dma_start3A_281, %mul3A_275] : memref<2x320000xi32, #tpu.memory_space<hbm>> -> memref<1x128xi32, #tpu.memory_space<hbm>>
              %dma_start3A_285 = tpu.memref_squeeze %dma_start3A_284 : memref<1x128xi32, #tpu.memory_space<hbm>> -> memref<128xi32, #tpu.memory_space<hbm>>
              tpu.enqueue_dma source(%dma_start3A_285 : memref<128xi32, #tpu.memory_space<hbm>>) target(%arg10 : memref<128xi32, #tpu.memory_space<vmem>>) target_semaphore(%arg24 : memref<!tpu.dma_semaphore, #tpu.memory_space<semaphore_mem>>)
            } else {
            }
          } else {
          }
          %add3A_240 = arith.constant 2 : i32
          %add3A_241 = arith.addi %add3A_139, %add3A_240 : i32
          %mul3A_242 = arith.constant 32 : i32
          %mul3A_243 = arith.muli %add3A_241, %mul3A_242 : i32
          %add3A_244 = arith.addi %mul3A_243, %add3A : i32
          %mul3A_245 = arith.constant 128 : i32
          %mul3A_246 = arith.muli %add3A_244, %mul3A_245 : i32
          %dma_wait3A_247 = arith.constant 0 : i32
          %dma_wait3A_248 = tpu.memref_slice %arg3[%dma_wait3A_247, %mul3A_246] : memref<2x320000xi32, #tpu.memory_space<hbm>> -> memref<1x128xi32, #tpu.memory_space<hbm>>
          %dma_wait3A_249 = tpu.memref_squeeze %dma_wait3A_248 : memref<1x128xi32, #tpu.memory_space<hbm>> -> memref<128xi32, #tpu.memory_space<hbm>>
          %dma_wait3A_250 = tpu.memref_slice %arg3[%dma_wait3A_247, %mul3A_246] : memref<2x320000xi32, #tpu.memory_space<hbm>> -> memref<1x128xi32, #tpu.memory_space<hbm>>
          %dma_wait3A_251 = tpu.memref_squeeze %dma_wait3A_250 : memref<1x128xi32, #tpu.memory_space<hbm>> -> memref<128xi32, #tpu.memory_space<hbm>>
          tpu.wait_dma2 semaphore(%arg27 : memref<!tpu.dma_semaphore, #tpu.memory_space<semaphore_mem>>) src(%dma_wait3A_251 : memref<128xi32, #tpu.memory_space<hbm>>) dst(%arg9 : memref<128xi32, #tpu.memory_space<vmem>>)
          %dma_wait3A_252 = arith.constant 1 : i32
          %dma_wait3A_253 = tpu.memref_slice %arg3[%dma_wait3A_252, %mul3A_246] : memref<2x320000xi32, #tpu.memory_space<hbm>> -> memref<1x128xi32, #tpu.memory_space<hbm>>
          %dma_wait3A_254 = tpu.memref_squeeze %dma_wait3A_253 : memref<1x128xi32, #tpu.memory_space<hbm>> -> memref<128xi32, #tpu.memory_space<hbm>>
          %dma_wait3A_255 = tpu.memref_slice %arg3[%dma_wait3A_252, %mul3A_246] : memref<2x320000xi32, #tpu.memory_space<hbm>> -> memref<1x128xi32, #tpu.memory_space<hbm>>
          %dma_wait3A_256 = tpu.memref_squeeze %dma_wait3A_255 : memref<1x128xi32, #tpu.memory_space<hbm>> -> memref<128xi32, #tpu.memory_space<hbm>>
          tpu.wait_dma2 semaphore(%arg27 : memref<!tpu.dma_semaphore, #tpu.memory_space<semaphore_mem>>) src(%dma_wait3A_256 : memref<128xi32, #tpu.memory_space<hbm>>) dst(%arg13 : memref<128xi32, #tpu.memory_space<vmem>>)
          %dma_start3A_257 = arith.constant 0 : i32
          %dma_start3A_258 = arith.constant 0 : i32
          %dma_start3A_259 = tpu.memref_slice %arg2[%dma_start3A_257, %dma_start3A_258] : memref<10000x128xf32, #tpu.memory_space<hbm>> -> memref<10000x128xf32, #tpu.memory_space<hbm>>
          tpu.enqueue_indirect_dma source(%dma_start3A_259 : memref<10000x128xf32, #tpu.memory_space<hbm>>) target(%arg14 : memref<128x128xf32, #tpu.memory_space<vmem>>) offsets(%arg9 : memref<128xi32, #tpu.memory_space<vmem>>) semaphore(%arg18 : memref<!tpu.dma_semaphore, #tpu.memory_space<semaphore_mem>>)
        } else {
        }
      } else {
      }
      %mul3A_144 = arith.constant 12 : i32
      %mul3A_145 = arith.muli %mul3A_144, %scan3A_127 : i32
      %add3A_146 = arith.constant 2 : i32
      %add3A_147 = arith.addi %mul3A_145, %add3A_146 : i32
      %lt3A_148 = arith.cmpi slt, %add3A_147, %add3A_6 : i32
      %convert_element_type3A_149 = arith.extui %lt3A_148 : i1 to i32
      %cond3A_150 = arith.constant 0 : i32
      %cond3A_151 = arith.cmpi ne, %convert_element_type3A_149, %cond3A_150 : i32
      scf.if %cond3A_151 {
        %dma_wait3A_224 = arith.constant 0 : i32
        %dma_wait3A_225 = arith.constant 0 : i32
        %dma_wait3A_226 = tpu.memref_slice %arg2[%dma_wait3A_224, %dma_wait3A_225] : memref<10000x128xf32, #tpu.memory_space<hbm>> -> memref<10000x128xf32, #tpu.memory_space<hbm>>
        tpu.wait_indirect_dma semaphore(%arg20 : memref<!tpu.dma_semaphore, #tpu.memory_space<semaphore_mem>>) src(%dma_wait3A_226 : memref<10000x128xf32, #tpu.memory_space<hbm>>) dst(%arg16 : memref<128x128xf32, #tpu.memory_space<vmem>>)
        %dma_start3A_227 = arith.constant 0 : i32
        %dma_start3A_228 = arith.constant 0 : i32
        %dma_start3A_229 = tpu.memref_slice %arg17[%dma_start3A_227, %dma_start3A_228] : memref<10000x128xf32, #tpu.memory_space<vmem_shared>> -> memref<10000x128xf32, #tpu.memory_space<vmem_shared>>
        tpu.enqueue_indirect_dma source(%arg16 : memref<128x128xf32, #tpu.memory_space<vmem>>) target(%dma_start3A_229 : memref<10000x128xf32, #tpu.memory_space<vmem_shared>>) offsets(%arg12 : memref<128xi32, #tpu.memory_space<vmem>>) semaphore(%arg23 : memref<!tpu.dma_semaphore, #tpu.memory_space<semaphore_mem>>) {add = true}
        %add3A_230 = arith.constant 2 : i32
        %add3A_231 = arith.addi %add3A_147, %add3A_230 : i32
        %lt3A_232 = arith.cmpi slt, %add3A_231, %add3A_6 : i32
        %convert_element_type3A_233 = arith.extui %lt3A_232 : i1 to i32
        %cond3A_234 = arith.constant 0 : i32
        %cond3A_235 = arith.cmpi ne, %convert_element_type3A_233, %cond3A_234 : i32
        scf.if %cond3A_235 {
          %ge3A = arith.constant 1 : i32
          %ge3A_236 = arith.cmpi sge, %add3A_147, %ge3A : i32
          %convert_element_type3A_237 = arith.extui %ge3A_236 : i1 to i32
          %cond3A_238 = arith.constant 0 : i32
          %cond3A_239 = arith.cmpi ne, %convert_element_type3A_237, %cond3A_238 : i32
          scf.if %cond3A_239 {
            %dma_wait3A_260 = arith.constant 0 : i32
            %dma_wait3A_261 = arith.constant 0 : i32
            %dma_wait3A_262 = tpu.memref_slice %arg17[%dma_wait3A_260, %dma_wait3A_261] : memref<10000x128xf32, #tpu.memory_space<vmem_shared>> -> memref<10000x128xf32, #tpu.memory_space<vmem_shared>>
            tpu.wait_indirect_dma semaphore(%arg22 : memref<!tpu.dma_semaphore, #tpu.memory_space<semaphore_mem>>) src(%arg15 : memref<128x128xf32, #tpu.memory_space<vmem>>) dst(%dma_wait3A_262 : memref<10000x128xf32, #tpu.memory_space<vmem_shared>>)
            %add3A_263 = arith.constant 3 : i32
            %add3A_264 = arith.addi %add3A_147, %add3A_263 : i32
            %lt3A_265 = arith.cmpi slt, %add3A_264, %add3A_6 : i32
            %convert_element_type3A_266 = arith.extui %lt3A_265 : i1 to i32
            %cond3A_267 = arith.constant 0 : i32
            %cond3A_268 = arith.cmpi ne, %convert_element_type3A_266, %cond3A_267 : i32
            scf.if %cond3A_268 {
              %add3A_269 = arith.constant 3 : i32
              %add3A_270 = arith.addi %add3A_147, %add3A_269 : i32
              %mul3A_271 = arith.constant 32 : i32
              %mul3A_272 = arith.muli %add3A_270, %mul3A_271 : i32
              %add3A_273 = arith.addi %mul3A_272, %add3A : i32
              %mul3A_274 = arith.constant 128 : i32
              %mul3A_275 = arith.muli %add3A_273, %mul3A_274 : i32
              %dma_start3A_276 = arith.constant 0 : i32
              %dma_start3A_277 = tpu.memref_slice %arg3[%dma_start3A_276, %mul3A_275] : memref<2x320000xi32, #tpu.memory_space<hbm>> -> memref<1x128xi32, #tpu.memory_space<hbm>>
              %dma_start3A_278 = tpu.memref_squeeze %dma_start3A_277 : memref<1x128xi32, #tpu.memory_space<hbm>> -> memref<128xi32, #tpu.memory_space<hbm>>
              %dma_start3A_279 = tpu.memref_slice %arg3[%dma_start3A_276, %mul3A_275] : memref<2x320000xi32, #tpu.memory_space<hbm>> -> memref<1x128xi32, #tpu.memory_space<hbm>>
              %dma_start3A_280 = tpu.memref_squeeze %dma_start3A_279 : memref<1x128xi32, #tpu.memory_space<hbm>> -> memref<128xi32, #tpu.memory_space<hbm>>
              tpu.enqueue_dma source(%dma_start3A_280 : memref<128xi32, #tpu.memory_space<hbm>>) target(%arg7 : memref<128xi32, #tpu.memory_space<vmem>>) target_semaphore(%arg25 : memref<!tpu.dma_semaphore, #tpu.memory_space<semaphore_mem>>)
              %dma_start3A_281 = arith.constant 1 : i32
              %dma_start3A_282 = tpu.memref_slice %arg3[%dma_start3A_281, %mul3A_275] : memref<2x320000xi32, #tpu.memory_space<hbm>> -> memref<1x128xi32, #tpu.memory_space<hbm>>
              %dma_start3A_283 = tpu.memref_squeeze %dma_start3A_282 : memref<1x128xi32, #tpu.memory_space<hbm>> -> memref<128xi32, #tpu.memory_space<hbm>>
              %dma_start3A_284 = tpu.memref_slice %arg3[%dma_start3A_281, %mul3A_275] : memref<2x320000xi32, #tpu.memory_space<hbm>> -> memref<1x128xi32, #tpu.memory_space<hbm>>
              %dma_start3A_285 = tpu.memref_squeeze %dma_start3A_284 : memref<1x128xi32, #tpu.memory_space<hbm>> -> memref<128xi32, #tpu.memory_space<hbm>>
              tpu.enqueue_dma source(%dma_start3A_285 : memref<128xi32, #tpu.memory_space<hbm>>) target(%arg11 : memref<128xi32, #tpu.memory_space<vmem>>) target_semaphore(%arg25 : memref<!tpu.dma_semaphore, #tpu.memory_space<semaphore_mem>>)
            } else {
            }
          } else {
          }
          %add3A_240 = arith.constant 2 : i32
          %add3A_241 = arith.addi %add3A_147, %add3A_240 : i32
          %mul3A_242 = arith.constant 32 : i32
          %mul3A_243 = arith.muli %add3A_241, %mul3A_242 : i32
          %add3A_244 = arith.addi %mul3A_243, %add3A : i32
          %mul3A_245 = arith.constant 128 : i32
          %mul3A_246 = arith.muli %add3A_244, %mul3A_245 : i32
          %dma_wait3A_247 = arith.constant 0 : i32
          %dma_wait3A_248 = tpu.memref_slice %arg3[%dma_wait3A_247, %mul3A_246] : memref<2x320000xi32, #tpu.memory_space<hbm>> -> memref<1x128xi32, #tpu.memory_space<hbm>>
          %dma_wait3A_249 = tpu.memref_squeeze %dma_wait3A_248 : memref<1x128xi32, #tpu.memory_space<hbm>> -> memref<128xi32, #tpu.memory_space<hbm>>
          %dma_wait3A_250 = tpu.memref_slice %arg3[%dma_wait3A_247, %mul3A_246] : memref<2x320000xi32, #tpu.memory_space<hbm>> -> memref<1x128xi32, #tpu.memory_space<hbm>>
          %dma_wait3A_251 = tpu.memref_squeeze %dma_wait3A_250 : memref<1x128xi32, #tpu.memory_space<hbm>> -> memref<128xi32, #tpu.memory_space<hbm>>
          tpu.wait_dma2 semaphore(%arg24 : memref<!tpu.dma_semaphore, #tpu.memory_space<semaphore_mem>>) src(%dma_wait3A_251 : memref<128xi32, #tpu.memory_space<hbm>>) dst(%arg6 : memref<128xi32, #tpu.memory_space<vmem>>)
          %dma_wait3A_252 = arith.constant 1 : i32
          %dma_wait3A_253 = tpu.memref_slice %arg3[%dma_wait3A_252, %mul3A_246] : memref<2x320000xi32, #tpu.memory_space<hbm>> -> memref<1x128xi32, #tpu.memory_space<hbm>>
          %dma_wait3A_254 = tpu.memref_squeeze %dma_wait3A_253 : memref<1x128xi32, #tpu.memory_space<hbm>> -> memref<128xi32, #tpu.memory_space<hbm>>
          %dma_wait3A_255 = tpu.memref_slice %arg3[%dma_wait3A_252, %mul3A_246] : memref<2x320000xi32, #tpu.memory_space<hbm>> -> memref<1x128xi32, #tpu.memory_space<hbm>>
          %dma_wait3A_256 = tpu.memref_squeeze %dma_wait3A_255 : memref<1x128xi32, #tpu.memory_space<hbm>> -> memref<128xi32, #tpu.memory_space<hbm>>
          tpu.wait_dma2 semaphore(%arg24 : memref<!tpu.dma_semaphore, #tpu.memory_space<semaphore_mem>>) src(%dma_wait3A_256 : memref<128xi32, #tpu.memory_space<hbm>>) dst(%arg10 : memref<128xi32, #tpu.memory_space<vmem>>)
          %dma_start3A_257 = arith.constant 0 : i32
          %dma_start3A_258 = arith.constant 0 : i32
          %dma_start3A_259 = tpu.memref_slice %arg2[%dma_start3A_257, %dma_start3A_258] : memref<10000x128xf32, #tpu.memory_space<hbm>> -> memref<10000x128xf32, #tpu.memory_space<hbm>>
          tpu.enqueue_indirect_dma source(%dma_start3A_259 : memref<10000x128xf32, #tpu.memory_space<hbm>>) target(%arg15 : memref<128x128xf32, #tpu.memory_space<vmem>>) offsets(%arg6 : memref<128xi32, #tpu.memory_space<vmem>>) semaphore(%arg19 : memref<!tpu.dma_semaphore, #tpu.memory_space<semaphore_mem>>)
        } else {
        }
      } else {
      }
      %mul3A_152 = arith.constant 12 : i32
      %mul3A_153 = arith.muli %mul3A_152, %scan3A_127 : i32
      %add3A_154 = arith.constant 3 : i32
      %add3A_155 = arith.addi %mul3A_153, %add3A_154 : i32
      %lt3A_156 = arith.cmpi slt, %add3A_155, %add3A_6 : i32
      %convert_element_type3A_157 = arith.extui %lt3A_156 : i1 to i32
      %cond3A_158 = arith.constant 0 : i32
      %cond3A_159 = arith.cmpi ne, %convert_element_type3A_157, %cond3A_158 : i32
      scf.if %cond3A_159 {
        %dma_wait3A_224 = arith.constant 0 : i32
        %dma_wait3A_225 = arith.constant 0 : i32
        %dma_wait3A_226 = tpu.memref_slice %arg2[%dma_wait3A_224, %dma_wait3A_225] : memref<10000x128xf32, #tpu.memory_space<hbm>> -> memref<10000x128xf32, #tpu.memory_space<hbm>>
        tpu.wait_indirect_dma semaphore(%arg18 : memref<!tpu.dma_semaphore, #tpu.memory_space<semaphore_mem>>) src(%dma_wait3A_226 : memref<10000x128xf32, #tpu.memory_space<hbm>>) dst(%arg14 : memref<128x128xf32, #tpu.memory_space<vmem>>)
        %dma_start3A_227 = arith.constant 0 : i32
        %dma_start3A_228 = arith.constant 0 : i32
        %dma_start3A_229 = tpu.memref_slice %arg17[%dma_start3A_227, %dma_start3A_228] : memref<10000x128xf32, #tpu.memory_space<vmem_shared>> -> memref<10000x128xf32, #tpu.memory_space<vmem_shared>>
        tpu.enqueue_indirect_dma source(%arg14 : memref<128x128xf32, #tpu.memory_space<vmem>>) target(%dma_start3A_229 : memref<10000x128xf32, #tpu.memory_space<vmem_shared>>) offsets(%arg13 : memref<128xi32, #tpu.memory_space<vmem>>) semaphore(%arg21 : memref<!tpu.dma_semaphore, #tpu.memory_space<semaphore_mem>>) {add = true}
        %add3A_230 = arith.constant 2 : i32
        %add3A_231 = arith.addi %add3A_155, %add3A_230 : i32
        %lt3A_232 = arith.cmpi slt, %add3A_231, %add3A_6 : i32
        %convert_element_type3A_233 = arith.extui %lt3A_232 : i1 to i32
        %cond3A_234 = arith.constant 0 : i32
        %cond3A_235 = arith.cmpi ne, %convert_element_type3A_233, %cond3A_234 : i32
        scf.if %cond3A_235 {
          %ge3A = arith.constant 1 : i32
          %ge3A_236 = arith.cmpi sge, %add3A_155, %ge3A : i32
          %convert_element_type3A_237 = arith.extui %ge3A_236 : i1 to i32
          %cond3A_238 = arith.constant 0 : i32
          %cond3A_239 = arith.cmpi ne, %convert_element_type3A_237, %cond3A_238 : i32
          scf.if %cond3A_239 {
            %dma_wait3A_260 = arith.constant 0 : i32
            %dma_wait3A_261 = arith.constant 0 : i32
            %dma_wait3A_262 = tpu.memref_slice %arg17[%dma_wait3A_260, %dma_wait3A_261] : memref<10000x128xf32, #tpu.memory_space<vmem_shared>> -> memref<10000x128xf32, #tpu.memory_space<vmem_shared>>
            tpu.wait_indirect_dma semaphore(%arg23 : memref<!tpu.dma_semaphore, #tpu.memory_space<semaphore_mem>>) src(%arg16 : memref<128x128xf32, #tpu.memory_space<vmem>>) dst(%dma_wait3A_262 : memref<10000x128xf32, #tpu.memory_space<vmem_shared>>)
            %add3A_263 = arith.constant 3 : i32
            %add3A_264 = arith.addi %add3A_155, %add3A_263 : i32
            %lt3A_265 = arith.cmpi slt, %add3A_264, %add3A_6 : i32
            %convert_element_type3A_266 = arith.extui %lt3A_265 : i1 to i32
            %cond3A_267 = arith.constant 0 : i32
            %cond3A_268 = arith.cmpi ne, %convert_element_type3A_266, %cond3A_267 : i32
            scf.if %cond3A_268 {
              %add3A_269 = arith.constant 3 : i32
              %add3A_270 = arith.addi %add3A_155, %add3A_269 : i32
              %mul3A_271 = arith.constant 32 : i32
              %mul3A_272 = arith.muli %add3A_270, %mul3A_271 : i32
              %add3A_273 = arith.addi %mul3A_272, %add3A : i32
              %mul3A_274 = arith.constant 128 : i32
              %mul3A_275 = arith.muli %add3A_273, %mul3A_274 : i32
              %dma_start3A_276 = arith.constant 0 : i32
              %dma_start3A_277 = tpu.memref_slice %arg3[%dma_start3A_276, %mul3A_275] : memref<2x320000xi32, #tpu.memory_space<hbm>> -> memref<1x128xi32, #tpu.memory_space<hbm>>
              %dma_start3A_278 = tpu.memref_squeeze %dma_start3A_277 : memref<1x128xi32, #tpu.memory_space<hbm>> -> memref<128xi32, #tpu.memory_space<hbm>>
              %dma_start3A_279 = tpu.memref_slice %arg3[%dma_start3A_276, %mul3A_275] : memref<2x320000xi32, #tpu.memory_space<hbm>> -> memref<1x128xi32, #tpu.memory_space<hbm>>
              %dma_start3A_280 = tpu.memref_squeeze %dma_start3A_279 : memref<1x128xi32, #tpu.memory_space<hbm>> -> memref<128xi32, #tpu.memory_space<hbm>>
              tpu.enqueue_dma source(%dma_start3A_280 : memref<128xi32, #tpu.memory_space<hbm>>) target(%arg8 : memref<128xi32, #tpu.memory_space<vmem>>) target_semaphore(%arg26 : memref<!tpu.dma_semaphore, #tpu.memory_space<semaphore_mem>>)
              %dma_start3A_281 = arith.constant 1 : i32
              %dma_start3A_282 = tpu.memref_slice %arg3[%dma_start3A_281, %mul3A_275] : memref<2x320000xi32, #tpu.memory_space<hbm>> -> memref<1x128xi32, #tpu.memory_space<hbm>>
              %dma_start3A_283 = tpu.memref_squeeze %dma_start3A_282 : memref<1x128xi32, #tpu.memory_space<hbm>> -> memref<128xi32, #tpu.memory_space<hbm>>
              %dma_start3A_284 = tpu.memref_slice %arg3[%dma_start3A_281, %mul3A_275] : memref<2x320000xi32, #tpu.memory_space<hbm>> -> memref<1x128xi32, #tpu.memory_space<hbm>>
              %dma_start3A_285 = tpu.memref_squeeze %dma_start3A_284 : memref<1x128xi32, #tpu.memory_space<hbm>> -> memref<128xi32, #tpu.memory_space<hbm>>
              tpu.enqueue_dma source(%dma_start3A_285 : memref<128xi32, #tpu.memory_space<hbm>>) target(%arg12 : memref<128xi32, #tpu.memory_space<vmem>>) target_semaphore(%arg26 : memref<!tpu.dma_semaphore, #tpu.memory_space<semaphore_mem>>)
            } else {
            }
          } else {
          }
          %add3A_240 = arith.constant 2 : i32
          %add3A_241 = arith.addi %add3A_155, %add3A_240 : i32
          %mul3A_242 = arith.constant 32 : i32
          %mul3A_243 = arith.muli %add3A_241, %mul3A_242 : i32
          %add3A_244 = arith.addi %mul3A_243, %add3A : i32
          %mul3A_245 = arith.constant 128 : i32
          %mul3A_246 = arith.muli %add3A_244, %mul3A_245 : i32
          %dma_wait3A_247 = arith.constant 0 : i32
          %dma_wait3A_248 = tpu.memref_slice %arg3[%dma_wait3A_247, %mul3A_246] : memref<2x320000xi32, #tpu.memory_space<hbm>> -> memref<1x128xi32, #tpu.memory_space<hbm>>
          %dma_wait3A_249 = tpu.memref_squeeze %dma_wait3A_248 : memref<1x128xi32, #tpu.memory_space<hbm>> -> memref<128xi32, #tpu.memory_space<hbm>>
          %dma_wait3A_250 = tpu.memref_slice %arg3[%dma_wait3A_247, %mul3A_246] : memref<2x320000xi32, #tpu.memory_space<hbm>> -> memref<1x128xi32, #tpu.memory_space<hbm>>
          %dma_wait3A_251 = tpu.memref_squeeze %dma_wait3A_250 : memref<1x128xi32, #tpu.memory_space<hbm>> -> memref<128xi32, #tpu.memory_space<hbm>>
          tpu.wait_dma2 semaphore(%arg25 : memref<!tpu.dma_semaphore, #tpu.memory_space<semaphore_mem>>) src(%dma_wait3A_251 : memref<128xi32, #tpu.memory_space<hbm>>) dst(%arg7 : memref<128xi32, #tpu.memory_space<vmem>>)
          %dma_wait3A_252 = arith.constant 1 : i32
          %dma_wait3A_253 = tpu.memref_slice %arg3[%dma_wait3A_252, %mul3A_246] : memref<2x320000xi32, #tpu.memory_space<hbm>> -> memref<1x128xi32, #tpu.memory_space<hbm>>
          %dma_wait3A_254 = tpu.memref_squeeze %dma_wait3A_253 : memref<1x128xi32, #tpu.memory_space<hbm>> -> memref<128xi32, #tpu.memory_space<hbm>>
          %dma_wait3A_255 = tpu.memref_slice %arg3[%dma_wait3A_252, %mul3A_246] : memref<2x320000xi32, #tpu.memory_space<hbm>> -> memref<1x128xi32, #tpu.memory_space<hbm>>
          %dma_wait3A_256 = tpu.memref_squeeze %dma_wait3A_255 : memref<1x128xi32, #tpu.memory_space<hbm>> -> memref<128xi32, #tpu.memory_space<hbm>>
          tpu.wait_dma2 semaphore(%arg25 : memref<!tpu.dma_semaphore, #tpu.memory_space<semaphore_mem>>) src(%dma_wait3A_256 : memref<128xi32, #tpu.memory_space<hbm>>) dst(%arg11 : memref<128xi32, #tpu.memory_space<vmem>>)
          %dma_start3A_257 = arith.constant 0 : i32
          %dma_start3A_258 = arith.constant 0 : i32
          %dma_start3A_259 = tpu.memref_slice %arg2[%dma_start3A_257, %dma_start3A_258] : memref<10000x128xf32, #tpu.memory_space<hbm>> -> memref<10000x128xf32, #tpu.memory_space<hbm>>
          tpu.enqueue_indirect_dma source(%dma_start3A_259 : memref<10000x128xf32, #tpu.memory_space<hbm>>) target(%arg16 : memref<128x128xf32, #tpu.memory_space<vmem>>) offsets(%arg7 : memref<128xi32, #tpu.memory_space<vmem>>) semaphore(%arg20 : memref<!tpu.dma_semaphore, #tpu.memory_space<semaphore_mem>>)
        } else {
        }
      } else {
      }
      %mul3A_160 = arith.constant 12 : i32
      %mul3A_161 = arith.muli %mul3A_160, %scan3A_127 : i32
      %add3A_162 = arith.constant 4 : i32
      %add3A_163 = arith.addi %mul3A_161, %add3A_162 : i32
      %lt3A_164 = arith.cmpi slt, %add3A_163, %add3A_6 : i32
      %convert_element_type3A_165 = arith.extui %lt3A_164 : i1 to i32
      %cond3A_166 = arith.constant 0 : i32
      %cond3A_167 = arith.cmpi ne, %convert_element_type3A_165, %cond3A_166 : i32
      scf.if %cond3A_167 {
        %dma_wait3A_224 = arith.constant 0 : i32
        %dma_wait3A_225 = arith.constant 0 : i32
        %dma_wait3A_226 = tpu.memref_slice %arg2[%dma_wait3A_224, %dma_wait3A_225] : memref<10000x128xf32, #tpu.memory_space<hbm>> -> memref<10000x128xf32, #tpu.memory_space<hbm>>
        tpu.wait_indirect_dma semaphore(%arg19 : memref<!tpu.dma_semaphore, #tpu.memory_space<semaphore_mem>>) src(%dma_wait3A_226 : memref<10000x128xf32, #tpu.memory_space<hbm>>) dst(%arg15 : memref<128x128xf32, #tpu.memory_space<vmem>>)
        %dma_start3A_227 = arith.constant 0 : i32
        %dma_start3A_228 = arith.constant 0 : i32
        %dma_start3A_229 = tpu.memref_slice %arg17[%dma_start3A_227, %dma_start3A_228] : memref<10000x128xf32, #tpu.memory_space<vmem_shared>> -> memref<10000x128xf32, #tpu.memory_space<vmem_shared>>
        tpu.enqueue_indirect_dma source(%arg15 : memref<128x128xf32, #tpu.memory_space<vmem>>) target(%dma_start3A_229 : memref<10000x128xf32, #tpu.memory_space<vmem_shared>>) offsets(%arg10 : memref<128xi32, #tpu.memory_space<vmem>>) semaphore(%arg22 : memref<!tpu.dma_semaphore, #tpu.memory_space<semaphore_mem>>) {add = true}
        %add3A_230 = arith.constant 2 : i32
        %add3A_231 = arith.addi %add3A_163, %add3A_230 : i32
        %lt3A_232 = arith.cmpi slt, %add3A_231, %add3A_6 : i32
        %convert_element_type3A_233 = arith.extui %lt3A_232 : i1 to i32
        %cond3A_234 = arith.constant 0 : i32
        %cond3A_235 = arith.cmpi ne, %convert_element_type3A_233, %cond3A_234 : i32
        scf.if %cond3A_235 {
          %ge3A = arith.constant 1 : i32
          %ge3A_236 = arith.cmpi sge, %add3A_163, %ge3A : i32
          %convert_element_type3A_237 = arith.extui %ge3A_236 : i1 to i32
          %cond3A_238 = arith.constant 0 : i32
          %cond3A_239 = arith.cmpi ne, %convert_element_type3A_237, %cond3A_238 : i32
          scf.if %cond3A_239 {
            %dma_wait3A_260 = arith.constant 0 : i32
            %dma_wait3A_261 = arith.constant 0 : i32
            %dma_wait3A_262 = tpu.memref_slice %arg17[%dma_wait3A_260, %dma_wait3A_261] : memref<10000x128xf32, #tpu.memory_space<vmem_shared>> -> memref<10000x128xf32, #tpu.memory_space<vmem_shared>>
            tpu.wait_indirect_dma semaphore(%arg21 : memref<!tpu.dma_semaphore, #tpu.memory_space<semaphore_mem>>) src(%arg14 : memref<128x128xf32, #tpu.memory_space<vmem>>) dst(%dma_wait3A_262 : memref<10000x128xf32, #tpu.memory_space<vmem_shared>>)
            %add3A_263 = arith.constant 3 : i32
            %add3A_264 = arith.addi %add3A_163, %add3A_263 : i32
            %lt3A_265 = arith.cmpi slt, %add3A_264, %add3A_6 : i32
            %convert_element_type3A_266 = arith.extui %lt3A_265 : i1 to i32
            %cond3A_267 = arith.constant 0 : i32
            %cond3A_268 = arith.cmpi ne, %convert_element_type3A_266, %cond3A_267 : i32
            scf.if %cond3A_268 {
              %add3A_269 = arith.constant 3 : i32
              %add3A_270 = arith.addi %add3A_163, %add3A_269 : i32
              %mul3A_271 = arith.constant 32 : i32
              %mul3A_272 = arith.muli %add3A_270, %mul3A_271 : i32
              %add3A_273 = arith.addi %mul3A_272, %add3A : i32
              %mul3A_274 = arith.constant 128 : i32
              %mul3A_275 = arith.muli %add3A_273, %mul3A_274 : i32
              %dma_start3A_276 = arith.constant 0 : i32
              %dma_start3A_277 = tpu.memref_slice %arg3[%dma_start3A_276, %mul3A_275] : memref<2x320000xi32, #tpu.memory_space<hbm>> -> memref<1x128xi32, #tpu.memory_space<hbm>>
              %dma_start3A_278 = tpu.memref_squeeze %dma_start3A_277 : memref<1x128xi32, #tpu.memory_space<hbm>> -> memref<128xi32, #tpu.memory_space<hbm>>
              %dma_start3A_279 = tpu.memref_slice %arg3[%dma_start3A_276, %mul3A_275] : memref<2x320000xi32, #tpu.memory_space<hbm>> -> memref<1x128xi32, #tpu.memory_space<hbm>>
              %dma_start3A_280 = tpu.memref_squeeze %dma_start3A_279 : memref<1x128xi32, #tpu.memory_space<hbm>> -> memref<128xi32, #tpu.memory_space<hbm>>
              tpu.enqueue_dma source(%dma_start3A_280 : memref<128xi32, #tpu.memory_space<hbm>>) target(%arg9 : memref<128xi32, #tpu.memory_space<vmem>>) target_semaphore(%arg27 : memref<!tpu.dma_semaphore, #tpu.memory_space<semaphore_mem>>)
              %dma_start3A_281 = arith.constant 1 : i32
              %dma_start3A_282 = tpu.memref_slice %arg3[%dma_start3A_281, %mul3A_275] : memref<2x320000xi32, #tpu.memory_space<hbm>> -> memref<1x128xi32, #tpu.memory_space<hbm>>
              %dma_start3A_283 = tpu.memref_squeeze %dma_start3A_282 : memref<1x128xi32, #tpu.memory_space<hbm>> -> memref<128xi32, #tpu.memory_space<hbm>>
              %dma_start3A_284 = tpu.memref_slice %arg3[%dma_start3A_281, %mul3A_275] : memref<2x320000xi32, #tpu.memory_space<hbm>> -> memref<1x128xi32, #tpu.memory_space<hbm>>
              %dma_start3A_285 = tpu.memref_squeeze %dma_start3A_284 : memref<1x128xi32, #tpu.memory_space<hbm>> -> memref<128xi32, #tpu.memory_space<hbm>>
              tpu.enqueue_dma source(%dma_start3A_285 : memref<128xi32, #tpu.memory_space<hbm>>) target(%arg13 : memref<128xi32, #tpu.memory_space<vmem>>) target_semaphore(%arg27 : memref<!tpu.dma_semaphore, #tpu.memory_space<semaphore_mem>>)
            } else {
            }
          } else {
          }
          %add3A_240 = arith.constant 2 : i32
          %add3A_241 = arith.addi %add3A_163, %add3A_240 : i32
          %mul3A_242 = arith.constant 32 : i32
          %mul3A_243 = arith.muli %add3A_241, %mul3A_242 : i32
          %add3A_244 = arith.addi %mul3A_243, %add3A : i32
          %mul3A_245 = arith.constant 128 : i32
          %mul3A_246 = arith.muli %add3A_244, %mul3A_245 : i32
          %dma_wait3A_247 = arith.constant 0 : i32
          %dma_wait3A_248 = tpu.memref_slice %arg3[%dma_wait3A_247, %mul3A_246] : memref<2x320000xi32, #tpu.memory_space<hbm>> -> memref<1x128xi32, #tpu.memory_space<hbm>>
          %dma_wait3A_249 = tpu.memref_squeeze %dma_wait3A_248 : memref<1x128xi32, #tpu.memory_space<hbm>> -> memref<128xi32, #tpu.memory_space<hbm>>
          %dma_wait3A_250 = tpu.memref_slice %arg3[%dma_wait3A_247, %mul3A_246] : memref<2x320000xi32, #tpu.memory_space<hbm>> -> memref<1x128xi32, #tpu.memory_space<hbm>>
          %dma_wait3A_251 = tpu.memref_squeeze %dma_wait3A_250 : memref<1x128xi32, #tpu.memory_space<hbm>> -> memref<128xi32, #tpu.memory_space<hbm>>
          tpu.wait_dma2 semaphore(%arg26 : memref<!tpu.dma_semaphore, #tpu.memory_space<semaphore_mem>>) src(%dma_wait3A_251 : memref<128xi32, #tpu.memory_space<hbm>>) dst(%arg8 : memref<128xi32, #tpu.memory_space<vmem>>)
          %dma_wait3A_252 = arith.constant 1 : i32
          %dma_wait3A_253 = tpu.memref_slice %arg3[%dma_wait3A_252, %mul3A_246] : memref<2x320000xi32, #tpu.memory_space<hbm>> -> memref<1x128xi32, #tpu.memory_space<hbm>>
          %dma_wait3A_254 = tpu.memref_squeeze %dma_wait3A_253 : memref<1x128xi32, #tpu.memory_space<hbm>> -> memref<128xi32, #tpu.memory_space<hbm>>
          %dma_wait3A_255 = tpu.memref_slice %arg3[%dma_wait3A_252, %mul3A_246] : memref<2x320000xi32, #tpu.memory_space<hbm>> -> memref<1x128xi32, #tpu.memory_space<hbm>>
          %dma_wait3A_256 = tpu.memref_squeeze %dma_wait3A_255 : memref<1x128xi32, #tpu.memory_space<hbm>> -> memref<128xi32, #tpu.memory_space<hbm>>
          tpu.wait_dma2 semaphore(%arg26 : memref<!tpu.dma_semaphore, #tpu.memory_space<semaphore_mem>>) src(%dma_wait3A_256 : memref<128xi32, #tpu.memory_space<hbm>>) dst(%arg12 : memref<128xi32, #tpu.memory_space<vmem>>)
          %dma_start3A_257 = arith.constant 0 : i32
          %dma_start3A_258 = arith.constant 0 : i32
          %dma_start3A_259 = tpu.memref_slice %arg2[%dma_start3A_257, %dma_start3A_258] : memref<10000x128xf32, #tpu.memory_space<hbm>> -> memref<10000x128xf32, #tpu.memory_space<hbm>>
          tpu.enqueue_indirect_dma source(%dma_start3A_259 : memref<10000x128xf32, #tpu.memory_space<hbm>>) target(%arg14 : memref<128x128xf32, #tpu.memory_space<vmem>>) offsets(%arg8 : memref<128xi32, #tpu.memory_space<vmem>>) semaphore(%arg18 : memref<!tpu.dma_semaphore, #tpu.memory_space<semaphore_mem>>)
        } else {
        }
      } else {
      }
      %mul3A_168 = arith.constant 12 : i32
      %mul3A_169 = arith.muli %mul3A_168, %scan3A_127 : i32
      %add3A_170 = arith.constant 5 : i32
      %add3A_171 = arith.addi %mul3A_169, %add3A_170 : i32
      %lt3A_172 = arith.cmpi slt, %add3A_171, %add3A_6 : i32
      %convert_element_type3A_173 = arith.extui %lt3A_172 : i1 to i32
      %cond3A_174 = arith.constant 0 : i32
      %cond3A_175 = arith.cmpi ne, %convert_element_type3A_173, %cond3A_174 : i32
      scf.if %cond3A_175 {
        %dma_wait3A_224 = arith.constant 0 : i32
        %dma_wait3A_225 = arith.constant 0 : i32
        %dma_wait3A_226 = tpu.memref_slice %arg2[%dma_wait3A_224, %dma_wait3A_225] : memref<10000x128xf32, #tpu.memory_space<hbm>> -> memref<10000x128xf32, #tpu.memory_space<hbm>>
        tpu.wait_indirect_dma semaphore(%arg20 : memref<!tpu.dma_semaphore, #tpu.memory_space<semaphore_mem>>) src(%dma_wait3A_226 : memref<10000x128xf32, #tpu.memory_space<hbm>>) dst(%arg16 : memref<128x128xf32, #tpu.memory_space<vmem>>)
        %dma_start3A_227 = arith.constant 0 : i32
        %dma_start3A_228 = arith.constant 0 : i32
        %dma_start3A_229 = tpu.memref_slice %arg17[%dma_start3A_227, %dma_start3A_228] : memref<10000x128xf32, #tpu.memory_space<vmem_shared>> -> memref<10000x128xf32, #tpu.memory_space<vmem_shared>>
        tpu.enqueue_indirect_dma source(%arg16 : memref<128x128xf32, #tpu.memory_space<vmem>>) target(%dma_start3A_229 : memref<10000x128xf32, #tpu.memory_space<vmem_shared>>) offsets(%arg11 : memref<128xi32, #tpu.memory_space<vmem>>) semaphore(%arg23 : memref<!tpu.dma_semaphore, #tpu.memory_space<semaphore_mem>>) {add = true}
        %add3A_230 = arith.constant 2 : i32
        %add3A_231 = arith.addi %add3A_171, %add3A_230 : i32
        %lt3A_232 = arith.cmpi slt, %add3A_231, %add3A_6 : i32
        %convert_element_type3A_233 = arith.extui %lt3A_232 : i1 to i32
        %cond3A_234 = arith.constant 0 : i32
        %cond3A_235 = arith.cmpi ne, %convert_element_type3A_233, %cond3A_234 : i32
        scf.if %cond3A_235 {
          %ge3A = arith.constant 1 : i32
          %ge3A_236 = arith.cmpi sge, %add3A_171, %ge3A : i32
          %convert_element_type3A_237 = arith.extui %ge3A_236 : i1 to i32
          %cond3A_238 = arith.constant 0 : i32
          %cond3A_239 = arith.cmpi ne, %convert_element_type3A_237, %cond3A_238 : i32
          scf.if %cond3A_239 {
            %dma_wait3A_260 = arith.constant 0 : i32
            %dma_wait3A_261 = arith.constant 0 : i32
            %dma_wait3A_262 = tpu.memref_slice %arg17[%dma_wait3A_260, %dma_wait3A_261] : memref<10000x128xf32, #tpu.memory_space<vmem_shared>> -> memref<10000x128xf32, #tpu.memory_space<vmem_shared>>
            tpu.wait_indirect_dma semaphore(%arg22 : memref<!tpu.dma_semaphore, #tpu.memory_space<semaphore_mem>>) src(%arg15 : memref<128x128xf32, #tpu.memory_space<vmem>>) dst(%dma_wait3A_262 : memref<10000x128xf32, #tpu.memory_space<vmem_shared>>)
            %add3A_263 = arith.constant 3 : i32
            %add3A_264 = arith.addi %add3A_171, %add3A_263 : i32
            %lt3A_265 = arith.cmpi slt, %add3A_264, %add3A_6 : i32
            %convert_element_type3A_266 = arith.extui %lt3A_265 : i1 to i32
            %cond3A_267 = arith.constant 0 : i32
            %cond3A_268 = arith.cmpi ne, %convert_element_type3A_266, %cond3A_267 : i32
            scf.if %cond3A_268 {
              %add3A_269 = arith.constant 3 : i32
              %add3A_270 = arith.addi %add3A_171, %add3A_269 : i32
              %mul3A_271 = arith.constant 32 : i32
              %mul3A_272 = arith.muli %add3A_270, %mul3A_271 : i32
              %add3A_273 = arith.addi %mul3A_272, %add3A : i32
              %mul3A_274 = arith.constant 128 : i32
              %mul3A_275 = arith.muli %add3A_273, %mul3A_274 : i32
              %dma_start3A_276 = arith.constant 0 : i32
              %dma_start3A_277 = tpu.memref_slice %arg3[%dma_start3A_276, %mul3A_275] : memref<2x320000xi32, #tpu.memory_space<hbm>> -> memref<1x128xi32, #tpu.memory_space<hbm>>
              %dma_start3A_278 = tpu.memref_squeeze %dma_start3A_277 : memref<1x128xi32, #tpu.memory_space<hbm>> -> memref<128xi32, #tpu.memory_space<hbm>>
              %dma_start3A_279 = tpu.memref_slice %arg3[%dma_start3A_276, %mul3A_275] : memref<2x320000xi32, #tpu.memory_space<hbm>> -> memref<1x128xi32, #tpu.memory_space<hbm>>
              %dma_start3A_280 = tpu.memref_squeeze %dma_start3A_279 : memref<1x128xi32, #tpu.memory_space<hbm>> -> memref<128xi32, #tpu.memory_space<hbm>>
              tpu.enqueue_dma source(%dma_start3A_280 : memref<128xi32, #tpu.memory_space<hbm>>) target(%arg6 : memref<128xi32, #tpu.memory_space<vmem>>) target_semaphore(%arg24 : memref<!tpu.dma_semaphore, #tpu.memory_space<semaphore_mem>>)
              %dma_start3A_281 = arith.constant 1 : i32
              %dma_start3A_282 = tpu.memref_slice %arg3[%dma_start3A_281, %mul3A_275] : memref<2x320000xi32, #tpu.memory_space<hbm>> -> memref<1x128xi32, #tpu.memory_space<hbm>>
              %dma_start3A_283 = tpu.memref_squeeze %dma_start3A_282 : memref<1x128xi32, #tpu.memory_space<hbm>> -> memref<128xi32, #tpu.memory_space<hbm>>
              %dma_start3A_284 = tpu.memref_slice %arg3[%dma_start3A_281, %mul3A_275] : memref<2x320000xi32, #tpu.memory_space<hbm>> -> memref<1x128xi32, #tpu.memory_space<hbm>>
              %dma_start3A_285 = tpu.memref_squeeze %dma_start3A_284 : memref<1x128xi32, #tpu.memory_space<hbm>> -> memref<128xi32, #tpu.memory_space<hbm>>
              tpu.enqueue_dma source(%dma_start3A_285 : memref<128xi32, #tpu.memory_space<hbm>>) target(%arg10 : memref<128xi32, #tpu.memory_space<vmem>>) target_semaphore(%arg24 : memref<!tpu.dma_semaphore, #tpu.memory_space<semaphore_mem>>)
            } else {
            }
          } else {
          }
          %add3A_240 = arith.constant 2 : i32
          %add3A_241 = arith.addi %add3A_171, %add3A_240 : i32
          %mul3A_242 = arith.constant 32 : i32
          %mul3A_243 = arith.muli %add3A_241, %mul3A_242 : i32
          %add3A_244 = arith.addi %mul3A_243, %add3A : i32
          %mul3A_245 = arith.constant 128 : i32
          %mul3A_246 = arith.muli %add3A_244, %mul3A_245 : i32
          %dma_wait3A_247 = arith.constant 0 : i32
          %dma_wait3A_248 = tpu.memref_slice %arg3[%dma_wait3A_247, %mul3A_246] : memref<2x320000xi32, #tpu.memory_space<hbm>> -> memref<1x128xi32, #tpu.memory_space<hbm>>
          %dma_wait3A_249 = tpu.memref_squeeze %dma_wait3A_248 : memref<1x128xi32, #tpu.memory_space<hbm>> -> memref<128xi32, #tpu.memory_space<hbm>>
          %dma_wait3A_250 = tpu.memref_slice %arg3[%dma_wait3A_247, %mul3A_246] : memref<2x320000xi32, #tpu.memory_space<hbm>> -> memref<1x128xi32, #tpu.memory_space<hbm>>
          %dma_wait3A_251 = tpu.memref_squeeze %dma_wait3A_250 : memref<1x128xi32, #tpu.memory_space<hbm>> -> memref<128xi32, #tpu.memory_space<hbm>>
          tpu.wait_dma2 semaphore(%arg27 : memref<!tpu.dma_semaphore, #tpu.memory_space<semaphore_mem>>) src(%dma_wait3A_251 : memref<128xi32, #tpu.memory_space<hbm>>) dst(%arg9 : memref<128xi32, #tpu.memory_space<vmem>>)
          %dma_wait3A_252 = arith.constant 1 : i32
          %dma_wait3A_253 = tpu.memref_slice %arg3[%dma_wait3A_252, %mul3A_246] : memref<2x320000xi32, #tpu.memory_space<hbm>> -> memref<1x128xi32, #tpu.memory_space<hbm>>
          %dma_wait3A_254 = tpu.memref_squeeze %dma_wait3A_253 : memref<1x128xi32, #tpu.memory_space<hbm>> -> memref<128xi32, #tpu.memory_space<hbm>>
          %dma_wait3A_255 = tpu.memref_slice %arg3[%dma_wait3A_252, %mul3A_246] : memref<2x320000xi32, #tpu.memory_space<hbm>> -> memref<1x128xi32, #tpu.memory_space<hbm>>
          %dma_wait3A_256 = tpu.memref_squeeze %dma_wait3A_255 : memref<1x128xi32, #tpu.memory_space<hbm>> -> memref<128xi32, #tpu.memory_space<hbm>>
          tpu.wait_dma2 semaphore(%arg27 : memref<!tpu.dma_semaphore, #tpu.memory_space<semaphore_mem>>) src(%dma_wait3A_256 : memref<128xi32, #tpu.memory_space<hbm>>) dst(%arg13 : memref<128xi32, #tpu.memory_space<vmem>>)
          %dma_start3A_257 = arith.constant 0 : i32
          %dma_start3A_258 = arith.constant 0 : i32
          %dma_start3A_259 = tpu.memref_slice %arg2[%dma_start3A_257, %dma_start3A_258] : memref<10000x128xf32, #tpu.memory_space<hbm>> -> memref<10000x128xf32, #tpu.memory_space<hbm>>
          tpu.enqueue_indirect_dma source(%dma_start3A_259 : memref<10000x128xf32, #tpu.memory_space<hbm>>) target(%arg15 : memref<128x128xf32, #tpu.memory_space<vmem>>) offsets(%arg9 : memref<128xi32, #tpu.memory_space<vmem>>) semaphore(%arg19 : memref<!tpu.dma_semaphore, #tpu.memory_space<semaphore_mem>>)
        } else {
        }
      } else {
      }
      %mul3A_176 = arith.constant 12 : i32
      %mul3A_177 = arith.muli %mul3A_176, %scan3A_127 : i32
      %add3A_178 = arith.constant 6 : i32
      %add3A_179 = arith.addi %mul3A_177, %add3A_178 : i32
      %lt3A_180 = arith.cmpi slt, %add3A_179, %add3A_6 : i32
      %convert_element_type3A_181 = arith.extui %lt3A_180 : i1 to i32
      %cond3A_182 = arith.constant 0 : i32
      %cond3A_183 = arith.cmpi ne, %convert_element_type3A_181, %cond3A_182 : i32
      scf.if %cond3A_183 {
        %dma_wait3A_224 = arith.constant 0 : i32
        %dma_wait3A_225 = arith.constant 0 : i32
        %dma_wait3A_226 = tpu.memref_slice %arg2[%dma_wait3A_224, %dma_wait3A_225] : memref<10000x128xf32, #tpu.memory_space<hbm>> -> memref<10000x128xf32, #tpu.memory_space<hbm>>
        tpu.wait_indirect_dma semaphore(%arg18 : memref<!tpu.dma_semaphore, #tpu.memory_space<semaphore_mem>>) src(%dma_wait3A_226 : memref<10000x128xf32, #tpu.memory_space<hbm>>) dst(%arg14 : memref<128x128xf32, #tpu.memory_space<vmem>>)
        %dma_start3A_227 = arith.constant 0 : i32
        %dma_start3A_228 = arith.constant 0 : i32
        %dma_start3A_229 = tpu.memref_slice %arg17[%dma_start3A_227, %dma_start3A_228] : memref<10000x128xf32, #tpu.memory_space<vmem_shared>> -> memref<10000x128xf32, #tpu.memory_space<vmem_shared>>
        tpu.enqueue_indirect_dma source(%arg14 : memref<128x128xf32, #tpu.memory_space<vmem>>) target(%dma_start3A_229 : memref<10000x128xf32, #tpu.memory_space<vmem_shared>>) offsets(%arg12 : memref<128xi32, #tpu.memory_space<vmem>>) semaphore(%arg21 : memref<!tpu.dma_semaphore, #tpu.memory_space<semaphore_mem>>) {add = true}
        %add3A_230 = arith.constant 2 : i32
        %add3A_231 = arith.addi %add3A_179, %add3A_230 : i32
        %lt3A_232 = arith.cmpi slt, %add3A_231, %add3A_6 : i32
        %convert_element_type3A_233 = arith.extui %lt3A_232 : i1 to i32
        %cond3A_234 = arith.constant 0 : i32
        %cond3A_235 = arith.cmpi ne, %convert_element_type3A_233, %cond3A_234 : i32
        scf.if %cond3A_235 {
          %ge3A = arith.constant 1 : i32
          %ge3A_236 = arith.cmpi sge, %add3A_179, %ge3A : i32
          %convert_element_type3A_237 = arith.extui %ge3A_236 : i1 to i32
          %cond3A_238 = arith.constant 0 : i32
          %cond3A_239 = arith.cmpi ne, %convert_element_type3A_237, %cond3A_238 : i32
          scf.if %cond3A_239 {
            %dma_wait3A_260 = arith.constant 0 : i32
            %dma_wait3A_261 = arith.constant 0 : i32
            %dma_wait3A_262 = tpu.memref_slice %arg17[%dma_wait3A_260, %dma_wait3A_261] : memref<10000x128xf32, #tpu.memory_space<vmem_shared>> -> memref<10000x128xf32, #tpu.memory_space<vmem_shared>>
            tpu.wait_indirect_dma semaphore(%arg23 : memref<!tpu.dma_semaphore, #tpu.memory_space<semaphore_mem>>) src(%arg16 : memref<128x128xf32, #tpu.memory_space<vmem>>) dst(%dma_wait3A_262 : memref<10000x128xf32, #tpu.memory_space<vmem_shared>>)
            %add3A_263 = arith.constant 3 : i32
            %add3A_264 = arith.addi %add3A_179, %add3A_263 : i32
            %lt3A_265 = arith.cmpi slt, %add3A_264, %add3A_6 : i32
            %convert_element_type3A_266 = arith.extui %lt3A_265 : i1 to i32
            %cond3A_267 = arith.constant 0 : i32
            %cond3A_268 = arith.cmpi ne, %convert_element_type3A_266, %cond3A_267 : i32
            scf.if %cond3A_268 {
              %add3A_269 = arith.constant 3 : i32
              %add3A_270 = arith.addi %add3A_179, %add3A_269 : i32
              %mul3A_271 = arith.constant 32 : i32
              %mul3A_272 = arith.muli %add3A_270, %mul3A_271 : i32
              %add3A_273 = arith.addi %mul3A_272, %add3A : i32
              %mul3A_274 = arith.constant 128 : i32
              %mul3A_275 = arith.muli %add3A_273, %mul3A_274 : i32
              %dma_start3A_276 = arith.constant 0 : i32
              %dma_start3A_277 = tpu.memref_slice %arg3[%dma_start3A_276, %mul3A_275] : memref<2x320000xi32, #tpu.memory_space<hbm>> -> memref<1x128xi32, #tpu.memory_space<hbm>>
              %dma_start3A_278 = tpu.memref_squeeze %dma_start3A_277 : memref<1x128xi32, #tpu.memory_space<hbm>> -> memref<128xi32, #tpu.memory_space<hbm>>
              %dma_start3A_279 = tpu.memref_slice %arg3[%dma_start3A_276, %mul3A_275] : memref<2x320000xi32, #tpu.memory_space<hbm>> -> memref<1x128xi32, #tpu.memory_space<hbm>>
              %dma_start3A_280 = tpu.memref_squeeze %dma_start3A_279 : memref<1x128xi32, #tpu.memory_space<hbm>> -> memref<128xi32, #tpu.memory_space<hbm>>
              tpu.enqueue_dma source(%dma_start3A_280 : memref<128xi32, #tpu.memory_space<hbm>>) target(%arg7 : memref<128xi32, #tpu.memory_space<vmem>>) target_semaphore(%arg25 : memref<!tpu.dma_semaphore, #tpu.memory_space<semaphore_mem>>)
              %dma_start3A_281 = arith.constant 1 : i32
              %dma_start3A_282 = tpu.memref_slice %arg3[%dma_start3A_281, %mul3A_275] : memref<2x320000xi32, #tpu.memory_space<hbm>> -> memref<1x128xi32, #tpu.memory_space<hbm>>
              %dma_start3A_283 = tpu.memref_squeeze %dma_start3A_282 : memref<1x128xi32, #tpu.memory_space<hbm>> -> memref<128xi32, #tpu.memory_space<hbm>>
              %dma_start3A_284 = tpu.memref_slice %arg3[%dma_start3A_281, %mul3A_275] : memref<2x320000xi32, #tpu.memory_space<hbm>> -> memref<1x128xi32, #tpu.memory_space<hbm>>
              %dma_start3A_285 = tpu.memref_squeeze %dma_start3A_284 : memref<1x128xi32, #tpu.memory_space<hbm>> -> memref<128xi32, #tpu.memory_space<hbm>>
              tpu.enqueue_dma source(%dma_start3A_285 : memref<128xi32, #tpu.memory_space<hbm>>) target(%arg11 : memref<128xi32, #tpu.memory_space<vmem>>) target_semaphore(%arg25 : memref<!tpu.dma_semaphore, #tpu.memory_space<semaphore_mem>>)
            } else {
            }
          } else {
          }
          %add3A_240 = arith.constant 2 : i32
          %add3A_241 = arith.addi %add3A_179, %add3A_240 : i32
          %mul3A_242 = arith.constant 32 : i32
          %mul3A_243 = arith.muli %add3A_241, %mul3A_242 : i32
          %add3A_244 = arith.addi %mul3A_243, %add3A : i32
          %mul3A_245 = arith.constant 128 : i32
          %mul3A_246 = arith.muli %add3A_244, %mul3A_245 : i32
          %dma_wait3A_247 = arith.constant 0 : i32
          %dma_wait3A_248 = tpu.memref_slice %arg3[%dma_wait3A_247, %mul3A_246] : memref<2x320000xi32, #tpu.memory_space<hbm>> -> memref<1x128xi32, #tpu.memory_space<hbm>>
          %dma_wait3A_249 = tpu.memref_squeeze %dma_wait3A_248 : memref<1x128xi32, #tpu.memory_space<hbm>> -> memref<128xi32, #tpu.memory_space<hbm>>
          %dma_wait3A_250 = tpu.memref_slice %arg3[%dma_wait3A_247, %mul3A_246] : memref<2x320000xi32, #tpu.memory_space<hbm>> -> memref<1x128xi32, #tpu.memory_space<hbm>>
          %dma_wait3A_251 = tpu.memref_squeeze %dma_wait3A_250 : memref<1x128xi32, #tpu.memory_space<hbm>> -> memref<128xi32, #tpu.memory_space<hbm>>
          tpu.wait_dma2 semaphore(%arg24 : memref<!tpu.dma_semaphore, #tpu.memory_space<semaphore_mem>>) src(%dma_wait3A_251 : memref<128xi32, #tpu.memory_space<hbm>>) dst(%arg6 : memref<128xi32, #tpu.memory_space<vmem>>)
          %dma_wait3A_252 = arith.constant 1 : i32
          %dma_wait3A_253 = tpu.memref_slice %arg3[%dma_wait3A_252, %mul3A_246] : memref<2x320000xi32, #tpu.memory_space<hbm>> -> memref<1x128xi32, #tpu.memory_space<hbm>>
          %dma_wait3A_254 = tpu.memref_squeeze %dma_wait3A_253 : memref<1x128xi32, #tpu.memory_space<hbm>> -> memref<128xi32, #tpu.memory_space<hbm>>
          %dma_wait3A_255 = tpu.memref_slice %arg3[%dma_wait3A_252, %mul3A_246] : memref<2x320000xi32, #tpu.memory_space<hbm>> -> memref<1x128xi32, #tpu.memory_space<hbm>>
          %dma_wait3A_256 = tpu.memref_squeeze %dma_wait3A_255 : memref<1x128xi32, #tpu.memory_space<hbm>> -> memref<128xi32, #tpu.memory_space<hbm>>
          tpu.wait_dma2 semaphore(%arg24 : memref<!tpu.dma_semaphore, #tpu.memory_space<semaphore_mem>>) src(%dma_wait3A_256 : memref<128xi32, #tpu.memory_space<hbm>>) dst(%arg10 : memref<128xi32, #tpu.memory_space<vmem>>)
          %dma_start3A_257 = arith.constant 0 : i32
          %dma_start3A_258 = arith.constant 0 : i32
          %dma_start3A_259 = tpu.memref_slice %arg2[%dma_start3A_257, %dma_start3A_258] : memref<10000x128xf32, #tpu.memory_space<hbm>> -> memref<10000x128xf32, #tpu.memory_space<hbm>>
          tpu.enqueue_indirect_dma source(%dma_start3A_259 : memref<10000x128xf32, #tpu.memory_space<hbm>>) target(%arg16 : memref<128x128xf32, #tpu.memory_space<vmem>>) offsets(%arg6 : memref<128xi32, #tpu.memory_space<vmem>>) semaphore(%arg20 : memref<!tpu.dma_semaphore, #tpu.memory_space<semaphore_mem>>)
        } else {
        }
      } else {
      }
      %mul3A_184 = arith.constant 12 : i32
      %mul3A_185 = arith.muli %mul3A_184, %scan3A_127 : i32
      %add3A_186 = arith.constant 7 : i32
      %add3A_187 = arith.addi %mul3A_185, %add3A_186 : i32
      %lt3A_188 = arith.cmpi slt, %add3A_187, %add3A_6 : i32
      %convert_element_type3A_189 = arith.extui %lt3A_188 : i1 to i32
      %cond3A_190 = arith.constant 0 : i32
      %cond3A_191 = arith.cmpi ne, %convert_element_type3A_189, %cond3A_190 : i32
      scf.if %cond3A_191 {
        %dma_wait3A_224 = arith.constant 0 : i32
        %dma_wait3A_225 = arith.constant 0 : i32
        %dma_wait3A_226 = tpu.memref_slice %arg2[%dma_wait3A_224, %dma_wait3A_225] : memref<10000x128xf32, #tpu.memory_space<hbm>> -> memref<10000x128xf32, #tpu.memory_space<hbm>>
        tpu.wait_indirect_dma semaphore(%arg19 : memref<!tpu.dma_semaphore, #tpu.memory_space<semaphore_mem>>) src(%dma_wait3A_226 : memref<10000x128xf32, #tpu.memory_space<hbm>>) dst(%arg15 : memref<128x128xf32, #tpu.memory_space<vmem>>)
        %dma_start3A_227 = arith.constant 0 : i32
        %dma_start3A_228 = arith.constant 0 : i32
        %dma_start3A_229 = tpu.memref_slice %arg17[%dma_start3A_227, %dma_start3A_228] : memref<10000x128xf32, #tpu.memory_space<vmem_shared>> -> memref<10000x128xf32, #tpu.memory_space<vmem_shared>>
        tpu.enqueue_indirect_dma source(%arg15 : memref<128x128xf32, #tpu.memory_space<vmem>>) target(%dma_start3A_229 : memref<10000x128xf32, #tpu.memory_space<vmem_shared>>) offsets(%arg13 : memref<128xi32, #tpu.memory_space<vmem>>) semaphore(%arg22 : memref<!tpu.dma_semaphore, #tpu.memory_space<semaphore_mem>>) {add = true}
        %add3A_230 = arith.constant 2 : i32
        %add3A_231 = arith.addi %add3A_187, %add3A_230 : i32
        %lt3A_232 = arith.cmpi slt, %add3A_231, %add3A_6 : i32
        %convert_element_type3A_233 = arith.extui %lt3A_232 : i1 to i32
        %cond3A_234 = arith.constant 0 : i32
        %cond3A_235 = arith.cmpi ne, %convert_element_type3A_233, %cond3A_234 : i32
        scf.if %cond3A_235 {
          %ge3A = arith.constant 1 : i32
          %ge3A_236 = arith.cmpi sge, %add3A_187, %ge3A : i32
          %convert_element_type3A_237 = arith.extui %ge3A_236 : i1 to i32
          %cond3A_238 = arith.constant 0 : i32
          %cond3A_239 = arith.cmpi ne, %convert_element_type3A_237, %cond3A_238 : i32
          scf.if %cond3A_239 {
            %dma_wait3A_260 = arith.constant 0 : i32
            %dma_wait3A_261 = arith.constant 0 : i32
            %dma_wait3A_262 = tpu.memref_slice %arg17[%dma_wait3A_260, %dma_wait3A_261] : memref<10000x128xf32, #tpu.memory_space<vmem_shared>> -> memref<10000x128xf32, #tpu.memory_space<vmem_shared>>
            tpu.wait_indirect_dma semaphore(%arg21 : memref<!tpu.dma_semaphore, #tpu.memory_space<semaphore_mem>>) src(%arg14 : memref<128x128xf32, #tpu.memory_space<vmem>>) dst(%dma_wait3A_262 : memref<10000x128xf32, #tpu.memory_space<vmem_shared>>)
            %add3A_263 = arith.constant 3 : i32
            %add3A_264 = arith.addi %add3A_187, %add3A_263 : i32
            %lt3A_265 = arith.cmpi slt, %add3A_264, %add3A_6 : i32
            %convert_element_type3A_266 = arith.extui %lt3A_265 : i1 to i32
            %cond3A_267 = arith.constant 0 : i32
            %cond3A_268 = arith.cmpi ne, %convert_element_type3A_266, %cond3A_267 : i32
            scf.if %cond3A_268 {
              %add3A_269 = arith.constant 3 : i32
              %add3A_270 = arith.addi %add3A_187, %add3A_269 : i32
              %mul3A_271 = arith.constant 32 : i32
              %mul3A_272 = arith.muli %add3A_270, %mul3A_271 : i32
              %add3A_273 = arith.addi %mul3A_272, %add3A : i32
              %mul3A_274 = arith.constant 128 : i32
              %mul3A_275 = arith.muli %add3A_273, %mul3A_274 : i32
              %dma_start3A_276 = arith.constant 0 : i32
              %dma_start3A_277 = tpu.memref_slice %arg3[%dma_start3A_276, %mul3A_275] : memref<2x320000xi32, #tpu.memory_space<hbm>> -> memref<1x128xi32, #tpu.memory_space<hbm>>
              %dma_start3A_278 = tpu.memref_squeeze %dma_start3A_277 : memref<1x128xi32, #tpu.memory_space<hbm>> -> memref<128xi32, #tpu.memory_space<hbm>>
              %dma_start3A_279 = tpu.memref_slice %arg3[%dma_start3A_276, %mul3A_275] : memref<2x320000xi32, #tpu.memory_space<hbm>> -> memref<1x128xi32, #tpu.memory_space<hbm>>
              %dma_start3A_280 = tpu.memref_squeeze %dma_start3A_279 : memref<1x128xi32, #tpu.memory_space<hbm>> -> memref<128xi32, #tpu.memory_space<hbm>>
              tpu.enqueue_dma source(%dma_start3A_280 : memref<128xi32, #tpu.memory_space<hbm>>) target(%arg8 : memref<128xi32, #tpu.memory_space<vmem>>) target_semaphore(%arg26 : memref<!tpu.dma_semaphore, #tpu.memory_space<semaphore_mem>>)
              %dma_start3A_281 = arith.constant 1 : i32
              %dma_start3A_282 = tpu.memref_slice %arg3[%dma_start3A_281, %mul3A_275] : memref<2x320000xi32, #tpu.memory_space<hbm>> -> memref<1x128xi32, #tpu.memory_space<hbm>>
              %dma_start3A_283 = tpu.memref_squeeze %dma_start3A_282 : memref<1x128xi32, #tpu.memory_space<hbm>> -> memref<128xi32, #tpu.memory_space<hbm>>
              %dma_start3A_284 = tpu.memref_slice %arg3[%dma_start3A_281, %mul3A_275] : memref<2x320000xi32, #tpu.memory_space<hbm>> -> memref<1x128xi32, #tpu.memory_space<hbm>>
              %dma_start3A_285 = tpu.memref_squeeze %dma_start3A_284 : memref<1x128xi32, #tpu.memory_space<hbm>> -> memref<128xi32, #tpu.memory_space<hbm>>
              tpu.enqueue_dma source(%dma_start3A_285 : memref<128xi32, #tpu.memory_space<hbm>>) target(%arg12 : memref<128xi32, #tpu.memory_space<vmem>>) target_semaphore(%arg26 : memref<!tpu.dma_semaphore, #tpu.memory_space<semaphore_mem>>)
            } else {
            }
          } else {
          }
          %add3A_240 = arith.constant 2 : i32
          %add3A_241 = arith.addi %add3A_187, %add3A_240 : i32
          %mul3A_242 = arith.constant 32 : i32
          %mul3A_243 = arith.muli %add3A_241, %mul3A_242 : i32
          %add3A_244 = arith.addi %mul3A_243, %add3A : i32
          %mul3A_245 = arith.constant 128 : i32
          %mul3A_246 = arith.muli %add3A_244, %mul3A_245 : i32
          %dma_wait3A_247 = arith.constant 0 : i32
          %dma_wait3A_248 = tpu.memref_slice %arg3[%dma_wait3A_247, %mul3A_246] : memref<2x320000xi32, #tpu.memory_space<hbm>> -> memref<1x128xi32, #tpu.memory_space<hbm>>
          %dma_wait3A_249 = tpu.memref_squeeze %dma_wait3A_248 : memref<1x128xi32, #tpu.memory_space<hbm>> -> memref<128xi32, #tpu.memory_space<hbm>>
          %dma_wait3A_250 = tpu.memref_slice %arg3[%dma_wait3A_247, %mul3A_246] : memref<2x320000xi32, #tpu.memory_space<hbm>> -> memref<1x128xi32, #tpu.memory_space<hbm>>
          %dma_wait3A_251 = tpu.memref_squeeze %dma_wait3A_250 : memref<1x128xi32, #tpu.memory_space<hbm>> -> memref<128xi32, #tpu.memory_space<hbm>>
          tpu.wait_dma2 semaphore(%arg25 : memref<!tpu.dma_semaphore, #tpu.memory_space<semaphore_mem>>) src(%dma_wait3A_251 : memref<128xi32, #tpu.memory_space<hbm>>) dst(%arg7 : memref<128xi32, #tpu.memory_space<vmem>>)
          %dma_wait3A_252 = arith.constant 1 : i32
          %dma_wait3A_253 = tpu.memref_slice %arg3[%dma_wait3A_252, %mul3A_246] : memref<2x320000xi32, #tpu.memory_space<hbm>> -> memref<1x128xi32, #tpu.memory_space<hbm>>
          %dma_wait3A_254 = tpu.memref_squeeze %dma_wait3A_253 : memref<1x128xi32, #tpu.memory_space<hbm>> -> memref<128xi32, #tpu.memory_space<hbm>>
          %dma_wait3A_255 = tpu.memref_slice %arg3[%dma_wait3A_252, %mul3A_246] : memref<2x320000xi32, #tpu.memory_space<hbm>> -> memref<1x128xi32, #tpu.memory_space<hbm>>
          %dma_wait3A_256 = tpu.memref_squeeze %dma_wait3A_255 : memref<1x128xi32, #tpu.memory_space<hbm>> -> memref<128xi32, #tpu.memory_space<hbm>>
          tpu.wait_dma2 semaphore(%arg25 : memref<!tpu.dma_semaphore, #tpu.memory_space<semaphore_mem>>) src(%dma_wait3A_256 : memref<128xi32, #tpu.memory_space<hbm>>) dst(%arg11 : memref<128xi32, #tpu.memory_space<vmem>>)
          %dma_start3A_257 = arith.constant 0 : i32
          %dma_start3A_258 = arith.constant 0 : i32
          %dma_start3A_259 = tpu.memref_slice %arg2[%dma_start3A_257, %dma_start3A_258] : memref<10000x128xf32, #tpu.memory_space<hbm>> -> memref<10000x128xf32, #tpu.memory_space<hbm>>
          tpu.enqueue_indirect_dma source(%dma_start3A_259 : memref<10000x128xf32, #tpu.memory_space<hbm>>) target(%arg14 : memref<128x128xf32, #tpu.memory_space<vmem>>) offsets(%arg7 : memref<128xi32, #tpu.memory_space<vmem>>) semaphore(%arg18 : memref<!tpu.dma_semaphore, #tpu.memory_space<semaphore_mem>>)
        } else {
        }
      } else {
      }
      %mul3A_192 = arith.constant 12 : i32
      %mul3A_193 = arith.muli %mul3A_192, %scan3A_127 : i32
      %add3A_194 = arith.constant 8 : i32
      %add3A_195 = arith.addi %mul3A_193, %add3A_194 : i32
      %lt3A_196 = arith.cmpi slt, %add3A_195, %add3A_6 : i32
      %convert_element_type3A_197 = arith.extui %lt3A_196 : i1 to i32
      %cond3A_198 = arith.constant 0 : i32
      %cond3A_199 = arith.cmpi ne, %convert_element_type3A_197, %cond3A_198 : i32
      scf.if %cond3A_199 {
        %dma_wait3A_224 = arith.constant 0 : i32
        %dma_wait3A_225 = arith.constant 0 : i32
        %dma_wait3A_226 = tpu.memref_slice %arg2[%dma_wait3A_224, %dma_wait3A_225] : memref<10000x128xf32, #tpu.memory_space<hbm>> -> memref<10000x128xf32, #tpu.memory_space<hbm>>
        tpu.wait_indirect_dma semaphore(%arg20 : memref<!tpu.dma_semaphore, #tpu.memory_space<semaphore_mem>>) src(%dma_wait3A_226 : memref<10000x128xf32, #tpu.memory_space<hbm>>) dst(%arg16 : memref<128x128xf32, #tpu.memory_space<vmem>>)
        %dma_start3A_227 = arith.constant 0 : i32
        %dma_start3A_228 = arith.constant 0 : i32
        %dma_start3A_229 = tpu.memref_slice %arg17[%dma_start3A_227, %dma_start3A_228] : memref<10000x128xf32, #tpu.memory_space<vmem_shared>> -> memref<10000x128xf32, #tpu.memory_space<vmem_shared>>
        tpu.enqueue_indirect_dma source(%arg16 : memref<128x128xf32, #tpu.memory_space<vmem>>) target(%dma_start3A_229 : memref<10000x128xf32, #tpu.memory_space<vmem_shared>>) offsets(%arg10 : memref<128xi32, #tpu.memory_space<vmem>>) semaphore(%arg23 : memref<!tpu.dma_semaphore, #tpu.memory_space<semaphore_mem>>) {add = true}
        %add3A_230 = arith.constant 2 : i32
        %add3A_231 = arith.addi %add3A_195, %add3A_230 : i32
        %lt3A_232 = arith.cmpi slt, %add3A_231, %add3A_6 : i32
        %convert_element_type3A_233 = arith.extui %lt3A_232 : i1 to i32
        %cond3A_234 = arith.constant 0 : i32
        %cond3A_235 = arith.cmpi ne, %convert_element_type3A_233, %cond3A_234 : i32
        scf.if %cond3A_235 {
          %ge3A = arith.constant 1 : i32
          %ge3A_236 = arith.cmpi sge, %add3A_195, %ge3A : i32
          %convert_element_type3A_237 = arith.extui %ge3A_236 : i1 to i32
          %cond3A_238 = arith.constant 0 : i32
          %cond3A_239 = arith.cmpi ne, %convert_element_type3A_237, %cond3A_238 : i32
          scf.if %cond3A_239 {
            %dma_wait3A_260 = arith.constant 0 : i32
            %dma_wait3A_261 = arith.constant 0 : i32
            %dma_wait3A_262 = tpu.memref_slice %arg17[%dma_wait3A_260, %dma_wait3A_261] : memref<10000x128xf32, #tpu.memory_space<vmem_shared>> -> memref<10000x128xf32, #tpu.memory_space<vmem_shared>>
            tpu.wait_indirect_dma semaphore(%arg22 : memref<!tpu.dma_semaphore, #tpu.memory_space<semaphore_mem>>) src(%arg15 : memref<128x128xf32, #tpu.memory_space<vmem>>) dst(%dma_wait3A_262 : memref<10000x128xf32, #tpu.memory_space<vmem_shared>>)
            %add3A_263 = arith.constant 3 : i32
            %add3A_264 = arith.addi %add3A_195, %add3A_263 : i32
            %lt3A_265 = arith.cmpi slt, %add3A_264, %add3A_6 : i32
            %convert_element_type3A_266 = arith.extui %lt3A_265 : i1 to i32
            %cond3A_267 = arith.constant 0 : i32
            %cond3A_268 = arith.cmpi ne, %convert_element_type3A_266, %cond3A_267 : i32
            scf.if %cond3A_268 {
              %add3A_269 = arith.constant 3 : i32
              %add3A_270 = arith.addi %add3A_195, %add3A_269 : i32
              %mul3A_271 = arith.constant 32 : i32
              %mul3A_272 = arith.muli %add3A_270, %mul3A_271 : i32
              %add3A_273 = arith.addi %mul3A_272, %add3A : i32
              %mul3A_274 = arith.constant 128 : i32
              %mul3A_275 = arith.muli %add3A_273, %mul3A_274 : i32
              %dma_start3A_276 = arith.constant 0 : i32
              %dma_start3A_277 = tpu.memref_slice %arg3[%dma_start3A_276, %mul3A_275] : memref<2x320000xi32, #tpu.memory_space<hbm>> -> memref<1x128xi32, #tpu.memory_space<hbm>>
              %dma_start3A_278 = tpu.memref_squeeze %dma_start3A_277 : memref<1x128xi32, #tpu.memory_space<hbm>> -> memref<128xi32, #tpu.memory_space<hbm>>
              %dma_start3A_279 = tpu.memref_slice %arg3[%dma_start3A_276, %mul3A_275] : memref<2x320000xi32, #tpu.memory_space<hbm>> -> memref<1x128xi32, #tpu.memory_space<hbm>>
              %dma_start3A_280 = tpu.memref_squeeze %dma_start3A_279 : memref<1x128xi32, #tpu.memory_space<hbm>> -> memref<128xi32, #tpu.memory_space<hbm>>
              tpu.enqueue_dma source(%dma_start3A_280 : memref<128xi32, #tpu.memory_space<hbm>>) target(%arg9 : memref<128xi32, #tpu.memory_space<vmem>>) target_semaphore(%arg27 : memref<!tpu.dma_semaphore, #tpu.memory_space<semaphore_mem>>)
              %dma_start3A_281 = arith.constant 1 : i32
              %dma_start3A_282 = tpu.memref_slice %arg3[%dma_start3A_281, %mul3A_275] : memref<2x320000xi32, #tpu.memory_space<hbm>> -> memref<1x128xi32, #tpu.memory_space<hbm>>
              %dma_start3A_283 = tpu.memref_squeeze %dma_start3A_282 : memref<1x128xi32, #tpu.memory_space<hbm>> -> memref<128xi32, #tpu.memory_space<hbm>>
              %dma_start3A_284 = tpu.memref_slice %arg3[%dma_start3A_281, %mul3A_275] : memref<2x320000xi32, #tpu.memory_space<hbm>> -> memref<1x128xi32, #tpu.memory_space<hbm>>
              %dma_start3A_285 = tpu.memref_squeeze %dma_start3A_284 : memref<1x128xi32, #tpu.memory_space<hbm>> -> memref<128xi32, #tpu.memory_space<hbm>>
              tpu.enqueue_dma source(%dma_start3A_285 : memref<128xi32, #tpu.memory_space<hbm>>) target(%arg13 : memref<128xi32, #tpu.memory_space<vmem>>) target_semaphore(%arg27 : memref<!tpu.dma_semaphore, #tpu.memory_space<semaphore_mem>>)
            } else {
            }
          } else {
          }
          %add3A_240 = arith.constant 2 : i32
          %add3A_241 = arith.addi %add3A_195, %add3A_240 : i32
          %mul3A_242 = arith.constant 32 : i32
          %mul3A_243 = arith.muli %add3A_241, %mul3A_242 : i32
          %add3A_244 = arith.addi %mul3A_243, %add3A : i32
          %mul3A_245 = arith.constant 128 : i32
          %mul3A_246 = arith.muli %add3A_244, %mul3A_245 : i32
          %dma_wait3A_247 = arith.constant 0 : i32
          %dma_wait3A_248 = tpu.memref_slice %arg3[%dma_wait3A_247, %mul3A_246] : memref<2x320000xi32, #tpu.memory_space<hbm>> -> memref<1x128xi32, #tpu.memory_space<hbm>>
          %dma_wait3A_249 = tpu.memref_squeeze %dma_wait3A_248 : memref<1x128xi32, #tpu.memory_space<hbm>> -> memref<128xi32, #tpu.memory_space<hbm>>
          %dma_wait3A_250 = tpu.memref_slice %arg3[%dma_wait3A_247, %mul3A_246] : memref<2x320000xi32, #tpu.memory_space<hbm>> -> memref<1x128xi32, #tpu.memory_space<hbm>>
          %dma_wait3A_251 = tpu.memref_squeeze %dma_wait3A_250 : memref<1x128xi32, #tpu.memory_space<hbm>> -> memref<128xi32, #tpu.memory_space<hbm>>
          tpu.wait_dma2 semaphore(%arg26 : memref<!tpu.dma_semaphore, #tpu.memory_space<semaphore_mem>>) src(%dma_wait3A_251 : memref<128xi32, #tpu.memory_space<hbm>>) dst(%arg8 : memref<128xi32, #tpu.memory_space<vmem>>)
          %dma_wait3A_252 = arith.constant 1 : i32
          %dma_wait3A_253 = tpu.memref_slice %arg3[%dma_wait3A_252, %mul3A_246] : memref<2x320000xi32, #tpu.memory_space<hbm>> -> memref<1x128xi32, #tpu.memory_space<hbm>>
          %dma_wait3A_254 = tpu.memref_squeeze %dma_wait3A_253 : memref<1x128xi32, #tpu.memory_space<hbm>> -> memref<128xi32, #tpu.memory_space<hbm>>
          %dma_wait3A_255 = tpu.memref_slice %arg3[%dma_wait3A_252, %mul3A_246] : memref<2x320000xi32, #tpu.memory_space<hbm>> -> memref<1x128xi32, #tpu.memory_space<hbm>>
          %dma_wait3A_256 = tpu.memref_squeeze %dma_wait3A_255 : memref<1x128xi32, #tpu.memory_space<hbm>> -> memref<128xi32, #tpu.memory_space<hbm>>
          tpu.wait_dma2 semaphore(%arg26 : memref<!tpu.dma_semaphore, #tpu.memory_space<semaphore_mem>>) src(%dma_wait3A_256 : memref<128xi32, #tpu.memory_space<hbm>>) dst(%arg12 : memref<128xi32, #tpu.memory_space<vmem>>)
          %dma_start3A_257 = arith.constant 0 : i32
          %dma_start3A_258 = arith.constant 0 : i32
          %dma_start3A_259 = tpu.memref_slice %arg2[%dma_start3A_257, %dma_start3A_258] : memref<10000x128xf32, #tpu.memory_space<hbm>> -> memref<10000x128xf32, #tpu.memory_space<hbm>>
          tpu.enqueue_indirect_dma source(%dma_start3A_259 : memref<10000x128xf32, #tpu.memory_space<hbm>>) target(%arg15 : memref<128x128xf32, #tpu.memory_space<vmem>>) offsets(%arg8 : memref<128xi32, #tpu.memory_space<vmem>>) semaphore(%arg19 : memref<!tpu.dma_semaphore, #tpu.memory_space<semaphore_mem>>)
        } else {
        }
      } else {
      }
      %mul3A_200 = arith.constant 12 : i32
      %mul3A_201 = arith.muli %mul3A_200, %scan3A_127 : i32
      %add3A_202 = arith.constant 9 : i32
      %add3A_203 = arith.addi %mul3A_201, %add3A_202 : i32
      %lt3A_204 = arith.cmpi slt, %add3A_203, %add3A_6 : i32
      %convert_element_type3A_205 = arith.extui %lt3A_204 : i1 to i32
      %cond3A_206 = arith.constant 0 : i32
      %cond3A_207 = arith.cmpi ne, %convert_element_type3A_205, %cond3A_206 : i32
      scf.if %cond3A_207 {
        %dma_wait3A_224 = arith.constant 0 : i32
        %dma_wait3A_225 = arith.constant 0 : i32
        %dma_wait3A_226 = tpu.memref_slice %arg2[%dma_wait3A_224, %dma_wait3A_225] : memref<10000x128xf32, #tpu.memory_space<hbm>> -> memref<10000x128xf32, #tpu.memory_space<hbm>>
        tpu.wait_indirect_dma semaphore(%arg18 : memref<!tpu.dma_semaphore, #tpu.memory_space<semaphore_mem>>) src(%dma_wait3A_226 : memref<10000x128xf32, #tpu.memory_space<hbm>>) dst(%arg14 : memref<128x128xf32, #tpu.memory_space<vmem>>)
        %dma_start3A_227 = arith.constant 0 : i32
        %dma_start3A_228 = arith.constant 0 : i32
        %dma_start3A_229 = tpu.memref_slice %arg17[%dma_start3A_227, %dma_start3A_228] : memref<10000x128xf32, #tpu.memory_space<vmem_shared>> -> memref<10000x128xf32, #tpu.memory_space<vmem_shared>>
        tpu.enqueue_indirect_dma source(%arg14 : memref<128x128xf32, #tpu.memory_space<vmem>>) target(%dma_start3A_229 : memref<10000x128xf32, #tpu.memory_space<vmem_shared>>) offsets(%arg11 : memref<128xi32, #tpu.memory_space<vmem>>) semaphore(%arg21 : memref<!tpu.dma_semaphore, #tpu.memory_space<semaphore_mem>>) {add = true}
        %add3A_230 = arith.constant 2 : i32
        %add3A_231 = arith.addi %add3A_203, %add3A_230 : i32
        %lt3A_232 = arith.cmpi slt, %add3A_231, %add3A_6 : i32
        %convert_element_type3A_233 = arith.extui %lt3A_232 : i1 to i32
        %cond3A_234 = arith.constant 0 : i32
        %cond3A_235 = arith.cmpi ne, %convert_element_type3A_233, %cond3A_234 : i32
        scf.if %cond3A_235 {
          %ge3A = arith.constant 1 : i32
          %ge3A_236 = arith.cmpi sge, %add3A_203, %ge3A : i32
          %convert_element_type3A_237 = arith.extui %ge3A_236 : i1 to i32
          %cond3A_238 = arith.constant 0 : i32
          %cond3A_239 = arith.cmpi ne, %convert_element_type3A_237, %cond3A_238 : i32
          scf.if %cond3A_239 {
            %dma_wait3A_260 = arith.constant 0 : i32
            %dma_wait3A_261 = arith.constant 0 : i32
            %dma_wait3A_262 = tpu.memref_slice %arg17[%dma_wait3A_260, %dma_wait3A_261] : memref<10000x128xf32, #tpu.memory_space<vmem_shared>> -> memref<10000x128xf32, #tpu.memory_space<vmem_shared>>
            tpu.wait_indirect_dma semaphore(%arg23 : memref<!tpu.dma_semaphore, #tpu.memory_space<semaphore_mem>>) src(%arg16 : memref<128x128xf32, #tpu.memory_space<vmem>>) dst(%dma_wait3A_262 : memref<10000x128xf32, #tpu.memory_space<vmem_shared>>)
            %add3A_263 = arith.constant 3 : i32
            %add3A_264 = arith.addi %add3A_203, %add3A_263 : i32
            %lt3A_265 = arith.cmpi slt, %add3A_264, %add3A_6 : i32
            %convert_element_type3A_266 = arith.extui %lt3A_265 : i1 to i32
            %cond3A_267 = arith.constant 0 : i32
            %cond3A_268 = arith.cmpi ne, %convert_element_type3A_266, %cond3A_267 : i32
            scf.if %cond3A_268 {
              %add3A_269 = arith.constant 3 : i32
              %add3A_270 = arith.addi %add3A_203, %add3A_269 : i32
              %mul3A_271 = arith.constant 32 : i32
              %mul3A_272 = arith.muli %add3A_270, %mul3A_271 : i32
              %add3A_273 = arith.addi %mul3A_272, %add3A : i32
              %mul3A_274 = arith.constant 128 : i32
              %mul3A_275 = arith.muli %add3A_273, %mul3A_274 : i32
              %dma_start3A_276 = arith.constant 0 : i32
              %dma_start3A_277 = tpu.memref_slice %arg3[%dma_start3A_276, %mul3A_275] : memref<2x320000xi32, #tpu.memory_space<hbm>> -> memref<1x128xi32, #tpu.memory_space<hbm>>
              %dma_start3A_278 = tpu.memref_squeeze %dma_start3A_277 : memref<1x128xi32, #tpu.memory_space<hbm>> -> memref<128xi32, #tpu.memory_space<hbm>>
              %dma_start3A_279 = tpu.memref_slice %arg3[%dma_start3A_276, %mul3A_275] : memref<2x320000xi32, #tpu.memory_space<hbm>> -> memref<1x128xi32, #tpu.memory_space<hbm>>
              %dma_start3A_280 = tpu.memref_squeeze %dma_start3A_279 : memref<1x128xi32, #tpu.memory_space<hbm>> -> memref<128xi32, #tpu.memory_space<hbm>>
              tpu.enqueue_dma source(%dma_start3A_280 : memref<128xi32, #tpu.memory_space<hbm>>) target(%arg6 : memref<128xi32, #tpu.memory_space<vmem>>) target_semaphore(%arg24 : memref<!tpu.dma_semaphore, #tpu.memory_space<semaphore_mem>>)
              %dma_start3A_281 = arith.constant 1 : i32
              %dma_start3A_282 = tpu.memref_slice %arg3[%dma_start3A_281, %mul3A_275] : memref<2x320000xi32, #tpu.memory_space<hbm>> -> memref<1x128xi32, #tpu.memory_space<hbm>>
              %dma_start3A_283 = tpu.memref_squeeze %dma_start3A_282 : memref<1x128xi32, #tpu.memory_space<hbm>> -> memref<128xi32, #tpu.memory_space<hbm>>
              %dma_start3A_284 = tpu.memref_slice %arg3[%dma_start3A_281, %mul3A_275] : memref<2x320000xi32, #tpu.memory_space<hbm>> -> memref<1x128xi32, #tpu.memory_space<hbm>>
              %dma_start3A_285 = tpu.memref_squeeze %dma_start3A_284 : memref<1x128xi32, #tpu.memory_space<hbm>> -> memref<128xi32, #tpu.memory_space<hbm>>
              tpu.enqueue_dma source(%dma_start3A_285 : memref<128xi32, #tpu.memory_space<hbm>>) target(%arg10 : memref<128xi32, #tpu.memory_space<vmem>>) target_semaphore(%arg24 : memref<!tpu.dma_semaphore, #tpu.memory_space<semaphore_mem>>)
            } else {
            }
          } else {
          }
          %add3A_240 = arith.constant 2 : i32
          %add3A_241 = arith.addi %add3A_203, %add3A_240 : i32
          %mul3A_242 = arith.constant 32 : i32
          %mul3A_243 = arith.muli %add3A_241, %mul3A_242 : i32
          %add3A_244 = arith.addi %mul3A_243, %add3A : i32
          %mul3A_245 = arith.constant 128 : i32
          %mul3A_246 = arith.muli %add3A_244, %mul3A_245 : i32
          %dma_wait3A_247 = arith.constant 0 : i32
          %dma_wait3A_248 = tpu.memref_slice %arg3[%dma_wait3A_247, %mul3A_246] : memref<2x320000xi32, #tpu.memory_space<hbm>> -> memref<1x128xi32, #tpu.memory_space<hbm>>
          %dma_wait3A_249 = tpu.memref_squeeze %dma_wait3A_248 : memref<1x128xi32, #tpu.memory_space<hbm>> -> memref<128xi32, #tpu.memory_space<hbm>>
          %dma_wait3A_250 = tpu.memref_slice %arg3[%dma_wait3A_247, %mul3A_246] : memref<2x320000xi32, #tpu.memory_space<hbm>> -> memref<1x128xi32, #tpu.memory_space<hbm>>
          %dma_wait3A_251 = tpu.memref_squeeze %dma_wait3A_250 : memref<1x128xi32, #tpu.memory_space<hbm>> -> memref<128xi32, #tpu.memory_space<hbm>>
          tpu.wait_dma2 semaphore(%arg27 : memref<!tpu.dma_semaphore, #tpu.memory_space<semaphore_mem>>) src(%dma_wait3A_251 : memref<128xi32, #tpu.memory_space<hbm>>) dst(%arg9 : memref<128xi32, #tpu.memory_space<vmem>>)
          %dma_wait3A_252 = arith.constant 1 : i32
          %dma_wait3A_253 = tpu.memref_slice %arg3[%dma_wait3A_252, %mul3A_246] : memref<2x320000xi32, #tpu.memory_space<hbm>> -> memref<1x128xi32, #tpu.memory_space<hbm>>
          %dma_wait3A_254 = tpu.memref_squeeze %dma_wait3A_253 : memref<1x128xi32, #tpu.memory_space<hbm>> -> memref<128xi32, #tpu.memory_space<hbm>>
          %dma_wait3A_255 = tpu.memref_slice %arg3[%dma_wait3A_252, %mul3A_246] : memref<2x320000xi32, #tpu.memory_space<hbm>> -> memref<1x128xi32, #tpu.memory_space<hbm>>
          %dma_wait3A_256 = tpu.memref_squeeze %dma_wait3A_255 : memref<1x128xi32, #tpu.memory_space<hbm>> -> memref<128xi32, #tpu.memory_space<hbm>>
          tpu.wait_dma2 semaphore(%arg27 : memref<!tpu.dma_semaphore, #tpu.memory_space<semaphore_mem>>) src(%dma_wait3A_256 : memref<128xi32, #tpu.memory_space<hbm>>) dst(%arg13 : memref<128xi32, #tpu.memory_space<vmem>>)
          %dma_start3A_257 = arith.constant 0 : i32
          %dma_start3A_258 = arith.constant 0 : i32
          %dma_start3A_259 = tpu.memref_slice %arg2[%dma_start3A_257, %dma_start3A_258] : memref<10000x128xf32, #tpu.memory_space<hbm>> -> memref<10000x128xf32, #tpu.memory_space<hbm>>
          tpu.enqueue_indirect_dma source(%dma_start3A_259 : memref<10000x128xf32, #tpu.memory_space<hbm>>) target(%arg16 : memref<128x128xf32, #tpu.memory_space<vmem>>) offsets(%arg9 : memref<128xi32, #tpu.memory_space<vmem>>) semaphore(%arg20 : memref<!tpu.dma_semaphore, #tpu.memory_space<semaphore_mem>>)
        } else {
        }
      } else {
      }
      %mul3A_208 = arith.constant 12 : i32
      %mul3A_209 = arith.muli %mul3A_208, %scan3A_127 : i32
      %add3A_210 = arith.constant 10 : i32
      %add3A_211 = arith.addi %mul3A_209, %add3A_210 : i32
      %lt3A_212 = arith.cmpi slt, %add3A_211, %add3A_6 : i32
      %convert_element_type3A_213 = arith.extui %lt3A_212 : i1 to i32
      %cond3A_214 = arith.constant 0 : i32
      %cond3A_215 = arith.cmpi ne, %convert_element_type3A_213, %cond3A_214 : i32
      scf.if %cond3A_215 {
        %dma_wait3A_224 = arith.constant 0 : i32
        %dma_wait3A_225 = arith.constant 0 : i32
        %dma_wait3A_226 = tpu.memref_slice %arg2[%dma_wait3A_224, %dma_wait3A_225] : memref<10000x128xf32, #tpu.memory_space<hbm>> -> memref<10000x128xf32, #tpu.memory_space<hbm>>
        tpu.wait_indirect_dma semaphore(%arg19 : memref<!tpu.dma_semaphore, #tpu.memory_space<semaphore_mem>>) src(%dma_wait3A_226 : memref<10000x128xf32, #tpu.memory_space<hbm>>) dst(%arg15 : memref<128x128xf32, #tpu.memory_space<vmem>>)
        %dma_start3A_227 = arith.constant 0 : i32
        %dma_start3A_228 = arith.constant 0 : i32
        %dma_start3A_229 = tpu.memref_slice %arg17[%dma_start3A_227, %dma_start3A_228] : memref<10000x128xf32, #tpu.memory_space<vmem_shared>> -> memref<10000x128xf32, #tpu.memory_space<vmem_shared>>
        tpu.enqueue_indirect_dma source(%arg15 : memref<128x128xf32, #tpu.memory_space<vmem>>) target(%dma_start3A_229 : memref<10000x128xf32, #tpu.memory_space<vmem_shared>>) offsets(%arg12 : memref<128xi32, #tpu.memory_space<vmem>>) semaphore(%arg22 : memref<!tpu.dma_semaphore, #tpu.memory_space<semaphore_mem>>) {add = true}
        %add3A_230 = arith.constant 2 : i32
        %add3A_231 = arith.addi %add3A_211, %add3A_230 : i32
        %lt3A_232 = arith.cmpi slt, %add3A_231, %add3A_6 : i32
        %convert_element_type3A_233 = arith.extui %lt3A_232 : i1 to i32
        %cond3A_234 = arith.constant 0 : i32
        %cond3A_235 = arith.cmpi ne, %convert_element_type3A_233, %cond3A_234 : i32
        scf.if %cond3A_235 {
          %ge3A = arith.constant 1 : i32
          %ge3A_236 = arith.cmpi sge, %add3A_211, %ge3A : i32
          %convert_element_type3A_237 = arith.extui %ge3A_236 : i1 to i32
          %cond3A_238 = arith.constant 0 : i32
          %cond3A_239 = arith.cmpi ne, %convert_element_type3A_237, %cond3A_238 : i32
          scf.if %cond3A_239 {
            %dma_wait3A_260 = arith.constant 0 : i32
            %dma_wait3A_261 = arith.constant 0 : i32
            %dma_wait3A_262 = tpu.memref_slice %arg17[%dma_wait3A_260, %dma_wait3A_261] : memref<10000x128xf32, #tpu.memory_space<vmem_shared>> -> memref<10000x128xf32, #tpu.memory_space<vmem_shared>>
            tpu.wait_indirect_dma semaphore(%arg21 : memref<!tpu.dma_semaphore, #tpu.memory_space<semaphore_mem>>) src(%arg14 : memref<128x128xf32, #tpu.memory_space<vmem>>) dst(%dma_wait3A_262 : memref<10000x128xf32, #tpu.memory_space<vmem_shared>>)
            %add3A_263 = arith.constant 3 : i32
            %add3A_264 = arith.addi %add3A_211, %add3A_263 : i32
            %lt3A_265 = arith.cmpi slt, %add3A_264, %add3A_6 : i32
            %convert_element_type3A_266 = arith.extui %lt3A_265 : i1 to i32
            %cond3A_267 = arith.constant 0 : i32
            %cond3A_268 = arith.cmpi ne, %convert_element_type3A_266, %cond3A_267 : i32
            scf.if %cond3A_268 {
              %add3A_269 = arith.constant 3 : i32
              %add3A_270 = arith.addi %add3A_211, %add3A_269 : i32
              %mul3A_271 = arith.constant 32 : i32
              %mul3A_272 = arith.muli %add3A_270, %mul3A_271 : i32
              %add3A_273 = arith.addi %mul3A_272, %add3A : i32
              %mul3A_274 = arith.constant 128 : i32
              %mul3A_275 = arith.muli %add3A_273, %mul3A_274 : i32
              %dma_start3A_276 = arith.constant 0 : i32
              %dma_start3A_277 = tpu.memref_slice %arg3[%dma_start3A_276, %mul3A_275] : memref<2x320000xi32, #tpu.memory_space<hbm>> -> memref<1x128xi32, #tpu.memory_space<hbm>>
              %dma_start3A_278 = tpu.memref_squeeze %dma_start3A_277 : memref<1x128xi32, #tpu.memory_space<hbm>> -> memref<128xi32, #tpu.memory_space<hbm>>
              %dma_start3A_279 = tpu.memref_slice %arg3[%dma_start3A_276, %mul3A_275] : memref<2x320000xi32, #tpu.memory_space<hbm>> -> memref<1x128xi32, #tpu.memory_space<hbm>>
              %dma_start3A_280 = tpu.memref_squeeze %dma_start3A_279 : memref<1x128xi32, #tpu.memory_space<hbm>> -> memref<128xi32, #tpu.memory_space<hbm>>
              tpu.enqueue_dma source(%dma_start3A_280 : memref<128xi32, #tpu.memory_space<hbm>>) target(%arg7 : memref<128xi32, #tpu.memory_space<vmem>>) target_semaphore(%arg25 : memref<!tpu.dma_semaphore, #tpu.memory_space<semaphore_mem>>)
              %dma_start3A_281 = arith.constant 1 : i32
              %dma_start3A_282 = tpu.memref_slice %arg3[%dma_start3A_281, %mul3A_275] : memref<2x320000xi32, #tpu.memory_space<hbm>> -> memref<1x128xi32, #tpu.memory_space<hbm>>
              %dma_start3A_283 = tpu.memref_squeeze %dma_start3A_282 : memref<1x128xi32, #tpu.memory_space<hbm>> -> memref<128xi32, #tpu.memory_space<hbm>>
              %dma_start3A_284 = tpu.memref_slice %arg3[%dma_start3A_281, %mul3A_275] : memref<2x320000xi32, #tpu.memory_space<hbm>> -> memref<1x128xi32, #tpu.memory_space<hbm>>
              %dma_start3A_285 = tpu.memref_squeeze %dma_start3A_284 : memref<1x128xi32, #tpu.memory_space<hbm>> -> memref<128xi32, #tpu.memory_space<hbm>>
              tpu.enqueue_dma source(%dma_start3A_285 : memref<128xi32, #tpu.memory_space<hbm>>) target(%arg11 : memref<128xi32, #tpu.memory_space<vmem>>) target_semaphore(%arg25 : memref<!tpu.dma_semaphore, #tpu.memory_space<semaphore_mem>>)
            } else {
            }
          } else {
          }
          %add3A_240 = arith.constant 2 : i32
          %add3A_241 = arith.addi %add3A_211, %add3A_240 : i32
          %mul3A_242 = arith.constant 32 : i32
          %mul3A_243 = arith.muli %add3A_241, %mul3A_242 : i32
          %add3A_244 = arith.addi %mul3A_243, %add3A : i32
          %mul3A_245 = arith.constant 128 : i32
          %mul3A_246 = arith.muli %add3A_244, %mul3A_245 : i32
          %dma_wait3A_247 = arith.constant 0 : i32
          %dma_wait3A_248 = tpu.memref_slice %arg3[%dma_wait3A_247, %mul3A_246] : memref<2x320000xi32, #tpu.memory_space<hbm>> -> memref<1x128xi32, #tpu.memory_space<hbm>>
          %dma_wait3A_249 = tpu.memref_squeeze %dma_wait3A_248 : memref<1x128xi32, #tpu.memory_space<hbm>> -> memref<128xi32, #tpu.memory_space<hbm>>
          %dma_wait3A_250 = tpu.memref_slice %arg3[%dma_wait3A_247, %mul3A_246] : memref<2x320000xi32, #tpu.memory_space<hbm>> -> memref<1x128xi32, #tpu.memory_space<hbm>>
          %dma_wait3A_251 = tpu.memref_squeeze %dma_wait3A_250 : memref<1x128xi32, #tpu.memory_space<hbm>> -> memref<128xi32, #tpu.memory_space<hbm>>
          tpu.wait_dma2 semaphore(%arg24 : memref<!tpu.dma_semaphore, #tpu.memory_space<semaphore_mem>>) src(%dma_wait3A_251 : memref<128xi32, #tpu.memory_space<hbm>>) dst(%arg6 : memref<128xi32, #tpu.memory_space<vmem>>)
          %dma_wait3A_252 = arith.constant 1 : i32
          %dma_wait3A_253 = tpu.memref_slice %arg3[%dma_wait3A_252, %mul3A_246] : memref<2x320000xi32, #tpu.memory_space<hbm>> -> memref<1x128xi32, #tpu.memory_space<hbm>>
          %dma_wait3A_254 = tpu.memref_squeeze %dma_wait3A_253 : memref<1x128xi32, #tpu.memory_space<hbm>> -> memref<128xi32, #tpu.memory_space<hbm>>
          %dma_wait3A_255 = tpu.memref_slice %arg3[%dma_wait3A_252, %mul3A_246] : memref<2x320000xi32, #tpu.memory_space<hbm>> -> memref<1x128xi32, #tpu.memory_space<hbm>>
          %dma_wait3A_256 = tpu.memref_squeeze %dma_wait3A_255 : memref<1x128xi32, #tpu.memory_space<hbm>> -> memref<128xi32, #tpu.memory_space<hbm>>
          tpu.wait_dma2 semaphore(%arg24 : memref<!tpu.dma_semaphore, #tpu.memory_space<semaphore_mem>>) src(%dma_wait3A_256 : memref<128xi32, #tpu.memory_space<hbm>>) dst(%arg10 : memref<128xi32, #tpu.memory_space<vmem>>)
          %dma_start3A_257 = arith.constant 0 : i32
          %dma_start3A_258 = arith.constant 0 : i32
          %dma_start3A_259 = tpu.memref_slice %arg2[%dma_start3A_257, %dma_start3A_258] : memref<10000x128xf32, #tpu.memory_space<hbm>> -> memref<10000x128xf32, #tpu.memory_space<hbm>>
          tpu.enqueue_indirect_dma source(%dma_start3A_259 : memref<10000x128xf32, #tpu.memory_space<hbm>>) target(%arg14 : memref<128x128xf32, #tpu.memory_space<vmem>>) offsets(%arg6 : memref<128xi32, #tpu.memory_space<vmem>>) semaphore(%arg18 : memref<!tpu.dma_semaphore, #tpu.memory_space<semaphore_mem>>)
        } else {
        }
      } else {
      }
      %mul3A_216 = arith.constant 12 : i32
      %mul3A_217 = arith.muli %mul3A_216, %scan3A_127 : i32
      %add3A_218 = arith.constant 11 : i32
      %add3A_219 = arith.addi %mul3A_217, %add3A_218 : i32
      %lt3A_220 = arith.cmpi slt, %add3A_219, %add3A_6 : i32
      %convert_element_type3A_221 = arith.extui %lt3A_220 : i1 to i32
      %cond3A_222 = arith.constant 0 : i32
      %cond3A_223 = arith.cmpi ne, %convert_element_type3A_221, %cond3A_222 : i32
      scf.if %cond3A_223 {
        %dma_wait3A_224 = arith.constant 0 : i32
        %dma_wait3A_225 = arith.constant 0 : i32
        %dma_wait3A_226 = tpu.memref_slice %arg2[%dma_wait3A_224, %dma_wait3A_225] : memref<10000x128xf32, #tpu.memory_space<hbm>> -> memref<10000x128xf32, #tpu.memory_space<hbm>>
        tpu.wait_indirect_dma semaphore(%arg20 : memref<!tpu.dma_semaphore, #tpu.memory_space<semaphore_mem>>) src(%dma_wait3A_226 : memref<10000x128xf32, #tpu.memory_space<hbm>>) dst(%arg16 : memref<128x128xf32, #tpu.memory_space<vmem>>)
        %dma_start3A_227 = arith.constant 0 : i32
        %dma_start3A_228 = arith.constant 0 : i32
        %dma_start3A_229 = tpu.memref_slice %arg17[%dma_start3A_227, %dma_start3A_228] : memref<10000x128xf32, #tpu.memory_space<vmem_shared>> -> memref<10000x128xf32, #tpu.memory_space<vmem_shared>>
        tpu.enqueue_indirect_dma source(%arg16 : memref<128x128xf32, #tpu.memory_space<vmem>>) target(%dma_start3A_229 : memref<10000x128xf32, #tpu.memory_space<vmem_shared>>) offsets(%arg13 : memref<128xi32, #tpu.memory_space<vmem>>) semaphore(%arg23 : memref<!tpu.dma_semaphore, #tpu.memory_space<semaphore_mem>>) {add = true}
        %add3A_230 = arith.constant 2 : i32
        %add3A_231 = arith.addi %add3A_219, %add3A_230 : i32
        %lt3A_232 = arith.cmpi slt, %add3A_231, %add3A_6 : i32
        %convert_element_type3A_233 = arith.extui %lt3A_232 : i1 to i32
        %cond3A_234 = arith.constant 0 : i32
        %cond3A_235 = arith.cmpi ne, %convert_element_type3A_233, %cond3A_234 : i32
        scf.if %cond3A_235 {
          %ge3A = arith.constant 1 : i32
          %ge3A_236 = arith.cmpi sge, %add3A_219, %ge3A : i32
          %convert_element_type3A_237 = arith.extui %ge3A_236 : i1 to i32
          %cond3A_238 = arith.constant 0 : i32
          %cond3A_239 = arith.cmpi ne, %convert_element_type3A_237, %cond3A_238 : i32
          scf.if %cond3A_239 {
            %dma_wait3A_260 = arith.constant 0 : i32
            %dma_wait3A_261 = arith.constant 0 : i32
            %dma_wait3A_262 = tpu.memref_slice %arg17[%dma_wait3A_260, %dma_wait3A_261] : memref<10000x128xf32, #tpu.memory_space<vmem_shared>> -> memref<10000x128xf32, #tpu.memory_space<vmem_shared>>
            tpu.wait_indirect_dma semaphore(%arg22 : memref<!tpu.dma_semaphore, #tpu.memory_space<semaphore_mem>>) src(%arg15 : memref<128x128xf32, #tpu.memory_space<vmem>>) dst(%dma_wait3A_262 : memref<10000x128xf32, #tpu.memory_space<vmem_shared>>)
            %add3A_263 = arith.constant 3 : i32
            %add3A_264 = arith.addi %add3A_219, %add3A_263 : i32
            %lt3A_265 = arith.cmpi slt, %add3A_264, %add3A_6 : i32
            %convert_element_type3A_266 = arith.extui %lt3A_265 : i1 to i32
            %cond3A_267 = arith.constant 0 : i32
            %cond3A_268 = arith.cmpi ne, %convert_element_type3A_266, %cond3A_267 : i32
            scf.if %cond3A_268 {
              %add3A_269 = arith.constant 3 : i32
              %add3A_270 = arith.addi %add3A_219, %add3A_269 : i32
              %mul3A_271 = arith.constant 32 : i32
              %mul3A_272 = arith.muli %add3A_270, %mul3A_271 : i32
              %add3A_273 = arith.addi %mul3A_272, %add3A : i32
              %mul3A_274 = arith.constant 128 : i32
              %mul3A_275 = arith.muli %add3A_273, %mul3A_274 : i32
              %dma_start3A_276 = arith.constant 0 : i32
              %dma_start3A_277 = tpu.memref_slice %arg3[%dma_start3A_276, %mul3A_275] : memref<2x320000xi32, #tpu.memory_space<hbm>> -> memref<1x128xi32, #tpu.memory_space<hbm>>
              %dma_start3A_278 = tpu.memref_squeeze %dma_start3A_277 : memref<1x128xi32, #tpu.memory_space<hbm>> -> memref<128xi32, #tpu.memory_space<hbm>>
              %dma_start3A_279 = tpu.memref_slice %arg3[%dma_start3A_276, %mul3A_275] : memref<2x320000xi32, #tpu.memory_space<hbm>> -> memref<1x128xi32, #tpu.memory_space<hbm>>
              %dma_start3A_280 = tpu.memref_squeeze %dma_start3A_279 : memref<1x128xi32, #tpu.memory_space<hbm>> -> memref<128xi32, #tpu.memory_space<hbm>>
              tpu.enqueue_dma source(%dma_start3A_280 : memref<128xi32, #tpu.memory_space<hbm>>) target(%arg8 : memref<128xi32, #tpu.memory_space<vmem>>) target_semaphore(%arg26 : memref<!tpu.dma_semaphore, #tpu.memory_space<semaphore_mem>>)
              %dma_start3A_281 = arith.constant 1 : i32
              %dma_start3A_282 = tpu.memref_slice %arg3[%dma_start3A_281, %mul3A_275] : memref<2x320000xi32, #tpu.memory_space<hbm>> -> memref<1x128xi32, #tpu.memory_space<hbm>>
              %dma_start3A_283 = tpu.memref_squeeze %dma_start3A_282 : memref<1x128xi32, #tpu.memory_space<hbm>> -> memref<128xi32, #tpu.memory_space<hbm>>
              %dma_start3A_284 = tpu.memref_slice %arg3[%dma_start3A_281, %mul3A_275] : memref<2x320000xi32, #tpu.memory_space<hbm>> -> memref<1x128xi32, #tpu.memory_space<hbm>>
              %dma_start3A_285 = tpu.memref_squeeze %dma_start3A_284 : memref<1x128xi32, #tpu.memory_space<hbm>> -> memref<128xi32, #tpu.memory_space<hbm>>
              tpu.enqueue_dma source(%dma_start3A_285 : memref<128xi32, #tpu.memory_space<hbm>>) target(%arg12 : memref<128xi32, #tpu.memory_space<vmem>>) target_semaphore(%arg26 : memref<!tpu.dma_semaphore, #tpu.memory_space<semaphore_mem>>)
            } else {
            }
          } else {
          }
          %add3A_240 = arith.constant 2 : i32
          %add3A_241 = arith.addi %add3A_219, %add3A_240 : i32
          %mul3A_242 = arith.constant 32 : i32
          %mul3A_243 = arith.muli %add3A_241, %mul3A_242 : i32
          %add3A_244 = arith.addi %mul3A_243, %add3A : i32
          %mul3A_245 = arith.constant 128 : i32
          %mul3A_246 = arith.muli %add3A_244, %mul3A_245 : i32
          %dma_wait3A_247 = arith.constant 0 : i32
          %dma_wait3A_248 = tpu.memref_slice %arg3[%dma_wait3A_247, %mul3A_246] : memref<2x320000xi32, #tpu.memory_space<hbm>> -> memref<1x128xi32, #tpu.memory_space<hbm>>
          %dma_wait3A_249 = tpu.memref_squeeze %dma_wait3A_248 : memref<1x128xi32, #tpu.memory_space<hbm>> -> memref<128xi32, #tpu.memory_space<hbm>>
          %dma_wait3A_250 = tpu.memref_slice %arg3[%dma_wait3A_247, %mul3A_246] : memref<2x320000xi32, #tpu.memory_space<hbm>> -> memref<1x128xi32, #tpu.memory_space<hbm>>
          %dma_wait3A_251 = tpu.memref_squeeze %dma_wait3A_250 : memref<1x128xi32, #tpu.memory_space<hbm>> -> memref<128xi32, #tpu.memory_space<hbm>>
          tpu.wait_dma2 semaphore(%arg25 : memref<!tpu.dma_semaphore, #tpu.memory_space<semaphore_mem>>) src(%dma_wait3A_251 : memref<128xi32, #tpu.memory_space<hbm>>) dst(%arg7 : memref<128xi32, #tpu.memory_space<vmem>>)
          %dma_wait3A_252 = arith.constant 1 : i32
          %dma_wait3A_253 = tpu.memref_slice %arg3[%dma_wait3A_252, %mul3A_246] : memref<2x320000xi32, #tpu.memory_space<hbm>> -> memref<1x128xi32, #tpu.memory_space<hbm>>
          %dma_wait3A_254 = tpu.memref_squeeze %dma_wait3A_253 : memref<1x128xi32, #tpu.memory_space<hbm>> -> memref<128xi32, #tpu.memory_space<hbm>>
          %dma_wait3A_255 = tpu.memref_slice %arg3[%dma_wait3A_252, %mul3A_246] : memref<2x320000xi32, #tpu.memory_space<hbm>> -> memref<1x128xi32, #tpu.memory_space<hbm>>
          %dma_wait3A_256 = tpu.memref_squeeze %dma_wait3A_255 : memref<1x128xi32, #tpu.memory_space<hbm>> -> memref<128xi32, #tpu.memory_space<hbm>>
          tpu.wait_dma2 semaphore(%arg25 : memref<!tpu.dma_semaphore, #tpu.memory_space<semaphore_mem>>) src(%dma_wait3A_256 : memref<128xi32, #tpu.memory_space<hbm>>) dst(%arg11 : memref<128xi32, #tpu.memory_space<vmem>>)
          %dma_start3A_257 = arith.constant 0 : i32
          %dma_start3A_258 = arith.constant 0 : i32
          %dma_start3A_259 = tpu.memref_slice %arg2[%dma_start3A_257, %dma_start3A_258] : memref<10000x128xf32, #tpu.memory_space<hbm>> -> memref<10000x128xf32, #tpu.memory_space<hbm>>
          tpu.enqueue_indirect_dma source(%dma_start3A_259 : memref<10000x128xf32, #tpu.memory_space<hbm>>) target(%arg15 : memref<128x128xf32, #tpu.memory_space<vmem>>) offsets(%arg7 : memref<128xi32, #tpu.memory_space<vmem>>) semaphore(%arg19 : memref<!tpu.dma_semaphore, #tpu.memory_space<semaphore_mem>>)
        } else {
        }
      } else {
      }
    }
    %scan3A_106 = arith.constant 7 : i32
    %dma_wait3A_107 = arith.constant 0 : i32
    %dma_wait3A_108 = arith.constant 0 : i32
    %dma_wait3A_109 = tpu.memref_slice %arg17[%dma_wait3A_107, %dma_wait3A_108] : memref<10000x128xf32, #tpu.memory_space<vmem_shared>> -> memref<10000x128xf32, #tpu.memory_space<vmem_shared>>
    tpu.wait_indirect_dma semaphore(%arg21 : memref<!tpu.dma_semaphore, #tpu.memory_space<semaphore_mem>>) src(%arg14 : memref<128x128xf32, #tpu.memory_space<vmem>>) dst(%dma_wait3A_109 : memref<10000x128xf32, #tpu.memory_space<vmem_shared>>)
    %dma_wait3A_110 = arith.constant 0 : i32
    %dma_wait3A_111 = arith.constant 0 : i32
    %dma_wait3A_112 = tpu.memref_slice %arg17[%dma_wait3A_110, %dma_wait3A_111] : memref<10000x128xf32, #tpu.memory_space<vmem_shared>> -> memref<10000x128xf32, #tpu.memory_space<vmem_shared>>
    tpu.wait_indirect_dma semaphore(%arg22 : memref<!tpu.dma_semaphore, #tpu.memory_space<semaphore_mem>>) src(%arg15 : memref<128x128xf32, #tpu.memory_space<vmem>>) dst(%dma_wait3A_112 : memref<10000x128xf32, #tpu.memory_space<vmem_shared>>)
    %dma_wait3A_113 = arith.constant 0 : i32
    %dma_wait3A_114 = arith.constant 0 : i32
    %dma_wait3A_115 = tpu.memref_slice %arg17[%dma_wait3A_113, %dma_wait3A_114] : memref<10000x128xf32, #tpu.memory_space<vmem_shared>> -> memref<10000x128xf32, #tpu.memory_space<vmem_shared>>
    tpu.wait_indirect_dma semaphore(%arg23 : memref<!tpu.dma_semaphore, #tpu.memory_space<semaphore_mem>>) src(%arg16 : memref<128x128xf32, #tpu.memory_space<vmem>>) dst(%dma_wait3A_115 : memref<10000x128xf32, #tpu.memory_space<vmem_shared>>)
    %barrier3A_116 = arith.constant 0 : index
    tpu.barrier barrier_id(%barrier3A_116)
    %lt3A_117 = arith.constant 15 : i32
    %lt3A_118 = arith.cmpi slt, %arg1, %lt3A_117 : i32
    %convert_element_type3A_119 = arith.extui %lt3A_118 : i1 to i32
    %cond3A_120 = arith.constant 0 : i32
    %cond3A_121 = arith.cmpi ne, %convert_element_type3A_119, %cond3A_120 : i32
    scf.if %cond3A_121 {
      "tpu.region"() ({
        %run_scoped3A = tpu.sem_alloc : memref<!tpu.dma_semaphore, #tpu.memory_space<semaphore_mem>>
        %dma_start3A_127 = arith.constant 0 : i32
        %dma_start3A_128 = tpu.memref_slice %arg5[%arg0, %mul3A_2, %dma_start3A_127] : memref<2x10000x128xf32, #tpu.memory_space<hbm>> -> memref<1x640x128xf32, #tpu.memory_space<hbm>>
        %dma_start3A_129 = tpu.memref_squeeze %dma_start3A_128 : memref<1x640x128xf32, #tpu.memory_space<hbm>> -> memref<640x128xf32, #tpu.memory_space<hbm>>
        %dma_start3A_130 = arith.constant 0 : i32
        %dma_start3A_131 = tpu.memref_slice %arg17[%mul3A_2, %dma_start3A_130] : memref<10000x128xf32, #tpu.memory_space<vmem_shared>> -> memref<640x128xf32, #tpu.memory_space<vmem_shared>>
        tpu.enqueue_dma source(%dma_start3A_131 : memref<640x128xf32, #tpu.memory_space<vmem_shared>>) target(%dma_start3A_129 : memref<640x128xf32, #tpu.memory_space<hbm>>) target_semaphore(%run_scoped3A : memref<!tpu.dma_semaphore, #tpu.memory_space<semaphore_mem>>)
        %dma_wait3A_132 = arith.constant 0 : i32
        %dma_wait3A_133 = tpu.memref_slice %arg5[%arg0, %mul3A_2, %dma_wait3A_132] : memref<2x10000x128xf32, #tpu.memory_space<hbm>> -> memref<1x640x128xf32, #tpu.memory_space<hbm>>
        %dma_wait3A_134 = tpu.memref_squeeze %dma_wait3A_133 : memref<1x640x128xf32, #tpu.memory_space<hbm>> -> memref<640x128xf32, #tpu.memory_space<hbm>>
        %dma_wait3A_135 = arith.constant 0 : i32
        %dma_wait3A_136 = tpu.memref_slice %arg17[%mul3A_2, %dma_wait3A_135] : memref<10000x128xf32, #tpu.memory_space<vmem_shared>> -> memref<640x128xf32, #tpu.memory_space<vmem_shared>>
        tpu.wait_dma2 semaphore(%run_scoped3A : memref<!tpu.dma_semaphore, #tpu.memory_space<semaphore_mem>>) src(%dma_wait3A_136 : memref<640x128xf32, #tpu.memory_space<vmem_shared>>) dst(%dma_wait3A_134 : memref<640x128xf32, #tpu.memory_space<hbm>>)
        tpu.yield
      }) : () -> ()
    } else {
    }
    %eq3A_122 = arith.constant 15 : i32
    %eq3A_123 = arith.cmpi eq, %arg1, %eq3A_122 : i32
    %convert_element_type3A_124 = arith.extui %eq3A_123 : i1 to i32
    %cond3A_125 = arith.constant 0 : i32
    %cond3A_126 = arith.cmpi ne, %convert_element_type3A_124, %cond3A_125 : i32
    scf.if %cond3A_126 {
      "tpu.region"() ({
        %run_scoped3A = tpu.sem_alloc : memref<!tpu.dma_semaphore, #tpu.memory_space<semaphore_mem>>
        %dma_start3A_127 = arith.constant 0 : i32
        %dma_start3A_128 = tpu.memref_slice %arg5[%arg0, %mul3A_2, %dma_start3A_127] : memref<2x10000x128xf32, #tpu.memory_space<hbm>> -> memref<1x400x128xf32, #tpu.memory_space<hbm>>
        %dma_start3A_129 = tpu.memref_squeeze %dma_start3A_128 : memref<1x400x128xf32, #tpu.memory_space<hbm>> -> memref<400x128xf32, #tpu.memory_space<hbm>>
        %dma_start3A_130 = arith.constant 0 : i32
        %dma_start3A_131 = tpu.memref_slice %arg17[%mul3A_2, %dma_start3A_130] : memref<10000x128xf32, #tpu.memory_space<vmem_shared>> -> memref<400x128xf32, #tpu.memory_space<vmem_shared>>
        tpu.enqueue_dma source(%dma_start3A_131 : memref<400x128xf32, #tpu.memory_space<vmem_shared>>) target(%dma_start3A_129 : memref<400x128xf32, #tpu.memory_space<hbm>>) target_semaphore(%run_scoped3A : memref<!tpu.dma_semaphore, #tpu.memory_space<semaphore_mem>>)
        %dma_wait3A_132 = arith.constant 0 : i32
        %dma_wait3A_133 = tpu.memref_slice %arg5[%arg0, %mul3A_2, %dma_wait3A_132] : memref<2x10000x128xf32, #tpu.memory_space<hbm>> -> memref<1x400x128xf32, #tpu.memory_space<hbm>>
        %dma_wait3A_134 = tpu.memref_squeeze %dma_wait3A_133 : memref<1x400x128xf32, #tpu.memory_space<hbm>> -> memref<400x128xf32, #tpu.memory_space<hbm>>
        %dma_wait3A_135 = arith.constant 0 : i32
        %dma_wait3A_136 = tpu.memref_slice %arg17[%mul3A_2, %dma_wait3A_135] : memref<10000x128xf32, #tpu.memory_space<vmem_shared>> -> memref<400x128xf32, #tpu.memory_space<vmem_shared>>
        tpu.wait_dma2 semaphore(%run_scoped3A : memref<!tpu.dma_semaphore, #tpu.memory_space<semaphore_mem>>) src(%dma_wait3A_136 : memref<400x128xf32, #tpu.memory_space<vmem_shared>>) dst(%dma_wait3A_134 : memref<400x128xf32, #tpu.memory_space<hbm>>)
        tpu.yield
      }) : () -> ()
    } else {
    }
    return
  }
}

#map = affine_map<(d0, d1) -> (0, 0)>
module attributes {stable_mosaic.version = 14 : i64} {
  func.func @_sc_degree_body(%arg0: i32, %arg1: i32, %arg2: memref<2x320000xi32, #tpu.memory_space<hbm>>, %arg3: memref<32x10240xf32, #tpu.memory_space<hbm>>, %arg4: memref<2560xi32, #tpu.memory_space<vmem>>, %arg5: memref<2560xi32, #tpu.memory_space<vmem>>, %arg6: memref<2560xi32, #tpu.memory_space<vmem>>, %arg7: memref<2560xi32, #tpu.memory_space<vmem>>, %arg8: memref<10240xf32, #tpu.memory_space<vmem>>, %arg9: memref<!tpu.dma_semaphore, #tpu.memory_space<semaphore_mem>>, %arg10: memref<!tpu.dma_semaphore, #tpu.memory_space<semaphore_mem>>, %arg11: memref<!tpu.dma_semaphore, #tpu.memory_space<semaphore_mem>>, %arg12: memref<!tpu.dma_semaphore, #tpu.memory_space<semaphore_mem>>) attributes {dimension_semantics = [#tpu.dimension_semantics<core_parallel>, #tpu.dimension_semantics<subcore_parallel>], iteration_bounds = array<i64: 2, 16>, scalar_prefetch = 0 : i64, scratch_operands = 9 : i64, tpu.core_type = #tpu.core_type<sc_vector_subcore>, window_params = [{transform_indices = #map}, {transform_indices = #map}]} {
    %mul3A = arith.constant 2 : i32
    %mul3A_0 = arith.muli %arg1, %mul3A : i32
    %add3A = arith.addi %mul3A_0, %arg0 : i32
    %lt3A = arith.constant 29 : i32
    %lt3A_1 = arith.cmpi slt, %add3A, %lt3A : i32
    %jit3A = arith.constant 1 : i32
    %jit3A_2 = arith.constant 0 : i32
    %select_n3A = arith.select %lt3A_1, %jit3A, %jit3A_2 : i32
    %add3A_3 = arith.constant 3 : i32
    %add3A_4 = arith.addi %add3A_3, %select_n3A : i32
    %gt3A = arith.constant 0 : i32
    %gt3A_5 = arith.cmpi sgt, %add3A_4, %gt3A : i32
    %convert_element_type3A = arith.extui %gt3A_5 : i1 to i32
    %cond3A = arith.constant 0 : i32
    %cond3A_6 = arith.cmpi ne, %convert_element_type3A, %cond3A : i32
    scf.if %cond3A_6 {
      %add3A_50 = arith.constant 0 : i32
      %add3A_51 = arith.addi %add3A_50, %add3A : i32
      %mul3A_52 = arith.constant 2560 : i32
      %mul3A_53 = arith.muli %add3A_51, %mul3A_52 : i32
      %dma_start3A = arith.constant 1 : i32
      %dma_start3A_54 = tpu.memref_slice %arg2[%dma_start3A, %mul3A_53] : memref<2x320000xi32, #tpu.memory_space<hbm>> -> memref<1x2560xi32, #tpu.memory_space<hbm>>
      %dma_start3A_55 = tpu.memref_squeeze %dma_start3A_54 : memref<1x2560xi32, #tpu.memory_space<hbm>> -> memref<2560xi32, #tpu.memory_space<hbm>>
      %dma_start3A_56 = tpu.memref_slice %arg2[%dma_start3A, %mul3A_53] : memref<2x320000xi32, #tpu.memory_space<hbm>> -> memref<1x2560xi32, #tpu.memory_space<hbm>>
      %dma_start3A_57 = tpu.memref_squeeze %dma_start3A_56 : memref<1x2560xi32, #tpu.memory_space<hbm>> -> memref<2560xi32, #tpu.memory_space<hbm>>
      tpu.enqueue_dma source(%dma_start3A_57 : memref<2560xi32, #tpu.memory_space<hbm>>) target(%arg4 : memref<2560xi32, #tpu.memory_space<vmem>>) target_semaphore(%arg9 : memref<!tpu.dma_semaphore, #tpu.memory_space<semaphore_mem>>)
    } else {
    }
    %gt3A_7 = arith.constant 1 : i32
    %gt3A_8 = arith.cmpi sgt, %add3A_4, %gt3A_7 : i32
    %convert_element_type3A_9 = arith.extui %gt3A_8 : i1 to i32
    %cond3A_10 = arith.constant 0 : i32
    %cond3A_11 = arith.cmpi ne, %convert_element_type3A_9, %cond3A_10 : i32
    scf.if %cond3A_11 {
      %add3A_50 = arith.constant 32 : i32
      %add3A_51 = arith.addi %add3A_50, %add3A : i32
      %mul3A_52 = arith.constant 2560 : i32
      %mul3A_53 = arith.muli %add3A_51, %mul3A_52 : i32
      %dma_start3A = arith.constant 1 : i32
      %dma_start3A_54 = tpu.memref_slice %arg2[%dma_start3A, %mul3A_53] : memref<2x320000xi32, #tpu.memory_space<hbm>> -> memref<1x2560xi32, #tpu.memory_space<hbm>>
      %dma_start3A_55 = tpu.memref_squeeze %dma_start3A_54 : memref<1x2560xi32, #tpu.memory_space<hbm>> -> memref<2560xi32, #tpu.memory_space<hbm>>
      %dma_start3A_56 = tpu.memref_slice %arg2[%dma_start3A, %mul3A_53] : memref<2x320000xi32, #tpu.memory_space<hbm>> -> memref<1x2560xi32, #tpu.memory_space<hbm>>
      %dma_start3A_57 = tpu.memref_squeeze %dma_start3A_56 : memref<1x2560xi32, #tpu.memory_space<hbm>> -> memref<2560xi32, #tpu.memory_space<hbm>>
      tpu.enqueue_dma source(%dma_start3A_57 : memref<2560xi32, #tpu.memory_space<hbm>>) target(%arg5 : memref<2560xi32, #tpu.memory_space<vmem>>) target_semaphore(%arg10 : memref<!tpu.dma_semaphore, #tpu.memory_space<semaphore_mem>>)
    } else {
    }
    %gt3A_12 = arith.constant 2 : i32
    %gt3A_13 = arith.cmpi sgt, %add3A_4, %gt3A_12 : i32
    %convert_element_type3A_14 = arith.extui %gt3A_13 : i1 to i32
    %cond3A_15 = arith.constant 0 : i32
    %cond3A_16 = arith.cmpi ne, %convert_element_type3A_14, %cond3A_15 : i32
    scf.if %cond3A_16 {
      %add3A_50 = arith.constant 64 : i32
      %add3A_51 = arith.addi %add3A_50, %add3A : i32
      %mul3A_52 = arith.constant 2560 : i32
      %mul3A_53 = arith.muli %add3A_51, %mul3A_52 : i32
      %dma_start3A = arith.constant 1 : i32
      %dma_start3A_54 = tpu.memref_slice %arg2[%dma_start3A, %mul3A_53] : memref<2x320000xi32, #tpu.memory_space<hbm>> -> memref<1x2560xi32, #tpu.memory_space<hbm>>
      %dma_start3A_55 = tpu.memref_squeeze %dma_start3A_54 : memref<1x2560xi32, #tpu.memory_space<hbm>> -> memref<2560xi32, #tpu.memory_space<hbm>>
      %dma_start3A_56 = tpu.memref_slice %arg2[%dma_start3A, %mul3A_53] : memref<2x320000xi32, #tpu.memory_space<hbm>> -> memref<1x2560xi32, #tpu.memory_space<hbm>>
      %dma_start3A_57 = tpu.memref_squeeze %dma_start3A_56 : memref<1x2560xi32, #tpu.memory_space<hbm>> -> memref<2560xi32, #tpu.memory_space<hbm>>
      tpu.enqueue_dma source(%dma_start3A_57 : memref<2560xi32, #tpu.memory_space<hbm>>) target(%arg6 : memref<2560xi32, #tpu.memory_space<vmem>>) target_semaphore(%arg11 : memref<!tpu.dma_semaphore, #tpu.memory_space<semaphore_mem>>)
    } else {
    }
    %gt3A_17 = arith.constant 3 : i32
    %gt3A_18 = arith.cmpi sgt, %add3A_4, %gt3A_17 : i32
    %convert_element_type3A_19 = arith.extui %gt3A_18 : i1 to i32
    %cond3A_20 = arith.constant 0 : i32
    %cond3A_21 = arith.cmpi ne, %convert_element_type3A_19, %cond3A_20 : i32
    scf.if %cond3A_21 {
      %add3A_50 = arith.constant 96 : i32
      %add3A_51 = arith.addi %add3A_50, %add3A : i32
      %mul3A_52 = arith.constant 2560 : i32
      %mul3A_53 = arith.muli %add3A_51, %mul3A_52 : i32
      %dma_start3A = arith.constant 1 : i32
      %dma_start3A_54 = tpu.memref_slice %arg2[%dma_start3A, %mul3A_53] : memref<2x320000xi32, #tpu.memory_space<hbm>> -> memref<1x2560xi32, #tpu.memory_space<hbm>>
      %dma_start3A_55 = tpu.memref_squeeze %dma_start3A_54 : memref<1x2560xi32, #tpu.memory_space<hbm>> -> memref<2560xi32, #tpu.memory_space<hbm>>
      %dma_start3A_56 = tpu.memref_slice %arg2[%dma_start3A, %mul3A_53] : memref<2x320000xi32, #tpu.memory_space<hbm>> -> memref<1x2560xi32, #tpu.memory_space<hbm>>
      %dma_start3A_57 = tpu.memref_squeeze %dma_start3A_56 : memref<1x2560xi32, #tpu.memory_space<hbm>> -> memref<2560xi32, #tpu.memory_space<hbm>>
      tpu.enqueue_dma source(%dma_start3A_57 : memref<2560xi32, #tpu.memory_space<hbm>>) target(%arg7 : memref<2560xi32, #tpu.memory_space<vmem>>) target_semaphore(%arg12 : memref<!tpu.dma_semaphore, #tpu.memory_space<semaphore_mem>>)
    } else {
    }
    %broadcast_in_dim3A = arith.constant 0.000000e+00 : f32
    %broadcast_in_dim3A_22 = vector.broadcast %broadcast_in_dim3A : f32 to vector<16xf32>
    %scan3A = arith.constant 0 : i32
    %scan3A_23 = arith.constant 0 : i32
    %scan3A_24 = arith.constant 640 : i32
    %scan3A_25 = arith.addi %scan3A_23, %scan3A_24 : i32
    %scan3A_26 = arith.constant 1 : i32
    scf.for %scan3A_50 = %scan3A_23 to %scan3A_25 step %scan3A_26  : i32 {
      %mul3A_51 = arith.constant 16 : i32
      %mul3A_52 = arith.muli %scan3A_50, %mul3A_51 : i32
      %swap3A = arith.index_cast %mul3A_52 : i32 to index
      %swap3A_53 = tpu.vector_load %arg8[%swap3A] {strides = array<i32>} : memref<10240xf32, #tpu.memory_space<vmem>>, vector<16xf32>,
      tpu.vector_store %arg8[%swap3A], %broadcast_in_dim3A_22 {strides = array<i32>} : memref<10240xf32, #tpu.memory_space<vmem>>, vector<16xf32>,
    }
    %scan3A_27 = arith.constant 640 : i32
    %broadcast_in_dim3A_28 = arith.constant 1.000000e+00 : f32
    %broadcast_in_dim3A_29 = vector.broadcast %broadcast_in_dim3A_28 : f32 to vector<16xf32>
    %gt3A_30 = arith.constant 0 : i32
    %gt3A_31 = arith.cmpi sgt, %add3A_4, %gt3A_30 : i32
    %convert_element_type3A_32 = arith.extui %gt3A_31 : i1 to i32
    %cond3A_33 = arith.constant 0 : i32
    %cond3A_34 = arith.cmpi ne, %convert_element_type3A_32, %cond3A_33 : i32
    scf.if %cond3A_34 {
      %add3A_50 = arith.constant 0 : i32
      %add3A_51 = arith.addi %add3A_50, %add3A : i32
      %mul3A_52 = arith.constant 2560 : i32
      %mul3A_53 = arith.muli %add3A_51, %mul3A_52 : i32
      %dma_wait3A = arith.constant 1 : i32
      %dma_wait3A_54 = tpu.memref_slice %arg2[%dma_wait3A, %mul3A_53] : memref<2x320000xi32, #tpu.memory_space<hbm>> -> memref<1x2560xi32, #tpu.memory_space<hbm>>
      %dma_wait3A_55 = tpu.memref_squeeze %dma_wait3A_54 : memref<1x2560xi32, #tpu.memory_space<hbm>> -> memref<2560xi32, #tpu.memory_space<hbm>>
      %dma_wait3A_56 = tpu.memref_slice %arg2[%dma_wait3A, %mul3A_53] : memref<2x320000xi32, #tpu.memory_space<hbm>> -> memref<1x2560xi32, #tpu.memory_space<hbm>>
      %dma_wait3A_57 = tpu.memref_squeeze %dma_wait3A_56 : memref<1x2560xi32, #tpu.memory_space<hbm>> -> memref<2560xi32, #tpu.memory_space<hbm>>
      tpu.wait_dma2 semaphore(%arg9 : memref<!tpu.dma_semaphore, #tpu.memory_space<semaphore_mem>>) src(%dma_wait3A_57 : memref<2560xi32, #tpu.memory_space<hbm>>) dst(%arg4 : memref<2560xi32, #tpu.memory_space<vmem>>)
      %scan3A_58 = arith.constant 0 : i32
      %scan3A_59 = arith.constant 0 : i32
      %scan3A_60 = arith.constant 160 : i32
      %scan3A_61 = arith.addi %scan3A_59, %scan3A_60 : i32
      %scan3A_62 = arith.constant 1 : i32
      scf.for %scan3A_64 = %scan3A_59 to %scan3A_61 step %scan3A_62  : i32 {
        %mul3A_65 = arith.constant 16 : i32
        %mul3A_66 = arith.muli %scan3A_64, %mul3A_65 : i32
        %get3A = arith.index_cast %mul3A_66 : i32 to index
        %get3A_67 = tpu.vector_load %arg4[%get3A] {strides = array<i32>} : memref<2560xi32, #tpu.memory_space<vmem>>, vector<16xi32>,
        tpu.vector_store_idx %arg8[%get3A_67], %broadcast_in_dim3A_29 {add = true} : memref<10240xf32, #tpu.memory_space<vmem>>[vector<16xi32>], vector<16xf32>,
      }
      %scan3A_63 = arith.constant 160 : i32
    } else {
    }
    %gt3A_35 = arith.constant 1 : i32
    %gt3A_36 = arith.cmpi sgt, %add3A_4, %gt3A_35 : i32
    %convert_element_type3A_37 = arith.extui %gt3A_36 : i1 to i32
    %cond3A_38 = arith.constant 0 : i32
    %cond3A_39 = arith.cmpi ne, %convert_element_type3A_37, %cond3A_38 : i32
    scf.if %cond3A_39 {
      %add3A_50 = arith.constant 32 : i32
      %add3A_51 = arith.addi %add3A_50, %add3A : i32
      %mul3A_52 = arith.constant 2560 : i32
      %mul3A_53 = arith.muli %add3A_51, %mul3A_52 : i32
      %dma_wait3A = arith.constant 1 : i32
      %dma_wait3A_54 = tpu.memref_slice %arg2[%dma_wait3A, %mul3A_53] : memref<2x320000xi32, #tpu.memory_space<hbm>> -> memref<1x2560xi32, #tpu.memory_space<hbm>>
      %dma_wait3A_55 = tpu.memref_squeeze %dma_wait3A_54 : memref<1x2560xi32, #tpu.memory_space<hbm>> -> memref<2560xi32, #tpu.memory_space<hbm>>
      %dma_wait3A_56 = tpu.memref_slice %arg2[%dma_wait3A, %mul3A_53] : memref<2x320000xi32, #tpu.memory_space<hbm>> -> memref<1x2560xi32, #tpu.memory_space<hbm>>
      %dma_wait3A_57 = tpu.memref_squeeze %dma_wait3A_56 : memref<1x2560xi32, #tpu.memory_space<hbm>> -> memref<2560xi32, #tpu.memory_space<hbm>>
      tpu.wait_dma2 semaphore(%arg10 : memref<!tpu.dma_semaphore, #tpu.memory_space<semaphore_mem>>) src(%dma_wait3A_57 : memref<2560xi32, #tpu.memory_space<hbm>>) dst(%arg5 : memref<2560xi32, #tpu.memory_space<vmem>>)
      %scan3A_58 = arith.constant 0 : i32
      %scan3A_59 = arith.constant 0 : i32
      %scan3A_60 = arith.constant 160 : i32
      %scan3A_61 = arith.addi %scan3A_59, %scan3A_60 : i32
      %scan3A_62 = arith.constant 1 : i32
      scf.for %scan3A_64 = %scan3A_59 to %scan3A_61 step %scan3A_62  : i32 {
        %mul3A_65 = arith.constant 16 : i32
        %mul3A_66 = arith.muli %scan3A_64, %mul3A_65 : i32
        %get3A = arith.index_cast %mul3A_66 : i32 to index
        %get3A_67 = tpu.vector_load %arg5[%get3A] {strides = array<i32>} : memref<2560xi32, #tpu.memory_space<vmem>>, vector<16xi32>,
        tpu.vector_store_idx %arg8[%get3A_67], %broadcast_in_dim3A_29 {add = true} : memref<10240xf32, #tpu.memory_space<vmem>>[vector<16xi32>], vector<16xf32>,
      }
      %scan3A_63 = arith.constant 160 : i32
    } else {
    }
    %gt3A_40 = arith.constant 2 : i32
    %gt3A_41 = arith.cmpi sgt, %add3A_4, %gt3A_40 : i32
    %convert_element_type3A_42 = arith.extui %gt3A_41 : i1 to i32
    %cond3A_43 = arith.constant 0 : i32
    %cond3A_44 = arith.cmpi ne, %convert_element_type3A_42, %cond3A_43 : i32
    scf.if %cond3A_44 {
      %add3A_50 = arith.constant 64 : i32
      %add3A_51 = arith.addi %add3A_50, %add3A : i32
      %mul3A_52 = arith.constant 2560 : i32
      %mul3A_53 = arith.muli %add3A_51, %mul3A_52 : i32
      %dma_wait3A = arith.constant 1 : i32
      %dma_wait3A_54 = tpu.memref_slice %arg2[%dma_wait3A, %mul3A_53] : memref<2x320000xi32, #tpu.memory_space<hbm>> -> memref<1x2560xi32, #tpu.memory_space<hbm>>
      %dma_wait3A_55 = tpu.memref_squeeze %dma_wait3A_54 : memref<1x2560xi32, #tpu.memory_space<hbm>> -> memref<2560xi32, #tpu.memory_space<hbm>>
      %dma_wait3A_56 = tpu.memref_slice %arg2[%dma_wait3A, %mul3A_53] : memref<2x320000xi32, #tpu.memory_space<hbm>> -> memref<1x2560xi32, #tpu.memory_space<hbm>>
      %dma_wait3A_57 = tpu.memref_squeeze %dma_wait3A_56 : memref<1x2560xi32, #tpu.memory_space<hbm>> -> memref<2560xi32, #tpu.memory_space<hbm>>
      tpu.wait_dma2 semaphore(%arg11 : memref<!tpu.dma_semaphore, #tpu.memory_space<semaphore_mem>>) src(%dma_wait3A_57 : memref<2560xi32, #tpu.memory_space<hbm>>) dst(%arg6 : memref<2560xi32, #tpu.memory_space<vmem>>)
      %scan3A_58 = arith.constant 0 : i32
      %scan3A_59 = arith.constant 0 : i32
      %scan3A_60 = arith.constant 160 : i32
      %scan3A_61 = arith.addi %scan3A_59, %scan3A_60 : i32
      %scan3A_62 = arith.constant 1 : i32
      scf.for %scan3A_64 = %scan3A_59 to %scan3A_61 step %scan3A_62  : i32 {
        %mul3A_65 = arith.constant 16 : i32
        %mul3A_66 = arith.muli %scan3A_64, %mul3A_65 : i32
        %get3A = arith.index_cast %mul3A_66 : i32 to index
        %get3A_67 = tpu.vector_load %arg6[%get3A] {strides = array<i32>} : memref<2560xi32, #tpu.memory_space<vmem>>, vector<16xi32>,
        tpu.vector_store_idx %arg8[%get3A_67], %broadcast_in_dim3A_29 {add = true} : memref<10240xf32, #tpu.memory_space<vmem>>[vector<16xi32>], vector<16xf32>,
      }
      %scan3A_63 = arith.constant 160 : i32
    } else {
    }
    %gt3A_45 = arith.constant 3 : i32
    %gt3A_46 = arith.cmpi sgt, %add3A_4, %gt3A_45 : i32
    %convert_element_type3A_47 = arith.extui %gt3A_46 : i1 to i32
    %cond3A_48 = arith.constant 0 : i32
    %cond3A_49 = arith.cmpi ne, %convert_element_type3A_47, %cond3A_48 : i32
    scf.if %cond3A_49 {
      %add3A_50 = arith.constant 96 : i32
      %add3A_51 = arith.addi %add3A_50, %add3A : i32
      %mul3A_52 = arith.constant 2560 : i32
      %mul3A_53 = arith.muli %add3A_51, %mul3A_52 : i32
      %dma_wait3A = arith.constant 1 : i32
      %dma_wait3A_54 = tpu.memref_slice %arg2[%dma_wait3A, %mul3A_53] : memref<2x320000xi32, #tpu.memory_space<hbm>> -> memref<1x2560xi32, #tpu.memory_space<hbm>>
      %dma_wait3A_55 = tpu.memref_squeeze %dma_wait3A_54 : memref<1x2560xi32, #tpu.memory_space<hbm>> -> memref<2560xi32, #tpu.memory_space<hbm>>
      %dma_wait3A_56 = tpu.memref_slice %arg2[%dma_wait3A, %mul3A_53] : memref<2x320000xi32, #tpu.memory_space<hbm>> -> memref<1x2560xi32, #tpu.memory_space<hbm>>
      %dma_wait3A_57 = tpu.memref_squeeze %dma_wait3A_56 : memref<1x2560xi32, #tpu.memory_space<hbm>> -> memref<2560xi32, #tpu.memory_space<hbm>>
      tpu.wait_dma2 semaphore(%arg12 : memref<!tpu.dma_semaphore, #tpu.memory_space<semaphore_mem>>) src(%dma_wait3A_57 : memref<2560xi32, #tpu.memory_space<hbm>>) dst(%arg7 : memref<2560xi32, #tpu.memory_space<vmem>>)
      %scan3A_58 = arith.constant 0 : i32
      %scan3A_59 = arith.constant 0 : i32
      %scan3A_60 = arith.constant 160 : i32
      %scan3A_61 = arith.addi %scan3A_59, %scan3A_60 : i32
      %scan3A_62 = arith.constant 1 : i32
      scf.for %scan3A_64 = %scan3A_59 to %scan3A_61 step %scan3A_62  : i32 {
        %mul3A_65 = arith.constant 16 : i32
        %mul3A_66 = arith.muli %scan3A_64, %mul3A_65 : i32
        %get3A = arith.index_cast %mul3A_66 : i32 to index
        %get3A_67 = tpu.vector_load %arg7[%get3A] {strides = array<i32>} : memref<2560xi32, #tpu.memory_space<vmem>>, vector<16xi32>,
        tpu.vector_store_idx %arg8[%get3A_67], %broadcast_in_dim3A_29 {add = true} : memref<10240xf32, #tpu.memory_space<vmem>>[vector<16xi32>], vector<16xf32>,
      }
      %scan3A_63 = arith.constant 160 : i32
    } else {
    }
    "tpu.region"() ({
      %run_scoped3A = tpu.sem_alloc : memref<!tpu.dma_semaphore, #tpu.memory_space<semaphore_mem>>
      %dma_start3A = arith.constant 0 : i32
      %dma_start3A_50 = tpu.memref_slice %arg3[%add3A, %dma_start3A] : memref<32x10240xf32, #tpu.memory_space<hbm>> -> memref<1x10240xf32, #tpu.memory_space<hbm>>
      %dma_start3A_51 = tpu.memref_squeeze %dma_start3A_50 : memref<1x10240xf32, #tpu.memory_space<hbm>> -> memref<10240xf32, #tpu.memory_space<hbm>>
      %dma_start3A_52 = arith.constant 0 : i32
      %dma_start3A_53 = tpu.memref_slice %arg3[%add3A, %dma_start3A_52] : memref<32x10240xf32, #tpu.memory_space<hbm>> -> memref<1x10240xf32, #tpu.memory_space<hbm>>
      %dma_start3A_54 = tpu.memref_squeeze %dma_start3A_53 : memref<1x10240xf32, #tpu.memory_space<hbm>> -> memref<10240xf32, #tpu.memory_space<hbm>>
      tpu.enqueue_dma source(%arg8 : memref<10240xf32, #tpu.memory_space<vmem>>) target(%dma_start3A_54 : memref<10240xf32, #tpu.memory_space<hbm>>) target_semaphore(%run_scoped3A : memref<!tpu.dma_semaphore, #tpu.memory_space<semaphore_mem>>)
      %dma_wait3A = arith.constant 0 : i32
      %dma_wait3A_55 = tpu.memref_slice %arg3[%add3A, %dma_wait3A] : memref<32x10240xf32, #tpu.memory_space<hbm>> -> memref<1x10240xf32, #tpu.memory_space<hbm>>
      %dma_wait3A_56 = tpu.memref_squeeze %dma_wait3A_55 : memref<1x10240xf32, #tpu.memory_space<hbm>> -> memref<10240xf32, #tpu.memory_space<hbm>>
      %dma_wait3A_57 = arith.constant 0 : i32
      %dma_wait3A_58 = tpu.memref_slice %arg3[%add3A, %dma_wait3A_57] : memref<32x10240xf32, #tpu.memory_space<hbm>> -> memref<1x10240xf32, #tpu.memory_space<hbm>>
      %dma_wait3A_59 = tpu.memref_squeeze %dma_wait3A_58 : memref<1x10240xf32, #tpu.memory_space<hbm>> -> memref<10240xf32, #tpu.memory_space<hbm>>
      tpu.wait_dma2 semaphore(%run_scoped3A : memref<!tpu.dma_semaphore, #tpu.memory_space<semaphore_mem>>) src(%arg8 : memref<10240xf32, #tpu.memory_space<vmem>>) dst(%dma_wait3A_59 : memref<10240xf32, #tpu.memory_space<hbm>>)
      tpu.yield
    }) : () -> ()
    return
  }
}

module attributes {stable_mosaic.version = 14 : i64} {
  func.func @_tc_mm1_body(%arg0: i32, %arg1: memref<1024x128xf32, #tpu.memory_space<vmem>>, %arg2: memref<128x128xf32, #tpu.memory_space<vmem>>, %arg3: memref<1024x128xf32, #tpu.memory_space<vmem>>) attributes {dimension_semantics = [#tpu.dimension_semantics<arbitrary>], iteration_bounds = array<i64: 10>, scalar_prefetch = 0 : i64, scratch_operands = 0 : i64, tpu.core_type = #tpu.core_type<tc>, window_params = [{transform_indices = @transform_0, window_bounds = array<i64: 1024, 128>}, {pipeline_mode = #tpu.pipeline_mode<synchronous>, transform_indices = @transform_1, window_bounds = array<i64: 128, 128>}, {transform_indices = @transform_2, window_bounds = array<i64: 1024, 128>}]} {
    %get3A = arith.constant 0 : index
    %get3A_0 = arith.constant 0 : index
    %get3A_1 = vector.load %arg1[%get3A, %get3A_0] : memref<1024x128xf32, #tpu.memory_space<vmem>>, vector<1024x128xf32>
    %get3A_2 = arith.constant 0 : index
    %get3A_3 = arith.constant 0 : index
    %get3A_4 = vector.load %arg2[%get3A_2, %get3A_3] : memref<128x128xf32, #tpu.memory_space<vmem>>, vector<128x128xf32>
    %dot_general3A = arith.constant dense<0.000000e+00> : vector<1024x128xf32>
    %dot_general3A_5 = tpu.matmul %get3A_1, %get3A_4, %dot_general3A {dimension_numbers = #tpu.dot_dimension_numbers<[1], [0], [0], [1], [0, 0, 1, 1], [], []>, transpose_lhs_hint = false} : vector<1024x128xf32>, vector<128x128xf32>, vector<1024x128xf32> -> vector<1024x128xf32>
    %swap3A = arith.constant 0 : index
    %swap3A_6 = arith.constant 0 : index
    %swap3A_7 = vector.load %arg3[%swap3A, %swap3A_6] : memref<1024x128xf32, #tpu.memory_space<vmem>>, vector<1024x128xf32>
    tpu.vector_store %arg3[%swap3A, %swap3A_6], %dot_general3A_5 {strides = array<i32>} : memref<1024x128xf32, #tpu.memory_space<vmem>>, vector<1024x128xf32>,
    return
  }
  func.func @transform_0(%arg0: i32) -> (i32, i32) {
    %c0_i32 = arith.constant 0 : i32
    %c0_i32_0 = arith.constant 0 : i32
    return %arg0, %c0_i32 : i32, i32
  }
  func.func @transform_1(%arg0: i32) -> (i32, i32) {
    %c0_i32 = arith.constant 0 : i32
    %c0_i32_0 = arith.constant 0 : i32
    %c0_i32_1 = arith.constant 0 : i32
    return %c0_i32, %c0_i32_0 : i32, i32
  }
  func.func @transform_2(%arg0: i32) -> (i32, i32) {
    %c0_i32 = arith.constant 0 : i32
    %c0_i32_0 = arith.constant 0 : i32
    return %arg0, %c0_i32 : i32, i32
  }
}

module attributes {stable_mosaic.version = 14 : i64} {
  func.func @_tc_scale1_body(%arg0: i32, %arg1: memref<32x1024xf32, #tpu.memory_space<vmem>>, %arg2: memref<1024x128xf32, #tpu.memory_space<vmem>>, %arg3: memref<1024x128xf32, #tpu.memory_space<vmem>>) attributes {dimension_semantics = [#tpu.dimension_semantics<arbitrary>], iteration_bounds = array<i64: 10>, scalar_prefetch = 0 : i64, scratch_operands = 0 : i64, tpu.core_type = #tpu.core_type<tc>, window_params = [{transform_indices = @transform_0, window_bounds = array<i64: 32, 1024>}, {transform_indices = @transform_1, window_bounds = array<i64: 1024, 128>}, {transform_indices = @transform_2, window_bounds = array<i64: 1024, 128>}]} {
    %get3A = arith.constant 0 : index
    %get3A_0 = arith.constant 0 : index
    %get3A_1 = vector.load %arg1[%get3A, %get3A_0] : memref<32x1024xf32, #tpu.memory_space<vmem>>, vector<32x1024xf32>
    %reduce_sum3A = arith.constant dense<0.000000e+00> : vector<1024xf32>
    %reduce_sum3A_2 = vector.multi_reduction <add>, %get3A_1, %reduce_sum3A [0] : vector<32x1024xf32> to vector<1024xf32>
    %add3A = arith.constant 1.000000e+00 : f32
    %add3A_3 = vector.broadcast %add3A : f32 to vector<1024xf32>
    %add3A_4 = arith.addf %reduce_sum3A_2, %add3A_3 : vector<1024xf32>
    %rsqrt3A = math.rsqrt %add3A_4 : vector<1024xf32>
    %broadcast_in_dim3A = vector.shape_cast %rsqrt3A : vector<1024xf32> to vector<1024x1xf32>
    %get3A_5 = arith.constant 0 : index
    %get3A_6 = arith.constant 0 : index
    %get3A_7 = vector.load %arg2[%get3A_5, %get3A_6] : memref<1024x128xf32, #tpu.memory_space<vmem>>, vector<1024x128xf32>
    %mul3A = vector.broadcast %broadcast_in_dim3A : vector<1024x1xf32> to vector<1024x128xf32>
    %mul3A_8 = arith.mulf %mul3A, %get3A_7 : vector<1024x128xf32>
    %swap3A = arith.constant 0 : index
    %swap3A_9 = arith.constant 0 : index
    %swap3A_10 = vector.load %arg3[%swap3A, %swap3A_9] : memref<1024x128xf32, #tpu.memory_space<vmem>>, vector<1024x128xf32>
    tpu.vector_store %arg3[%swap3A, %swap3A_9], %mul3A_8 {strides = array<i32>} : memref<1024x128xf32, #tpu.memory_space<vmem>>, vector<1024x128xf32>,
    return
  }
  func.func @transform_0(%arg0: i32) -> (i32, i32) {
    %c0_i32 = arith.constant 0 : i32
    %c0_i32_0 = arith.constant 0 : i32
    return %c0_i32, %arg0 : i32, i32
  }
  func.func @transform_1(%arg0: i32) -> (i32, i32) {
    %c0_i32 = arith.constant 0 : i32
    %c0_i32_0 = arith.constant 0 : i32
    return %arg0, %c0_i32 : i32, i32
  }
  func.func @transform_2(%arg0: i32) -> (i32, i32) {
    %c0_i32 = arith.constant 0 : i32
    %c0_i32_0 = arith.constant 0 : i32
    return %arg0, %c0_i32 : i32, i32
  }
}

module attributes {stable_mosaic.version = 14 : i64} {
  func.func @_tc2_body(%arg0: i32, %arg1: memref<32x1024xf32, #tpu.memory_space<vmem>>, %arg2: memref<2x1024x128xf32, #tpu.memory_space<vmem>>, %arg3: memref<1024x128xf32, #tpu.memory_space<vmem>>, %arg4: memref<1x128xf32, #tpu.memory_space<vmem>>, %arg5: memref<128x128xf32, #tpu.memory_space<vmem>>, %arg6: memref<1024x128xf32, #tpu.memory_space<vmem>>) attributes {dimension_semantics = [#tpu.dimension_semantics<arbitrary>], iteration_bounds = array<i64: 10>, scalar_prefetch = 0 : i64, scratch_operands = 0 : i64, tpu.core_type = #tpu.core_type<tc>, window_params = [{transform_indices = @transform_0, window_bounds = array<i64: 32, 1024>}, {transform_indices = @transform_1, window_bounds = array<i64: 2, 1024, 128>}, {transform_indices = @transform_2, window_bounds = array<i64: 1024, 128>}, {pipeline_mode = #tpu.pipeline_mode<synchronous>, transform_indices = @transform_3, window_bounds = array<i64: 1, 128>}, {pipeline_mode = #tpu.pipeline_mode<synchronous>, transform_indices = @transform_4, window_bounds = array<i64: 128, 128>}, {transform_indices = @transform_5, window_bounds = array<i64: 1024, 128>}]} {
    %get3A = arith.constant 0 : index
    %get3A_0 = arith.constant 0 : index
    %get3A_1 = vector.load %arg1[%get3A, %get3A_0] : memref<32x1024xf32, #tpu.memory_space<vmem>>, vector<32x1024xf32>
    %reduce_sum3A = arith.constant dense<0.000000e+00> : vector<1024xf32>
    %reduce_sum3A_2 = vector.multi_reduction <add>, %get3A_1, %reduce_sum3A [0] : vector<32x1024xf32> to vector<1024xf32>
    %add3A = arith.constant 1.000000e+00 : f32
    %add3A_3 = vector.broadcast %add3A : f32 to vector<1024xf32>
    %add3A_4 = arith.addf %reduce_sum3A_2, %add3A_3 : vector<1024xf32>
    %rsqrt3A = math.rsqrt %add3A_4 : vector<1024xf32>
    %broadcast_in_dim3A = vector.shape_cast %rsqrt3A : vector<1024xf32> to vector<1024x1xf32>
    %get3A_5 = arith.constant 0 : index
    %get3A_6 = arith.constant 0 : index
    %get3A_7 = arith.constant 0 : index
    %get3A_8 = vector.load %arg2[%get3A_5, %get3A_6, %get3A_7] : memref<2x1024x128xf32, #tpu.memory_space<vmem>>, vector<1x1024x128xf32>
    %get3A_9 = vector.shape_cast %get3A_8 : vector<1x1024x128xf32> to vector<1024x128xf32>
    %get3A_10 = arith.constant 1 : index
    %get3A_11 = arith.constant 0 : index
    %get3A_12 = arith.constant 0 : index
    %get3A_13 = vector.load %arg2[%get3A_10, %get3A_11, %get3A_12] : memref<2x1024x128xf32, #tpu.memory_space<vmem>>, vector<1x1024x128xf32>
    %get3A_14 = vector.shape_cast %get3A_13 : vector<1x1024x128xf32> to vector<1024x128xf32>
    %add3A_15 = arith.addf %get3A_9, %get3A_14 : vector<1024x128xf32>
    %get3A_16 = arith.constant 0 : index
    %get3A_17 = arith.constant 0 : index
    %get3A_18 = vector.load %arg3[%get3A_16, %get3A_17] : memref<1024x128xf32, #tpu.memory_space<vmem>>, vector<1024x128xf32>
    %add3A_19 = arith.addf %add3A_15, %get3A_18 : vector<1024x128xf32>
    %mul3A = vector.broadcast %broadcast_in_dim3A : vector<1024x1xf32> to vector<1024x128xf32>
    %mul3A_20 = arith.mulf %mul3A, %add3A_19 : vector<1024x128xf32>
    %get3A_21 = arith.constant 0 : index
    %get3A_22 = arith.constant 0 : index
    %get3A_23 = vector.load %arg4[%get3A_21, %get3A_22] : memref<1x128xf32, #tpu.memory_space<vmem>>, vector<1x128xf32>
    %add3A_24 = vector.broadcast %get3A_23 : vector<1x128xf32> to vector<1024x128xf32>
    %add3A_25 = arith.addf %mul3A_20, %add3A_24 : vector<1024x128xf32>
    %max3A = arith.constant 0.000000e+00 : f32
    %max3A_26 = vector.broadcast %max3A : f32 to vector<1024x128xf32>
    %max3A_27 = arith.maximumf %add3A_25, %max3A_26 : vector<1024x128xf32>
    %get3A_28 = arith.constant 0 : index
    %get3A_29 = arith.constant 0 : index
    %get3A_30 = vector.load %arg5[%get3A_28, %get3A_29] : memref<128x128xf32, #tpu.memory_space<vmem>>, vector<128x128xf32>
    %dot_general3A = arith.constant dense<0.000000e+00> : vector<1024x128xf32>
    %dot_general3A_31 = tpu.matmul %max3A_27, %get3A_30, %dot_general3A {dimension_numbers = #tpu.dot_dimension_numbers<[1], [0], [0], [1], [0, 0, 1, 1], [], []>, transpose_lhs_hint = false} : vector<1024x128xf32>, vector<128x128xf32>, vector<1024x128xf32> -> vector<1024x128xf32>
    %mul3A_32 = vector.broadcast %broadcast_in_dim3A : vector<1024x1xf32> to vector<1024x128xf32>
    %mul3A_33 = arith.mulf %mul3A_32, %dot_general3A_31 : vector<1024x128xf32>
    %swap3A = arith.constant 0 : index
    %swap3A_34 = arith.constant 0 : index
    %swap3A_35 = vector.load %arg6[%swap3A, %swap3A_34] : memref<1024x128xf32, #tpu.memory_space<vmem>>, vector<1024x128xf32>
    tpu.vector_store %arg6[%swap3A, %swap3A_34], %mul3A_33 {strides = array<i32>} : memref<1024x128xf32, #tpu.memory_space<vmem>>, vector<1024x128xf32>,
    return
  }
  func.func @transform_0(%arg0: i32) -> (i32, i32) {
    %c0_i32 = arith.constant 0 : i32
    %c0_i32_0 = arith.constant 0 : i32
    return %c0_i32, %arg0 : i32, i32
  }
  func.func @transform_1(%arg0: i32) -> (i32, i32, i32) {
    %c0_i32 = arith.constant 0 : i32
    %c0_i32_0 = arith.constant 0 : i32
    %c0_i32_1 = arith.constant 0 : i32
    return %c0_i32, %arg0, %c0_i32_0 : i32, i32, i32
  }
  func.func @transform_2(%arg0: i32) -> (i32, i32) {
    %c0_i32 = arith.constant 0 : i32
    %c0_i32_0 = arith.constant 0 : i32
    return %arg0, %c0_i32 : i32, i32
  }
  func.func @transform_3(%arg0: i32) -> (i32, i32) {
    %c0_i32 = arith.constant 0 : i32
    %c0_i32_0 = arith.constant 0 : i32
    %c0_i32_1 = arith.constant 0 : i32
    return %c0_i32, %c0_i32_0 : i32, i32
  }
  func.func @transform_4(%arg0: i32) -> (i32, i32) {
    %c0_i32 = arith.constant 0 : i32
    %c0_i32_0 = arith.constant 0 : i32
    %c0_i32_1 = arith.constant 0 : i32
    return %c0_i32, %c0_i32_0 : i32, i32
  }
  func.func @transform_5(%arg0: i32) -> (i32, i32) {
    %c0_i32 = arith.constant 0 : i32
    %c0_i32_0 = arith.constant 0 : i32
    return %arg0, %c0_i32 : i32, i32
  }
}

module attributes {stable_mosaic.version = 14 : i64} {
  func.func @_tc3_body(%arg0: i32, %arg1: memref<32x1024xf32, #tpu.memory_space<vmem>>, %arg2: memref<2x1024x128xf32, #tpu.memory_space<vmem>>, %arg3: memref<1024x128xf32, #tpu.memory_space<vmem>>, %arg4: memref<1x128xf32, #tpu.memory_space<vmem>>, %arg5: memref<1024x128xf32, #tpu.memory_space<vmem>>) attributes {dimension_semantics = [#tpu.dimension_semantics<arbitrary>], iteration_bounds = array<i64: 10>, scalar_prefetch = 0 : i64, scratch_operands = 0 : i64, tpu.core_type = #tpu.core_type<tc>, window_params = [{transform_indices = @transform_0, window_bounds = array<i64: 32, 1024>}, {transform_indices = @transform_1, window_bounds = array<i64: 2, 1024, 128>}, {transform_indices = @transform_2, window_bounds = array<i64: 1024, 128>}, {pipeline_mode = #tpu.pipeline_mode<synchronous>, transform_indices = @transform_3, window_bounds = array<i64: 1, 128>}, {transform_indices = @transform_4, window_bounds = array<i64: 1024, 128>}]} {
    %get3A = arith.constant 0 : index
    %get3A_0 = arith.constant 0 : index
    %get3A_1 = vector.load %arg1[%get3A, %get3A_0] : memref<32x1024xf32, #tpu.memory_space<vmem>>, vector<32x1024xf32>
    %reduce_sum3A = arith.constant dense<0.000000e+00> : vector<1024xf32>
    %reduce_sum3A_2 = vector.multi_reduction <add>, %get3A_1, %reduce_sum3A [0] : vector<32x1024xf32> to vector<1024xf32>
    %add3A = arith.constant 1.000000e+00 : f32
    %add3A_3 = vector.broadcast %add3A : f32 to vector<1024xf32>
    %add3A_4 = arith.addf %reduce_sum3A_2, %add3A_3 : vector<1024xf32>
    %rsqrt3A = math.rsqrt %add3A_4 : vector<1024xf32>
    %broadcast_in_dim3A = vector.shape_cast %rsqrt3A : vector<1024xf32> to vector<1024x1xf32>
    %get3A_5 = arith.constant 0 : index
    %get3A_6 = arith.constant 0 : index
    %get3A_7 = arith.constant 0 : index
    %get3A_8 = vector.load %arg2[%get3A_5, %get3A_6, %get3A_7] : memref<2x1024x128xf32, #tpu.memory_space<vmem>>, vector<1x1024x128xf32>
    %get3A_9 = vector.shape_cast %get3A_8 : vector<1x1024x128xf32> to vector<1024x128xf32>
    %get3A_10 = arith.constant 1 : index
    %get3A_11 = arith.constant 0 : index
    %get3A_12 = arith.constant 0 : index
    %get3A_13 = vector.load %arg2[%get3A_10, %get3A_11, %get3A_12] : memref<2x1024x128xf32, #tpu.memory_space<vmem>>, vector<1x1024x128xf32>
    %get3A_14 = vector.shape_cast %get3A_13 : vector<1x1024x128xf32> to vector<1024x128xf32>
    %add3A_15 = arith.addf %get3A_9, %get3A_14 : vector<1024x128xf32>
    %get3A_16 = arith.constant 0 : index
    %get3A_17 = arith.constant 0 : index
    %get3A_18 = vector.load %arg3[%get3A_16, %get3A_17] : memref<1024x128xf32, #tpu.memory_space<vmem>>, vector<1024x128xf32>
    %add3A_19 = arith.addf %add3A_15, %get3A_18 : vector<1024x128xf32>
    %mul3A = vector.broadcast %broadcast_in_dim3A : vector<1024x1xf32> to vector<1024x128xf32>
    %mul3A_20 = arith.mulf %mul3A, %add3A_19 : vector<1024x128xf32>
    %get3A_21 = arith.constant 0 : index
    %get3A_22 = arith.constant 0 : index
    %get3A_23 = vector.load %arg4[%get3A_21, %get3A_22] : memref<1x128xf32, #tpu.memory_space<vmem>>, vector<1x128xf32>
    %add3A_24 = vector.broadcast %get3A_23 : vector<1x128xf32> to vector<1024x128xf32>
    %add3A_25 = arith.addf %mul3A_20, %add3A_24 : vector<1024x128xf32>
    %swap3A = arith.constant 0 : index
    %swap3A_26 = arith.constant 0 : index
    %swap3A_27 = vector.load %arg5[%swap3A, %swap3A_26] : memref<1024x128xf32, #tpu.memory_space<vmem>>, vector<1024x128xf32>
    tpu.vector_store %arg5[%swap3A, %swap3A_26], %add3A_25 {strides = array<i32>} : memref<1024x128xf32, #tpu.memory_space<vmem>>, vector<1024x128xf32>,
    return
  }
  func.func @transform_0(%arg0: i32) -> (i32, i32) {
    %c0_i32 = arith.constant 0 : i32
    %c0_i32_0 = arith.constant 0 : i32
    return %c0_i32, %arg0 : i32, i32
  }
  func.func @transform_1(%arg0: i32) -> (i32, i32, i32) {
    %c0_i32 = arith.constant 0 : i32
    %c0_i32_0 = arith.constant 0 : i32
    %c0_i32_1 = arith.constant 0 : i32
    return %c0_i32, %arg0, %c0_i32_0 : i32, i32, i32
  }
  func.func @transform_2(%arg0: i32) -> (i32, i32) {
    %c0_i32 = arith.constant 0 : i32
    %c0_i32_0 = arith.constant 0 : i32
    return %arg0, %c0_i32 : i32, i32
  }
  func.func @transform_3(%arg0: i32) -> (i32, i32) {
    %c0_i32 = arith.constant 0 : i32
    %c0_i32_0 = arith.constant 0 : i32
    %c0_i32_1 = arith.constant 0 : i32
    return %c0_i32, %c0_i32_0 : i32, i32
  }
  func.func @transform_4(%arg0: i32) -> (i32, i32) {
    %c0_i32 = arith.constant 0 : i32
    %c0_i32_0 = arith.constant 0 : i32
    return %arg0, %c0_i32 : i32, i32
  }
}

</mosaic_0001>

<sc_bundles>
// kernel: kernel.12.cloned.1.call-start
scs
__scs_entry_jumppad:
0x0: {  	(pc) =	sbr.rel $0x88, $3  }
0x1: {  	(tag) =	ssettag $0x0;
	lr =	simm.s32 $0x1  }
0x2: {  	[smem:$0x3F9B] =	sst lr;
	_ =	strace $0xD0000000  }
0x3: {  	_ = 	snop  }
0x4: {  	_ = 	snop  }
0x5: {  	_ = 	snop  }
0x6: {  	_ = 	snop  }
0x7: {  	_ = 	snop  }
__scs_overlays_trampoline_lowered:
0x8: {  	[smem:$0x3FAA] =	sst s0  }
0x9: {  	[smem:$0x3FAB] =	sst s1  }
0xa: {  	[smem:$0x3FAC] =	sst s2  }
0xb: {  	[smem:$0x3FAD] =	sst s3  }
0xc: {  	[smem:$0x3FAE] =	sst s4  }
0xd: {  	[smem:$0x3FAF] =	sst s5  }
0xe: {  	[smem:$0x3FB0] =	sst s6  }
0xf: {  	[smem:$0x3FB1] =	sst s7  }
0x10: {  	[smem:$0x3FB2] =	sst s8  }
0x11: {  	[smem:$0x3FB3] =	sst s9;
	s0 =	simm.s32 @!p0 $0x0  }
0x12: {  	s1 =	sld [smem:$0x3F99];
	s0 =	simm.s32 @p0 $0x1  }
0x13: {  	[smem:$0x3FB4] =	sst s0;
	s0 =	simm.s32 @!p1 $0x0  }
0x14: {  	s2 =	sld [smem:$0x3F98];
	s0 =	simm.s32 @p1 $0x1  }
0x15: {  	[smem:$0x3FB5] =	sst s0;
	s0 =	simm.s32 @!p2 $0x0  }
0x16: {  	s3 =	sld [smem:$0x3FDB];
	s0 =	simm.s32 @p2 $0x1  }
0x17: {  	s4 =	simm.s32 $0x1BF5;
	[smem:$0x3FB7] =	sst s0  }
0x18: {  	s0 =	sld [smem:$0x3F9A];
	_ =	swait.ge [sflag:s4], $0x0  }
0x19: {  	s7 =	sld [smem:$0x3F9B]  }
0x1a: {  	s8 =	sadd.s32 $0xFFFFE003, lr  }
0x1b: {  	s9 =	sadd.s32 $0xFFFFFEF7, lr;
	s5 =	simm.s32 $0xFFFFFFFF;
	p2 =	slt.u32 s8, $0xFFFFF086  }
0x1c: {  	p1 =	slt.u32 s9, $0xF7A;
	s5 =	simm.s32 @!p2 $0x0  }
0x1d: {  	s5 =	simm.s32 @p1 $0x1;
	p0 =	seq.s32 s7, s2  }
0x1e: {  	s7 =	smul.u32 @!p0 $0xF7A, s2;
	p2 =	seq.s32 @!p0 s5, $0x0  }
0x1f: {  	s9 =	smul.u32 $0xF7A, s1;
	s8 =	simm.s32 @!p0 $0x1BF5;
	p2 =	por !p2, p0  }
0x20: {  	[sflag:s8] =	ssyncset.s32 @!p0 $0xFFFFF086;
	s6 =	sadd.s32 @!p0 s3, s7;
	s7 =	simm.s32 @!p0 $0x108  }
0x21: {  	s3 =	sadd.s32 s3, s9;
	s6 =	sadd.s32 @!p0 $0x88, s6;
	s7 =	simm.s32 @p2 $0x1082  }
0x22: {  	[simem:s7], [sflag:s8] =	dma.local @!p0 [hbm:s6], $0xF7A  }
0x23: {  	s9 =	sor.u32 $0xD0000000, s2;
	s6 =	simm.s32 $0x108;
	_ =	swait.ge @!p0 [sflag:s8], $0x0  }
0x24: {  	s3 =	sadd.s32 $0x88, s3;
	s6 =	simm.s32 @!p1 $0x1082;
	[sflag:s4] =	ssyncset.s32 $0xFFFFF086  }
0x25: {  	[simem:s6], [sflag:s4] =	dma.local [hbm:s3], $0xF7A  }
0x26: {  	[smem:$0x3F9B] =	sst s1;
	(tag) =	ssettag s2;
	_ =	strace s9  }
0x27: {  	s1 =	sld [smem:$0x3FAB]  }
0x28: {  	s2 =	sld [smem:$0x3FAC]  }
0x29: {  	s4 =	sld [smem:$0x3FAE]  }
0x2a: {  	p0 =	seq.s32 s5, $0x0;
	s5 =	sld [smem:$0x3FAF]  }
0x2b: {  	s6 =	sld [smem:$0x3FB0]  }
0x2c: {  	s7 =	sld [smem:$0x3FB1]  }
0x2d: {  	s3 =	simm.s32 $0x108;
	s8 =	sld [smem:$0x3FB2]  }
0x2e: {  	s3 =	simm.s32 @!p0 $0x1082;
	s9 =	sld [smem:$0x3FB3]  }
0x2f: {  	lr =	sadd.s32 s0, s3;
	s0 =	sld [smem:$0x3FAA]  }
0x30: {  	s3 =	sld [smem:$0x3FAD]  }
0x31: {  	[smem:$0x3FB6] =	sst s10  }
0x32: {  	s10 =	sld [smem:$0x3FB4];
	_ =	sdelay $0x3  }
0x33: {  	p0 =	seq.s32 s10, $0x1;
	s10 =	sld [smem:$0x3FB6];
	_ =	sdelay $0x3  }
0x34: {  	[smem:$0x3FB6] =	sst s10  }
0x35: {  	s10 =	sld [smem:$0x3FB5];
	_ =	sdelay $0x3  }
0x36: {  	p1 =	seq.s32 s10, $0x1;
	s10 =	sld [smem:$0x3FB6];
	_ =	sdelay $0x3  }
0x37: {  	[smem:$0x3FB6] =	sst s10  }
0x38: {  	s10 =	sld [smem:$0x3FB7]  }
0x39: {  	_ = 	snop;
	(pc) =	sbr.ind lr, $3  }
0x3a: {  	_ = 	snop  }
0x3b: {  	_ = 	snop  }
0x3c: {  	p2 =	seq.s32 s10, $0x1;
	s10 =	sld [smem:$0x3FB6]  }
0x3d: {  	_ =	shalt  }
0x3e: {  	_ =	shalt  }
0x3f: {  	_ =	shalt  }
0x40: {  	_ =	shalt  }
0x41: {  	_ =	shalt  }
0x42: {  	_ =	shalt  }
0x43: {  	_ =	shalt  }
0x44: {  	_ =	shalt  }
0x45: {  	_ =	shalt  }
0x46: {  	_ =	shalt  }
0x47: {  	_ =	shalt  }
0x48: {  	_ =	shalt  }
0x49: {  	_ =	shalt  }
0x4a: {  	_ =	shalt  }
0x4b: {  	_ =	shalt  }
0x4c: {  	_ =	shalt  }
0x4d: {  	_ =	shalt  }
0x4e: {  	_ =	shalt  }
0x4f: {  	_ =	shalt  }
0x50: {  	_ =	shalt  }
0x51: {  	_ =	shalt  }
0x52: {  	_ =	shalt  }
0x53: {  	_ =	shalt  }
0x54: {  	_ =	shalt  }
0x55: {  	_ =	shalt  }
0x56: {  	_ =	shalt  }
0x57: {  	_ =	shalt  }
0x58: {  	_ =	shalt  }
0x59: {  	_ =	shalt  }
0x5a: {  	_ =	shalt  }
0x5b: {  	_ =	shalt  }
0x5c: {  	_ =	shalt  }
0x5d: {  	_ =	shalt  }
0x5e: {  	_ =	shalt  }
0x5f: {  	_ =	shalt  }
0x60: {  	_ =	shalt  }
0x61: {  	_ =	shalt  }
0x62: {  	_ =	shalt  }
0x63: {  	_ =	shalt  }
0x64: {  	_ =	shalt  }
0x65: {  	_ =	shalt  }
0x66: {  	_ =	shalt  }
0x67: {  	_ =	shalt  }
0x68: {  	_ =	shalt  }
0x69: {  	_ =	shalt  }
0x6a: {  	_ =	shalt  }
0x6b: {  	_ =	shalt  }
0x6c: {  	_ =	shalt  }
0x6d: {  	_ =	shalt  }
0x6e: {  	_ =	shalt  }
0x6f: {  	_ =	shalt  }
0x70: {  	_ =	shalt  }
0x71: {  	_ =	shalt  }
0x72: {  	_ =	shalt  }
0x73: {  	_ =	shalt  }
0x74: {  	_ =	shalt  }
0x75: {  	_ =	shalt  }
0x76: {  	_ =	shalt  }
0x77: {  	_ =	shalt  }
0x78: {  	_ =	shalt  }
0x79: {  	_ =	shalt  }
0x7a: {  	_ =	shalt  }
0x7b: {  	_ =	shalt  }
0x7c: {  	_ =	shalt  }
0x7d: {  	_ =	shalt  }
0x7e: {  	_ =	shalt  }
0x7f: {  	_ =	shalt  }
0x80: {  	_ =	shalt  }
0x81: {  	_ =	shalt  }
0x82: {  	_ =	shalt  }
0x83: {  	_ =	shalt  }
0x84: {  	_ =	shalt  }
0x85: {  	_ =	shalt  }
0x86: {  	_ =	shalt  }
0x87: {  	_ =	shalt  }
.Lfunc_end0:
.L_simem_size_0:
called_computation.1_lowered:
.L_overlay_start_0:
0x88: {  	s2 =	sld [smem:$0x3FD9]  }
0x89: {  	s3 =	sld [smem:$0x3FFE];
	_ =	sdelay $0x1  }
0x8a: {  	s1 =	srdreg.scid  }
0x8b: {  	s0 =	sand.u32 $0x1, s1  }
0x8c: {  	s17 =	sshll.u32 s0, $0xA;
	s2 =	sadd.s32 s3, s2  }
0x8d: {  	s2 =	sadd.s32 s2, s17  }
0x8e: {  	[smem:$0x3FC2] =	sst s2  }
0x8f: {  	_ = 	snop  }
0x90: {  	s2 =	sld [smem:$0x3FC8]  }
0x91: {  	s18 =	sld [smem:$0x3FD0];
	(tm) =	ssettm $0x1  }
0x92: {  	s4 =	sld [smem:$0x3FFB];
	_ =	sdelay $0x3  }
0x93: {  	_ =	strace s4  }
0x94: {  	s4 =	sld [smem:$0x3FFC];
	_ =	sdelay $0x3  }
0x95: {  	_ =	strace s4  }
0x96: {  	s4 =	sld [smem:$0x3FFD];
	_ =	sdelay $0x3  }
0x97: {  	_ =	strace s4  }
0x98: {  	_ =	strace $0x8FFFFFFF  }
0x99: {  	s19 =	sld [smem:$0x3FDB];
	_ =	sdelay $0x1  }
0x9a: {  	s5 =	simm.s32 $_scs_section_size  }
0x9b: {  	s6 =	simm.s32 $_size__tile_overlayer_lowered;
	s7 =	simm.s32 $_tile_overlayer_lowered  }
0x9c: {  	s22 =	simm.s32 $0x1BFF;
	s21 =	sshll.u32 s7, $0x1;
	s4 =	sadd.s32 s5, s19  }
0x9d: {  	s8 =	simm.s32 $0x0;
	s20 =	sshll.u32 s6, $0x1;
	s6 =	sadd.s32 s21, s4  }
0x9e: {  	[timem:s8], [sflag:s22] =	dma.local [hbm:s6], s20  }
0x9f: {  	_ =	swait.ge [sflag:s22], s20  }
0xa0: {  	s5 =	ssub.s32 $0x0, s20;
	[sflag:s22] =	ssyncset.done $0x0  }
0xa1: {  	[sflag:s22] =	ssyncadd.s32 s5;
	_ =	sdelay $0x1  }
0xa2: {  	s23 =	simm.s32 $0x1B8B  }
0xa3: {  	_ =	swait.ge [sflag:s23], $0x1  }
0xa4: {  	[sflag:s23] =	ssyncset.done $0x0  }
0xa5: {  	s25 =	simm.s32 $0x1B8E;
	s24 =	sld [smem:$0x3FFE];
	[sflag:s23] =	ssyncadd.s32 $0xFFFFFFFF  }
0xa6: {  	s26 =	simm.s32 $execute0_lowered;
	[smem:$0x3FD2] =	sst s25  }
0xa7: {  	s6 =	sshll.u32 s26, $0x1;
	_ =	strace $0x80000049;
	[dreg:$0x1] =	wrdreg $0xFFFFFFFF  }
0xa8: {  	s28 =	simm.s32 $_size_execute0_lowered;
	s4 =	sadd.s32 s4, s6;
	[dreg:$0x0] =	wrdreg $0x0  }
0xa9: {  	s6 =	sshll.u32 s28, $0x1;
	[dreg:$0x2] =	wrdreg s4  }
0xaa: {  	[dreg:$0x3] =	wrdreg s6  }
0xab: {  	[dreg:$0x4] =	wrdreg $0xC0  }
0xac: {  	_ =	task [dreg:s8], $0x5FFFF  }
0xad: {  	[dreg:$0x1] =	wrdreg $0xFFFFFFFF  }
0xae: {  	[dreg:$0x0] =	wrdreg $0x60  }
0xaf: {  	[dreg:$0x2] =	wrdreg s18  }
0xb0: {  	[dreg:$0x3] =	wrdreg s2  }
0xb1: {  	[dreg:$0x4] =	wrdreg s24  }
0xb2: {  	[dreg:$0x5] =	wrdreg $0xC4000  }
0xb3: {  	[dreg:$0x6] =	wrdreg $0x9  }
0xb4: {  	_ =	task.clear_ibuf [dreg:s8], $0x7FFFF;
	_ =	strace $0x90000049  }
0xb5: {  	s29 =	simm.s32 $0x9;
	_ =	strace $0x8000004B  }
0xb6: {  	_ =	swait.ge [sflag:s29], $0x1  }
0xb7: {  	[sflag:s29] =	ssyncadd.s32 $0xFFFFFFFF  }
0xb8: {  	_ =	strace $0x9000004B  }
0xb9: {  	_ =	sfence  }
0xba: {  	s30 =	sld [smem:$0x0];
	_ =	sdelay $0x2  }
0xbb: {  	s31 =	sshll.u32 s1, $0xD;
	s1 =	sshrl.u32 s1, $0x2  }
0xbc: {  	s3 =	sand.u32 $0x4000, s31;
	s1 =	sadd.s32 s1, s30  }
0xbd: {  	s0 =	sor.u32 s3, s0;
	s1 =	sshll.u32 s1, $0x11  }
0xbe: {  	s0 =	sor.u32 s1, s0  }
0xbf: {  	s0 =	sadd.s32 $0x8F2B, s0  }
0xc0: {  	[sflag:s0] =	ssyncadd.remote.s32 $0x1  }
0xc1: {  	_ =	sfence.sel $0xFFFF  }
0xc2: {  	[dreg:$0x0] =	wrdreg $0xFFFFFFFF;
	(pc) =	sbr.abs _section_cstart, $3  }
0xc3: {  	[dreg:$0x1] =	wrdreg $0xFFFFFFFF  }
0xc4: {  	_ =	task.clear_ibuf [dreg:s8], $0x2FFFF;
	_ =	strace $0x9FFFFFFF  }
0xc5: {  	(tm) =	ssettm $0x7FFFFFFF  }
tec
execute0_lowered:
.L_overlay_start_1:
0x0: {  	(tag) =	ssettag $0x1  }
0x1: {  	s2 =	rddreg [dreg:$0x0]  }
0x2: {  	s19 =	rddreg [dreg:$0x1]  }
0x3: {  	s1 =	rddreg [dreg:$0x2]  }
0x4: {  	s4 =	rddreg [dreg:$0x3];
	s11 =	stileid.u32  }
0x5: {  	s17 =	simm.s32 $0x0;
	s3 =	srdreg.scid;
	s6 =	simm.s32 $0x4F  }
0x6: {  	s30 =	simm.s32 $0x80;
	s28 =	simm.s32 $0x300;
	s31 =	simm.s32 $0x3  }
0x7: {  	s0 =	smul.u32 $0x2800, s11;
	[smem:$0x7FF] =	sst s17;
	s3 =	sand.u32 $0x1, s3  }
0x8: {  	s8 =	sadd.s32 $0x29600, s1;
	s9 =	smul.u32 $0x50000, s11;
	p0 =	slt.u32 s11, $0x2  }
0x9: {  	s25 =	sshll.u32 s11, $0x6;
	s5 =	sadd.s32 $0x12C000, s4;
	_ =	strace $0x8000004A  }
0xa: {  	s24 =	ssub.s32 $0x2, s3;
	s6 =	simm.s32 @!p0 $0x4E;
	s26 =	sshll.u32 s3, $0x5  }
0xb: {  	[dreg:$0x17] =	wrdreg s5;
	s7 =	sadd.s32 s0, s1;
	s1 =	sadd.s32 $0x27C00, s1  }
0xc: {  	s23 =	smul.u32 $0x138800, s3;
	s18 =	sadd.s32 $0xFFFFFFFA, s6;
	[dreg:$0x18] =	wrdreg s1  }
0xd: {  	s3 =	sshll.u32 s3, $0x8;
	s21 =	sadd.s32 $0xFFFFFFF9, s6;
	[dreg:$0x5] =	wrdreg s18  }
0xe: {  	p0 =	seq.s32 s11, $0xF;
	s22 =	sadd.s32 $0xFFFFFFF4, s6;
	[dreg:$0x6] =	wrdreg s21  }
0xf: {  	s9 =	sshrl.u32 s9, $0x2;
	s5 =	sadd.s32 $0xFFFFFFF3, s6;
	[dreg:$0x7] =	wrdreg s22  }
0x10: {  	s10 =	sshrl.u32 s24, $0x1;
	s9 =	sadd.s32 s9, s4;
	[dreg:$0x8] =	wrdreg s5  }
0x11: {  	s29 =	sadd.s32 $0xFFFFFFF7, s6;
	s7 =	sadd.s32 $0x2400, s7;
	[dreg:$0x15] =	wrdreg s9  }
0x12: {  	s0 =	ssub.s32 s24, s10;
	s24 =	sadd.s32 $0x10, s19;
	[dreg:$0x16] =	wrdreg s7  }
0x13: {  	s9 =	sor.u32 s26, s25;
	s25 =	smul.u32 $0x14000, s11;
	s26 =	sshll.u32 s11, $0x9  }
0x14: {  	s7 =	sshrl.u32 s23, $0x3;
	s0 =	smax.u32 s0, $0x1;
	s11 =	simm.s32 $0x200  }
0x15: {  	s12 =	sadd.s32 s19, s9;
	s10 =	sadd.s32 s9, s24;
	[smem:$0x7FC] =	sst s0  }
0x16: {  	s3 =	sor.u32 s3, s26;
	s7 =	sadd.s32 s8, s7;
	[dreg:$0x1a] =	wrdreg s10  }
0x17: {  	s13 =	sadd.s32 $0x400, s12;
	s14 =	sadd.s32 $0x410, s12;
	[dreg:$0x19] =	wrdreg s12  }
0x18: {  	s15 =	sadd.s32 $0x800, s12;
	s16 =	sadd.s32 $0x810, s12;
	[dreg:$0x1b] =	wrdreg s13  }
0x19: {  	s20 =	sadd.s32 $0xC00, s12;
	s9 =	sadd.s32 s25, s23;
	[dreg:$0x1c] =	wrdreg s14  }
0x1a: {  	s10 =	sor.u32 $0xA000, s3;
	s18 =	sshrl.u32 s3, $0x3;
	[dreg:$0x1d] =	wrdreg s15  }
0x1b: {  	s23 =	sor.u32 $0x16000, s3;
	s26 =	sor.u32 $0x14000, s3;
	[dreg:$0x1e] =	wrdreg s16  }
0x1c: {  	s5 =	sor.u32 $0x12000, s3;
	[dreg:$0x1f] =	wrdreg s20;
	s1 =	sshrl.u32 s9, $0x3  }
0x1d: {  	s9 =	sshrl.u32 s10, $0x3;
	s10 =	sor.u32 $0x8000, s3;
	s16 =	sor.u32 $0x1C000, s3  }
0x1e: {  	s20 =	sor.u32 $0x1A000, s3;
	[dreg:$0xb] =	wrdreg s18;
	s25 =	sshrl.u32 s23, $0x3  }
0x1f: {  	s18 =	sor.u32 $0xC000, s3;
	s1 =	sadd.s32 s8, s1;
	s13 =	sadd.s32 s9, s19  }
0x20: {  	s14 =	sshrl.u32 s10, $0x3;
	s21 =	sshrl.u32 s20, $0x3;
	s8 =	sshrl.u32 s26, $0x3  }
0x21: {  	s10 =	sshrl.u32 s5, $0x3;
	s26 =	sor.u32 $0x18000, s3;
	[smem:$0x7F9] =	sst s1  }
0x22: {  	s5 =	simm.s32 $0x400;
	s9 =	simm.s32 $0x8400;
	[dreg:$0x9] =	wrdreg s13  }
0x23: {  	s15 =	sadd.s32 s14, s19;
	s1 =	sshrl.u32 s16, $0x3;
	s22 =	sadd.s32 s21, s19  }
0x24: {  	s8 =	sadd.s32 s8, s19;
	s13 =	sadd.s32 s10, s19;
	[smem:$0x7FD] =	sst s26  }
0x25: {  	s14 =	sor.u32 $0x10000, s3;
	s16 =	sor.u32 $0xE000, s3;
	[dreg:$0xa] =	wrdreg s15  }
0x26: {  	s21 =	sshrl.u32 s18, $0x3;
	s26 =	sadd.s32 $0xFFFFFFF5, s6;
	[dreg:$0xd] =	wrdreg s22  }
0x27: {  	s10 =	simm.s32 $0x380;
	s3 =	simm.s32 $0x1;
	[dreg:$0xf] =	wrdreg s8  }
0x28: {  	s18 =	simm.s32 $0x9;
	s1 =	sadd.s32 s1, s19;
	[dreg:$0x10] =	wrdreg s13  }
0x29: {  	s15 =	sshrl.u32 s14, $0x3;
	s8 =	sshrl.u32 s16, $0x3;
	s22 =	sadd.s32 $0xC10, s12  }
0x2a: {  	s23 =	sadd.s32 s21, s19;
	s16 =	sadd.s32 $0xFFFFFFF8, s6;
	[dreg:$0xc] =	wrdreg s1  }
0x2b: {  	s21 =	sadd.s32 $0xFFFFFFF6, s6;
	s12 =	simm.s32 $0x280;
	[smem:$0x7FA] =	sst s22  }
0x2c: {  	s14 =	simm.s32 $0x100;
	s13 =	simm.s32 $0x7;
	[dreg:$0x13] =	wrdreg s23  }
0x2d: {  	s1 =	sadd.s32 s25, s19;
	s20 =	sadd.s32 s8, s19;
	[dreg:$0x14] =	wrdreg s16  }
0x2e: {  	s25 =	sadd.s32 $0x25800, s7;
	s8 =	simm.s32 $0x180;
	[dreg:$0xe] =	wrdreg s1  }
0x2f: {  	s23 =	simm.s32 $0xA;
	s7 =	simm.s32 $0x0;
	[dreg:$0x12] =	wrdreg s20  }
0x30: {  	s1 =	sadd.s32 s15, s19;
	[smem:$0x7FB] =	sst s25;
	s15 =	simm.s32 $0x8  }
0x31: {  	s25 =	simm.s32 $0x4400;
	s20 =	simm.s32 $0x2;
	[dreg:$0x11] =	wrdreg s1  }
.LBB2_1:
0x32: {  	[smem:$0x7F5] =	sst s7  }
0x33: {  	s0 =	rddreg [dreg:$0x17]  }
0x34: {  	s1 =	rddreg [dreg:$0x18];
	s7 =	sshrl.u32 @p0 s0, $0x3  }
0x35: {  	s0 =	simm.s32 @p0 $0x1FCB;
	[smem:$0x7F6] =	sst s7  }
0x36: {  	[spmem:s7], [sflag:s0] =	dma.local @p0 [hbm:s1], $0x1900  }
0x37: {  	s0 =	simm.s32 @p0 $0xB  }
0x38: {  	s1 =	stileid.u32;
	_ =	swait.ge @p0 [sflag:s0], $0x1900  }
0x39: {  	s1 =	sshll.u32 @!p0 s1, $0x6;
	[sflag:s0] =	ssyncset.done @p0 $0x0  }
0x3a: {  	s1 =	sor.u32 @!p0 $0x1C0B, s1;
	[sflag:s0] =	ssyncadd.s32 @p0 $0xFFFFE700;
	s0 =	rddreg [dreg:$0x15]  }
0x3b: {  	[smem:$0x7F7] =	sst s1  }
0x3c: {  	s7 =	sshrl.u32 @!p0 s0, $0x3;
	s0 =	rddreg [dreg:$0x16]  }
0x3d: {  	[smem:$0x7F8] =	sst s7  }
0x3e: {  	[spmem:s7], [sflag:s1] =	dma.local @!p0 [hbm:s0], $0x2800  }
0x3f: {  	s0 =	simm.s32 @!p0 $0xB  }
0x40: {  	_ =	swait.ge @!p0 [sflag:s0], $0x2800  }
0x41: {  	[sflag:s0] =	ssyncset.done @!p0 $0x0;
	s22 =	rddreg [dreg:$0x19]  }
0x42: {  	s1 =	rddreg [dreg:$0x1a];
	[sflag:s0] =	ssyncadd.s32 @!p0 $0xFFFFD800  }
0x43: {  	[tilespmem:s17], [sflag:$0x7] =	stream.linear.gather [hbm4b:s22+s17], $0x80, $0x38;
	[tilespmem:$0x1FC80] =	vst v63  }
0x44: {  	s7 =	rddreg [dreg:$0x1b]  }
0x45: {  	[tilespmem:s11], [sflag:$0x7] =	stream.linear.gather [hbm4b:s1+s17], $0x80, $0x38;
	[tilespmem:$0x1FC80] =	vst v63  }
0x46: {  	s22 =	rddreg [dreg:$0x1c]  }
0x47: {  	[tilespmem:s30], [sflag:$0x8] =	stream.linear.gather [hbm4b:s7+s17], $0x80, $0x38;
	[tilespmem:$0x1FC80] =	vst v63  }
0x48: {  	s1 =	rddreg [dreg:$0x1d]  }
0x49: {  	[tilespmem:s12], [sflag:$0x8] =	stream.linear.gather [hbm4b:s22+s17], $0x80, $0x38;
	[tilespmem:$0x1FC80] =	vst v63  }
0x4a: {  	s7 =	rddreg [dreg:$0x1e]  }
0x4b: {  	[tilespmem:s14], [sflag:$0x9] =	stream.linear.gather [hbm4b:s1+s17], $0x80, $0x38;
	[tilespmem:$0x1FC80] =	vst v63  }
0x4c: {  	s22 =	rddreg [dreg:$0x1f]  }
0x4d: {  	[tilespmem:s28], [sflag:$0x9] =	stream.linear.gather [hbm4b:s7+s17], $0x80, $0x38;
	[tilespmem:$0x1FC80] =	vst v63  }
0x4e: {  	s1 =	sld [smem:$0x7FA]  }
0x4f: {  	[tilespmem:s8], [sflag:$0xA] =	stream.linear.gather [hbm4b:s22+s17], $0x80, $0x38;
	[tilespmem:$0x1FC80] =	vst v63  }
0x50: {  	_ = 	snop  }
0x51: {  	[tilespmem:s10], [sflag:$0xA] =	stream.linear.gather [hbm4b:s1+s17], $0x80, $0x38;
	[tilespmem:$0x1FC80] =	vst v63  }
0x52: {  	_ =	swait.ge [sflag:s13], $0x80  }
0x53: {  	[sflag:s13] =	ssyncset.done $0x0  }
0x54: {  	[sflag:s13] =	ssyncadd.s32 $0xFFFFFF80  }
0x55: {  	_ =	swait.ge [sflag:s13], $0x80  }
0x56: {  	[sflag:s13] =	ssyncset.done $0x0  }
0x57: {  	[sflag:s13] =	ssyncadd.s32 $0xFFFFFF80  }
0x58: {  	[tilespmem:s5], [sflag:$0x1] =	stream.indirect.gather [hbm4b:s2+s30], $0x80, s17, s30, $0xb8;
	[tilespmem:$0x1FC80] =	vst v63  }
0x59: {  	_ =	swait.ge [sflag:s15], $0x80  }
0x5a: {  	[sflag:s15] =	ssyncset.done $0x0  }
0x5b: {  	[sflag:s15] =	ssyncadd.s32 $0xFFFFFF80  }
0x5c: {  	_ =	swait.ge [sflag:s15], $0x80  }
0x5d: {  	[sflag:s15] =	ssyncset.done $0x0  }
0x5e: {  	[sflag:s15] =	ssyncadd.s32 $0xFFFFFF80  }
0x5f: {  	[tilespmem:s25], [sflag:$0x2] =	stream.indirect.gather [hbm4b:s2+s30], $0x80, s30, s30, $0xb8;
	[tilespmem:$0x1FC80] =	vst v63  }
0x60: {  	[bflag:$0x0] =	sbarrier.arrive $0xFFFF  }
0x61: {  	_ =	swait.ge [sflag:s3], $0x4000  }
0x62: {  	p1 =	por $0x1, $0x1;
	[sflag:s3] =	ssyncset.done $0x0  }
0x63: {  	s0 =	simm.s32 @!p1 $0x6;
	[sflag:s3] =	ssyncadd.s32 $0xFFFFC000  }
0x64: {  	[spmem:s4] =	stream.indirect.scatter.add.f32 [tilespmem:s5], [sflag:$0x4], $0x80, s11, s30, $0xb8;
	[tilespmem:$0x1FC80] =	vst v63  }
0x65: {  	_ =	swait.ge @!p1 [sflag:s0], $0x4000  }
0x66: {  	s1 =	rddreg [dreg:$0xb]  }
0x67: {  	s1 =	sadd.s32 @!p1 $0x0, s1  }
0x68: {  	s7 =	simm.s32 @!p1 $0x180;
	[sflag:s0] =	ssyncset.done @!p1 $0x0;
	s1 =	sor.u32 @!p1 $0xC00, s1  }
0x69: {  	s3 =	simm.s32 @!p1 $0x0;
	[sflag:s0] =	ssyncadd.s32 @!p1 $0xFFFFC000;
	s0 =	sadd.s32 @!p1 s19, s1  }
0x6a: {  	[tilespmem:s7], [sflag:$0xA] =	stream.linear.gather @!p1 [hbm4b:s0+s3], $0x80, $0x38;
	[tilespmem:$0x1FC80] =	vst v63  }
0x6b: {  	s1 =	sadd.s32 @!p1 s1, s24;
	s0 =	simm.s32 @!p1 $0x380  }
0x6c: {  	[tilespmem:s0], [sflag:$0xA] =	stream.linear.gather @!p1 [hbm4b:s1+s3], $0x80, $0x38;
	[tilespmem:$0x1FC80] =	vst v63  }
0x6d: {  	_ =	swait.ge [sflag:s18], $0x80  }
0x6e: {  	[sflag:s18] =	ssyncset.done $0x0  }
0x6f: {  	[sflag:s18] =	ssyncadd.s32 $0xFFFFFF80  }
0x70: {  	_ =	swait.ge [sflag:s18], $0x80  }
0x71: {  	[sflag:s18] =	ssyncset.done $0x0  }
0x72: {  	[sflag:s18] =	ssyncadd.s32 $0xFFFFFF80  }
0x73: {  	[tilespmem:s9], [sflag:$0x3] =	stream.indirect.gather [hbm4b:s2+s30], $0x80, s14, s30, $0xb8;
	[tilespmem:$0x1FC80] =	vst v63  }
0x74: {  	_ =	swait.ge [sflag:s20], $0x4000  }
0x75: {  	[sflag:s20] =	ssyncset.done $0x0  }
0x76: {  	s3 =	simm.s32 $0x4;
	[sflag:s20] =	ssyncadd.s32 $0xFFFFC000  }
0x77: {  	[spmem:s4] =	stream.indirect.scatter.add.f32 [tilespmem:s25], [sflag:$0x5], $0x80, s12, s30, $0xb8;
	[tilespmem:$0x1FC80] =	vst v63  }
0x78: {  	_ =	swait.ge [sflag:s3], $0x4000  }
0x79: {  	s7 =	rddreg [dreg:$0xa];
	[sflag:s3] =	ssyncset.done $0x0  }
0x7a: {  	[sflag:s3] =	ssyncadd.s32 $0xFFFFC000;
	s0 =	sadd.s32 $0x0, s7  }
0x7b: {  	[tilespmem:s17], [sflag:$0x7] =	stream.linear.gather [hbm4b:s0+s17], $0x80, $0x38;
	[tilespmem:$0x1FC80] =	vst v63  }
0x7c: {  	s0 =	sadd.s32 $0x10, s0  }
0x7d: {  	[tilespmem:s11], [sflag:$0x7] =	stream.linear.gather [hbm4b:s0+s17], $0x80, $0x38;
	[tilespmem:$0x1FC80] =	vst v63  }
0x7e: {  	_ =	swait.ge [sflag:s23], $0x80  }
0x7f: {  	[sflag:s23] =	ssyncset.done $0x0  }
0x80: {  	[sflag:s23] =	ssyncadd.s32 $0xFFFFFF80  }
0x81: {  	_ =	swait.ge [sflag:s23], $0x80  }
0x82: {  	[sflag:s23] =	ssyncset.done $0x0  }
0x83: {  	[sflag:s23] =	ssyncadd.s32 $0xFFFFFF80  }
0x84: {  	[tilespmem:s5], [sflag:$0x1] =	stream.indirect.gather [hbm4b:s2+s30], $0x80, s8, s30, $0xb8;
	[tilespmem:$0x1FC80] =	vst v63  }
0x85: {  	_ =	swait.ge [sflag:s31], $0x4000  }
0x86: {  	[sflag:s31] =	ssyncset.done $0x0  }
0x87: {  	s8 =	simm.s32 $0x5;
	[sflag:s31] =	ssyncadd.s32 $0xFFFFC000  }
0x88: {  	[spmem:s4] =	stream.indirect.scatter.add.f32 [tilespmem:s9], [sflag:$0x6], $0x80, s28, s30, $0xb8;
	[tilespmem:$0x1FC80] =	vst v63  }
0x89: {  	_ =	swait.ge [sflag:s8], $0x4000  }
0x8a: {  	s18 =	rddreg [dreg:$0x9];
	[sflag:s8] =	ssyncset.done $0x0  }
0x8b: {  	[sflag:s8] =	ssyncadd.s32 $0xFFFFC000;
	s0 =	sadd.s32 $0x0, s18  }
0x8c: {  	[tilespmem:s30], [sflag:$0x8] =	stream.linear.gather [hbm4b:s0+s17], $0x80, $0x38;
	[tilespmem:$0x1FC80] =	vst v63  }
0x8d: {  	s0 =	sadd.s32 $0x10, s0  }
0x8e: {  	[tilespmem:s12], [sflag:$0x8] =	stream.linear.gather [hbm4b:s0+s17], $0x80, $0x38;
	[tilespmem:$0x1FC80] =	vst v63  }
0x8f: {  	_ =	swait.ge [sflag:s13], $0x80  }
0x90: {  	[sflag:s13] =	ssyncset.done $0x0  }
0x91: {  	[sflag:s13] =	ssyncadd.s32 $0xFFFFFF80  }
0x92: {  	_ =	swait.ge [sflag:s13], $0x80  }
0x93: {  	[sflag:s13] =	ssyncset.done $0x0  }
0x94: {  	s22 =	simm.s32 $0x1;
	[sflag:s13] =	ssyncadd.s32 $0xFFFFFF80  }
0x95: {  	[tilespmem:s25], [sflag:$0x2] =	stream.indirect.gather [hbm4b:s2+s30], $0x80, s17, s30, $0xb8;
	[tilespmem:$0x1FC80] =	vst v63  }
0x96: {  	_ =	swait.ge [sflag:s22], $0x4000  }
0x97: {  	[sflag:s22] =	ssyncset.done $0x0  }
0x98: {  	[sflag:s22] =	ssyncadd.s32 $0xFFFFC000;
	s22 =	simm.s32 $0x6  }
0x99: {  	[spmem:s4] =	stream.indirect.scatter.add.f32 [tilespmem:s5], [sflag:$0x4], $0x80, s10, s30, $0xb8;
	[tilespmem:$0x1FC80] =	vst v63  }
0x9a: {  	p1 =	sle.u32 s6, $0x6;
	_ =	swait.ge [sflag:s22], $0x4000  }
0x9b: {  	s1 =	simm.s32 @!p1 $0x0;
	s0 =	rddreg [dreg:$0x13];
	[sflag:s22] =	ssyncset.done $0x0  }
0x9c: {  	s3 =	simm.s32 @!p1 $0x100;
	[sflag:s22] =	ssyncadd.s32 $0xFFFFC000;
	s0 =	sadd.s32 @!p1 $0x0, s0  }
0x9d: {  	[tilespmem:s3], [sflag:$0x9] =	stream.linear.gather @!p1 [hbm4b:s0+s1], $0x80, $0x38;
	[tilespmem:$0x1FC80] =	vst v63  }
0x9e: {  	s0 =	sadd.s32 @!p1 $0x10, s0;
	s3 =	simm.s32 @!p1 $0x300  }
0x9f: {  	[tilespmem:s3], [sflag:$0x9] =	stream.linear.gather @!p1 [hbm4b:s0+s1], $0x80, $0x38;
	[tilespmem:$0x1FC80] =	vst v63  }
0xa0: {  	_ =	swait.ge [sflag:s15], $0x80  }
0xa1: {  	[sflag:s15] =	ssyncset.done $0x0  }
0xa2: {  	[sflag:s15] =	ssyncadd.s32 $0xFFFFFF80  }
0xa3: {  	_ =	swait.ge [sflag:s15], $0x80  }
0xa4: {  	[sflag:s15] =	ssyncset.done $0x0  }
0xa5: {  	[sflag:s15] =	ssyncadd.s32 $0xFFFFFF80  }
0xa6: {  	[tilespmem:s9], [sflag:$0x3] =	stream.indirect.gather [hbm4b:s2+s30], $0x80, s30, s30, $0xb8;
	[tilespmem:$0x1FC80] =	vst v63  }
0xa7: {  	_ =	swait.ge [sflag:s20], $0x4000  }
0xa8: {  	[sflag:s20] =	ssyncset.done $0x0;
	s23 =	rddreg [dreg:$0x5]  }
0xa9: {  	[sflag:s20] =	ssyncadd.s32 $0xFFFFC000;
	p2 =	sle.u32 s23, $0x0  }
0xaa: {  	[spmem:s4] =	stream.indirect.scatter.add.f32 [tilespmem:s25], [sflag:$0x5], $0x80, s11, s30, $0xb8;
	[tilespmem:$0x1FC80] =	vst v63  }
0xab: {  	s0 =	simm.s32 @!p2 $0x4;
	p1 =	sle.u32 @!p2 s6, $0x7  }
0xac: {  	_ =	swait.ge @!p2 [sflag:s0], $0x4000;
	p1 =	por p1, p2  }
0xad: {  	s1 =	rddreg [dreg:$0x12];
	[sflag:s0] =	ssyncset.done @!p2 $0x0;
	s3 =	simm.s32 @!p1 $0x180  }
0xae: {  	[sflag:s0] =	ssyncadd.s32 @!p2 $0xFFFFC000;
	s0 =	simm.s32 @!p1 $0x0;
	s1 =	sadd.s32 @!p1 $0x0, s1  }
0xaf: {  	[tilespmem:s3], [sflag:$0xA] =	stream.linear.gather @!p1 [hbm4b:s1+s0], $0x80, $0x38;
	[tilespmem:$0x1FC80] =	vst v63  }
0xb0: {  	s7 =	simm.s32 @!p2 $0x9;
	s1 =	sadd.s32 @!p1 $0x10, s1;
	s3 =	simm.s32 @!p1 $0x380  }
0xb1: {  	[tilespmem:s3], [sflag:$0xA] =	stream.linear.gather @!p1 [hbm4b:s1+s0], $0x80, $0x38;
	[tilespmem:$0x1FC80] =	vst v63  }
0xb2: {  	_ =	swait.ge @!p2 [sflag:s7], $0x80  }
0xb3: {  	[sflag:s7] =	ssyncset.done @!p2 $0x0  }
0xb4: {  	[sflag:s7] =	ssyncadd.s32 @!p2 $0xFFFFFF80  }
0xb5: {  	_ =	swait.ge @!p2 [sflag:s7], $0x80  }
0xb6: {  	s0 =	simm.s32 @!p2 $0x400;
	[sflag:s7] =	ssyncset.done @!p2 $0x0  }
0xb7: {  	s1 =	simm.s32 @!p2 $0x80;
	s3 =	simm.s32 @!p2 $0x100;
	[sflag:s7] =	ssyncadd.s32 @!p2 $0xFFFFFF80  }
0xb8: {  	[tilespmem:s0], [sflag:$0x1] =	stream.indirect.gather @!p2 [hbm4b:s2+s1], $0x80, s3, s1, $0xb8;
	[tilespmem:$0x1FC80] =	vst v63  }
0xb9: {  	_ =	swait.ge [sflag:s31], $0x4000  }
0xba: {  	[sflag:s31] =	ssyncset.done $0x0;
	s25 =	rddreg [dreg:$0x6]  }
0xbb: {  	[sflag:s31] =	ssyncadd.s32 $0xFFFFC000;
	p1 =	sle.u32 s25, $0x0  }
0xbc: {  	[spmem:s4] =	stream.indirect.scatter.add.f32 [tilespmem:s9], [sflag:$0x6], $0x80, s12, s30, $0xb8;
	[tilespmem:$0x1FC80] =	vst v63  }
0xbd: {  	s3 =	simm.s32 @!p1 $0x5  }
0xbe: {  	p3 =	sle.u32 @!p1 s6, $0x8;
	_ =	swait.ge @!p1 [sflag:s3], $0x4000  }
0xbf: {  	p3 =	por p3, p1;
	s7 =	rddreg [dreg:$0x11];
	[sflag:s3] =	ssyncset.done @!p1 $0x0  }
0xc0: {  	[sflag:s3] =	ssyncadd.s32 @!p1 $0xFFFFC000;
	s3 =	simm.s32 @!p3 $0x0;
	s7 =	sadd.s32 @!p3 $0x0, s7  }
0xc1: {  	[tilespmem:s3], [sflag:$0x7] =	stream.linear.gather @!p3 [hbm4b:s7+s3], $0x80, $0x38;
	[tilespmem:$0x1FC80] =	vst v63  }
0xc2: {  	s8 =	simm.s32 @!p3 $0x200;
	s7 =	sadd.s32 @!p3 $0x10, s7  }
0xc3: {  	[tilespmem:s8], [sflag:$0x7] =	stream.linear.gather @!p3 [hbm4b:s7+s3], $0x80, $0x38;
	[tilespmem:$0x1FC80] =	vst v63  }
0xc4: {  	s3 =	simm.s32 @!p1 $0xA  }
0xc5: {  	_ =	swait.ge @!p1 [sflag:s3], $0x80  }
0xc6: {  	[sflag:s3] =	ssyncset.done @!p1 $0x0  }
0xc7: {  	[sflag:s3] =	ssyncadd.s32 @!p1 $0xFFFFFF80  }
0xc8: {  	_ =	swait.ge @!p1 [sflag:s3], $0x80  }
0xc9: {  	s7 =	simm.s32 @!p1 $0x4400;
	[sflag:s3] =	ssyncset.done @!p1 $0x0  }
0xca: {  	s8 =	simm.s32 @!p1 $0x80;
	[sflag:s3] =	ssyncadd.s32 @!p1 $0xFFFFFF80;
	s3 =	simm.s32 @!p1 $0x180  }
0xcb: {  	[tilespmem:s7], [sflag:$0x2] =	stream.indirect.gather @!p1 [hbm4b:s2+s8], $0x80, s3, s8, $0xb8;
	[tilespmem:$0x1FC80] =	vst v63  }
0xcc: {  	s3 =	simm.s32 @!p2 $0x1  }
0xcd: {  	p4 =	sle.u32 @!p2 s16, $0x0;
	_ =	swait.ge @!p2 [sflag:s3], $0x4000  }
0xce: {  	p3 =	por p4, p2;
	[sflag:s3] =	ssyncset.done @!p2 $0x0  }
0xcf: {  	p5 =	sle.u32 @!p3 s6, $0x9;
	[sflag:s3] =	ssyncadd.s32 @!p2 $0xFFFFC000;
	s3 =	simm.s32 @!p2 $0x300  }
0xd0: {  	[spmem:s4] =	stream.indirect.scatter.add.f32 @!p2 [tilespmem:s0], [sflag:$0x4], $0x80, s3, s1, $0xb8;
	[tilespmem:$0x1FC80] =	vst v63  }
0xd1: {  	p4 =	por @!p2 p5, p4;
	s0 =	simm.s32 @!p3 $0x6  }
0xd2: {  	p2 =	por p4, p2;
	_ =	swait.ge @!p3 [sflag:s0], $0x4000  }
0xd3: {  	s3 =	simm.s32 @!p2 $0x80;
	s1 =	rddreg [dreg:$0x10];
	[sflag:s0] =	ssyncset.done @!p3 $0x0  }
0xd4: {  	[sflag:s0] =	ssyncadd.s32 @!p3 $0xFFFFC000;
	s0 =	simm.s32 @!p2 $0x0;
	s1 =	sadd.s32 @!p2 $0x0, s1  }
0xd5: {  	[tilespmem:s3], [sflag:$0x8] =	stream.linear.gather @!p2 [hbm4b:s1+s0], $0x80, $0x38;
	[tilespmem:$0x1FC80] =	vst v63  }
0xd6: {  	s1 =	sadd.s32 @!p2 $0x10, s1;
	s3 =	simm.s32 @!p2 $0x280  }
0xd7: {  	[tilespmem:s3], [sflag:$0x8] =	stream.linear.gather @!p2 [hbm4b:s1+s0], $0x80, $0x38;
	[tilespmem:$0x1FC80] =	vst v63  }
0xd8: {  	s0 =	simm.s32 @!p3 $0x7  }
0xd9: {  	_ =	swait.ge @!p3 [sflag:s0], $0x80  }
0xda: {  	[sflag:s0] =	ssyncset.done @!p3 $0x0  }
0xdb: {  	[sflag:s0] =	ssyncadd.s32 @!p3 $0xFFFFFF80  }
0xdc: {  	_ =	swait.ge @!p3 [sflag:s0], $0x80  }
0xdd: {  	s1 =	simm.s32 @!p3 $0x8400;
	[sflag:s0] =	ssyncset.done @!p3 $0x0  }
0xde: {  	s3 =	simm.s32 @!p3 $0x80;
	[sflag:s0] =	ssyncadd.s32 @!p3 $0xFFFFFF80;
	s0 =	simm.s32 @!p3 $0x0  }
0xdf: {  	[tilespmem:s1], [sflag:$0x3] =	stream.indirect.gather @!p3 [hbm4b:s2+s3], $0x80, s0, s3, $0xb8;
	[tilespmem:$0x1FC80] =	vst v63  }
0xe0: {  	s0 =	simm.s32 @!p1 $0x2;
	p3 =	sle.u32 @!p1 s29, $0x0  }
0xe1: {  	_ =	swait.ge @!p1 [sflag:s0], $0x4000;
	p2 =	por p3, p1  }
0xe2: {  	s1 =	simm.s32 @!p1 $0x380;
	[sflag:s0] =	ssyncset.done @!p1 $0x0;
	p4 =	sle.u32 @!p2 s6, $0xA  }
0xe3: {  	[sflag:s0] =	ssyncadd.s32 @!p1 $0xFFFFC000;
	s0 =	simm.s32 @!p2 $0x4;
	p3 =	por @!p1 p4, p3  }
0xe4: {  	[spmem:s4] =	stream.indirect.scatter.add.f32 @!p1 [tilespmem:s7], [sflag:$0x5], $0x80, s1, s8, $0xb8;
	[tilespmem:$0x1FC80] =	vst v63  }
0xe5: {  	p1 =	por p3, p1;
	_ =	swait.ge @!p2 [sflag:s0], $0x4000  }
0xe6: {  	s3 =	simm.s32 @!p1 $0x100;
	s1 =	rddreg [dreg:$0xf];
	[sflag:s0] =	ssyncset.done @!p2 $0x0  }
0xe7: {  	[sflag:s0] =	ssyncadd.s32 @!p2 $0xFFFFC000;
	s0 =	simm.s32 @!p1 $0x0;
	s1 =	sadd.s32 @!p1 $0x0, s1  }
0xe8: {  	[tilespmem:s3], [sflag:$0x9] =	stream.linear.gather @!p1 [hbm4b:s1+s0], $0x80, $0x38;
	[tilespmem:$0x1FC80] =	vst v63  }
0xe9: {  	s7 =	simm.s32 @!p2 $0x8;
	s1 =	sadd.s32 @!p1 $0x10, s1;
	s3 =	simm.s32 @!p1 $0x300  }
0xea: {  	[tilespmem:s3], [sflag:$0x9] =	stream.linear.gather @!p1 [hbm4b:s1+s0], $0x80, $0x38;
	[tilespmem:$0x1FC80] =	vst v63  }
0xeb: {  	_ =	swait.ge @!p2 [sflag:s7], $0x80  }
0xec: {  	[sflag:s7] =	ssyncset.done @!p2 $0x0  }
0xed: {  	[sflag:s7] =	ssyncadd.s32 @!p2 $0xFFFFFF80  }
0xee: {  	_ =	swait.ge @!p2 [sflag:s7], $0x80  }
0xef: {  	p3 =	sle.u32 s16, $0x0;
	s0 =	simm.s32 @!p2 $0x80;
	[sflag:s7] =	ssyncset.done @!p2 $0x0  }
0xf0: {  	s1 =	simm.s32 @!p2 $0x400;
	s3 =	simm.s32 @!p3 $0x3;
	[sflag:s7] =	ssyncadd.s32 @!p2 $0xFFFFFF80  }
0xf1: {  	[tilespmem:s1], [sflag:$0x1] =	stream.indirect.gather @!p2 [hbm4b:s2+s0], $0x80, s0, s0, $0xb8;
	[tilespmem:$0x1FC80] =	vst v63  }
0xf2: {  	p2 =	sle.u32 @!p3 s21, $0x0;
	s0 =	simm.s32 @!p3 $0x200;
	_ =	swait.ge @!p3 [sflag:s3], $0x4000  }
0xf3: {  	s1 =	simm.s32 @!p3 $0x8400;
	p1 =	por p2, p3;
	[sflag:s3] =	ssyncset.done @!p3 $0x0  }
0xf4: {  	p4 =	sle.u32 @!p1 s6, $0xB;
	[sflag:s3] =	ssyncadd.s32 @!p3 $0xFFFFC000;
	s3 =	simm.s32 @!p3 $0x80  }
0xf5: {  	[spmem:s4] =	stream.indirect.scatter.add.f32 @!p3 [tilespmem:s1], [sflag:$0x6], $0x80, s0, s3, $0xb8;
	[tilespmem:$0x1FC80] =	vst v63  }
0xf6: {  	p2 =	por @!p3 p4, p2;
	s0 =	simm.s32 @!p1 $0x5  }
0xf7: {  	p2 =	por p2, p3;
	_ =	swait.ge @!p1 [sflag:s0], $0x4000  }
0xf8: {  	s3 =	simm.s32 @!p2 $0x180;
	s1 =	rddreg [dreg:$0xe];
	[sflag:s0] =	ssyncset.done @!p1 $0x0  }
0xf9: {  	[sflag:s0] =	ssyncadd.s32 @!p1 $0xFFFFC000;
	s0 =	sadd.s32 @!p2 $0x0, s1;
	s1 =	simm.s32 @!p2 $0x0  }
0xfa: {  	[tilespmem:s3], [sflag:$0xA] =	stream.linear.gather @!p2 [hbm4b:s0+s1], $0x80, $0x38;
	[tilespmem:$0x1FC80] =	vst v63  }
0xfb: {  	s7 =	simm.s32 @!p1 $0x9;
	s0 =	sadd.s32 @!p2 $0x10, s0;
	s3 =	simm.s32 @!p2 $0x380  }
0xfc: {  	[tilespmem:s3], [sflag:$0xA] =	stream.linear.gather @!p2 [hbm4b:s0+s1], $0x80, $0x38;
	[tilespmem:$0x1FC80] =	vst v63  }
0xfd: {  	_ =	swait.ge @!p1 [sflag:s7], $0x80  }
0xfe: {  	[sflag:s7] =	ssyncset.done @!p1 $0x0  }
0xff: {  	[sflag:s7] =	ssyncadd.s32 @!p1 $0xFFFFFF80  }
0x100: {  	s0 =	simm.s32 @!p1 $0x100;
	_ =	swait.ge @!p1 [sflag:s7], $0x80  }
0x101: {  	s1 =	simm.s32 @!p1 $0x4400;
	p2 =	sle.u32 s29, $0x0;
	[sflag:s7] =	ssyncset.done @!p1 $0x0  }
0x102: {  	s3 =	simm.s32 @!p1 $0x80;
	[sflag:s7] =	ssyncadd.s32 @!p1 $0xFFFFFF80;
	s7 =	simm.s32 @!p2 $0x1  }
0x103: {  	[tilespmem:s1], [sflag:$0x2] =	stream.indirect.gather @!p1 [hbm4b:s2+s3], $0x80, s0, s3, $0xb8;
	[tilespmem:$0x1FC80] =	vst v63  }
0x104: {  	p3 =	sle.u32 @!p2 s26, $0x0;
	_ =	swait.ge @!p2 [sflag:s7], $0x4000  }
0x105: {  	s0 =	simm.s32 @!p2 $0x400;
	s1 =	simm.s32 @!p2 $0x280;
	[sflag:s7] =	ssyncset.done @!p2 $0x0  }
0x106: {  	p1 =	por p3, p2;
	s3 =	simm.s32 @!p2 $0x80;
	[sflag:s7] =	ssyncadd.s32 @!p2 $0xFFFFC000  }
0x107: {  	[spmem:s4] =	stream.indirect.scatter.add.f32 @!p2 [tilespmem:s0], [sflag:$0x4], $0x80, s1, s3, $0xb8;
	[tilespmem:$0x1FC80] =	vst v63  }
0x108: {  	s0 =	simm.s32 @!p1 $0x6  }
0x109: {  	_ =	swait.ge @!p1 [sflag:s0], $0x4000  }
0x10a: {  	p4 =	sle.u32 @!p1 s6, $0xC;
	s8 =	sld [smem:$0x7FD]  }
0x10b: {  	p3 =	por @!p2 p4, p3  }
0x10c: {  	p2 =	por p3, p2  }
0x10d: {  	[sflag:s0] =	ssyncset.done @!p1 $0x0;
	s1 =	sshrl.u32 @!p2 s8, $0x3  }
0x10e: {  	[sflag:s0] =	ssyncadd.s32 @!p1 $0xFFFFC000;
	s0 =	simm.s32 @!p2 $0x0;
	s3 =	sadd.s32 @!p2 s19, s1  }
0x10f: {  	[tilespmem:s0], [sflag:$0x7] =	stream.linear.gather @!p2 [hbm4b:s3+s0], $0x80, $0x38;
	[tilespmem:$0x1FC80] =	vst v63  }
0x110: {  	s7 =	simm.s32 @!p1 $0xA;
	s1 =	sadd.s32 @!p2 s1, s24;
	s3 =	simm.s32 @!p2 $0x200  }
0x111: {  	[tilespmem:s3], [sflag:$0x7] =	stream.linear.gather @!p2 [hbm4b:s1+s0], $0x80, $0x38;
	[tilespmem:$0x1FC80] =	vst v63  }
0x112: {  	_ =	swait.ge @!p1 [sflag:s7], $0x80  }
0x113: {  	[sflag:s7] =	ssyncset.done @!p1 $0x0  }
0x114: {  	[sflag:s7] =	ssyncadd.s32 @!p1 $0xFFFFFF80  }
0x115: {  	s0 =	simm.s32 @!p1 $0x8400;
	_ =	swait.ge @!p1 [sflag:s7], $0x80  }
0x116: {  	p2 =	sle.u32 s21, $0x0;
	s1 =	simm.s32 @!p1 $0x80;
	[sflag:s7] =	ssyncset.done @!p1 $0x0  }
0x117: {  	s3 =	simm.s32 @!p1 $0x180;
	[sflag:s7] =	ssyncadd.s32 @!p1 $0xFFFFFF80;
	s7 =	simm.s32 @!p2 $0x2  }
0x118: {  	[tilespmem:s0], [sflag:$0x3] =	stream.indirect.gather @!p1 [hbm4b:s2+s1], $0x80, s3, s1, $0xb8;
	[tilespmem:$0x1FC80] =	vst v63  }
0x119: {  	s0 =	simm.s32 @!p2 $0x4400;
	_ =	swait.ge @!p2 [sflag:s7], $0x4000  }
0x11a: {  	s3 =	simm.s32 @!p2 $0x80;
	[sflag:s7] =	ssyncset.done @!p2 $0x0;
	s1 =	rddreg [dreg:$0x7]  }
0x11b: {  	[sflag:s7] =	ssyncadd.s32 @!p2 $0xFFFFC000;
	s7 =	simm.s32 @!p2 $0x300;
	p3 =	sle.u32 @!p2 s1, $0x0  }
0x11c: {  	[spmem:s4] =	stream.indirect.scatter.add.f32 @!p2 [tilespmem:s0], [sflag:$0x5], $0x80, s7, s3, $0xb8;
	[tilespmem:$0x1FC80] =	vst v63  }
0x11d: {  	p1 =	por p3, p2  }
0x11e: {  	s0 =	simm.s32 @!p1 $0x4  }
0x11f: {  	p4 =	sle.u32 @!p1 s6, $0xD;
	_ =	swait.ge @!p1 [sflag:s0], $0x4000  }
0x120: {  	p3 =	por @!p2 p4, p3;
	[sflag:s0] =	ssyncset.done @!p1 $0x0  }
0x121: {  	s1 =	rddreg [dreg:$0xd];
	p2 =	por p3, p2;
	[sflag:s0] =	ssyncadd.s32 @!p1 $0xFFFFC000  }
0x122: {  	s0 =	simm.s32 @!p2 $0x0;
	s3 =	simm.s32 @!p2 $0x80;
	s1 =	sadd.s32 @!p2 $0x0, s1  }
0x123: {  	[tilespmem:s3], [sflag:$0x8] =	stream.linear.gather @!p2 [hbm4b:s1+s0], $0x80, $0x38;
	[tilespmem:$0x1FC80] =	vst v63  }
0x124: {  	s7 =	simm.s32 @!p1 $0x7;
	s3 =	simm.s32 @!p2 $0x280;
	s1 =	sadd.s32 @!p2 $0x10, s1  }
0x125: {  	[tilespmem:s3], [sflag:$0x8] =	stream.linear.gather @!p2 [hbm4b:s1+s0], $0x80, $0x38;
	[tilespmem:$0x1FC80] =	vst v63  }
0x126: {  	_ =	swait.ge @!p1 [sflag:s7], $0x80  }
0x127: {  	[sflag:s7] =	ssyncset.done @!p1 $0x0  }
0x128: {  	[sflag:s7] =	ssyncadd.s32 @!p1 $0xFFFFFF80  }
0x129: {  	p3 =	sle.u32 s26, $0x0;
	_ =	swait.ge @!p1 [sflag:s7], $0x80  }
0x12a: {  	s0 =	simm.s32 @!p1 $0x400;
	s1 =	simm.s32 @!p1 $0x80;
	[sflag:s7] =	ssyncset.done @!p1 $0x0  }
0x12b: {  	s3 =	simm.s32 @!p1 $0x0;
	[sflag:s7] =	ssyncadd.s32 @!p1 $0xFFFFFF80;
	s7 =	simm.s32 @!p3 $0x3  }
0x12c: {  	[tilespmem:s0], [sflag:$0x1] =	stream.indirect.gather @!p1 [hbm4b:s2+s1], $0x80, s3, s1, $0xb8;
	[tilespmem:$0x1FC80] =	vst v63  }
0x12d: {  	s0 =	simm.s32 @!p3 $0x8400;
	_ =	swait.ge @!p3 [sflag:s7], $0x4000  }
0x12e: {  	s3 =	simm.s32 @!p3 $0x80;
	[sflag:s7] =	ssyncset.done @!p3 $0x0;
	s1 =	rddreg [dreg:$0x8]  }
0x12f: {  	[sflag:s7] =	ssyncadd.s32 @!p3 $0xFFFFC000;
	s7 =	simm.s32 @!p3 $0x380;
	p1 =	sle.u32 @!p3 s1, $0x0  }
0x130: {  	[spmem:s4] =	stream.indirect.scatter.add.f32 @!p3 [tilespmem:s0], [sflag:$0x6], $0x80, s7, s3, $0xb8;
	[tilespmem:$0x1FC80] =	vst v63  }
0x131: {  	s18 =	simm.s32 $0x9;
	s13 =	simm.s32 $0x7;
	p2 =	por p1, p3  }
0x132: {  	s15 =	simm.s32 $0x8;
	s20 =	simm.s32 $0x2;
	s0 =	simm.s32 @!p2 $0x5  }
0x133: {  	s23 =	simm.s32 $0xA;
	p4 =	sle.u32 @!p2 s6, $0xE;
	_ =	swait.ge @!p2 [sflag:s0], $0x4000  }
0x134: {  	s25 =	simm.s32 $0xE;
	p1 =	por @!p3 p4, p1;
	[sflag:s0] =	ssyncset.done @!p2 $0x0  }
0x135: {  	s1 =	rddreg [dreg:$0xc];
	p1 =	por p1, p3;
	[sflag:s0] =	ssyncadd.s32 @!p2 $0xFFFFC000  }
0x136: {  	s0 =	sadd.s32 @!p1 $0x0, s1;
	s1 =	simm.s32 @!p1 $0x0;
	s3 =	simm.s32 @!p1 $0x100  }
0x137: {  	[tilespmem:s3], [sflag:$0x9] =	stream.linear.gather @!p1 [hbm4b:s0+s1], $0x80, $0x38;
	[tilespmem:$0x1FC80] =	vst v63  }
0x138: {  	s16 =	simm.s32 $0x3;
	s0 =	sadd.s32 @!p1 $0x10, s0;
	s3 =	simm.s32 @!p1 $0x300  }
0x139: {  	[tilespmem:s3], [sflag:$0x9] =	stream.linear.gather @!p1 [hbm4b:s0+s1], $0x80, $0x38;
	[tilespmem:$0x1FC80] =	vst v63  }
0x13a: {  	s0 =	simm.s32 $0x3000;
	s1 =	sadd.s32 $0x18000, s8;
	s3 =	simm.s32 @!p2 $0x8  }
.LBB2_2:
0x13b: {  	_ =	swait.ge @!p2 [sflag:s3], $0x80  }
0x13c: {  	[sflag:s3] =	ssyncset.done @!p2 $0x0  }
0x13d: {  	[sflag:s3] =	ssyncadd.s32 @!p2 $0xFFFFFF80  }
0x13e: {  	_ =	swait.ge @!p2 [sflag:s3], $0x80  }
0x13f: {  	s8 =	simm.s32 @!p2 $0x4400;
	[sflag:s3] =	ssyncset.done @!p2 $0x0  }
0x140: {  	s10 =	simm.s32 @!p2 $0x80;
	s22 =	simm.s32 $0x1;
	[sflag:s3] =	ssyncadd.s32 @!p2 $0xFFFFFF80  }
0x141: {  	[tilespmem:s8], [sflag:$0x2] =	stream.indirect.gather @!p2 [hbm4b:s2+s10], $0x80, s10, s10, $0xb8;
	[tilespmem:$0x1FC80] =	vst v63  }
0x142: {  	s7 =	smov.u32 s0;
	_ =	swait.ge [sflag:s22], $0x4000  }
0x143: {  	p3 =	seq.s32 s7, $0x0;
	[sflag:s22] =	ssyncset.done $0x0  }
0x144: {  	s9 =	simm.s32 $0x400;
	s3 =	simm.s32 @!p3 $0x6;
	[sflag:s22] =	ssyncadd.s32 $0xFFFFC000  }
0x145: {  	[spmem:s4] =	stream.indirect.scatter.add.f32 [tilespmem:s9], [sflag:$0x4], $0x80, s11, s30, $0xb8;
	[tilespmem:$0x1FC80] =	vst v63  }
0x146: {  	_ =	swait.ge @!p3 [sflag:s3], $0x4000  }
0x147: {  	s8 =	rddreg [dreg:$0xb]  }
0x148: {  	s17 =	smov.u32 s26;
	[sflag:s3] =	ssyncset.done @!p3 $0x0;
	s8 =	sadd.s32 @!p3 s7, s8  }
0x149: {  	s26 =	smov.u32 s29;
	[sflag:s3] =	ssyncadd.s32 @!p3 $0xFFFFC000;
	s3 =	sor.u32 @!p3 $0xC00, s8  }
0x14a: {  	s29 =	simm.s32 @!p3 $0x180;
	s10 =	simm.s32 @!p3 $0x0;
	s8 =	sadd.s32 @!p3 s19, s3  }
0x14b: {  	[tilespmem:s29], [sflag:$0xA] =	stream.linear.gather @!p3 [hbm4b:s8+s10], $0x80, $0x38;
	[tilespmem:$0x1FC80] =	vst v63  }
0x14c: {  	s31 =	simm.s32 @!p3 $0x380;
	s3 =	sadd.s32 @!p3 s3, s24  }
0x14d: {  	[tilespmem:s31], [sflag:$0xA] =	stream.linear.gather @!p3 [hbm4b:s3+s10], $0x80, $0x38;
	[tilespmem:$0x1FC80] =	vst v63  }
0x14e: {  	_ =	swait.ge [sflag:s18], $0x80  }
0x14f: {  	[sflag:s18] =	ssyncset.done $0x0  }
0x150: {  	[sflag:s18] =	ssyncadd.s32 $0xFFFFFF80  }
0x151: {  	_ =	swait.ge [sflag:s18], $0x80  }
0x152: {  	[sflag:s18] =	ssyncset.done $0x0  }
0x153: {  	s5 =	simm.s32 $0x8400;
	[sflag:s18] =	ssyncadd.s32 $0xFFFFFF80  }
0x154: {  	[tilespmem:s5], [sflag:$0x3] =	stream.indirect.gather [hbm4b:s2+s30], $0x80, s14, s30, $0xb8;
	[tilespmem:$0x1FC80] =	vst v63  }
0x155: {  	_ =	swait.ge [sflag:s20], $0x4000  }
0x156: {  	[sflag:s20] =	ssyncset.done $0x0  }
0x157: {  	s29 =	simm.s32 $0x4400;
	s10 =	simm.s32 $0x4;
	[sflag:s20] =	ssyncadd.s32 $0xFFFFC000  }
0x158: {  	[spmem:s4] =	stream.indirect.scatter.add.f32 [tilespmem:s29], [sflag:$0x5], $0x80, s12, s30, $0xb8;
	[tilespmem:$0x1FC80] =	vst v63  }
0x159: {  	_ =	swait.ge [sflag:s10], $0x4000  }
0x15a: {  	s14 =	rddreg [dreg:$0xa];
	[sflag:s10] =	ssyncset.done $0x0  }
0x15b: {  	[sflag:s10] =	ssyncadd.s32 $0xFFFFC000;
	s3 =	sadd.s32 s7, s14;
	s10 =	simm.s32 $0x0  }
0x15c: {  	[tilespmem:s10], [sflag:$0x7] =	stream.linear.gather [hbm4b:s3+s10], $0x80, $0x38;
	[tilespmem:$0x1FC80] =	vst v63  }
0x15d: {  	s3 =	sadd.s32 $0x10, s3  }
0x15e: {  	[tilespmem:s11], [sflag:$0x7] =	stream.linear.gather [hbm4b:s3+s10], $0x80, $0x38;
	[tilespmem:$0x1FC80] =	vst v63  }
0x15f: {  	_ =	swait.ge [sflag:s23], $0x80  }
0x160: {  	[sflag:s23] =	ssyncset.done $0x0  }
0x161: {  	[sflag:s23] =	ssyncadd.s32 $0xFFFFFF80  }
0x162: {  	_ =	swait.ge [sflag:s23], $0x80  }
0x163: {  	[sflag:s23] =	ssyncset.done $0x0  }
0x164: {  	s31 =	simm.s32 $0x180;
	[sflag:s23] =	ssyncadd.s32 $0xFFFFFF80  }
0x165: {  	[tilespmem:s9], [sflag:$0x1] =	stream.indirect.gather [hbm4b:s2+s30], $0x80, s31, s30, $0xb8;
	[tilespmem:$0x1FC80] =	vst v63  }
0x166: {  	_ =	swait.ge [sflag:s16], $0x4000  }
0x167: {  	[sflag:s16] =	ssyncset.done $0x0  }
0x168: {  	s3 =	simm.s32 $0x5;
	[sflag:s16] =	ssyncadd.s32 $0xFFFFC000  }
0x169: {  	[spmem:s4] =	stream.indirect.scatter.add.f32 [tilespmem:s5], [sflag:$0x6], $0x80, s28, s30, $0xb8;
	[tilespmem:$0x1FC80] =	vst v63  }
0x16a: {  	_ =	swait.ge [sflag:s3], $0x4000  }
0x16b: {  	s14 =	rddreg [dreg:$0x9];
	[sflag:s3] =	ssyncset.done $0x0  }
0x16c: {  	[sflag:s3] =	ssyncadd.s32 $0xFFFFC000;
	s3 =	sadd.s32 s7, s14  }
0x16d: {  	[tilespmem:s30], [sflag:$0x8] =	stream.linear.gather [hbm4b:s3+s10], $0x80, $0x38;
	[tilespmem:$0x1FC80] =	vst v63  }
0x16e: {  	s3 =	sadd.s32 $0x10, s3  }
0x16f: {  	[tilespmem:s12], [sflag:$0x8] =	stream.linear.gather [hbm4b:s3+s10], $0x80, $0x38;
	[tilespmem:$0x1FC80] =	vst v63  }
0x170: {  	_ =	swait.ge [sflag:s13], $0x80  }
0x171: {  	[sflag:s13] =	ssyncset.done $0x0  }
0x172: {  	[sflag:s13] =	ssyncadd.s32 $0xFFFFFF80  }
0x173: {  	_ =	swait.ge [sflag:s13], $0x80  }
0x174: {  	[sflag:s13] =	ssyncset.done $0x0  }
0x175: {  	[sflag:s13] =	ssyncadd.s32 $0xFFFFFF80  }
0x176: {  	[tilespmem:s29], [sflag:$0x2] =	stream.indirect.gather [hbm4b:s2+s30], $0x80, s10, s30, $0xb8;
	[tilespmem:$0x1FC80] =	vst v63  }
0x177: {  	_ =	swait.ge [sflag:s22], $0x4000  }
0x178: {  	[sflag:s22] =	ssyncset.done $0x0  }
0x179: {  	s25 =	sadd.s32 $0xC, s25;
	s31 =	simm.s32 $0x380;
	[sflag:s22] =	ssyncadd.s32 $0xFFFFC000  }
0x17a: {  	[spmem:s4] =	stream.indirect.scatter.add.f32 [tilespmem:s9], [sflag:$0x4], $0x80, s31, s30, $0xb8;
	[tilespmem:$0x1FC80] =	vst v63  }
0x17b: {  	s22 =	sadd.s32 $0xFFFFFFF8, s25;
	s9 =	simm.s32 $0x6  }
0x17c: {  	p2 =	sge.u32 s22, s6;
	_ =	swait.ge [sflag:s9], $0x4000  }
0x17d: {  	s8 =	simm.s32 @!p2 $0x0;
	s3 =	rddreg [dreg:$0x13];
	[sflag:s9] =	ssyncset.done $0x0  }
0x17e: {  	s10 =	simm.s32 @!p2 $0x100;
	[sflag:s9] =	ssyncadd.s32 $0xFFFFC000;
	s3 =	sadd.s32 @!p2 s7, s3  }
0x17f: {  	[tilespmem:s10], [sflag:$0x9] =	stream.linear.gather @!p2 [hbm4b:s3+s8], $0x80, $0x38;
	[tilespmem:$0x1FC80] =	vst v63  }
0x180: {  	s3 =	sadd.s32 @!p2 $0x10, s3;
	s10 =	simm.s32 @!p2 $0x300  }
0x181: {  	[tilespmem:s10], [sflag:$0x9] =	stream.linear.gather @!p2 [hbm4b:s3+s8], $0x80, $0x38;
	[tilespmem:$0x1FC80] =	vst v63  }
0x182: {  	_ =	swait.ge [sflag:s15], $0x80  }
0x183: {  	[sflag:s15] =	ssyncset.done $0x0  }
0x184: {  	[sflag:s15] =	ssyncadd.s32 $0xFFFFFF80  }
0x185: {  	_ =	swait.ge [sflag:s15], $0x80  }
0x186: {  	[sflag:s15] =	ssyncset.done $0x0  }
0x187: {  	[sflag:s15] =	ssyncadd.s32 $0xFFFFFF80  }
0x188: {  	[tilespmem:s5], [sflag:$0x3] =	stream.indirect.gather [hbm4b:s2+s30], $0x80, s30, s30, $0xb8;
	[tilespmem:$0x1FC80] =	vst v63  }
0x189: {  	_ =	swait.ge [sflag:s20], $0x4000  }
0x18a: {  	s8 =	sadd.s32 $0xFFFFFFF2, s25;
	[sflag:s20] =	ssyncset.done $0x0;
	s22 =	rddreg [dreg:$0x5]  }
0x18b: {  	[sflag:s20] =	ssyncadd.s32 $0xFFFFC000;
	p3 =	sge.u32 s8, s22  }
0x18c: {  	[spmem:s4] =	stream.indirect.scatter.add.f32 [tilespmem:s29], [sflag:$0x5], $0x80, s11, s30, $0xb8;
	[tilespmem:$0x1FC80] =	vst v63  }
0x18d: {  	s3 =	simm.s32 @!p3 $0x4  }
0x18e: {  	s10 =	sadd.s32 @!p3 $0xFFFFFFF9, s25;
	_ =	swait.ge @!p3 [sflag:s3], $0x4000  }
0x18f: {  	p2 =	sge.u32 @!p3 s10, s6;
	[sflag:s3] =	ssyncset.done @!p3 $0x0  }
0x190: {  	p2 =	por p2, p3;
	s10 =	rddreg [dreg:$0x12];
	[sflag:s3] =	ssyncadd.s32 @!p3 $0xFFFFC000  }
0x191: {  	s3 =	simm.s32 @!p2 $0x0;
	s29 =	simm.s32 @!p2 $0x180;
	s10 =	sadd.s32 @!p2 s7, s10  }
0x192: {  	[tilespmem:s29], [sflag:$0xA] =	stream.linear.gather @!p2 [hbm4b:s10+s3], $0x80, $0x38;
	[tilespmem:$0x1FC80] =	vst v63  }
0x193: {  	s31 =	simm.s32 @!p3 $0x9;
	s10 =	sadd.s32 @!p2 $0x10, s10;
	s29 =	simm.s32 @!p2 $0x380  }
0x194: {  	[tilespmem:s29], [sflag:$0xA] =	stream.linear.gather @!p2 [hbm4b:s10+s3], $0x80, $0x38;
	[tilespmem:$0x1FC80] =	vst v63  }
0x195: {  	_ =	swait.ge @!p3 [sflag:s31], $0x80  }
0x196: {  	[sflag:s31] =	ssyncset.done @!p3 $0x0  }
0x197: {  	[sflag:s31] =	ssyncadd.s32 @!p3 $0xFFFFFF80  }
0x198: {  	_ =	swait.ge @!p3 [sflag:s31], $0x80  }
0x199: {  	s29 =	simm.s32 @!p3 $0x400;
	[sflag:s31] =	ssyncset.done @!p3 $0x0  }
0x19a: {  	s10 =	simm.s32 @!p3 $0x80;
	s3 =	simm.s32 @!p3 $0x100;
	[sflag:s31] =	ssyncadd.s32 @!p3 $0xFFFFFF80  }
0x19b: {  	[tilespmem:s29], [sflag:$0x1] =	stream.indirect.gather @!p3 [hbm4b:s2+s10], $0x80, s3, s10, $0xb8;
	[tilespmem:$0x1FC80] =	vst v63  }
0x19c: {  	_ =	swait.ge [sflag:s16], $0x4000  }
0x19d: {  	[sflag:s16] =	ssyncset.done $0x0;
	s31 =	rddreg [dreg:$0x6]  }
0x19e: {  	[sflag:s16] =	ssyncadd.s32 $0xFFFFC000;
	p2 =	sge.u32 s8, s31  }
0x19f: {  	[spmem:s4] =	stream.indirect.scatter.add.f32 [tilespmem:s5], [sflag:$0x6], $0x80, s12, s30, $0xb8;
	[tilespmem:$0x1FC80] =	vst v63  }
0x1a0: {  	s3 =	simm.s32 @!p2 $0x5;
	s31 =	sadd.s32 @!p2 $0xFFFFFFFA, s25  }
0x1a1: {  	s5 =	smov.u32 s19;
	_ =	swait.ge @!p2 [sflag:s3], $0x4000;
	p4 =	sge.u32 @!p2 s31, s6  }
0x1a2: {  	[sflag:s3] =	ssyncset.done @!p2 $0x0;
	p4 =	por p4, p2;
	s31 =	rddreg [dreg:$0x11]  }
0x1a3: {  	[sflag:s3] =	ssyncadd.s32 @!p2 $0xFFFFC000;
	s3 =	simm.s32 @!p4 $0x0;
	s31 =	sadd.s32 @!p4 s7, s31  }
0x1a4: {  	[tilespmem:s3], [sflag:$0x7] =	stream.linear.gather @!p4 [hbm4b:s31+s3], $0x80, $0x38;
	[tilespmem:$0x1FC80] =	vst v63  }
0x1a5: {  	s19 =	simm.s32 @!p2 $0xA;
	s14 =	simm.s32 @!p4 $0x200;
	s31 =	sadd.s32 @!p4 $0x10, s31  }
0x1a6: {  	[tilespmem:s14], [sflag:$0x7] =	stream.linear.gather @!p4 [hbm4b:s31+s3], $0x80, $0x38;
	[tilespmem:$0x1FC80] =	vst v63  }
0x1a7: {  	_ =	swait.ge @!p2 [sflag:s19], $0x80  }
0x1a8: {  	[sflag:s19] =	ssyncset.done @!p2 $0x0  }
0x1a9: {  	[sflag:s19] =	ssyncadd.s32 @!p2 $0xFFFFFF80  }
0x1aa: {  	s9 =	smov.u32 s24;
	s24 =	simm.s32 @!p2 $0x180;
	_ =	swait.ge @!p2 [sflag:s19], $0x80  }
0x1ab: {  	s3 =	simm.s32 @!p2 $0x4400;
	[sflag:s19] =	ssyncset.done @!p2 $0x0;
	s22 =	rddreg [dreg:$0x14]  }
0x1ac: {  	s31 =	simm.s32 @!p2 $0x80;
	[sflag:s19] =	ssyncadd.s32 @!p2 $0xFFFFFF80;
	p5 =	sge.u32 @!p3 s8, s22  }
0x1ad: {  	[tilespmem:s3], [sflag:$0x2] =	stream.indirect.gather @!p2 [hbm4b:s2+s31], $0x80, s24, s31, $0xb8;
	[tilespmem:$0x1FC80] =	vst v63  }
0x1ae: {  	s14 =	simm.s32 @!p3 $0x1;
	p4 =	por p5, p3  }
0x1af: {  	_ =	swait.ge @!p3 [sflag:s14], $0x4000;
	s11 =	sadd.s32 @!p4 $0xFFFFFFFB, s25  }
0x1b0: {  	s19 =	simm.s32 @!p3 $0x300;
	[sflag:s14] =	ssyncset.done @!p3 $0x0;
	p6 =	sge.u32 @!p4 s11, s6  }
0x1b1: {  	s24 =	simm.s32 @!p4 $0x6;
	[sflag:s14] =	ssyncadd.s32 @!p3 $0xFFFFC000;
	p5 =	por @!p3 p6, p5  }
0x1b2: {  	[spmem:s4] =	stream.indirect.scatter.add.f32 @!p3 [tilespmem:s29], [sflag:$0x4], $0x80, s19, s10, $0xb8;
	[tilespmem:$0x1FC80] =	vst v63  }
0x1b3: {  	p3 =	por p5, p3;
	_ =	swait.ge @!p4 [sflag:s24], $0x4000  }
0x1b4: {  	s11 =	simm.s32 @!p3 $0x0;
	[sflag:s24] =	ssyncset.done @!p4 $0x0;
	s10 =	rddreg [dreg:$0x10]  }
0x1b5: {  	s14 =	simm.s32 @!p3 $0x80;
	[sflag:s24] =	ssyncadd.s32 @!p4 $0xFFFFC000;
	s10 =	sadd.s32 @!p3 s7, s10  }
0x1b6: {  	[tilespmem:s14], [sflag:$0x8] =	stream.linear.gather @!p3 [hbm4b:s10+s11], $0x80, $0x38;
	[tilespmem:$0x1FC80] =	vst v63  }
0x1b7: {  	s19 =	simm.s32 @!p4 $0x7;
	s10 =	sadd.s32 @!p3 $0x10, s10;
	s14 =	simm.s32 @!p3 $0x280  }
0x1b8: {  	[tilespmem:s14], [sflag:$0x8] =	stream.linear.gather @!p3 [hbm4b:s10+s11], $0x80, $0x38;
	[tilespmem:$0x1FC80] =	vst v63  }
0x1b9: {  	_ =	swait.ge @!p4 [sflag:s19], $0x80  }
0x1ba: {  	[sflag:s19] =	ssyncset.done @!p4 $0x0  }
0x1bb: {  	s29 =	smov.u32 s26;
	[sflag:s19] =	ssyncadd.s32 @!p4 $0xFFFFFF80  }
0x1bc: {  	p5 =	sge.u32 @!p2 s8, s29;
	s24 =	simm.s32 @!p4 $0x0;
	_ =	swait.ge @!p4 [sflag:s19], $0x80  }
0x1bd: {  	s10 =	simm.s32 @!p4 $0x8400;
	s11 =	simm.s32 @!p2 $0x2;
	[sflag:s19] =	ssyncset.done @!p4 $0x0  }
0x1be: {  	s14 =	simm.s32 @!p4 $0x80;
	p3 =	por p5, p2;
	[sflag:s19] =	ssyncadd.s32 @!p4 $0xFFFFFF80  }
0x1bf: {  	[tilespmem:s10], [sflag:$0x3] =	stream.indirect.gather @!p4 [hbm4b:s2+s14], $0x80, s24, s14, $0xb8;
	[tilespmem:$0x1FC80] =	vst v63  }
0x1c0: {  	s19 =	sadd.s32 @!p3 $0xFFFFFFFC, s25;
	_ =	swait.ge @!p2 [sflag:s11], $0x4000  }
0x1c1: {  	s10 =	simm.s32 @!p2 $0x380;
	p4 =	sge.u32 @!p3 s19, s6;
	[sflag:s11] =	ssyncset.done @!p2 $0x0  }
0x1c2: {  	s14 =	simm.s32 @!p3 $0x4;
	p4 =	por @!p2 p4, p5;
	[sflag:s11] =	ssyncadd.s32 @!p2 $0xFFFFC000  }
0x1c3: {  	[spmem:s4] =	stream.indirect.scatter.add.f32 @!p2 [tilespmem:s3], [sflag:$0x5], $0x80, s10, s31, $0xb8;
	[tilespmem:$0x1FC80] =	vst v63  }
0x1c4: {  	p2 =	por p4, p2;
	_ =	swait.ge @!p3 [sflag:s14], $0x4000  }
0x1c5: {  	s10 =	simm.s32 @!p2 $0x0;
	[sflag:s14] =	ssyncset.done @!p3 $0x0;
	s3 =	rddreg [dreg:$0xf]  }
0x1c6: {  	s11 =	simm.s32 @!p2 $0x100;
	[sflag:s14] =	ssyncadd.s32 @!p3 $0xFFFFC000;
	s3 =	sadd.s32 @!p2 s7, s3  }
0x1c7: {  	[tilespmem:s11], [sflag:$0x9] =	stream.linear.gather @!p2 [hbm4b:s3+s10], $0x80, $0x38;
	[tilespmem:$0x1FC80] =	vst v63  }
0x1c8: {  	s14 =	simm.s32 @!p3 $0x8;
	s3 =	sadd.s32 @!p2 $0x10, s3;
	s11 =	simm.s32 @!p2 $0x300  }
0x1c9: {  	[tilespmem:s11], [sflag:$0x9] =	stream.linear.gather @!p2 [hbm4b:s3+s10], $0x80, $0x38;
	[tilespmem:$0x1FC80] =	vst v63  }
0x1ca: {  	_ =	swait.ge @!p3 [sflag:s14], $0x80  }
0x1cb: {  	[sflag:s14] =	ssyncset.done @!p3 $0x0  }
0x1cc: {  	s28 =	smov.u32 s21;
	[sflag:s14] =	ssyncadd.s32 @!p3 $0xFFFFFF80  }
0x1cd: {  	s21 =	smov.u32 s28;
	_ =	swait.ge @!p3 [sflag:s14], $0x80  }
0x1ce: {  	p4 =	sge.u32 s8, s22;
	s3 =	simm.s32 @!p3 $0x80;
	[sflag:s14] =	ssyncset.done @!p3 $0x0  }
0x1cf: {  	s10 =	simm.s32 @!p3 $0x400;
	s11 =	simm.s32 @!p4 $0x3;
	[sflag:s14] =	ssyncadd.s32 @!p3 $0xFFFFFF80  }
0x1d0: {  	[tilespmem:s10], [sflag:$0x1] =	stream.indirect.gather @!p3 [hbm4b:s2+s3], $0x80, s3, s3, $0xb8;
	[tilespmem:$0x1FC80] =	vst v63  }
0x1d1: {  	p3 =	sge.u32 @!p4 s8, s21;
	_ =	swait.ge @!p4 [sflag:s11], $0x4000  }
0x1d2: {  	s3 =	simm.s32 @!p4 $0x200;
	s10 =	simm.s32 @!p4 $0x8400;
	[sflag:s11] =	ssyncset.done @!p4 $0x0  }
0x1d3: {  	p2 =	por p3, p4;
	[sflag:s11] =	ssyncadd.s32 @!p4 $0xFFFFC000;
	s11 =	simm.s32 @!p4 $0x80  }
0x1d4: {  	[spmem:s4] =	stream.indirect.scatter.add.f32 @!p4 [tilespmem:s10], [sflag:$0x6], $0x80, s3, s11, $0xb8;
	[tilespmem:$0x1FC80] =	vst v63  }
0x1d5: {  	s3 =	simm.s32 @!p2 $0x5;
	s10 =	sadd.s32 @!p2 $0xFFFFFFFD, s25  }
0x1d6: {  	_ =	swait.ge @!p2 [sflag:s3], $0x4000;
	p5 =	sge.u32 @!p2 s10, s6  }
0x1d7: {  	[sflag:s3] =	ssyncset.done @!p2 $0x0;
	p3 =	por @!p4 p5, p3  }
0x1d8: {  	s10 =	rddreg [dreg:$0xe];
	[sflag:s3] =	ssyncadd.s32 @!p2 $0xFFFFC000;
	p3 =	por p3, p4  }
0x1d9: {  	s3 =	sadd.s32 @!p3 s7, s10;
	s10 =	simm.s32 @!p3 $0x0;
	s11 =	simm.s32 @!p3 $0x180  }
0x1da: {  	[tilespmem:s11], [sflag:$0xA] =	stream.linear.gather @!p3 [hbm4b:s3+s10], $0x80, $0x38;
	[tilespmem:$0x1FC80] =	vst v63  }
0x1db: {  	s14 =	simm.s32 @!p2 $0x9;
	s3 =	sadd.s32 @!p3 $0x10, s3;
	s11 =	simm.s32 @!p3 $0x380  }
0x1dc: {  	[tilespmem:s11], [sflag:$0xA] =	stream.linear.gather @!p3 [hbm4b:s3+s10], $0x80, $0x38;
	[tilespmem:$0x1FC80] =	vst v63  }
0x1dd: {  	_ =	swait.ge @!p2 [sflag:s14], $0x80  }
0x1de: {  	[sflag:s14] =	ssyncset.done @!p2 $0x0  }
0x1df: {  	[sflag:s14] =	ssyncadd.s32 @!p2 $0xFFFFFF80  }
0x1e0: {  	s3 =	simm.s32 @!p2 $0x100;
	_ =	swait.ge @!p2 [sflag:s14], $0x80  }
0x1e1: {  	s10 =	simm.s32 @!p2 $0x4400;
	p3 =	sge.u32 s8, s29;
	[sflag:s14] =	ssyncset.done @!p2 $0x0  }
0x1e2: {  	s11 =	simm.s32 @!p2 $0x80;
	p4 =	sge.u32 @!p3 s8, s17;
	[sflag:s14] =	ssyncadd.s32 @!p2 $0xFFFFFF80  }
0x1e3: {  	[tilespmem:s10], [sflag:$0x2] =	stream.indirect.gather @!p2 [hbm4b:s2+s11], $0x80, s3, s11, $0xb8;
	[tilespmem:$0x1FC80] =	vst v63  }
0x1e4: {  	s19 =	simm.s32 @!p3 $0x400;
	s14 =	simm.s32 @!p3 $0x1;
	p2 =	por p4, p3  }
0x1e5: {  	s3 =	simm.s32 @!p3 $0x280;
	_ =	swait.ge @!p3 [sflag:s14], $0x4000;
	s11 =	sadd.s32 @!p2 $0xFFFFFFFE, s25  }
0x1e6: {  	s10 =	simm.s32 @!p3 $0x80;
	[sflag:s14] =	ssyncset.done @!p3 $0x0;
	p5 =	sge.u32 @!p2 s11, s6  }
0x1e7: {  	[sflag:s14] =	ssyncadd.s32 @!p3 $0xFFFFC000;
	s14 =	simm.s32 @!p2 $0x6;
	p4 =	por @!p3 p5, p4  }
0x1e8: {  	[spmem:s4] =	stream.indirect.scatter.add.f32 @!p3 [tilespmem:s19], [sflag:$0x4], $0x80, s3, s10, $0xb8;
	[tilespmem:$0x1FC80] =	vst v63  }
0x1e9: {  	s24 =	smov.u32 s9;
	p3 =	por p4, p3;
	_ =	swait.ge @!p2 [sflag:s14], $0x4000  }
0x1ea: {  	s19 =	smov.u32 s5;
	s3 =	sshrl.u32 @!p3 s1, $0x3;
	[sflag:s14] =	ssyncset.done @!p2 $0x0  }
0x1eb: {  	s10 =	simm.s32 @!p3 $0x0;
	s11 =	sadd.s32 @!p3 s19, s3;
	[sflag:s14] =	ssyncadd.s32 @!p2 $0xFFFFC000  }
0x1ec: {  	[tilespmem:s10], [sflag:$0x7] =	stream.linear.gather @!p3 [hbm4b:s11+s10], $0x80, $0x38;
	[tilespmem:$0x1FC80] =	vst v63  }
0x1ed: {  	s3 =	sadd.s32 @!p3 s3, s24;
	s14 =	simm.s32 @!p3 $0x200;
	s11 =	simm.s32 @!p2 $0xA  }
0x1ee: {  	[tilespmem:s14], [sflag:$0x7] =	stream.linear.gather @!p3 [hbm4b:s3+s10], $0x80, $0x38;
	[tilespmem:$0x1FC80] =	vst v63  }
0x1ef: {  	_ =	swait.ge @!p2 [sflag:s11], $0x80  }
0x1f0: {  	[sflag:s11] =	ssyncset.done @!p2 $0x0  }
0x1f1: {  	[sflag:s11] =	ssyncadd.s32 @!p2 $0xFFFFFF80  }
0x1f2: {  	s3 =	simm.s32 @!p2 $0x8400;
	_ =	swait.ge @!p2 [sflag:s11], $0x80  }
0x1f3: {  	p3 =	sge.u32 s8, s21;
	s10 =	simm.s32 @!p2 $0x80;
	[sflag:s11] =	ssyncset.done @!p2 $0x0  }
0x1f4: {  	s14 =	simm.s32 @!p2 $0x180;
	[sflag:s11] =	ssyncadd.s32 @!p2 $0xFFFFFF80;
	s11 =	simm.s32 @!p3 $0x2  }
0x1f5: {  	[tilespmem:s3], [sflag:$0x3] =	stream.indirect.gather @!p2 [hbm4b:s2+s10], $0x80, s14, s10, $0xb8;
	[tilespmem:$0x1FC80] =	vst v63  }
0x1f6: {  	s3 =	simm.s32 @!p3 $0x4400;
	_ =	swait.ge @!p3 [sflag:s11], $0x4000  }
0x1f7: {  	s14 =	simm.s32 @!p3 $0x300;
	[sflag:s11] =	ssyncset.done @!p3 $0x0;
	s10 =	rddreg [dreg:$0x7]  }
0x1f8: {  	[sflag:s11] =	ssyncadd.s32 @!p3 $0xFFFFC000;
	s11 =	simm.s32 @!p3 $0x80;
	p4 =	sge.u32 @!p3 s8, s10  }
0x1f9: {  	[spmem:s4] =	stream.indirect.scatter.add.f32 @!p3 [tilespmem:s3], [sflag:$0x5], $0x80, s14, s11, $0xb8;
	[tilespmem:$0x1FC80] =	vst v63  }
0x1fa: {  	p2 =	por p4, p3  }
0x1fb: {  	s3 =	simm.s32 @!p2 $0x4;
	s10 =	sadd.s32 @!p2 $0xFFFFFFFF, s25  }
0x1fc: {  	_ =	swait.ge @!p2 [sflag:s3], $0x4000;
	p5 =	sge.u32 @!p2 s10, s6  }
0x1fd: {  	[sflag:s3] =	ssyncset.done @!p2 $0x0;
	p4 =	por @!p3 p5, p4  }
0x1fe: {  	s10 =	rddreg [dreg:$0xd];
	[sflag:s3] =	ssyncadd.s32 @!p2 $0xFFFFC000;
	p3 =	por p4, p3  }
0x1ff: {  	s3 =	simm.s32 @!p3 $0x0;
	s11 =	simm.s32 @!p3 $0x80;
	s10 =	sadd.s32 @!p3 s7, s10  }
0x200: {  	[tilespmem:s11], [sflag:$0x8] =	stream.linear.gather @!p3 [hbm4b:s10+s3], $0x80, $0x38;
	[tilespmem:$0x1FC80] =	vst v63  }
0x201: {  	s14 =	simm.s32 @!p3 $0x280;
	s10 =	sadd.s32 @!p3 $0x10, s10;
	s11 =	simm.s32 @!p2 $0x7  }
0x202: {  	[tilespmem:s14], [sflag:$0x8] =	stream.linear.gather @!p3 [hbm4b:s10+s3], $0x80, $0x38;
	[tilespmem:$0x1FC80] =	vst v63  }
0x203: {  	_ =	swait.ge @!p2 [sflag:s11], $0x80  }
0x204: {  	[sflag:s11] =	ssyncset.done @!p2 $0x0  }
0x205: {  	s0 =	sadd.s32 $0x3000, s0;
	[sflag:s11] =	ssyncadd.s32 @!p2 $0xFFFFFF80  }
0x206: {  	p1 =	sne.s32 s0, $0x15000;
	s3 =	simm.s32 @!p2 $0x400;
	_ =	swait.ge @!p2 [sflag:s11], $0x80  }
0x207: {  	p3 =	sge.u32 s8, s17;
	s10 =	simm.s32 @!p2 $0x80;
	[sflag:s11] =	ssyncset.done @!p2 $0x0  }
0x208: {  	s14 =	simm.s32 @!p2 $0x0;
	[sflag:s11] =	ssyncadd.s32 @!p2 $0xFFFFFF80;
	s11 =	simm.s32 @!p3 $0x3  }
0x209: {  	[tilespmem:s3], [sflag:$0x1] =	stream.indirect.gather @!p2 [hbm4b:s2+s10], $0x80, s14, s10, $0xb8;
	[tilespmem:$0x1FC80] =	vst v63  }
0x20a: {  	s28 =	simm.s32 $0x300;
	s3 =	simm.s32 @!p3 $0x8400;
	_ =	swait.ge @!p3 [sflag:s11], $0x4000  }
0x20b: {  	s14 =	simm.s32 @!p3 $0x380;
	[sflag:s11] =	ssyncset.done @!p3 $0x0;
	s10 =	rddreg [dreg:$0x8]  }
0x20c: {  	[sflag:s11] =	ssyncadd.s32 @!p3 $0xFFFFC000;
	s11 =	simm.s32 @!p3 $0x80;
	p4 =	sge.u32 @!p3 s8, s10  }
0x20d: {  	[spmem:s4] =	stream.indirect.scatter.add.f32 @!p3 [tilespmem:s3], [sflag:$0x6], $0x80, s14, s11, $0xb8;
	[tilespmem:$0x1FC80] =	vst v63  }
0x20e: {  	s12 =	simm.s32 $0x280;
	s26 =	smov.u32 s17;
	p2 =	por p4, p3  }
0x20f: {  	s1 =	sadd.s32 $0x18000, s1;
	s14 =	simm.s32 $0x100;
	s3 =	simm.s32 @!p2 $0x5  }
0x210: {  	s11 =	simm.s32 $0x200;
	p5 =	sge.u32 @!p2 s25, s6;
	_ =	swait.ge @!p2 [sflag:s3], $0x4000  }
0x211: {  	p4 =	por @!p3 p5, p4;
	[sflag:s3] =	ssyncset.done @!p2 $0x0;
	s8 =	rddreg [dreg:$0xc]  }
.Ltmp0:
0x212: {  	p3 =	por p4, p3;
	[sflag:s3] =	ssyncadd.s32 @!p2 $0xFFFFC000;
	(pc) =	sbr.rel @p1 .LBB2_2-.Ltmp0, $4  }
0x213: {  	s3 =	sadd.s32 @!p3 s7, s8;
	s7 =	simm.s32 @!p3 $0x0;
	s8 =	simm.s32 @!p3 $0x100  }
0x214: {  	[tilespmem:s8], [sflag:$0x9] =	stream.linear.gather @!p3 [hbm4b:s3+s7], $0x80, $0x38;
	[tilespmem:$0x1FC80] =	vst v63  }
0x215: {  	s10 =	simm.s32 @!p3 $0x300;
	s8 =	sadd.s32 @!p3 $0x10, s3;
	s3 =	simm.s32 @!p2 $0x8  }
0x216: {  	[tilespmem:s10], [sflag:$0x9] =	stream.linear.gather @!p3 [hbm4b:s8+s7], $0x80, $0x38;
	[tilespmem:$0x1FC80] =	vst v63  }
0x217: {  	_ =	swait.ge @!p2 [sflag:s3], $0x80  }
0x218: {  	[sflag:s3] =	ssyncset.done @!p2 $0x0  }
0x219: {  	[sflag:s3] =	ssyncadd.s32 @!p2 $0xFFFFFF80  }
0x21a: {  	_ =	swait.ge @!p2 [sflag:s3], $0x80  }
0x21b: {  	s0 =	simm.s32 @!p2 $0x4400;
	[sflag:s3] =	ssyncset.done @!p2 $0x0  }
0x21c: {  	s1 =	simm.s32 @!p2 $0x80;
	s20 =	simm.s32 $0x4;
	[sflag:s3] =	ssyncadd.s32 @!p2 $0xFFFFFF80  }
0x21d: {  	[tilespmem:s0], [sflag:$0x2] =	stream.indirect.gather @!p2 [hbm4b:s2+s1], $0x80, s1, s1, $0xb8;
	[tilespmem:$0x1FC80] =	vst v63  }
0x21e: {  	_ =	swait.ge [sflag:s20], $0x4000  }
0x21f: {  	[sflag:s20] =	ssyncset.done $0x0  }
0x220: {  	s22 =	simm.s32 $0x5;
	[sflag:s20] =	ssyncadd.s32 $0xFFFFC000  }
0x221: {  	_ =	swait.ge [sflag:s22], $0x4000  }
0x222: {  	[sflag:s22] =	ssyncset.done $0x0  }
0x223: {  	s23 =	simm.s32 $0x6;
	[sflag:s22] =	ssyncadd.s32 $0xFFFFC000  }
0x224: {  	_ =	swait.ge [sflag:s23], $0x4000  }
0x225: {  	[sflag:s23] =	ssyncset.done $0x0  }
0x226: {  	[sflag:s23] =	ssyncadd.s32 $0xFFFFC000  }
0x227: {  	[bflag:$0x0] =	sbarrier.arrive $0xFFFF  }
0x228: {  	s1 =	sld [smem:$0x7FB]  }
0x229: {  	s3 =	sld [smem:$0x7F6];
	_ =	sdelay $0x1  }
0x22a: {  	s0 =	simm.s32 @p0 $0x1FCB  }
0x22b: {  	[hbm:s1], [sflag:s0] =	dma.local @p0 [spmem:s3], $0x1900  }
0x22c: {  	s0 =	simm.s32 @p0 $0xB  }
0x22d: {  	_ =	swait.ge @p0 [sflag:s0], $0x1900  }
0x22e: {  	s1 =	sld [smem:$0x7F7]  }
0x22f: {  	[sflag:s0] =	ssyncset.done @p0 $0x0;
	s3 =	sld [smem:$0x7F8]  }
0x230: {  	[sflag:s0] =	ssyncadd.s32 @p0 $0xFFFFE700;
	s0 =	sld [smem:$0x7F9];
	_ =	sdelay $0x2  }
0x231: {  	[hbm:s0], [sflag:s1] =	dma.local @!p0 [spmem:s3], $0x2800  }
0x232: {  	s0 =	simm.s32 @!p0 $0xB  }
0x233: {  	_ =	swait.ge @!p0 [sflag:s0], $0x2800  }
0x234: {  	s7 =	sld [smem:$0x7F5]  }
0x235: {  	s25 =	sld [smem:$0x7FC];
	_ =	sdelay $0x1  }
0x236: {  	s7 =	sadd.s32 $0x1, s7  }
0x237: {  	s8 =	simm.s32 $0x180;
	s10 =	simm.s32 $0x380;
	p1 =	sne.s32 s7, s25  }
.Ltmp1:
0x238: {  	s5 =	simm.s32 $0x400;
	s17 =	simm.s32 $0x0;
	(pc) =	sbr.rel @p1 .LBB2_1-.Ltmp1, $4  }
0x239: {  	s9 =	simm.s32 $0x8400;
	s13 =	simm.s32 $0x7;
	s15 =	simm.s32 $0x8  }
0x23a: {  	s18 =	simm.s32 $0x9;
	s31 =	simm.s32 $0x3;
	s20 =	simm.s32 $0x2  }
0x23b: {  	s23 =	simm.s32 $0xA;
	s3 =	simm.s32 $0x1;
	[sflag:s0] =	ssyncset.done @!p0 $0x0  }
0x23c: {  	s16 =	rddreg [dreg:$0x14];
	[sflag:s0] =	ssyncadd.s32 @!p0 $0xFFFFD800;
	s25 =	simm.s32 $0x4400  }
0x23d: {  	_ =	sfence.sel $0x180000  }
0x23e: {  	[bflag:$0x0] =	sbarrier.arrive $0xFFFF  }
0x23f: {  	_ =	strace $0x9000004A  }
0x240: {  	s0 =	stileid.u32;
	[bflag:$0x2] =	sbarrier.arrive $0xFFFF  }
0x241: {  	p0 =	sne.s32 s0, $0x0;
	s0 =	rddreg [dreg:$0x4]  }
0x242: {  	s0 =	sadd.s32 @!p0 $0x100000, s0  }
0x243: {  	[sflag:s0] =	ssyncadd.tile.s32 @!p0 $0x1;
	_ =	shalt  }
.Lfunc_end2:
_tile_overlayer_lowered:
.L_overlay_start_2:
0x244: {  	(tag) =	ssettag $0x2  }
0x245: {  	s0 =	rddreg [dreg:$0x0];
	s2 =	stileid.u32  }
0x246: {  	s1 =	rddreg [dreg:$0x1];
	p0 =	sne.s32 s2, $0x0  }
0x247: {  	s3 =	rddreg [dreg:$0x2];
	[bflag:$0x3] =	sbarrier.arrive $0xFFFF;
	s2 =	simm.s32 @!p0 $0x1C0B  }
0x248: {  	[timem:s3], [sflag:s2] =	dma.local @!p0 [hbm:s0], s1  }
0x249: {  	s0 =	simm.s32 @!p0 $0xB  }
0x24a: {  	_ =	swait.ge @!p0 [sflag:s0], s1  }
0x24b: {  	s1 =	ssub.s32 @!p0 $0x0, s1;
	[sflag:s0] =	ssyncset.done @!p0 $0x0  }
0x24c: {  	[sflag:s0] =	ssyncadd.s32 @!p0 s1  }
0x24d: {  	[bflag:$0x3] =	sbarrier.arrive $0xFFFF  }
0x24e: {  	_ =	shalt  }

// kernel: kernel.15.cloned.1.call-start
scs
__scs_entry_jumppad:
0x0: {  	(pc) =	sbr.rel $0x88, $3  }
0x1: {  	(tag) =	ssettag $0x0;
	lr =	simm.s32 $0x1  }
0x2: {  	[smem:$0x3F9B] =	sst lr;
	_ =	strace $0xD0000000  }
0x3: {  	_ = 	snop  }
0x4: {  	_ = 	snop  }
0x5: {  	_ = 	snop  }
0x6: {  	_ = 	snop  }
0x7: {  	_ = 	snop  }
__scs_overlays_trampoline_lowered:
0x8: {  	[smem:$0x3FAA] =	sst s0  }
0x9: {  	[smem:$0x3FAB] =	sst s1  }
0xa: {  	[smem:$0x3FAC] =	sst s2  }
0xb: {  	[smem:$0x3FAD] =	sst s3  }
0xc: {  	[smem:$0x3FAE] =	sst s4  }
0xd: {  	[smem:$0x3FAF] =	sst s5  }
0xe: {  	[smem:$0x3FB0] =	sst s6  }
0xf: {  	[smem:$0x3FB1] =	sst s7  }
0x10: {  	[smem:$0x3FB2] =	sst s8  }
0x11: {  	[smem:$0x3FB3] =	sst s9;
	s0 =	simm.s32 @!p0 $0x0  }
0x12: {  	s1 =	sld [smem:$0x3F99];
	s0 =	simm.s32 @p0 $0x1  }
0x13: {  	[smem:$0x3FB4] =	sst s0;
	s0 =	simm.s32 @!p1 $0x0  }
0x14: {  	s2 =	sld [smem:$0x3F98];
	s0 =	simm.s32 @p1 $0x1  }
0x15: {  	[smem:$0x3FB5] =	sst s0;
	s0 =	simm.s32 @!p2 $0x0  }
0x16: {  	s3 =	sld [smem:$0x3FDB];
	s0 =	simm.s32 @p2 $0x1  }
0x17: {  	s4 =	simm.s32 $0x1BF5;
	[smem:$0x3FB7] =	sst s0  }
0x18: {  	s0 =	sld [smem:$0x3F9A];
	_ =	swait.ge [sflag:s4], $0x0  }
0x19: {  	s7 =	sld [smem:$0x3F9B]  }
0x1a: {  	s8 =	sadd.s32 $0xFFFFE003, lr  }
0x1b: {  	s9 =	sadd.s32 $0xFFFFFEF7, lr;
	s5 =	simm.s32 $0xFFFFFFFF;
	p2 =	slt.u32 s8, $0xFFFFF086  }
0x1c: {  	p1 =	slt.u32 s9, $0xF7A;
	s5 =	simm.s32 @!p2 $0x0  }
0x1d: {  	s5 =	simm.s32 @p1 $0x1;
	p0 =	seq.s32 s7, s2  }
0x1e: {  	s7 =	smul.u32 @!p0 $0xF7A, s2;
	p2 =	seq.s32 @!p0 s5, $0x0  }
0x1f: {  	s9 =	smul.u32 $0xF7A, s1;
	s8 =	simm.s32 @!p0 $0x1BF5;
	p2 =	por !p2, p0  }
0x20: {  	[sflag:s8] =	ssyncset.s32 @!p0 $0xFFFFF086;
	s6 =	sadd.s32 @!p0 s3, s7;
	s7 =	simm.s32 @!p0 $0x108  }
0x21: {  	s3 =	sadd.s32 s3, s9;
	s6 =	sadd.s32 @!p0 $0x88, s6;
	s7 =	simm.s32 @p2 $0x1082  }
0x22: {  	[simem:s7], [sflag:s8] =	dma.local @!p0 [hbm:s6], $0xF7A  }
0x23: {  	s9 =	sor.u32 $0xD0000000, s2;
	s6 =	simm.s32 $0x108;
	_ =	swait.ge @!p0 [sflag:s8], $0x0  }
0x24: {  	s3 =	sadd.s32 $0x88, s3;
	s6 =	simm.s32 @!p1 $0x1082;
	[sflag:s4] =	ssyncset.s32 $0xFFFFF086  }
0x25: {  	[simem:s6], [sflag:s4] =	dma.local [hbm:s3], $0xF7A  }
0x26: {  	[smem:$0x3F9B] =	sst s1;
	(tag) =	ssettag s2;
	_ =	strace s9  }
0x27: {  	s1 =	sld [smem:$0x3FAB]  }
0x28: {  	s2 =	sld [smem:$0x3FAC]  }
0x29: {  	s4 =	sld [smem:$0x3FAE]  }
0x2a: {  	p0 =	seq.s32 s5, $0x0;
	s5 =	sld [smem:$0x3FAF]  }
0x2b: {  	s6 =	sld [smem:$0x3FB0]  }
0x2c: {  	s7 =	sld [smem:$0x3FB1]  }
0x2d: {  	s3 =	simm.s32 $0x108;
	s8 =	sld [smem:$0x3FB2]  }
0x2e: {  	s3 =	simm.s32 @!p0 $0x1082;
	s9 =	sld [smem:$0x3FB3]  }
0x2f: {  	lr =	sadd.s32 s0, s3;
	s0 =	sld [smem:$0x3FAA]  }
0x30: {  	s3 =	sld [smem:$0x3FAD]  }
0x31: {  	[smem:$0x3FB6] =	sst s10  }
0x32: {  	s10 =	sld [smem:$0x3FB4];
	_ =	sdelay $0x3  }
0x33: {  	p0 =	seq.s32 s10, $0x1;
	s10 =	sld [smem:$0x3FB6];
	_ =	sdelay $0x3  }
0x34: {  	[smem:$0x3FB6] =	sst s10  }
0x35: {  	s10 =	sld [smem:$0x3FB5];
	_ =	sdelay $0x3  }
0x36: {  	p1 =	seq.s32 s10, $0x1;
	s10 =	sld [smem:$0x3FB6];
	_ =	sdelay $0x3  }
0x37: {  	[smem:$0x3FB6] =	sst s10  }
0x38: {  	s10 =	sld [smem:$0x3FB7]  }
0x39: {  	_ = 	snop;
	(pc) =	sbr.ind lr, $3  }
0x3a: {  	_ = 	snop  }
0x3b: {  	_ = 	snop  }
0x3c: {  	p2 =	seq.s32 s10, $0x1;
	s10 =	sld [smem:$0x3FB6]  }
0x3d: {  	_ =	shalt  }
0x3e: {  	_ =	shalt  }
0x3f: {  	_ =	shalt  }
0x40: {  	_ =	shalt  }
0x41: {  	_ =	shalt  }
0x42: {  	_ =	shalt  }
0x43: {  	_ =	shalt  }
0x44: {  	_ =	shalt  }
0x45: {  	_ =	shalt  }
0x46: {  	_ =	shalt  }
0x47: {  	_ =	shalt  }
0x48: {  	_ =	shalt  }
0x49: {  	_ =	shalt  }
0x4a: {  	_ =	shalt  }
0x4b: {  	_ =	shalt  }
0x4c: {  	_ =	shalt  }
0x4d: {  	_ =	shalt  }
0x4e: {  	_ =	shalt  }
0x4f: {  	_ =	shalt  }
0x50: {  	_ =	shalt  }
0x51: {  	_ =	shalt  }
0x52: {  	_ =	shalt  }
0x53: {  	_ =	shalt  }
0x54: {  	_ =	shalt  }
0x55: {  	_ =	shalt  }
0x56: {  	_ =	shalt  }
0x57: {  	_ =	shalt  }
0x58: {  	_ =	shalt  }
0x59: {  	_ =	shalt  }
0x5a: {  	_ =	shalt  }
0x5b: {  	_ =	shalt  }
0x5c: {  	_ =	shalt  }
0x5d: {  	_ =	shalt  }
0x5e: {  	_ =	shalt  }
0x5f: {  	_ =	shalt  }
0x60: {  	_ =	shalt  }
0x61: {  	_ =	shalt  }
0x62: {  	_ =	shalt  }
0x63: {  	_ =	shalt  }
0x64: {  	_ =	shalt  }
0x65: {  	_ =	shalt  }
0x66: {  	_ =	shalt  }
0x67: {  	_ =	shalt  }
0x68: {  	_ =	shalt  }
0x69: {  	_ =	shalt  }
0x6a: {  	_ =	shalt  }
0x6b: {  	_ =	shalt  }
0x6c: {  	_ =	shalt  }
0x6d: {  	_ =	shalt  }
0x6e: {  	_ =	shalt  }
0x6f: {  	_ =	shalt  }
0x70: {  	_ =	shalt  }
0x71: {  	_ =	shalt  }
0x72: {  	_ =	shalt  }
0x73: {  	_ =	shalt  }
0x74: {  	_ =	shalt  }
0x75: {  	_ =	shalt  }
0x76: {  	_ =	shalt  }
0x77: {  	_ =	shalt  }
0x78: {  	_ =	shalt  }
0x79: {  	_ =	shalt  }
0x7a: {  	_ =	shalt  }
0x7b: {  	_ =	shalt  }
0x7c: {  	_ =	shalt  }
0x7d: {  	_ =	shalt  }
0x7e: {  	_ =	shalt  }
0x7f: {  	_ =	shalt  }
0x80: {  	_ =	shalt  }
0x81: {  	_ =	shalt  }
0x82: {  	_ =	shalt  }
0x83: {  	_ =	shalt  }
0x84: {  	_ =	shalt  }
0x85: {  	_ =	shalt  }
0x86: {  	_ =	shalt  }
0x87: {  	_ =	shalt  }
.Lfunc_end0:
.L_simem_size_0:
called_computation.2_lowered:
.L_overlay_start_0:
0x88: {  	s2 =	sld [smem:$0x3FD9]  }
0x89: {  	s3 =	sld [smem:$0x3FFE];
	_ =	sdelay $0x1  }
0x8a: {  	s1 =	srdreg.scid  }
0x8b: {  	s0 =	sand.u32 $0x1, s1  }
0x8c: {  	s17 =	sshll.u32 s0, $0xA;
	s2 =	sadd.s32 s3, s2  }
0x8d: {  	s2 =	sadd.s32 s2, s17  }
0x8e: {  	[smem:$0x3FC2] =	sst s2  }
0x8f: {  	_ = 	snop  }
0x90: {  	s2 =	sld [smem:$0x3FC8]  }
0x91: {  	s18 =	sld [smem:$0x3FD0];
	(tm) =	ssettm $0x1  }
0x92: {  	s4 =	sld [smem:$0x3FFB];
	_ =	sdelay $0x3  }
0x93: {  	_ =	strace s4  }
0x94: {  	s4 =	sld [smem:$0x3FFC];
	_ =	sdelay $0x3  }
0x95: {  	_ =	strace s4  }
0x96: {  	s4 =	sld [smem:$0x3FFD];
	_ =	sdelay $0x3  }
0x97: {  	_ =	strace s4  }
0x98: {  	_ =	strace $0x8FFFFFFF  }
0x99: {  	s19 =	sld [smem:$0x3FDB];
	_ =	sdelay $0x1  }
0x9a: {  	s5 =	simm.s32 $_scs_section_size  }
0x9b: {  	s6 =	simm.s32 $_size__tile_overlayer_lowered;
	s7 =	simm.s32 $_tile_overlayer_lowered  }
0x9c: {  	s22 =	simm.s32 $0x1BFF;
	s21 =	sshll.u32 s7, $0x1;
	s4 =	sadd.s32 s5, s19  }
0x9d: {  	s8 =	simm.s32 $0x0;
	s20 =	sshll.u32 s6, $0x1;
	s6 =	sadd.s32 s21, s4  }
0x9e: {  	[timem:s8], [sflag:s22] =	dma.local [hbm:s6], s20  }
0x9f: {  	_ =	swait.ge [sflag:s22], s20  }
0xa0: {  	s5 =	ssub.s32 $0x0, s20;
	[sflag:s22] =	ssyncset.done $0x0  }
0xa1: {  	[sflag:s22] =	ssyncadd.s32 s5;
	_ =	sdelay $0x1  }
0xa2: {  	s23 =	simm.s32 $0x1B8B  }
0xa3: {  	_ =	swait.ge [sflag:s23], $0x1  }
0xa4: {  	[sflag:s23] =	ssyncset.done $0x0  }
0xa5: {  	s25 =	simm.s32 $0x1B8E;
	s24 =	sld [smem:$0x3FFE];
	[sflag:s23] =	ssyncadd.s32 $0xFFFFFFFF  }
0xa6: {  	s26 =	simm.s32 $execute0_lowered;
	[smem:$0x3FD2] =	sst s25  }
0xa7: {  	s6 =	sshll.u32 s26, $0x1;
	_ =	strace $0x8000004C;
	[dreg:$0x1] =	wrdreg $0xFFFFFFFF  }
0xa8: {  	s28 =	simm.s32 $_size_execute0_lowered;
	s4 =	sadd.s32 s4, s6;
	[dreg:$0x0] =	wrdreg $0x0  }
0xa9: {  	s6 =	sshll.u32 s28, $0x1;
	[dreg:$0x2] =	wrdreg s4  }
0xaa: {  	[dreg:$0x3] =	wrdreg s6  }
0xab: {  	[dreg:$0x4] =	wrdreg $0xC0  }
0xac: {  	_ =	task [dreg:s8], $0x5FFFF  }
0xad: {  	[dreg:$0x1] =	wrdreg $0xFFFFFFFF  }
0xae: {  	[dreg:$0x0] =	wrdreg $0x60  }
0xaf: {  	[dreg:$0x2] =	wrdreg s18  }
0xb0: {  	[dreg:$0x3] =	wrdreg s2  }
0xb1: {  	[dreg:$0x4] =	wrdreg s24  }
0xb2: {  	[dreg:$0x5] =	wrdreg $0xC4000  }
0xb3: {  	[dreg:$0x6] =	wrdreg $0x9  }
0xb4: {  	_ =	task.clear_ibuf [dreg:s8], $0x7FFFF;
	_ =	strace $0x9000004C  }
0xb5: {  	s29 =	simm.s32 $0x9;
	_ =	strace $0x8000004E  }
0xb6: {  	_ =	swait.ge [sflag:s29], $0x1  }
0xb7: {  	[sflag:s29] =	ssyncadd.s32 $0xFFFFFFFF  }
0xb8: {  	_ =	strace $0x9000004E  }
0xb9: {  	_ =	sfence  }
0xba: {  	s30 =	sld [smem:$0x0];
	_ =	sdelay $0x2  }
0xbb: {  	s31 =	sshll.u32 s1, $0xD;
	s1 =	sshrl.u32 s1, $0x2  }
0xbc: {  	s3 =	sand.u32 $0x4000, s31;
	s1 =	sadd.s32 s1, s30  }
0xbd: {  	s0 =	sor.u32 s3, s0;
	s1 =	sshll.u32 s1, $0x11  }
0xbe: {  	s0 =	sor.u32 s1, s0  }
0xbf: {  	s0 =	sadd.s32 $0x8F2B, s0  }
0xc0: {  	[sflag:s0] =	ssyncadd.remote.s32 $0x1  }
0xc1: {  	_ =	sfence.sel $0xFFFF  }
0xc2: {  	[dreg:$0x0] =	wrdreg $0xFFFFFFFF;
	(pc) =	sbr.abs _section_cstart, $3  }
0xc3: {  	[dreg:$0x1] =	wrdreg $0xFFFFFFFF  }
0xc4: {  	_ =	task.clear_ibuf [dreg:s8], $0x2FFFF;
	_ =	strace $0x9FFFFFFF  }
0xc5: {  	(tm) =	ssettm $0x7FFFFFFF  }
tec
execute0_lowered:
.L_overlay_start_1:
0x0: {  	(tag) =	ssettag $0x1  }
0x1: {  	s2 =	rddreg [dreg:$0x0]  }
0x2: {  	s19 =	rddreg [dreg:$0x1]  }
0x3: {  	s1 =	rddreg [dreg:$0x2]  }
0x4: {  	s4 =	rddreg [dreg:$0x3];
	s11 =	stileid.u32  }
0x5: {  	s17 =	simm.s32 $0x0;
	s3 =	srdreg.scid;
	s6 =	simm.s32 $0x4F  }
0x6: {  	s30 =	simm.s32 $0x80;
	s28 =	simm.s32 $0x300;
	s31 =	simm.s32 $0x3  }
0x7: {  	s0 =	smul.u32 $0x2800, s11;
	[smem:$0x7FF] =	sst s17;
	s3 =	sand.u32 $0x1, s3  }
0x8: {  	s8 =	sadd.s32 $0x29600, s1;
	s9 =	smul.u32 $0x50000, s11;
	p0 =	slt.u32 s11, $0x2  }
0x9: {  	s25 =	sshll.u32 s11, $0x6;
	s5 =	sadd.s32 $0x12C000, s4;
	_ =	strace $0x8000004D  }
0xa: {  	s24 =	ssub.s32 $0x2, s3;
	s6 =	simm.s32 @!p0 $0x4E;
	s26 =	sshll.u32 s3, $0x5  }
0xb: {  	[dreg:$0x17] =	wrdreg s5;
	s7 =	sadd.s32 s0, s1;
	s1 =	sadd.s32 $0x27C00, s1  }
0xc: {  	s23 =	smul.u32 $0x138800, s3;
	s18 =	sadd.s32 $0xFFFFFFFA, s6;
	[dreg:$0x18] =	wrdreg s1  }
0xd: {  	s3 =	sshll.u32 s3, $0x8;
	s21 =	sadd.s32 $0xFFFFFFF9, s6;
	[dreg:$0x5] =	wrdreg s18  }
0xe: {  	p0 =	seq.s32 s11, $0xF;
	s22 =	sadd.s32 $0xFFFFFFF4, s6;
	[dreg:$0x6] =	wrdreg s21  }
0xf: {  	s9 =	sshrl.u32 s9, $0x2;
	s5 =	sadd.s32 $0xFFFFFFF3, s6;
	[dreg:$0x7] =	wrdreg s22  }
0x10: {  	s10 =	sshrl.u32 s24, $0x1;
	s9 =	sadd.s32 s9, s4;
	[dreg:$0x8] =	wrdreg s5  }
0x11: {  	s29 =	sadd.s32 $0xFFFFFFF7, s6;
	s7 =	sadd.s32 $0x2400, s7;
	[dreg:$0x15] =	wrdreg s9  }
0x12: {  	s0 =	ssub.s32 s24, s10;
	s24 =	sadd.s32 $0x10, s19;
	[dreg:$0x16] =	wrdreg s7  }
0x13: {  	s9 =	sor.u32 s26, s25;
	s25 =	smul.u32 $0x14000, s11;
	s26 =	sshll.u32 s11, $0x9  }
0x14: {  	s7 =	sshrl.u32 s23, $0x3;
	s0 =	smax.u32 s0, $0x1;
	s11 =	simm.s32 $0x200  }
0x15: {  	s12 =	sadd.s32 s19, s9;
	s10 =	sadd.s32 s9, s24;
	[smem:$0x7FC] =	sst s0  }
0x16: {  	s3 =	sor.u32 s3, s26;
	s7 =	sadd.s32 s8, s7;
	[dreg:$0x1a] =	wrdreg s10  }
0x17: {  	s13 =	sadd.s32 $0x400, s12;
	s14 =	sadd.s32 $0x410, s12;
	[dreg:$0x19] =	wrdreg s12  }
0x18: {  	s15 =	sadd.s32 $0x800, s12;
	s16 =	sadd.s32 $0x810, s12;
	[dreg:$0x1b] =	wrdreg s13  }
0x19: {  	s20 =	sadd.s32 $0xC00, s12;
	s9 =	sadd.s32 s25, s23;
	[dreg:$0x1c] =	wrdreg s14  }
0x1a: {  	s10 =	sor.u32 $0xA000, s3;
	s18 =	sshrl.u32 s3, $0x3;
	[dreg:$0x1d] =	wrdreg s15  }
0x1b: {  	s23 =	sor.u32 $0x16000, s3;
	s26 =	sor.u32 $0x14000, s3;
	[dreg:$0x1e] =	wrdreg s16  }
0x1c: {  	s5 =	sor.u32 $0x12000, s3;
	[dreg:$0x1f] =	wrdreg s20;
	s1 =	sshrl.u32 s9, $0x3  }
0x1d: {  	s9 =	sshrl.u32 s10, $0x3;
	s10 =	sor.u32 $0x8000, s3;
	s16 =	sor.u32 $0x1C000, s3  }
0x1e: {  	s20 =	sor.u32 $0x1A000, s3;
	[dreg:$0xb] =	wrdreg s18;
	s25 =	sshrl.u32 s23, $0x3  }
0x1f: {  	s18 =	sor.u32 $0xC000, s3;
	s1 =	sadd.s32 s8, s1;
	s13 =	sadd.s32 s9, s19  }
0x20: {  	s14 =	sshrl.u32 s10, $0x3;
	s21 =	sshrl.u32 s20, $0x3;
	s8 =	sshrl.u32 s26, $0x3  }
0x21: {  	s10 =	sshrl.u32 s5, $0x3;
	s26 =	sor.u32 $0x18000, s3;
	[smem:$0x7F9] =	sst s1  }
0x22: {  	s5 =	simm.s32 $0x400;
	s9 =	simm.s32 $0x8400;
	[dreg:$0x9] =	wrdreg s13  }
0x23: {  	s15 =	sadd.s32 s14, s19;
	s1 =	sshrl.u32 s16, $0x3;
	s22 =	sadd.s32 s21, s19  }
0x24: {  	s8 =	sadd.s32 s8, s19;
	s13 =	sadd.s32 s10, s19;
	[smem:$0x7FD] =	sst s26  }
0x25: {  	s14 =	sor.u32 $0x10000, s3;
	s16 =	sor.u32 $0xE000, s3;
	[dreg:$0xa] =	wrdreg s15  }
0x26: {  	s21 =	sshrl.u32 s18, $0x3;
	s26 =	sadd.s32 $0xFFFFFFF5, s6;
	[dreg:$0xd] =	wrdreg s22  }
0x27: {  	s10 =	simm.s32 $0x380;
	s3 =	simm.s32 $0x1;
	[dreg:$0xf] =	wrdreg s8  }
0x28: {  	s18 =	simm.s32 $0x9;
	s1 =	sadd.s32 s1, s19;
	[dreg:$0x10] =	wrdreg s13  }
0x29: {  	s15 =	sshrl.u32 s14, $0x3;
	s8 =	sshrl.u32 s16, $0x3;
	s22 =	sadd.s32 $0xC10, s12  }
0x2a: {  	s23 =	sadd.s32 s21, s19;
	s16 =	sadd.s32 $0xFFFFFFF8, s6;
	[dreg:$0xc] =	wrdreg s1  }
0x2b: {  	s21 =	sadd.s32 $0xFFFFFFF6, s6;
	s12 =	simm.s32 $0x280;
	[smem:$0x7FA] =	sst s22  }
0x2c: {  	s14 =	simm.s32 $0x100;
	s13 =	simm.s32 $0x7;
	[dreg:$0x13] =	wrdreg s23  }
0x2d: {  	s1 =	sadd.s32 s25, s19;
	s20 =	sadd.s32 s8, s19;
	[dreg:$0x14] =	wrdreg s16  }
0x2e: {  	s25 =	sadd.s32 $0x25800, s7;
	s8 =	simm.s32 $0x180;
	[dreg:$0xe] =	wrdreg s1  }
0x2f: {  	s23 =	simm.s32 $0xA;
	s7 =	simm.s32 $0x0;
	[dreg:$0x12] =	wrdreg s20  }
0x30: {  	s1 =	sadd.s32 s15, s19;
	[smem:$0x7FB] =	sst s25;
	s15 =	simm.s32 $0x8  }
0x31: {  	s25 =	simm.s32 $0x4400;
	s20 =	simm.s32 $0x2;
	[dreg:$0x11] =	wrdreg s1  }
.LBB2_1:
0x32: {  	[smem:$0x7F5] =	sst s7  }
0x33: {  	s0 =	rddreg [dreg:$0x17]  }
0x34: {  	s1 =	rddreg [dreg:$0x18];
	s7 =	sshrl.u32 @p0 s0, $0x3  }
0x35: {  	s0 =	simm.s32 @p0 $0x1FCB;
	[smem:$0x7F6] =	sst s7  }
0x36: {  	[spmem:s7], [sflag:s0] =	dma.local @p0 [hbm:s1], $0x1900  }
0x37: {  	s0 =	simm.s32 @p0 $0xB  }
0x38: {  	s1 =	stileid.u32;
	_ =	swait.ge @p0 [sflag:s0], $0x1900  }
0x39: {  	s1 =	sshll.u32 @!p0 s1, $0x6;
	[sflag:s0] =	ssyncset.done @p0 $0x0  }
0x3a: {  	s1 =	sor.u32 @!p0 $0x1C0B, s1;
	[sflag:s0] =	ssyncadd.s32 @p0 $0xFFFFE700;
	s0 =	rddreg [dreg:$0x15]  }
0x3b: {  	[smem:$0x7F7] =	sst s1  }
0x3c: {  	s7 =	sshrl.u32 @!p0 s0, $0x3;
	s0 =	rddreg [dreg:$0x16]  }
0x3d: {  	[smem:$0x7F8] =	sst s7  }
0x3e: {  	[spmem:s7], [sflag:s1] =	dma.local @!p0 [hbm:s0], $0x2800  }
0x3f: {  	s0 =	simm.s32 @!p0 $0xB  }
0x40: {  	_ =	swait.ge @!p0 [sflag:s0], $0x2800  }
0x41: {  	[sflag:s0] =	ssyncset.done @!p0 $0x0;
	s22 =	rddreg [dreg:$0x19]  }
0x42: {  	s1 =	rddreg [dreg:$0x1a];
	[sflag:s0] =	ssyncadd.s32 @!p0 $0xFFFFD800  }
0x43: {  	[tilespmem:s17], [sflag:$0x7] =	stream.linear.gather [hbm4b:s22+s17], $0x80, $0x38;
	[tilespmem:$0x1FC80] =	vst v63  }
0x44: {  	s7 =	rddreg [dreg:$0x1b]  }
0x45: {  	[tilespmem:s11], [sflag:$0x7] =	stream.linear.gather [hbm4b:s1+s17], $0x80, $0x38;
	[tilespmem:$0x1FC80] =	vst v63  }
0x46: {  	s22 =	rddreg [dreg:$0x1c]  }
0x47: {  	[tilespmem:s30], [sflag:$0x8] =	stream.linear.gather [hbm4b:s7+s17], $0x80, $0x38;
	[tilespmem:$0x1FC80] =	vst v63  }
0x48: {  	s1 =	rddreg [dreg:$0x1d]  }
0x49: {  	[tilespmem:s12], [sflag:$0x8] =	stream.linear.gather [hbm4b:s22+s17], $0x80, $0x38;
	[tilespmem:$0x1FC80] =	vst v63  }
0x4a: {  	s7 =	rddreg [dreg:$0x1e]  }
0x4b: {  	[tilespmem:s14], [sflag:$0x9] =	stream.linear.gather [hbm4b:s1+s17], $0x80, $0x38;
	[tilespmem:$0x1FC80] =	vst v63  }
0x4c: {  	s22 =	rddreg [dreg:$0x1f]  }
0x4d: {  	[tilespmem:s28], [sflag:$0x9] =	stream.linear.gather [hbm4b:s7+s17], $0x80, $0x38;
	[tilespmem:$0x1FC80] =	vst v63  }
0x4e: {  	s1 =	sld [smem:$0x7FA]  }
0x4f: {  	[tilespmem:s8], [sflag:$0xA] =	stream.linear.gather [hbm4b:s22+s17], $0x80, $0x38;
	[tilespmem:$0x1FC80] =	vst v63  }
0x50: {  	_ = 	snop  }
0x51: {  	[tilespmem:s10], [sflag:$0xA] =	stream.linear.gather [hbm4b:s1+s17], $0x80, $0x38;
	[tilespmem:$0x1FC80] =	vst v63  }
0x52: {  	_ =	swait.ge [sflag:s13], $0x80  }
0x53: {  	[sflag:s13] =	ssyncset.done $0x0  }
0x54: {  	[sflag:s13] =	ssyncadd.s32 $0xFFFFFF80  }
0x55: {  	_ =	swait.ge [sflag:s13], $0x80  }
0x56: {  	[sflag:s13] =	ssyncset.done $0x0  }
0x57: {  	[sflag:s13] =	ssyncadd.s32 $0xFFFFFF80  }
0x58: {  	[tilespmem:s5], [sflag:$0x1] =	stream.indirect.gather [hbm4b:s2+s30], $0x80, s17, s30, $0xb8;
	[tilespmem:$0x1FC80] =	vst v63  }
0x59: {  	_ =	swait.ge [sflag:s15], $0x80  }
0x5a: {  	[sflag:s15] =	ssyncset.done $0x0  }
0x5b: {  	[sflag:s15] =	ssyncadd.s32 $0xFFFFFF80  }
0x5c: {  	_ =	swait.ge [sflag:s15], $0x80  }
0x5d: {  	[sflag:s15] =	ssyncset.done $0x0  }
0x5e: {  	[sflag:s15] =	ssyncadd.s32 $0xFFFFFF80  }
0x5f: {  	[tilespmem:s25], [sflag:$0x2] =	stream.indirect.gather [hbm4b:s2+s30], $0x80, s30, s30, $0xb8;
	[tilespmem:$0x1FC80] =	vst v63  }
0x60: {  	[bflag:$0x0] =	sbarrier.arrive $0xFFFF  }
0x61: {  	_ =	swait.ge [sflag:s3], $0x4000  }
0x62: {  	p1 =	por $0x1, $0x1;
	[sflag:s3] =	ssyncset.done $0x0  }
0x63: {  	s0 =	simm.s32 @!p1 $0x6;
	[sflag:s3] =	ssyncadd.s32 $0xFFFFC000  }
0x64: {  	[spmem:s4] =	stream.indirect.scatter.add.f32 [tilespmem:s5], [sflag:$0x4], $0x80, s11, s30, $0xb8;
	[tilespmem:$0x1FC80] =	vst v63  }
0x65: {  	_ =	swait.ge @!p1 [sflag:s0], $0x4000  }
0x66: {  	s1 =	rddreg [dreg:$0xb]  }
0x67: {  	s1 =	sadd.s32 @!p1 $0x0, s1  }
0x68: {  	s7 =	simm.s32 @!p1 $0x180;
	[sflag:s0] =	ssyncset.done @!p1 $0x0;
	s1 =	sor.u32 @!p1 $0xC00, s1  }
0x69: {  	s3 =	simm.s32 @!p1 $0x0;
	[sflag:s0] =	ssyncadd.s32 @!p1 $0xFFFFC000;
	s0 =	sadd.s32 @!p1 s19, s1  }
0x6a: {  	[tilespmem:s7], [sflag:$0xA] =	stream.linear.gather @!p1 [hbm4b:s0+s3], $0x80, $0x38;
	[tilespmem:$0x1FC80] =	vst v63  }
0x6b: {  	s1 =	sadd.s32 @!p1 s1, s24;
	s0 =	simm.s32 @!p1 $0x380  }
0x6c: {  	[tilespmem:s0], [sflag:$0xA] =	stream.linear.gather @!p1 [hbm4b:s1+s3], $0x80, $0x38;
	[tilespmem:$0x1FC80] =	vst v63  }
0x6d: {  	_ =	swait.ge [sflag:s18], $0x80  }
0x6e: {  	[sflag:s18] =	ssyncset.done $0x0  }
0x6f: {  	[sflag:s18] =	ssyncadd.s32 $0xFFFFFF80  }
0x70: {  	_ =	swait.ge [sflag:s18], $0x80  }
0x71: {  	[sflag:s18] =	ssyncset.done $0x0  }
0x72: {  	[sflag:s18] =	ssyncadd.s32 $0xFFFFFF80  }
0x73: {  	[tilespmem:s9], [sflag:$0x3] =	stream.indirect.gather [hbm4b:s2+s30], $0x80, s14, s30, $0xb8;
	[tilespmem:$0x1FC80] =	vst v63  }
0x74: {  	_ =	swait.ge [sflag:s20], $0x4000  }
0x75: {  	[sflag:s20] =	ssyncset.done $0x0  }
0x76: {  	s3 =	simm.s32 $0x4;
	[sflag:s20] =	ssyncadd.s32 $0xFFFFC000  }
0x77: {  	[spmem:s4] =	stream.indirect.scatter.add.f32 [tilespmem:s25], [sflag:$0x5], $0x80, s12, s30, $0xb8;
	[tilespmem:$0x1FC80] =	vst v63  }
0x78: {  	_ =	swait.ge [sflag:s3], $0x4000  }
0x79: {  	s7 =	rddreg [dreg:$0xa];
	[sflag:s3] =	ssyncset.done $0x0  }
0x7a: {  	[sflag:s3] =	ssyncadd.s32 $0xFFFFC000;
	s0 =	sadd.s32 $0x0, s7  }
0x7b: {  	[tilespmem:s17], [sflag:$0x7] =	stream.linear.gather [hbm4b:s0+s17], $0x80, $0x38;
	[tilespmem:$0x1FC80] =	vst v63  }
0x7c: {  	s0 =	sadd.s32 $0x10, s0  }
0x7d: {  	[tilespmem:s11], [sflag:$0x7] =	stream.linear.gather [hbm4b:s0+s17], $0x80, $0x38;
	[tilespmem:$0x1FC80] =	vst v63  }
0x7e: {  	_ =	swait.ge [sflag:s23], $0x80  }
0x7f: {  	[sflag:s23] =	ssyncset.done $0x0  }
0x80: {  	[sflag:s23] =	ssyncadd.s32 $0xFFFFFF80  }
0x81: {  	_ =	swait.ge [sflag:s23], $0x80  }
0x82: {  	[sflag:s23] =	ssyncset.done $0x0  }
0x83: {  	[sflag:s23] =	ssyncadd.s32 $0xFFFFFF80  }
0x84: {  	[tilespmem:s5], [sflag:$0x1] =	stream.indirect.gather [hbm4b:s2+s30], $0x80, s8, s30, $0xb8;
	[tilespmem:$0x1FC80] =	vst v63  }
0x85: {  	_ =	swait.ge [sflag:s31], $0x4000  }
0x86: {  	[sflag:s31] =	ssyncset.done $0x0  }
0x87: {  	s8 =	simm.s32 $0x5;
	[sflag:s31] =	ssyncadd.s32 $0xFFFFC000  }
0x88: {  	[spmem:s4] =	stream.indirect.scatter.add.f32 [tilespmem:s9], [sflag:$0x6], $0x80, s28, s30, $0xb8;
	[tilespmem:$0x1FC80] =	vst v63  }
0x89: {  	_ =	swait.ge [sflag:s8], $0x4000  }
0x8a: {  	s18 =	rddreg [dreg:$0x9];
	[sflag:s8] =	ssyncset.done $0x0  }
0x8b: {  	[sflag:s8] =	ssyncadd.s32 $0xFFFFC000;
	s0 =	sadd.s32 $0x0, s18  }
0x8c: {  	[tilespmem:s30], [sflag:$0x8] =	stream.linear.gather [hbm4b:s0+s17], $0x80, $0x38;
	[tilespmem:$0x1FC80] =	vst v63  }
0x8d: {  	s0 =	sadd.s32 $0x10, s0  }
0x8e: {  	[tilespmem:s12], [sflag:$0x8] =	stream.linear.gather [hbm4b:s0+s17], $0x80, $0x38;
	[tilespmem:$0x1FC80] =	vst v63  }
0x8f: {  	_ =	swait.ge [sflag:s13], $0x80  }
0x90: {  	[sflag:s13] =	ssyncset.done $0x0  }
0x91: {  	[sflag:s13] =	ssyncadd.s32 $0xFFFFFF80  }
0x92: {  	_ =	swait.ge [sflag:s13], $0x80  }
0x93: {  	[sflag:s13] =	ssyncset.done $0x0  }
0x94: {  	s22 =	simm.s32 $0x1;
	[sflag:s13] =	ssyncadd.s32 $0xFFFFFF80  }
0x95: {  	[tilespmem:s25], [sflag:$0x2] =	stream.indirect.gather [hbm4b:s2+s30], $0x80, s17, s30, $0xb8;
	[tilespmem:$0x1FC80] =	vst v63  }
0x96: {  	_ =	swait.ge [sflag:s22], $0x4000  }
0x97: {  	[sflag:s22] =	ssyncset.done $0x0  }
0x98: {  	[sflag:s22] =	ssyncadd.s32 $0xFFFFC000;
	s22 =	simm.s32 $0x6  }
0x99: {  	[spmem:s4] =	stream.indirect.scatter.add.f32 [tilespmem:s5], [sflag:$0x4], $0x80, s10, s30, $0xb8;
	[tilespmem:$0x1FC80] =	vst v63  }
0x9a: {  	p1 =	sle.u32 s6, $0x6;
	_ =	swait.ge [sflag:s22], $0x4000  }
0x9b: {  	s1 =	simm.s32 @!p1 $0x0;
	s0 =	rddreg [dreg:$0x13];
	[sflag:s22] =	ssyncset.done $0x0  }
0x9c: {  	s3 =	simm.s32 @!p1 $0x100;
	[sflag:s22] =	ssyncadd.s32 $0xFFFFC000;
	s0 =	sadd.s32 @!p1 $0x0, s0  }
0x9d: {  	[tilespmem:s3], [sflag:$0x9] =	stream.linear.gather @!p1 [hbm4b:s0+s1], $0x80, $0x38;
	[tilespmem:$0x1FC80] =	vst v63  }
0x9e: {  	s0 =	sadd.s32 @!p1 $0x10, s0;
	s3 =	simm.s32 @!p1 $0x300  }
0x9f: {  	[tilespmem:s3], [sflag:$0x9] =	stream.linear.gather @!p1 [hbm4b:s0+s1], $0x80, $0x38;
	[tilespmem:$0x1FC80] =	vst v63  }
0xa0: {  	_ =	swait.ge [sflag:s15], $0x80  }
0xa1: {  	[sflag:s15] =	ssyncset.done $0x0  }
0xa2: {  	[sflag:s15] =	ssyncadd.s32 $0xFFFFFF80  }
0xa3: {  	_ =	swait.ge [sflag:s15], $0x80  }
0xa4: {  	[sflag:s15] =	ssyncset.done $0x0  }
0xa5: {  	[sflag:s15] =	ssyncadd.s32 $0xFFFFFF80  }
0xa6: {  	[tilespmem:s9], [sflag:$0x3] =	stream.indirect.gather [hbm4b:s2+s30], $0x80, s30, s30, $0xb8;
	[tilespmem:$0x1FC80] =	vst v63  }
0xa7: {  	_ =	swait.ge [sflag:s20], $0x4000  }
0xa8: {  	[sflag:s20] =	ssyncset.done $0x0;
	s23 =	rddreg [dreg:$0x5]  }
0xa9: {  	[sflag:s20] =	ssyncadd.s32 $0xFFFFC000;
	p2 =	sle.u32 s23, $0x0  }
0xaa: {  	[spmem:s4] =	stream.indirect.scatter.add.f32 [tilespmem:s25], [sflag:$0x5], $0x80, s11, s30, $0xb8;
	[tilespmem:$0x1FC80] =	vst v63  }
0xab: {  	s0 =	simm.s32 @!p2 $0x4;
	p1 =	sle.u32 @!p2 s6, $0x7  }
0xac: {  	_ =	swait.ge @!p2 [sflag:s0], $0x4000;
	p1 =	por p1, p2  }
0xad: {  	s1 =	rddreg [dreg:$0x12];
	[sflag:s0] =	ssyncset.done @!p2 $0x0;
	s3 =	simm.s32 @!p1 $0x180  }
0xae: {  	[sflag:s0] =	ssyncadd.s32 @!p2 $0xFFFFC000;
	s0 =	simm.s32 @!p1 $0x0;
	s1 =	sadd.s32 @!p1 $0x0, s1  }
0xaf: {  	[tilespmem:s3], [sflag:$0xA] =	stream.linear.gather @!p1 [hbm4b:s1+s0], $0x80, $0x38;
	[tilespmem:$0x1FC80] =	vst v63  }
0xb0: {  	s7 =	simm.s32 @!p2 $0x9;
	s1 =	sadd.s32 @!p1 $0x10, s1;
	s3 =	simm.s32 @!p1 $0x380  }
0xb1: {  	[tilespmem:s3], [sflag:$0xA] =	stream.linear.gather @!p1 [hbm4b:s1+s0], $0x80, $0x38;
	[tilespmem:$0x1FC80] =	vst v63  }
0xb2: {  	_ =	swait.ge @!p2 [sflag:s7], $0x80  }
0xb3: {  	[sflag:s7] =	ssyncset.done @!p2 $0x0  }
0xb4: {  	[sflag:s7] =	ssyncadd.s32 @!p2 $0xFFFFFF80  }
0xb5: {  	_ =	swait.ge @!p2 [sflag:s7], $0x80  }
0xb6: {  	s0 =	simm.s32 @!p2 $0x400;
	[sflag:s7] =	ssyncset.done @!p2 $0x0  }
0xb7: {  	s1 =	simm.s32 @!p2 $0x80;
	s3 =	simm.s32 @!p2 $0x100;
	[sflag:s7] =	ssyncadd.s32 @!p2 $0xFFFFFF80  }
0xb8: {  	[tilespmem:s0], [sflag:$0x1] =	stream.indirect.gather @!p2 [hbm4b:s2+s1], $0x80, s3, s1, $0xb8;
	[tilespmem:$0x1FC80] =	vst v63  }
0xb9: {  	_ =	swait.ge [sflag:s31], $0x4000  }
0xba: {  	[sflag:s31] =	ssyncset.done $0x0;
	s25 =	rddreg [dreg:$0x6]  }
0xbb: {  	[sflag:s31] =	ssyncadd.s32 $0xFFFFC000;
	p1 =	sle.u32 s25, $0x0  }
0xbc: {  	[spmem:s4] =	stream.indirect.scatter.add.f32 [tilespmem:s9], [sflag:$0x6], $0x80, s12, s30, $0xb8;
	[tilespmem:$0x1FC80] =	vst v63  }
0xbd: {  	s3 =	simm.s32 @!p1 $0x5  }
0xbe: {  	p3 =	sle.u32 @!p1 s6, $0x8;
	_ =	swait.ge @!p1 [sflag:s3], $0x4000  }
0xbf: {  	p3 =	por p3, p1;
	s7 =	rddreg [dreg:$0x11];
	[sflag:s3] =	ssyncset.done @!p1 $0x0  }
0xc0: {  	[sflag:s3] =	ssyncadd.s32 @!p1 $0xFFFFC000;
	s3 =	simm.s32 @!p3 $0x0;
	s7 =	sadd.s32 @!p3 $0x0, s7  }
0xc1: {  	[tilespmem:s3], [sflag:$0x7] =	stream.linear.gather @!p3 [hbm4b:s7+s3], $0x80, $0x38;
	[tilespmem:$0x1FC80] =	vst v63  }
0xc2: {  	s8 =	simm.s32 @!p3 $0x200;
	s7 =	sadd.s32 @!p3 $0x10, s7  }
0xc3: {  	[tilespmem:s8], [sflag:$0x7] =	stream.linear.gather @!p3 [hbm4b:s7+s3], $0x80, $0x38;
	[tilespmem:$0x1FC80] =	vst v63  }
0xc4: {  	s3 =	simm.s32 @!p1 $0xA  }
0xc5: {  	_ =	swait.ge @!p1 [sflag:s3], $0x80  }
0xc6: {  	[sflag:s3] =	ssyncset.done @!p1 $0x0  }
0xc7: {  	[sflag:s3] =	ssyncadd.s32 @!p1 $0xFFFFFF80  }
0xc8: {  	_ =	swait.ge @!p1 [sflag:s3], $0x80  }
0xc9: {  	s7 =	simm.s32 @!p1 $0x4400;
	[sflag:s3] =	ssyncset.done @!p1 $0x0  }
0xca: {  	s8 =	simm.s32 @!p1 $0x80;
	[sflag:s3] =	ssyncadd.s32 @!p1 $0xFFFFFF80;
	s3 =	simm.s32 @!p1 $0x180  }
0xcb: {  	[tilespmem:s7], [sflag:$0x2] =	stream.indirect.gather @!p1 [hbm4b:s2+s8], $0x80, s3, s8, $0xb8;
	[tilespmem:$0x1FC80] =	vst v63  }
0xcc: {  	s3 =	simm.s32 @!p2 $0x1  }
0xcd: {  	p4 =	sle.u32 @!p2 s16, $0x0;
	_ =	swait.ge @!p2 [sflag:s3], $0x4000  }
0xce: {  	p3 =	por p4, p2;
	[sflag:s3] =	ssyncset.done @!p2 $0x0  }
0xcf: {  	p5 =	sle.u32 @!p3 s6, $0x9;
	[sflag:s3] =	ssyncadd.s32 @!p2 $0xFFFFC000;
	s3 =	simm.s32 @!p2 $0x300  }
0xd0: {  	[spmem:s4] =	stream.indirect.scatter.add.f32 @!p2 [tilespmem:s0], [sflag:$0x4], $0x80, s3, s1, $0xb8;
	[tilespmem:$0x1FC80] =	vst v63  }
0xd1: {  	p4 =	por @!p2 p5, p4;
	s0 =	simm.s32 @!p3 $0x6  }
0xd2: {  	p2 =	por p4, p2;
	_ =	swait.ge @!p3 [sflag:s0], $0x4000  }
0xd3: {  	s3 =	simm.s32 @!p2 $0x80;
	s1 =	rddreg [dreg:$0x10];
	[sflag:s0] =	ssyncset.done @!p3 $0x0  }
0xd4: {  	[sflag:s0] =	ssyncadd.s32 @!p3 $0xFFFFC000;
	s0 =	simm.s32 @!p2 $0x0;
	s1 =	sadd.s32 @!p2 $0x0, s1  }
0xd5: {  	[tilespmem:s3], [sflag:$0x8] =	stream.linear.gather @!p2 [hbm4b:s1+s0], $0x80, $0x38;
	[tilespmem:$0x1FC80] =	vst v63  }
0xd6: {  	s1 =	sadd.s32 @!p2 $0x10, s1;
	s3 =	simm.s32 @!p2 $0x280  }
0xd7: {  	[tilespmem:s3], [sflag:$0x8] =	stream.linear.gather @!p2 [hbm4b:s1+s0], $0x80, $0x38;
	[tilespmem:$0x1FC80] =	vst v63  }
0xd8: {  	s0 =	simm.s32 @!p3 $0x7  }
0xd9: {  	_ =	swait.ge @!p3 [sflag:s0], $0x80  }
0xda: {  	[sflag:s0] =	ssyncset.done @!p3 $0x0  }
0xdb: {  	[sflag:s0] =	ssyncadd.s32 @!p3 $0xFFFFFF80  }
0xdc: {  	_ =	swait.ge @!p3 [sflag:s0], $0x80  }
0xdd: {  	s1 =	simm.s32 @!p3 $0x8400;
	[sflag:s0] =	ssyncset.done @!p3 $0x0  }
0xde: {  	s3 =	simm.s32 @!p3 $0x80;
	[sflag:s0] =	ssyncadd.s32 @!p3 $0xFFFFFF80;
	s0 =	simm.s32 @!p3 $0x0  }
0xdf: {  	[tilespmem:s1], [sflag:$0x3] =	stream.indirect.gather @!p3 [hbm4b:s2+s3], $0x80, s0, s3, $0xb8;
	[tilespmem:$0x1FC80] =	vst v63  }
0xe0: {  	s0 =	simm.s32 @!p1 $0x2;
	p3 =	sle.u32 @!p1 s29, $0x0  }
0xe1: {  	_ =	swait.ge @!p1 [sflag:s0], $0x4000;
	p2 =	por p3, p1  }
0xe2: {  	s1 =	simm.s32 @!p1 $0x380;
	[sflag:s0] =	ssyncset.done @!p1 $0x0;
	p4 =	sle.u32 @!p2 s6, $0xA  }
0xe3: {  	[sflag:s0] =	ssyncadd.s32 @!p1 $0xFFFFC000;
	s0 =	simm.s32 @!p2 $0x4;
	p3 =	por @!p1 p4, p3  }
0xe4: {  	[spmem:s4] =	stream.indirect.scatter.add.f32 @!p1 [tilespmem:s7], [sflag:$0x5], $0x80, s1, s8, $0xb8;
	[tilespmem:$0x1FC80] =	vst v63  }
0xe5: {  	p1 =	por p3, p1;
	_ =	swait.ge @!p2 [sflag:s0], $0x4000  }
0xe6: {  	s3 =	simm.s32 @!p1 $0x100;
	s1 =	rddreg [dreg:$0xf];
	[sflag:s0] =	ssyncset.done @!p2 $0x0  }
0xe7: {  	[sflag:s0] =	ssyncadd.s32 @!p2 $0xFFFFC000;
	s0 =	simm.s32 @!p1 $0x0;
	s1 =	sadd.s32 @!p1 $0x0, s1  }
0xe8: {  	[tilespmem:s3], [sflag:$0x9] =	stream.linear.gather @!p1 [hbm4b:s1+s0], $0x80, $0x38;
	[tilespmem:$0x1FC80] =	vst v63  }
0xe9: {  	s7 =	simm.s32 @!p2 $0x8;
	s1 =	sadd.s32 @!p1 $0x10, s1;
	s3 =	simm.s32 @!p1 $0x300  }
0xea: {  	[tilespmem:s3], [sflag:$0x9] =	stream.linear.gather @!p1 [hbm4b:s1+s0], $0x80, $0x38;
	[tilespmem:$0x1FC80] =	vst v63  }
0xeb: {  	_ =	swait.ge @!p2 [sflag:s7], $0x80  }
0xec: {  	[sflag:s7] =	ssyncset.done @!p2 $0x0  }
0xed: {  	[sflag:s7] =	ssyncadd.s32 @!p2 $0xFFFFFF80  }
0xee: {  	_ =	swait.ge @!p2 [sflag:s7], $0x80  }
0xef: {  	p3 =	sle.u32 s16, $0x0;
	s0 =	simm.s32 @!p2 $0x80;
	[sflag:s7] =	ssyncset.done @!p2 $0x0  }
0xf0: {  	s1 =	simm.s32 @!p2 $0x400;
	s3 =	simm.s32 @!p3 $0x3;
	[sflag:s7] =	ssyncadd.s32 @!p2 $0xFFFFFF80  }
0xf1: {  	[tilespmem:s1], [sflag:$0x1] =	stream.indirect.gather @!p2 [hbm4b:s2+s0], $0x80, s0, s0, $0xb8;
	[tilespmem:$0x1FC80] =	vst v63  }
0xf2: {  	p2 =	sle.u32 @!p3 s21, $0x0;
	s0 =	simm.s32 @!p3 $0x200;
	_ =	swait.ge @!p3 [sflag:s3], $0x4000  }
0xf3: {  	s1 =	simm.s32 @!p3 $0x8400;
	p1 =	por p2, p3;
	[sflag:s3] =	ssyncset.done @!p3 $0x0  }
0xf4: {  	p4 =	sle.u32 @!p1 s6, $0xB;
	[sflag:s3] =	ssyncadd.s32 @!p3 $0xFFFFC000;
	s3 =	simm.s32 @!p3 $0x80  }
0xf5: {  	[spmem:s4] =	stream.indirect.scatter.add.f32 @!p3 [tilespmem:s1], [sflag:$0x6], $0x80, s0, s3, $0xb8;
	[tilespmem:$0x1FC80] =	vst v63  }
0xf6: {  	p2 =	por @!p3 p4, p2;
	s0 =	simm.s32 @!p1 $0x5  }
0xf7: {  	p2 =	por p2, p3;
	_ =	swait.ge @!p1 [sflag:s0], $0x4000  }
0xf8: {  	s3 =	simm.s32 @!p2 $0x180;
	s1 =	rddreg [dreg:$0xe];
	[sflag:s0] =	ssyncset.done @!p1 $0x0  }
0xf9: {  	[sflag:s0] =	ssyncadd.s32 @!p1 $0xFFFFC000;
	s0 =	sadd.s32 @!p2 $0x0, s1;
	s1 =	simm.s32 @!p2 $0x0  }
0xfa: {  	[tilespmem:s3], [sflag:$0xA] =	stream.linear.gather @!p2 [hbm4b:s0+s1], $0x80, $0x38;
	[tilespmem:$0x1FC80] =	vst v63  }
0xfb: {  	s7 =	simm.s32 @!p1 $0x9;
	s0 =	sadd.s32 @!p2 $0x10, s0;
	s3 =	simm.s32 @!p2 $0x380  }
0xfc: {  	[tilespmem:s3], [sflag:$0xA] =	stream.linear.gather @!p2 [hbm4b:s0+s1], $0x80, $0x38;
	[tilespmem:$0x1FC80] =	vst v63  }
0xfd: {  	_ =	swait.ge @!p1 [sflag:s7], $0x80  }
0xfe: {  	[sflag:s7] =	ssyncset.done @!p1 $0x0  }
0xff: {  	[sflag:s7] =	ssyncadd.s32 @!p1 $0xFFFFFF80  }
0x100: {  	s0 =	simm.s32 @!p1 $0x100;
	_ =	swait.ge @!p1 [sflag:s7], $0x80  }
0x101: {  	s1 =	simm.s32 @!p1 $0x4400;
	p2 =	sle.u32 s29, $0x0;
	[sflag:s7] =	ssyncset.done @!p1 $0x0  }
0x102: {  	s3 =	simm.s32 @!p1 $0x80;
	[sflag:s7] =	ssyncadd.s32 @!p1 $0xFFFFFF80;
	s7 =	simm.s32 @!p2 $0x1  }
0x103: {  	[tilespmem:s1], [sflag:$0x2] =	stream.indirect.gather @!p1 [hbm4b:s2+s3], $0x80, s0, s3, $0xb8;
	[tilespmem:$0x1FC80] =	vst v63  }
0x104: {  	p3 =	sle.u32 @!p2 s26, $0x0;
	_ =	swait.ge @!p2 [sflag:s7], $0x4000  }
0x105: {  	s0 =	simm.s32 @!p2 $0x400;
	s1 =	simm.s32 @!p2 $0x280;
	[sflag:s7] =	ssyncset.done @!p2 $0x0  }
0x106: {  	p1 =	por p3, p2;
	s3 =	simm.s32 @!p2 $0x80;
	[sflag:s7] =	ssyncadd.s32 @!p2 $0xFFFFC000  }
0x107: {  	[spmem:s4] =	stream.indirect.scatter.add.f32 @!p2 [tilespmem:s0], [sflag:$0x4], $0x80, s1, s3, $0xb8;
	[tilespmem:$0x1FC80] =	vst v63  }
0x108: {  	s0 =	simm.s32 @!p1 $0x6  }
0x109: {  	_ =	swait.ge @!p1 [sflag:s0], $0x4000  }
0x10a: {  	p4 =	sle.u32 @!p1 s6, $0xC;
	s8 =	sld [smem:$0x7FD]  }
0x10b: {  	p3 =	por @!p2 p4, p3  }
0x10c: {  	p2 =	por p3, p2  }
0x10d: {  	[sflag:s0] =	ssyncset.done @!p1 $0x0;
	s1 =	sshrl.u32 @!p2 s8, $0x3  }
0x10e: {  	[sflag:s0] =	ssyncadd.s32 @!p1 $0xFFFFC000;
	s0 =	simm.s32 @!p2 $0x0;
	s3 =	sadd.s32 @!p2 s19, s1  }
0x10f: {  	[tilespmem:s0], [sflag:$0x7] =	stream.linear.gather @!p2 [hbm4b:s3+s0], $0x80, $0x38;
	[tilespmem:$0x1FC80] =	vst v63  }
0x110: {  	s7 =	simm.s32 @!p1 $0xA;
	s1 =	sadd.s32 @!p2 s1, s24;
	s3 =	simm.s32 @!p2 $0x200  }
0x111: {  	[tilespmem:s3], [sflag:$0x7] =	stream.linear.gather @!p2 [hbm4b:s1+s0], $0x80, $0x38;
	[tilespmem:$0x1FC80] =	vst v63  }
0x112: {  	_ =	swait.ge @!p1 [sflag:s7], $0x80  }
0x113: {  	[sflag:s7] =	ssyncset.done @!p1 $0x0  }
0x114: {  	[sflag:s7] =	ssyncadd.s32 @!p1 $0xFFFFFF80  }
0x115: {  	s0 =	simm.s32 @!p1 $0x8400;
	_ =	swait.ge @!p1 [sflag:s7], $0x80  }
0x116: {  	p2 =	sle.u32 s21, $0x0;
	s1 =	simm.s32 @!p1 $0x80;
	[sflag:s7] =	ssyncset.done @!p1 $0x0  }
0x117: {  	s3 =	simm.s32 @!p1 $0x180;
	[sflag:s7] =	ssyncadd.s32 @!p1 $0xFFFFFF80;
	s7 =	simm.s32 @!p2 $0x2  }
0x118: {  	[tilespmem:s0], [sflag:$0x3] =	stream.indirect.gather @!p1 [hbm4b:s2+s1], $0x80, s3, s1, $0xb8;
	[tilespmem:$0x1FC80] =	vst v63  }
0x119: {  	s0 =	simm.s32 @!p2 $0x4400;
	_ =	swait.ge @!p2 [sflag:s7], $0x4000  }
0x11a: {  	s3 =	simm.s32 @!p2 $0x80;
	[sflag:s7] =	ssyncset.done @!p2 $0x0;
	s1 =	rddreg [dreg:$0x7]  }
0x11b: {  	[sflag:s7] =	ssyncadd.s32 @!p2 $0xFFFFC000;
	s7 =	simm.s32 @!p2 $0x300;
	p3 =	sle.u32 @!p2 s1, $0x0  }
0x11c: {  	[spmem:s4] =	stream.indirect.scatter.add.f32 @!p2 [tilespmem:s0], [sflag:$0x5], $0x80, s7, s3, $0xb8;
	[tilespmem:$0x1FC80] =	vst v63  }
0x11d: {  	p1 =	por p3, p2  }
0x11e: {  	s0 =	simm.s32 @!p1 $0x4  }
0x11f: {  	p4 =	sle.u32 @!p1 s6, $0xD;
	_ =	swait.ge @!p1 [sflag:s0], $0x4000  }
0x120: {  	p3 =	por @!p2 p4, p3;
	[sflag:s0] =	ssyncset.done @!p1 $0x0  }
0x121: {  	s1 =	rddreg [dreg:$0xd];
	p2 =	por p3, p2;
	[sflag:s0] =	ssyncadd.s32 @!p1 $0xFFFFC000  }
0x122: {  	s0 =	simm.s32 @!p2 $0x0;
	s3 =	simm.s32 @!p2 $0x80;
	s1 =	sadd.s32 @!p2 $0x0, s1  }
0x123: {  	[tilespmem:s3], [sflag:$0x8] =	stream.linear.gather @!p2 [hbm4b:s1+s0], $0x80, $0x38;
	[tilespmem:$0x1FC80] =	vst v63  }
0x124: {  	s7 =	simm.s32 @!p1 $0x7;
	s3 =	simm.s32 @!p2 $0x280;
	s1 =	sadd.s32 @!p2 $0x10, s1  }
0x125: {  	[tilespmem:s3], [sflag:$0x8] =	stream.linear.gather @!p2 [hbm4b:s1+s0], $0x80, $0x38;
	[tilespmem:$0x1FC80] =	vst v63  }
0x126: {  	_ =	swait.ge @!p1 [sflag:s7], $0x80  }
0x127: {  	[sflag:s7] =	ssyncset.done @!p1 $0x0  }
0x128: {  	[sflag:s7] =	ssyncadd.s32 @!p1 $0xFFFFFF80  }
0x129: {  	p3 =	sle.u32 s26, $0x0;
	_ =	swait.ge @!p1 [sflag:s7], $0x80  }
0x12a: {  	s0 =	simm.s32 @!p1 $0x400;
	s1 =	simm.s32 @!p1 $0x80;
	[sflag:s7] =	ssyncset.done @!p1 $0x0  }
0x12b: {  	s3 =	simm.s32 @!p1 $0x0;
	[sflag:s7] =	ssyncadd.s32 @!p1 $0xFFFFFF80;
	s7 =	simm.s32 @!p3 $0x3  }
0x12c: {  	[tilespmem:s0], [sflag:$0x1] =	stream.indirect.gather @!p1 [hbm4b:s2+s1], $0x80, s3, s1, $0xb8;
	[tilespmem:$0x1FC80] =	vst v63  }
0x12d: {  	s0 =	simm.s32 @!p3 $0x8400;
	_ =	swait.ge @!p3 [sflag:s7], $0x4000  }
0x12e: {  	s3 =	simm.s32 @!p3 $0x80;
	[sflag:s7] =	ssyncset.done @!p3 $0x0;
	s1 =	rddreg [dreg:$0x8]  }
0x12f: {  	[sflag:s7] =	ssyncadd.s32 @!p3 $0xFFFFC000;
	s7 =	simm.s32 @!p3 $0x380;
	p1 =	sle.u32 @!p3 s1, $0x0  }
0x130: {  	[spmem:s4] =	stream.indirect.scatter.add.f32 @!p3 [tilespmem:s0], [sflag:$0x6], $0x80, s7, s3, $0xb8;
	[tilespmem:$0x1FC80] =	vst v63  }
0x131: {  	s18 =	simm.s32 $0x9;
	s13 =	simm.s32 $0x7;
	p2 =	por p1, p3  }
0x132: {  	s15 =	simm.s32 $0x8;
	s20 =	simm.s32 $0x2;
	s0 =	simm.s32 @!p2 $0x5  }
0x133: {  	s23 =	simm.s32 $0xA;
	p4 =	sle.u32 @!p2 s6, $0xE;
	_ =	swait.ge @!p2 [sflag:s0], $0x4000  }
0x134: {  	s25 =	simm.s32 $0xE;
	p1 =	por @!p3 p4, p1;
	[sflag:s0] =	ssyncset.done @!p2 $0x0  }
0x135: {  	s1 =	rddreg [dreg:$0xc];
	p1 =	por p1, p3;
	[sflag:s0] =	ssyncadd.s32 @!p2 $0xFFFFC000  }
0x136: {  	s0 =	sadd.s32 @!p1 $0x0, s1;
	s1 =	simm.s32 @!p1 $0x0;
	s3 =	simm.s32 @!p1 $0x100  }
0x137: {  	[tilespmem:s3], [sflag:$0x9] =	stream.linear.gather @!p1 [hbm4b:s0+s1], $0x80, $0x38;
	[tilespmem:$0x1FC80] =	vst v63  }
0x138: {  	s16 =	simm.s32 $0x3;
	s0 =	sadd.s32 @!p1 $0x10, s0;
	s3 =	simm.s32 @!p1 $0x300  }
0x139: {  	[tilespmem:s3], [sflag:$0x9] =	stream.linear.gather @!p1 [hbm4b:s0+s1], $0x80, $0x38;
	[tilespmem:$0x1FC80] =	vst v63  }
0x13a: {  	s0 =	simm.s32 $0x3000;
	s1 =	sadd.s32 $0x18000, s8;
	s3 =	simm.s32 @!p2 $0x8  }
.LBB2_2:
0x13b: {  	_ =	swait.ge @!p2 [sflag:s3], $0x80  }
0x13c: {  	[sflag:s3] =	ssyncset.done @!p2 $0x0  }
0x13d: {  	[sflag:s3] =	ssyncadd.s32 @!p2 $0xFFFFFF80  }
0x13e: {  	_ =	swait.ge @!p2 [sflag:s3], $0x80  }
0x13f: {  	s8 =	simm.s32 @!p2 $0x4400;
	[sflag:s3] =	ssyncset.done @!p2 $0x0  }
0x140: {  	s10 =	simm.s32 @!p2 $0x80;
	s22 =	simm.s32 $0x1;
	[sflag:s3] =	ssyncadd.s32 @!p2 $0xFFFFFF80  }
0x141: {  	[tilespmem:s8], [sflag:$0x2] =	stream.indirect.gather @!p2 [hbm4b:s2+s10], $0x80, s10, s10, $0xb8;
	[tilespmem:$0x1FC80] =	vst v63  }
0x142: {  	s7 =	smov.u32 s0;
	_ =	swait.ge [sflag:s22], $0x4000  }
0x143: {  	p3 =	seq.s32 s7, $0x0;
	[sflag:s22] =	ssyncset.done $0x0  }
0x144: {  	s9 =	simm.s32 $0x400;
	s3 =	simm.s32 @!p3 $0x6;
	[sflag:s22] =	ssyncadd.s32 $0xFFFFC000  }
0x145: {  	[spmem:s4] =	stream.indirect.scatter.add.f32 [tilespmem:s9], [sflag:$0x4], $0x80, s11, s30, $0xb8;
	[tilespmem:$0x1FC80] =	vst v63  }
0x146: {  	_ =	swait.ge @!p3 [sflag:s3], $0x4000  }
0x147: {  	s8 =	rddreg [dreg:$0xb]  }
0x148: {  	s17 =	smov.u32 s26;
	[sflag:s3] =	ssyncset.done @!p3 $0x0;
	s8 =	sadd.s32 @!p3 s7, s8  }
0x149: {  	s26 =	smov.u32 s29;
	[sflag:s3] =	ssyncadd.s32 @!p3 $0xFFFFC000;
	s3 =	sor.u32 @!p3 $0xC00, s8  }
0x14a: {  	s29 =	simm.s32 @!p3 $0x180;
	s10 =	simm.s32 @!p3 $0x0;
	s8 =	sadd.s32 @!p3 s19, s3  }
0x14b: {  	[tilespmem:s29], [sflag:$0xA] =	stream.linear.gather @!p3 [hbm4b:s8+s10], $0x80, $0x38;
	[tilespmem:$0x1FC80] =	vst v63  }
0x14c: {  	s31 =	simm.s32 @!p3 $0x380;
	s3 =	sadd.s32 @!p3 s3, s24  }
0x14d: {  	[tilespmem:s31], [sflag:$0xA] =	stream.linear.gather @!p3 [hbm4b:s3+s10], $0x80, $0x38;
	[tilespmem:$0x1FC80] =	vst v63  }
0x14e: {  	_ =	swait.ge [sflag:s18], $0x80  }
0x14f: {  	[sflag:s18] =	ssyncset.done $0x0  }
0x150: {  	[sflag:s18] =	ssyncadd.s32 $0xFFFFFF80  }
0x151: {  	_ =	swait.ge [sflag:s18], $0x80  }
0x152: {  	[sflag:s18] =	ssyncset.done $0x0  }
0x153: {  	s5 =	simm.s32 $0x8400;
	[sflag:s18] =	ssyncadd.s32 $0xFFFFFF80  }
0x154: {  	[tilespmem:s5], [sflag:$0x3] =	stream.indirect.gather [hbm4b:s2+s30], $0x80, s14, s30, $0xb8;
	[tilespmem:$0x1FC80] =	vst v63  }
0x155: {  	_ =	swait.ge [sflag:s20], $0x4000  }
0x156: {  	[sflag:s20] =	ssyncset.done $0x0  }
0x157: {  	s29 =	simm.s32 $0x4400;
	s10 =	simm.s32 $0x4;
	[sflag:s20] =	ssyncadd.s32 $0xFFFFC000  }
0x158: {  	[spmem:s4] =	stream.indirect.scatter.add.f32 [tilespmem:s29], [sflag:$0x5], $0x80, s12, s30, $0xb8;
	[tilespmem:$0x1FC80] =	vst v63  }
0x159: {  	_ =	swait.ge [sflag:s10], $0x4000  }
0x15a: {  	s14 =	rddreg [dreg:$0xa];
	[sflag:s10] =	ssyncset.done $0x0  }
0x15b: {  	[sflag:s10] =	ssyncadd.s32 $0xFFFFC000;
	s3 =	sadd.s32 s7, s14;
	s10 =	simm.s32 $0x0  }
0x15c: {  	[tilespmem:s10], [sflag:$0x7] =	stream.linear.gather [hbm4b:s3+s10], $0x80, $0x38;
	[tilespmem:$0x1FC80] =	vst v63  }
0x15d: {  	s3 =	sadd.s32 $0x10, s3  }
0x15e: {  	[tilespmem:s11], [sflag:$0x7] =	stream.linear.gather [hbm4b:s3+s10], $0x80, $0x38;
	[tilespmem:$0x1FC80] =	vst v63  }
0x15f: {  	_ =	swait.ge [sflag:s23], $0x80  }
0x160: {  	[sflag:s23] =	ssyncset.done $0x0  }
0x161: {  	[sflag:s23] =	ssyncadd.s32 $0xFFFFFF80  }
0x162: {  	_ =	swait.ge [sflag:s23], $0x80  }
0x163: {  	[sflag:s23] =	ssyncset.done $0x0  }
0x164: {  	s31 =	simm.s32 $0x180;
	[sflag:s23] =	ssyncadd.s32 $0xFFFFFF80  }
0x165: {  	[tilespmem:s9], [sflag:$0x1] =	stream.indirect.gather [hbm4b:s2+s30], $0x80, s31, s30, $0xb8;
	[tilespmem:$0x1FC80] =	vst v63  }
0x166: {  	_ =	swait.ge [sflag:s16], $0x4000  }
0x167: {  	[sflag:s16] =	ssyncset.done $0x0  }
0x168: {  	s3 =	simm.s32 $0x5;
	[sflag:s16] =	ssyncadd.s32 $0xFFFFC000  }
0x169: {  	[spmem:s4] =	stream.indirect.scatter.add.f32 [tilespmem:s5], [sflag:$0x6], $0x80, s28, s30, $0xb8;
	[tilespmem:$0x1FC80] =	vst v63  }
0x16a: {  	_ =	swait.ge [sflag:s3], $0x4000  }
0x16b: {  	s14 =	rddreg [dreg:$0x9];
	[sflag:s3] =	ssyncset.done $0x0  }
0x16c: {  	[sflag:s3] =	ssyncadd.s32 $0xFFFFC000;
	s3 =	sadd.s32 s7, s14  }
0x16d: {  	[tilespmem:s30], [sflag:$0x8] =	stream.linear.gather [hbm4b:s3+s10], $0x80, $0x38;
	[tilespmem:$0x1FC80] =	vst v63  }
0x16e: {  	s3 =	sadd.s32 $0x10, s3  }
0x16f: {  	[tilespmem:s12], [sflag:$0x8] =	stream.linear.gather [hbm4b:s3+s10], $0x80, $0x38;
	[tilespmem:$0x1FC80] =	vst v63  }
0x170: {  	_ =	swait.ge [sflag:s13], $0x80  }
0x171: {  	[sflag:s13] =	ssyncset.done $0x0  }
0x172: {  	[sflag:s13] =	ssyncadd.s32 $0xFFFFFF80  }
0x173: {  	_ =	swait.ge [sflag:s13], $0x80  }
0x174: {  	[sflag:s13] =	ssyncset.done $0x0  }
0x175: {  	[sflag:s13] =	ssyncadd.s32 $0xFFFFFF80  }
0x176: {  	[tilespmem:s29], [sflag:$0x2] =	stream.indirect.gather [hbm4b:s2+s30], $0x80, s10, s30, $0xb8;
	[tilespmem:$0x1FC80] =	vst v63  }
0x177: {  	_ =	swait.ge [sflag:s22], $0x4000  }
0x178: {  	[sflag:s22] =	ssyncset.done $0x0  }
0x179: {  	s25 =	sadd.s32 $0xC, s25;
	s31 =	simm.s32 $0x380;
	[sflag:s22] =	ssyncadd.s32 $0xFFFFC000  }
0x17a: {  	[spmem:s4] =	stream.indirect.scatter.add.f32 [tilespmem:s9], [sflag:$0x4], $0x80, s31, s30, $0xb8;
	[tilespmem:$0x1FC80] =	vst v63  }
0x17b: {  	s22 =	sadd.s32 $0xFFFFFFF8, s25;
	s9 =	simm.s32 $0x6  }
0x17c: {  	p2 =	sge.u32 s22, s6;
	_ =	swait.ge [sflag:s9], $0x4000  }
0x17d: {  	s8 =	simm.s32 @!p2 $0x0;
	s3 =	rddreg [dreg:$0x13];
	[sflag:s9] =	ssyncset.done $0x0  }
0x17e: {  	s10 =	simm.s32 @!p2 $0x100;
	[sflag:s9] =	ssyncadd.s32 $0xFFFFC000;
	s3 =	sadd.s32 @!p2 s7, s3  }
0x17f: {  	[tilespmem:s10], [sflag:$0x9] =	stream.linear.gather @!p2 [hbm4b:s3+s8], $0x80, $0x38;
	[tilespmem:$0x1FC80] =	vst v63  }
0x180: {  	s3 =	sadd.s32 @!p2 $0x10, s3;
	s10 =	simm.s32 @!p2 $0x300  }
0x181: {  	[tilespmem:s10], [sflag:$0x9] =	stream.linear.gather @!p2 [hbm4b:s3+s8], $0x80, $0x38;
	[tilespmem:$0x1FC80] =	vst v63  }
0x182: {  	_ =	swait.ge [sflag:s15], $0x80  }
0x183: {  	[sflag:s15] =	ssyncset.done $0x0  }
0x184: {  	[sflag:s15] =	ssyncadd.s32 $0xFFFFFF80  }
0x185: {  	_ =	swait.ge [sflag:s15], $0x80  }
0x186: {  	[sflag:s15] =	ssyncset.done $0x0  }
0x187: {  	[sflag:s15] =	ssyncadd.s32 $0xFFFFFF80  }
0x188: {  	[tilespmem:s5], [sflag:$0x3] =	stream.indirect.gather [hbm4b:s2+s30], $0x80, s30, s30, $0xb8;
	[tilespmem:$0x1FC80] =	vst v63  }
0x189: {  	_ =	swait.ge [sflag:s20], $0x4000  }
0x18a: {  	s8 =	sadd.s32 $0xFFFFFFF2, s25;
	[sflag:s20] =	ssyncset.done $0x0;
	s22 =	rddreg [dreg:$0x5]  }
0x18b: {  	[sflag:s20] =	ssyncadd.s32 $0xFFFFC000;
	p3 =	sge.u32 s8, s22  }
0x18c: {  	[spmem:s4] =	stream.indirect.scatter.add.f32 [tilespmem:s29], [sflag:$0x5], $0x80, s11, s30, $0xb8;
	[tilespmem:$0x1FC80] =	vst v63  }
0x18d: {  	s3 =	simm.s32 @!p3 $0x4  }
0x18e: {  	s10 =	sadd.s32 @!p3 $0xFFFFFFF9, s25;
	_ =	swait.ge @!p3 [sflag:s3], $0x4000  }
0x18f: {  	p2 =	sge.u32 @!p3 s10, s6;
	[sflag:s3] =	ssyncset.done @!p3 $0x0  }
0x190: {  	p2 =	por p2, p3;
	s10 =	rddreg [dreg:$0x12];
	[sflag:s3] =	ssyncadd.s32 @!p3 $0xFFFFC000  }
0x191: {  	s3 =	simm.s32 @!p2 $0x0;
	s29 =	simm.s32 @!p2 $0x180;
	s10 =	sadd.s32 @!p2 s7, s10  }
0x192: {  	[tilespmem:s29], [sflag:$0xA] =	stream.linear.gather @!p2 [hbm4b:s10+s3], $0x80, $0x38;
	[tilespmem:$0x1FC80] =	vst v63  }
0x193: {  	s31 =	simm.s32 @!p3 $0x9;
	s10 =	sadd.s32 @!p2 $0x10, s10;
	s29 =	simm.s32 @!p2 $0x380  }
0x194: {  	[tilespmem:s29], [sflag:$0xA] =	stream.linear.gather @!p2 [hbm4b:s10+s3], $0x80, $0x38;
	[tilespmem:$0x1FC80] =	vst v63  }
0x195: {  	_ =	swait.ge @!p3 [sflag:s31], $0x80  }
0x196: {  	[sflag:s31] =	ssyncset.done @!p3 $0x0  }
0x197: {  	[sflag:s31] =	ssyncadd.s32 @!p3 $0xFFFFFF80  }
0x198: {  	_ =	swait.ge @!p3 [sflag:s31], $0x80  }
0x199: {  	s29 =	simm.s32 @!p3 $0x400;
	[sflag:s31] =	ssyncset.done @!p3 $0x0  }
0x19a: {  	s10 =	simm.s32 @!p3 $0x80;
	s3 =	simm.s32 @!p3 $0x100;
	[sflag:s31] =	ssyncadd.s32 @!p3 $0xFFFFFF80  }
0x19b: {  	[tilespmem:s29], [sflag:$0x1] =	stream.indirect.gather @!p3 [hbm4b:s2+s10], $0x80, s3, s10, $0xb8;
	[tilespmem:$0x1FC80] =	vst v63  }
0x19c: {  	_ =	swait.ge [sflag:s16], $0x4000  }
0x19d: {  	[sflag:s16] =	ssyncset.done $0x0;
	s31 =	rddreg [dreg:$0x6]  }
0x19e: {  	[sflag:s16] =	ssyncadd.s32 $0xFFFFC000;
	p2 =	sge.u32 s8, s31  }
0x19f: {  	[spmem:s4] =	stream.indirect.scatter.add.f32 [tilespmem:s5], [sflag:$0x6], $0x80, s12, s30, $0xb8;
	[tilespmem:$0x1FC80] =	vst v63  }
0x1a0: {  	s3 =	simm.s32 @!p2 $0x5;
	s31 =	sadd.s32 @!p2 $0xFFFFFFFA, s25  }
0x1a1: {  	s5 =	smov.u32 s19;
	_ =	swait.ge @!p2 [sflag:s3], $0x4000;
	p4 =	sge.u32 @!p2 s31, s6  }
0x1a2: {  	[sflag:s3] =	ssyncset.done @!p2 $0x0;
	p4 =	por p4, p2;
	s31 =	rddreg [dreg:$0x11]  }
0x1a3: {  	[sflag:s3] =	ssyncadd.s32 @!p2 $0xFFFFC000;
	s3 =	simm.s32 @!p4 $0x0;
	s31 =	sadd.s32 @!p4 s7, s31  }
0x1a4: {  	[tilespmem:s3], [sflag:$0x7] =	stream.linear.gather @!p4 [hbm4b:s31+s3], $0x80, $0x38;
	[tilespmem:$0x1FC80] =	vst v63  }
0x1a5: {  	s19 =	simm.s32 @!p2 $0xA;
	s14 =	simm.s32 @!p4 $0x200;
	s31 =	sadd.s32 @!p4 $0x10, s31  }
0x1a6: {  	[tilespmem:s14], [sflag:$0x7] =	stream.linear.gather @!p4 [hbm4b:s31+s3], $0x80, $0x38;
	[tilespmem:$0x1FC80] =	vst v63  }
0x1a7: {  	_ =	swait.ge @!p2 [sflag:s19], $0x80  }
0x1a8: {  	[sflag:s19] =	ssyncset.done @!p2 $0x0  }
0x1a9: {  	[sflag:s19] =	ssyncadd.s32 @!p2 $0xFFFFFF80  }
0x1aa: {  	s9 =	smov.u32 s24;
	s24 =	simm.s32 @!p2 $0x180;
	_ =	swait.ge @!p2 [sflag:s19], $0x80  }
0x1ab: {  	s3 =	simm.s32 @!p2 $0x4400;
	[sflag:s19] =	ssyncset.done @!p2 $0x0;
	s22 =	rddreg [dreg:$0x14]  }
0x1ac: {  	s31 =	simm.s32 @!p2 $0x80;
	[sflag:s19] =	ssyncadd.s32 @!p2 $0xFFFFFF80;
	p5 =	sge.u32 @!p3 s8, s22  }
0x1ad: {  	[tilespmem:s3], [sflag:$0x2] =	stream.indirect.gather @!p2 [hbm4b:s2+s31], $0x80, s24, s31, $0xb8;
	[tilespmem:$0x1FC80] =	vst v63  }
0x1ae: {  	s14 =	simm.s32 @!p3 $0x1;
	p4 =	por p5, p3  }
0x1af: {  	_ =	swait.ge @!p3 [sflag:s14], $0x4000;
	s11 =	sadd.s32 @!p4 $0xFFFFFFFB, s25  }
0x1b0: {  	s19 =	simm.s32 @!p3 $0x300;
	[sflag:s14] =	ssyncset.done @!p3 $0x0;
	p6 =	sge.u32 @!p4 s11, s6  }
0x1b1: {  	s24 =	simm.s32 @!p4 $0x6;
	[sflag:s14] =	ssyncadd.s32 @!p3 $0xFFFFC000;
	p5 =	por @!p3 p6, p5  }
0x1b2: {  	[spmem:s4] =	stream.indirect.scatter.add.f32 @!p3 [tilespmem:s29], [sflag:$0x4], $0x80, s19, s10, $0xb8;
	[tilespmem:$0x1FC80] =	vst v63  }
0x1b3: {  	p3 =	por p5, p3;
	_ =	swait.ge @!p4 [sflag:s24], $0x4000  }
0x1b4: {  	s11 =	simm.s32 @!p3 $0x0;
	[sflag:s24] =	ssyncset.done @!p4 $0x0;
	s10 =	rddreg [dreg:$0x10]  }
0x1b5: {  	s14 =	simm.s32 @!p3 $0x80;
	[sflag:s24] =	ssyncadd.s32 @!p4 $0xFFFFC000;
	s10 =	sadd.s32 @!p3 s7, s10  }
0x1b6: {  	[tilespmem:s14], [sflag:$0x8] =	stream.linear.gather @!p3 [hbm4b:s10+s11], $0x80, $0x38;
	[tilespmem:$0x1FC80] =	vst v63  }
0x1b7: {  	s19 =	simm.s32 @!p4 $0x7;
	s10 =	sadd.s32 @!p3 $0x10, s10;
	s14 =	simm.s32 @!p3 $0x280  }
0x1b8: {  	[tilespmem:s14], [sflag:$0x8] =	stream.linear.gather @!p3 [hbm4b:s10+s11], $0x80, $0x38;
	[tilespmem:$0x1FC80] =	vst v63  }
0x1b9: {  	_ =	swait.ge @!p4 [sflag:s19], $0x80  }
0x1ba: {  	[sflag:s19] =	ssyncset.done @!p4 $0x0  }
0x1bb: {  	s29 =	smov.u32 s26;
	[sflag:s19] =	ssyncadd.s32 @!p4 $0xFFFFFF80  }
0x1bc: {  	p5 =	sge.u32 @!p2 s8, s29;
	s24 =	simm.s32 @!p4 $0x0;
	_ =	swait.ge @!p4 [sflag:s19], $0x80  }
0x1bd: {  	s10 =	simm.s32 @!p4 $0x8400;
	s11 =	simm.s32 @!p2 $0x2;
	[sflag:s19] =	ssyncset.done @!p4 $0x0  }
0x1be: {  	s14 =	simm.s32 @!p4 $0x80;
	p3 =	por p5, p2;
	[sflag:s19] =	ssyncadd.s32 @!p4 $0xFFFFFF80  }
0x1bf: {  	[tilespmem:s10], [sflag:$0x3] =	stream.indirect.gather @!p4 [hbm4b:s2+s14], $0x80, s24, s14, $0xb8;
	[tilespmem:$0x1FC80] =	vst v63  }
0x1c0: {  	s19 =	sadd.s32 @!p3 $0xFFFFFFFC, s25;
	_ =	swait.ge @!p2 [sflag:s11], $0x4000  }
0x1c1: {  	s10 =	simm.s32 @!p2 $0x380;
	p4 =	sge.u32 @!p3 s19, s6;
	[sflag:s11] =	ssyncset.done @!p2 $0x0  }
0x1c2: {  	s14 =	simm.s32 @!p3 $0x4;
	p4 =	por @!p2 p4, p5;
	[sflag:s11] =	ssyncadd.s32 @!p2 $0xFFFFC000  }
0x1c3: {  	[spmem:s4] =	stream.indirect.scatter.add.f32 @!p2 [tilespmem:s3], [sflag:$0x5], $0x80, s10, s31, $0xb8;
	[tilespmem:$0x1FC80] =	vst v63  }
0x1c4: {  	p2 =	por p4, p2;
	_ =	swait.ge @!p3 [sflag:s14], $0x4000  }
0x1c5: {  	s10 =	simm.s32 @!p2 $0x0;
	[sflag:s14] =	ssyncset.done @!p3 $0x0;
	s3 =	rddreg [dreg:$0xf]  }
0x1c6: {  	s11 =	simm.s32 @!p2 $0x100;
	[sflag:s14] =	ssyncadd.s32 @!p3 $0xFFFFC000;
	s3 =	sadd.s32 @!p2 s7, s3  }
0x1c7: {  	[tilespmem:s11], [sflag:$0x9] =	stream.linear.gather @!p2 [hbm4b:s3+s10], $0x80, $0x38;
	[tilespmem:$0x1FC80] =	vst v63  }
0x1c8: {  	s14 =	simm.s32 @!p3 $0x8;
	s3 =	sadd.s32 @!p2 $0x10, s3;
	s11 =	simm.s32 @!p2 $0x300  }
0x1c9: {  	[tilespmem:s11], [sflag:$0x9] =	stream.linear.gather @!p2 [hbm4b:s3+s10], $0x80, $0x38;
	[tilespmem:$0x1FC80] =	vst v63  }
0x1ca: {  	_ =	swait.ge @!p3 [sflag:s14], $0x80  }
0x1cb: {  	[sflag:s14] =	ssyncset.done @!p3 $0x0  }
0x1cc: {  	s28 =	smov.u32 s21;
	[sflag:s14] =	ssyncadd.s32 @!p3 $0xFFFFFF80  }
0x1cd: {  	s21 =	smov.u32 s28;
	_ =	swait.ge @!p3 [sflag:s14], $0x80  }
0x1ce: {  	p4 =	sge.u32 s8, s22;
	s3 =	simm.s32 @!p3 $0x80;
	[sflag:s14] =	ssyncset.done @!p3 $0x0  }
0x1cf: {  	s10 =	simm.s32 @!p3 $0x400;
	s11 =	simm.s32 @!p4 $0x3;
	[sflag:s14] =	ssyncadd.s32 @!p3 $0xFFFFFF80  }
0x1d0: {  	[tilespmem:s10], [sflag:$0x1] =	stream.indirect.gather @!p3 [hbm4b:s2+s3], $0x80, s3, s3, $0xb8;
	[tilespmem:$0x1FC80] =	vst v63  }
0x1d1: {  	p3 =	sge.u32 @!p4 s8, s21;
	_ =	swait.ge @!p4 [sflag:s11], $0x4000  }
0x1d2: {  	s3 =	simm.s32 @!p4 $0x200;
	s10 =	simm.s32 @!p4 $0x8400;
	[sflag:s11] =	ssyncset.done @!p4 $0x0  }
0x1d3: {  	p2 =	por p3, p4;
	[sflag:s11] =	ssyncadd.s32 @!p4 $0xFFFFC000;
	s11 =	simm.s32 @!p4 $0x80  }
0x1d4: {  	[spmem:s4] =	stream.indirect.scatter.add.f32 @!p4 [tilespmem:s10], [sflag:$0x6], $0x80, s3, s11, $0xb8;
	[tilespmem:$0x1FC80] =	vst v63  }
0x1d5: {  	s3 =	simm.s32 @!p2 $0x5;
	s10 =	sadd.s32 @!p2 $0xFFFFFFFD, s25  }
0x1d6: {  	_ =	swait.ge @!p2 [sflag:s3], $0x4000;
	p5 =	sge.u32 @!p2 s10, s6  }
0x1d7: {  	[sflag:s3] =	ssyncset.done @!p2 $0x0;
	p3 =	por @!p4 p5, p3  }
0x1d8: {  	s10 =	rddreg [dreg:$0xe];
	[sflag:s3] =	ssyncadd.s32 @!p2 $0xFFFFC000;
	p3 =	por p3, p4  }
0x1d9: {  	s3 =	sadd.s32 @!p3 s7, s10;
	s10 =	simm.s32 @!p3 $0x0;
	s11 =	simm.s32 @!p3 $0x180  }
0x1da: {  	[tilespmem:s11], [sflag:$0xA] =	stream.linear.gather @!p3 [hbm4b:s3+s10], $0x80, $0x38;
	[tilespmem:$0x1FC80] =	vst v63  }
0x1db: {  	s14 =	simm.s32 @!p2 $0x9;
	s3 =	sadd.s32 @!p3 $0x10, s3;
	s11 =	simm.s32 @!p3 $0x380  }
0x1dc: {  	[tilespmem:s11], [sflag:$0xA] =	stream.linear.gather @!p3 [hbm4b:s3+s10], $0x80, $0x38;
	[tilespmem:$0x1FC80] =	vst v63  }
0x1dd: {  	_ =	swait.ge @!p2 [sflag:s14], $0x80  }
0x1de: {  	[sflag:s14] =	ssyncset.done @!p2 $0x0  }
0x1df: {  	[sflag:s14] =	ssyncadd.s32 @!p2 $0xFFFFFF80  }
0x1e0: {  	s3 =	simm.s32 @!p2 $0x100;
	_ =	swait.ge @!p2 [sflag:s14], $0x80  }
0x1e1: {  	s10 =	simm.s32 @!p2 $0x4400;
	p3 =	sge.u32 s8, s29;
	[sflag:s14] =	ssyncset.done @!p2 $0x0  }
0x1e2: {  	s11 =	simm.s32 @!p2 $0x80;
	p4 =	sge.u32 @!p3 s8, s17;
	[sflag:s14] =	ssyncadd.s32 @!p2 $0xFFFFFF80  }
0x1e3: {  	[tilespmem:s10], [sflag:$0x2] =	stream.indirect.gather @!p2 [hbm4b:s2+s11], $0x80, s3, s11, $0xb8;
	[tilespmem:$0x1FC80] =	vst v63  }
0x1e4: {  	s19 =	simm.s32 @!p3 $0x400;
	s14 =	simm.s32 @!p3 $0x1;
	p2 =	por p4, p3  }
0x1e5: {  	s3 =	simm.s32 @!p3 $0x280;
	_ =	swait.ge @!p3 [sflag:s14], $0x4000;
	s11 =	sadd.s32 @!p2 $0xFFFFFFFE, s25  }
0x1e6: {  	s10 =	simm.s32 @!p3 $0x80;
	[sflag:s14] =	ssyncset.done @!p3 $0x0;
	p5 =	sge.u32 @!p2 s11, s6  }
0x1e7: {  	[sflag:s14] =	ssyncadd.s32 @!p3 $0xFFFFC000;
	s14 =	simm.s32 @!p2 $0x6;
	p4 =	por @!p3 p5, p4  }
0x1e8: {  	[spmem:s4] =	stream.indirect.scatter.add.f32 @!p3 [tilespmem:s19], [sflag:$0x4], $0x80, s3, s10, $0xb8;
	[tilespmem:$0x1FC80] =	vst v63  }
0x1e9: {  	s24 =	smov.u32 s9;
	p3 =	por p4, p3;
	_ =	swait.ge @!p2 [sflag:s14], $0x4000  }
0x1ea: {  	s19 =	smov.u32 s5;
	s3 =	sshrl.u32 @!p3 s1, $0x3;
	[sflag:s14] =	ssyncset.done @!p2 $0x0  }
0x1eb: {  	s10 =	simm.s32 @!p3 $0x0;
	s11 =	sadd.s32 @!p3 s19, s3;
	[sflag:s14] =	ssyncadd.s32 @!p2 $0xFFFFC000  }
0x1ec: {  	[tilespmem:s10], [sflag:$0x7] =	stream.linear.gather @!p3 [hbm4b:s11+s10], $0x80, $0x38;
	[tilespmem:$0x1FC80] =	vst v63  }
0x1ed: {  	s3 =	sadd.s32 @!p3 s3, s24;
	s14 =	simm.s32 @!p3 $0x200;
	s11 =	simm.s32 @!p2 $0xA  }
0x1ee: {  	[tilespmem:s14], [sflag:$0x7] =	stream.linear.gather @!p3 [hbm4b:s3+s10], $0x80, $0x38;
	[tilespmem:$0x1FC80] =	vst v63  }
0x1ef: {  	_ =	swait.ge @!p2 [sflag:s11], $0x80  }
0x1f0: {  	[sflag:s11] =	ssyncset.done @!p2 $0x0  }
0x1f1: {  	[sflag:s11] =	ssyncadd.s32 @!p2 $0xFFFFFF80  }
0x1f2: {  	s3 =	simm.s32 @!p2 $0x8400;
	_ =	swait.ge @!p2 [sflag:s11], $0x80  }
0x1f3: {  	p3 =	sge.u32 s8, s21;
	s10 =	simm.s32 @!p2 $0x80;
	[sflag:s11] =	ssyncset.done @!p2 $0x0  }
0x1f4: {  	s14 =	simm.s32 @!p2 $0x180;
	[sflag:s11] =	ssyncadd.s32 @!p2 $0xFFFFFF80;
	s11 =	simm.s32 @!p3 $0x2  }
0x1f5: {  	[tilespmem:s3], [sflag:$0x3] =	stream.indirect.gather @!p2 [hbm4b:s2+s10], $0x80, s14, s10, $0xb8;
	[tilespmem:$0x1FC80] =	vst v63  }
0x1f6: {  	s3 =	simm.s32 @!p3 $0x4400;
	_ =	swait.ge @!p3 [sflag:s11], $0x4000  }
0x1f7: {  	s14 =	simm.s32 @!p3 $0x300;
	[sflag:s11] =	ssyncset.done @!p3 $0x0;
	s10 =	rddreg [dreg:$0x7]  }
0x1f8: {  	[sflag:s11] =	ssyncadd.s32 @!p3 $0xFFFFC000;
	s11 =	simm.s32 @!p3 $0x80;
	p4 =	sge.u32 @!p3 s8, s10  }
0x1f9: {  	[spmem:s4] =	stream.indirect.scatter.add.f32 @!p3 [tilespmem:s3], [sflag:$0x5], $0x80, s14, s11, $0xb8;
	[tilespmem:$0x1FC80] =	vst v63  }
0x1fa: {  	p2 =	por p4, p3  }
0x1fb: {  	s3 =	simm.s32 @!p2 $0x4;
	s10 =	sadd.s32 @!p2 $0xFFFFFFFF, s25  }
0x1fc: {  	_ =	swait.ge @!p2 [sflag:s3], $0x4000;
	p5 =	sge.u32 @!p2 s10, s6  }
0x1fd: {  	[sflag:s3] =	ssyncset.done @!p2 $0x0;
	p4 =	por @!p3 p5, p4  }
0x1fe: {  	s10 =	rddreg [dreg:$0xd];
	[sflag:s3] =	ssyncadd.s32 @!p2 $0xFFFFC000;
	p3 =	por p4, p3  }
0x1ff: {  	s3 =	simm.s32 @!p3 $0x0;
	s11 =	simm.s32 @!p3 $0x80;
	s10 =	sadd.s32 @!p3 s7, s10  }
0x200: {  	[tilespmem:s11], [sflag:$0x8] =	stream.linear.gather @!p3 [hbm4b:s10+s3], $0x80, $0x38;
	[tilespmem:$0x1FC80] =	vst v63  }
0x201: {  	s14 =	simm.s32 @!p3 $0x280;
	s10 =	sadd.s32 @!p3 $0x10, s10;
	s11 =	simm.s32 @!p2 $0x7  }
0x202: {  	[tilespmem:s14], [sflag:$0x8] =	stream.linear.gather @!p3 [hbm4b:s10+s3], $0x80, $0x38;
	[tilespmem:$0x1FC80] =	vst v63  }
0x203: {  	_ =	swait.ge @!p2 [sflag:s11], $0x80  }
0x204: {  	[sflag:s11] =	ssyncset.done @!p2 $0x0  }
0x205: {  	s0 =	sadd.s32 $0x3000, s0;
	[sflag:s11] =	ssyncadd.s32 @!p2 $0xFFFFFF80  }
0x206: {  	p1 =	sne.s32 s0, $0x15000;
	s3 =	simm.s32 @!p2 $0x400;
	_ =	swait.ge @!p2 [sflag:s11], $0x80  }
0x207: {  	p3 =	sge.u32 s8, s17;
	s10 =	simm.s32 @!p2 $0x80;
	[sflag:s11] =	ssyncset.done @!p2 $0x0  }
0x208: {  	s14 =	simm.s32 @!p2 $0x0;
	[sflag:s11] =	ssyncadd.s32 @!p2 $0xFFFFFF80;
	s11 =	simm.s32 @!p3 $0x3  }
0x209: {  	[tilespmem:s3], [sflag:$0x1] =	stream.indirect.gather @!p2 [hbm4b:s2+s10], $0x80, s14, s10, $0xb8;
	[tilespmem:$0x1FC80] =	vst v63  }
0x20a: {  	s28 =	simm.s32 $0x300;
	s3 =	simm.s32 @!p3 $0x8400;
	_ =	swait.ge @!p3 [sflag:s11], $0x4000  }
0x20b: {  	s14 =	simm.s32 @!p3 $0x380;
	[sflag:s11] =	ssyncset.done @!p3 $0x0;
	s10 =	rddreg [dreg:$0x8]  }
0x20c: {  	[sflag:s11] =	ssyncadd.s32 @!p3 $0xFFFFC000;
	s11 =	simm.s32 @!p3 $0x80;
	p4 =	sge.u32 @!p3 s8, s10  }
0x20d: {  	[spmem:s4] =	stream.indirect.scatter.add.f32 @!p3 [tilespmem:s3], [sflag:$0x6], $0x80, s14, s11, $0xb8;
	[tilespmem:$0x1FC80] =	vst v63  }
0x20e: {  	s12 =	simm.s32 $0x280;
	s26 =	smov.u32 s17;
	p2 =	por p4, p3  }
0x20f: {  	s1 =	sadd.s32 $0x18000, s1;
	s14 =	simm.s32 $0x100;
	s3 =	simm.s32 @!p2 $0x5  }
0x210: {  	s11 =	simm.s32 $0x200;
	p5 =	sge.u32 @!p2 s25, s6;
	_ =	swait.ge @!p2 [sflag:s3], $0x4000  }
0x211: {  	p4 =	por @!p3 p5, p4;
	[sflag:s3] =	ssyncset.done @!p2 $0x0;
	s8 =	rddreg [dreg:$0xc]  }
.Ltmp0:
0x212: {  	p3 =	por p4, p3;
	[sflag:s3] =	ssyncadd.s32 @!p2 $0xFFFFC000;
	(pc) =	sbr.rel @p1 .LBB2_2-.Ltmp0, $4  }
0x213: {  	s3 =	sadd.s32 @!p3 s7, s8;
	s7 =	simm.s32 @!p3 $0x0;
	s8 =	simm.s32 @!p3 $0x100  }
0x214: {  	[tilespmem:s8], [sflag:$0x9] =	stream.linear.gather @!p3 [hbm4b:s3+s7], $0x80, $0x38;
	[tilespmem:$0x1FC80] =	vst v63  }
0x215: {  	s10 =	simm.s32 @!p3 $0x300;
	s8 =	sadd.s32 @!p3 $0x10, s3;
	s3 =	simm.s32 @!p2 $0x8  }
0x216: {  	[tilespmem:s10], [sflag:$0x9] =	stream.linear.gather @!p3 [hbm4b:s8+s7], $0x80, $0x38;
	[tilespmem:$0x1FC80] =	vst v63  }
0x217: {  	_ =	swait.ge @!p2 [sflag:s3], $0x80  }
0x218: {  	[sflag:s3] =	ssyncset.done @!p2 $0x0  }
0x219: {  	[sflag:s3] =	ssyncadd.s32 @!p2 $0xFFFFFF80  }
0x21a: {  	_ =	swait.ge @!p2 [sflag:s3], $0x80  }
0x21b: {  	s0 =	simm.s32 @!p2 $0x4400;
	[sflag:s3] =	ssyncset.done @!p2 $0x0  }
0x21c: {  	s1 =	simm.s32 @!p2 $0x80;
	s20 =	simm.s32 $0x4;
	[sflag:s3] =	ssyncadd.s32 @!p2 $0xFFFFFF80  }
0x21d: {  	[tilespmem:s0], [sflag:$0x2] =	stream.indirect.gather @!p2 [hbm4b:s2+s1], $0x80, s1, s1, $0xb8;
	[tilespmem:$0x1FC80] =	vst v63  }
0x21e: {  	_ =	swait.ge [sflag:s20], $0x4000  }
0x21f: {  	[sflag:s20] =	ssyncset.done $0x0  }
0x220: {  	s22 =	simm.s32 $0x5;
	[sflag:s20] =	ssyncadd.s32 $0xFFFFC000  }
0x221: {  	_ =	swait.ge [sflag:s22], $0x4000  }
0x222: {  	[sflag:s22] =	ssyncset.done $0x0  }
0x223: {  	s23 =	simm.s32 $0x6;
	[sflag:s22] =	ssyncadd.s32 $0xFFFFC000  }
0x224: {  	_ =	swait.ge [sflag:s23], $0x4000  }
0x225: {  	[sflag:s23] =	ssyncset.done $0x0  }
0x226: {  	[sflag:s23] =	ssyncadd.s32 $0xFFFFC000  }
0x227: {  	[bflag:$0x0] =	sbarrier.arrive $0xFFFF  }
0x228: {  	s1 =	sld [smem:$0x7FB]  }
0x229: {  	s3 =	sld [smem:$0x7F6];
	_ =	sdelay $0x1  }
0x22a: {  	s0 =	simm.s32 @p0 $0x1FCB  }
0x22b: {  	[hbm:s1], [sflag:s0] =	dma.local @p0 [spmem:s3], $0x1900  }
0x22c: {  	s0 =	simm.s32 @p0 $0xB  }
0x22d: {  	_ =	swait.ge @p0 [sflag:s0], $0x1900  }
0x22e: {  	s1 =	sld [smem:$0x7F7]  }
0x22f: {  	[sflag:s0] =	ssyncset.done @p0 $0x0;
	s3 =	sld [smem:$0x7F8]  }
0x230: {  	[sflag:s0] =	ssyncadd.s32 @p0 $0xFFFFE700;
	s0 =	sld [smem:$0x7F9];
	_ =	sdelay $0x2  }
0x231: {  	[hbm:s0], [sflag:s1] =	dma.local @!p0 [spmem:s3], $0x2800  }
0x232: {  	s0 =	simm.s32 @!p0 $0xB  }
0x233: {  	_ =	swait.ge @!p0 [sflag:s0], $0x2800  }
0x234: {  	s7 =	sld [smem:$0x7F5]  }
0x235: {  	s25 =	sld [smem:$0x7FC];
	_ =	sdelay $0x1  }
0x236: {  	s7 =	sadd.s32 $0x1, s7  }
0x237: {  	s8 =	simm.s32 $0x180;
	s10 =	simm.s32 $0x380;
	p1 =	sne.s32 s7, s25  }
.Ltmp1:
0x238: {  	s5 =	simm.s32 $0x400;
	s17 =	simm.s32 $0x0;
	(pc) =	sbr.rel @p1 .LBB2_1-.Ltmp1, $4  }
0x239: {  	s9 =	simm.s32 $0x8400;
	s13 =	simm.s32 $0x7;
	s15 =	simm.s32 $0x8  }
0x23a: {  	s18 =	simm.s32 $0x9;
	s31 =	simm.s32 $0x3;
	s20 =	simm.s32 $0x2  }
0x23b: {  	s23 =	simm.s32 $0xA;
	s3 =	simm.s32 $0x1;
	[sflag:s0] =	ssyncset.done @!p0 $0x0  }
0x23c: {  	s16 =	rddreg [dreg:$0x14];
	[sflag:s0] =	ssyncadd.s32 @!p0 $0xFFFFD800;
	s25 =	simm.s32 $0x4400  }
0x23d: {  	_ =	sfence.sel $0x180000  }
0x23e: {  	[bflag:$0x0] =	sbarrier.arrive $0xFFFF  }
0x23f: {  	_ =	strace $0x9000004D  }
0x240: {  	s0 =	stileid.u32;
	[bflag:$0x2] =	sbarrier.arrive $0xFFFF  }
0x241: {  	p0 =	sne.s32 s0, $0x0;
	s0 =	rddreg [dreg:$0x4]  }
0x242: {  	s0 =	sadd.s32 @!p0 $0x100000, s0  }
0x243: {  	[sflag:s0] =	ssyncadd.tile.s32 @!p0 $0x1;
	_ =	shalt  }
.Lfunc_end2:
_tile_overlayer_lowered:
.L_overlay_start_2:
0x244: {  	(tag) =	ssettag $0x2  }
0x245: {  	s0 =	rddreg [dreg:$0x0];
	s2 =	stileid.u32  }
0x246: {  	s1 =	rddreg [dreg:$0x1];
	p0 =	sne.s32 s2, $0x0  }
0x247: {  	s3 =	rddreg [dreg:$0x2];
	[bflag:$0x3] =	sbarrier.arrive $0xFFFF;
	s2 =	simm.s32 @!p0 $0x1C0B  }
0x248: {  	[timem:s3], [sflag:s2] =	dma.local @!p0 [hbm:s0], s1  }
0x249: {  	s0 =	simm.s32 @!p0 $0xB  }
0x24a: {  	_ =	swait.ge @!p0 [sflag:s0], s1  }
0x24b: {  	s1 =	ssub.s32 @!p0 $0x0, s1;
	[sflag:s0] =	ssyncset.done @!p0 $0x0  }
0x24c: {  	[sflag:s0] =	ssyncadd.s32 @!p0 s1  }
0x24d: {  	[bflag:$0x3] =	sbarrier.arrive $0xFFFF  }
0x24e: {  	_ =	shalt  }

// kernel: kernel.9.cloned.1.call-start
scs
__scs_entry_jumppad:
0x0: {  	(pc) =	sbr.rel $0x88, $3  }
0x1: {  	(tag) =	ssettag $0x0;
	lr =	simm.s32 $0x1  }
0x2: {  	[smem:$0x3F9B] =	sst lr;
	_ =	strace $0xD0000000  }
0x3: {  	_ = 	snop  }
0x4: {  	_ = 	snop  }
0x5: {  	_ = 	snop  }
0x6: {  	_ = 	snop  }
0x7: {  	_ = 	snop  }
__scs_overlays_trampoline_lowered:
0x8: {  	[smem:$0x3FAA] =	sst s0  }
0x9: {  	[smem:$0x3FAB] =	sst s1  }
0xa: {  	[smem:$0x3FAC] =	sst s2  }
0xb: {  	[smem:$0x3FAD] =	sst s3  }
0xc: {  	[smem:$0x3FAE] =	sst s4  }
0xd: {  	[smem:$0x3FAF] =	sst s5  }
0xe: {  	[smem:$0x3FB0] =	sst s6  }
0xf: {  	[smem:$0x3FB1] =	sst s7  }
0x10: {  	[smem:$0x3FB2] =	sst s8  }
0x11: {  	[smem:$0x3FB3] =	sst s9;
	s0 =	simm.s32 @!p0 $0x0  }
0x12: {  	s1 =	sld [smem:$0x3F99];
	s0 =	simm.s32 @p0 $0x1  }
0x13: {  	[smem:$0x3FB4] =	sst s0;
	s0 =	simm.s32 @!p1 $0x0  }
0x14: {  	s2 =	sld [smem:$0x3F98];
	s0 =	simm.s32 @p1 $0x1  }
0x15: {  	[smem:$0x3FB5] =	sst s0;
	s0 =	simm.s32 @!p2 $0x0  }
0x16: {  	s3 =	sld [smem:$0x3FDB];
	s0 =	simm.s32 @p2 $0x1  }
0x17: {  	s4 =	simm.s32 $0x1BF5;
	[smem:$0x3FB7] =	sst s0  }
0x18: {  	s0 =	sld [smem:$0x3F9A];
	_ =	swait.ge [sflag:s4], $0x0  }
0x19: {  	s7 =	sld [smem:$0x3F9B]  }
0x1a: {  	s8 =	sadd.s32 $0xFFFFE003, lr  }
0x1b: {  	s9 =	sadd.s32 $0xFFFFFEF7, lr;
	s5 =	simm.s32 $0xFFFFFFFF;
	p2 =	slt.u32 s8, $0xFFFFF086  }
0x1c: {  	p1 =	slt.u32 s9, $0xF7A;
	s5 =	simm.s32 @!p2 $0x0  }
0x1d: {  	s5 =	simm.s32 @p1 $0x1;
	p0 =	seq.s32 s7, s2  }
0x1e: {  	s7 =	smul.u32 @!p0 $0xF7A, s2;
	p2 =	seq.s32 @!p0 s5, $0x0  }
0x1f: {  	s9 =	smul.u32 $0xF7A, s1;
	s8 =	simm.s32 @!p0 $0x1BF5;
	p2 =	por !p2, p0  }
0x20: {  	[sflag:s8] =	ssyncset.s32 @!p0 $0xFFFFF086;
	s6 =	sadd.s32 @!p0 s3, s7;
	s7 =	simm.s32 @!p0 $0x108  }
0x21: {  	s3 =	sadd.s32 s3, s9;
	s6 =	sadd.s32 @!p0 $0x88, s6;
	s7 =	simm.s32 @p2 $0x1082  }
0x22: {  	[simem:s7], [sflag:s8] =	dma.local @!p0 [hbm:s6], $0xF7A  }
0x23: {  	s9 =	sor.u32 $0xD0000000, s2;
	s6 =	simm.s32 $0x108;
	_ =	swait.ge @!p0 [sflag:s8], $0x0  }
0x24: {  	s3 =	sadd.s32 $0x88, s3;
	s6 =	simm.s32 @!p1 $0x1082;
	[sflag:s4] =	ssyncset.s32 $0xFFFFF086  }
0x25: {  	[simem:s6], [sflag:s4] =	dma.local [hbm:s3], $0xF7A  }
0x26: {  	[smem:$0x3F9B] =	sst s1;
	(tag) =	ssettag s2;
	_ =	strace s9  }
0x27: {  	s1 =	sld [smem:$0x3FAB]  }
0x28: {  	s2 =	sld [smem:$0x3FAC]  }
0x29: {  	s4 =	sld [smem:$0x3FAE]  }
0x2a: {  	p0 =	seq.s32 s5, $0x0;
	s5 =	sld [smem:$0x3FAF]  }
0x2b: {  	s6 =	sld [smem:$0x3FB0]  }
0x2c: {  	s7 =	sld [smem:$0x3FB1]  }
0x2d: {  	s3 =	simm.s32 $0x108;
	s8 =	sld [smem:$0x3FB2]  }
0x2e: {  	s3 =	simm.s32 @!p0 $0x1082;
	s9 =	sld [smem:$0x3FB3]  }
0x2f: {  	lr =	sadd.s32 s0, s3;
	s0 =	sld [smem:$0x3FAA]  }
0x30: {  	s3 =	sld [smem:$0x3FAD]  }
0x31: {  	[smem:$0x3FB6] =	sst s10  }
0x32: {  	s10 =	sld [smem:$0x3FB4];
	_ =	sdelay $0x3  }
0x33: {  	p0 =	seq.s32 s10, $0x1;
	s10 =	sld [smem:$0x3FB6];
	_ =	sdelay $0x3  }
0x34: {  	[smem:$0x3FB6] =	sst s10  }
0x35: {  	s10 =	sld [smem:$0x3FB5];
	_ =	sdelay $0x3  }
0x36: {  	p1 =	seq.s32 s10, $0x1;
	s10 =	sld [smem:$0x3FB6];
	_ =	sdelay $0x3  }
0x37: {  	[smem:$0x3FB6] =	sst s10  }
0x38: {  	s10 =	sld [smem:$0x3FB7]  }
0x39: {  	_ = 	snop;
	(pc) =	sbr.ind lr, $3  }
0x3a: {  	_ = 	snop  }
0x3b: {  	_ = 	snop  }
0x3c: {  	p2 =	seq.s32 s10, $0x1;
	s10 =	sld [smem:$0x3FB6]  }
0x3d: {  	_ =	shalt  }
0x3e: {  	_ =	shalt  }
0x3f: {  	_ =	shalt  }
0x40: {  	_ =	shalt  }
0x41: {  	_ =	shalt  }
0x42: {  	_ =	shalt  }
0x43: {  	_ =	shalt  }
0x44: {  	_ =	shalt  }
0x45: {  	_ =	shalt  }
0x46: {  	_ =	shalt  }
0x47: {  	_ =	shalt  }
0x48: {  	_ =	shalt  }
0x49: {  	_ =	shalt  }
0x4a: {  	_ =	shalt  }
0x4b: {  	_ =	shalt  }
0x4c: {  	_ =	shalt  }
0x4d: {  	_ =	shalt  }
0x4e: {  	_ =	shalt  }
0x4f: {  	_ =	shalt  }
0x50: {  	_ =	shalt  }
0x51: {  	_ =	shalt  }
0x52: {  	_ =	shalt  }
0x53: {  	_ =	shalt  }
0x54: {  	_ =	shalt  }
0x55: {  	_ =	shalt  }
0x56: {  	_ =	shalt  }
0x57: {  	_ =	shalt  }
0x58: {  	_ =	shalt  }
0x59: {  	_ =	shalt  }
0x5a: {  	_ =	shalt  }
0x5b: {  	_ =	shalt  }
0x5c: {  	_ =	shalt  }
0x5d: {  	_ =	shalt  }
0x5e: {  	_ =	shalt  }
0x5f: {  	_ =	shalt  }
0x60: {  	_ =	shalt  }
0x61: {  	_ =	shalt  }
0x62: {  	_ =	shalt  }
0x63: {  	_ =	shalt  }
0x64: {  	_ =	shalt  }
0x65: {  	_ =	shalt  }
0x66: {  	_ =	shalt  }
0x67: {  	_ =	shalt  }
0x68: {  	_ =	shalt  }
0x69: {  	_ =	shalt  }
0x6a: {  	_ =	shalt  }
0x6b: {  	_ =	shalt  }
0x6c: {  	_ =	shalt  }
0x6d: {  	_ =	shalt  }
0x6e: {  	_ =	shalt  }
0x6f: {  	_ =	shalt  }
0x70: {  	_ =	shalt  }
0x71: {  	_ =	shalt  }
0x72: {  	_ =	shalt  }
0x73: {  	_ =	shalt  }
0x74: {  	_ =	shalt  }
0x75: {  	_ =	shalt  }
0x76: {  	_ =	shalt  }
0x77: {  	_ =	shalt  }
0x78: {  	_ =	shalt  }
0x79: {  	_ =	shalt  }
0x7a: {  	_ =	shalt  }
0x7b: {  	_ =	shalt  }
0x7c: {  	_ =	shalt  }
0x7d: {  	_ =	shalt  }
0x7e: {  	_ =	shalt  }
0x7f: {  	_ =	shalt  }
0x80: {  	_ =	shalt  }
0x81: {  	_ =	shalt  }
0x82: {  	_ =	shalt  }
0x83: {  	_ =	shalt  }
0x84: {  	_ =	shalt  }
0x85: {  	_ =	shalt  }
0x86: {  	_ =	shalt  }
0x87: {  	_ =	shalt  }
.Lfunc_end0:
.L_simem_size_0:
called_computation_lowered:
.L_overlay_start_0:
0x88: {  	s2 =	sld [smem:$0x3FD9]  }
0x89: {  	s3 =	sld [smem:$0x3FFE];
	_ =	sdelay $0x1  }
0x8a: {  	s1 =	srdreg.scid  }
0x8b: {  	s0 =	sand.u32 $0x1, s1  }
0x8c: {  	s18 =	sshll.u32 s0, $0xA;
	s2 =	sadd.s32 s3, s2  }
0x8d: {  	s2 =	sadd.s32 s2, s18  }
0x8e: {  	[smem:$0x3FC2] =	sst s2  }
0x8f: {  	_ = 	snop  }
0x90: {  	s2 =	sld [smem:$0x3FC8]  }
0x91: {  	s19 =	sld [smem:$0x3FD0];
	(tm) =	ssettm $0x1  }
0x92: {  	s4 =	sld [smem:$0x3FFB];
	_ =	sdelay $0x3  }
0x93: {  	_ =	strace s4  }
0x94: {  	s4 =	sld [smem:$0x3FFC];
	_ =	sdelay $0x3  }
0x95: {  	_ =	strace s4  }
0x96: {  	s4 =	sld [smem:$0x3FFD];
	_ =	sdelay $0x3  }
0x97: {  	_ =	strace s4  }
0x98: {  	_ =	strace $0x8FFFFFFF  }
0x99: {  	s20 =	sld [smem:$0x3FDB];
	_ =	sdelay $0x1  }
0x9a: {  	s5 =	simm.s32 $_scs_section_size  }
0x9b: {  	s6 =	simm.s32 $_size__tile_overlayer_lowered;
	s7 =	simm.s32 $_tile_overlayer_lowered  }
0x9c: {  	s23 =	simm.s32 $0x1BFF;
	s22 =	sshll.u32 s7, $0x1;
	s4 =	sadd.s32 s5, s20  }
0x9d: {  	s8 =	simm.s32 $0x0;
	s21 =	sshll.u32 s6, $0x1;
	s6 =	sadd.s32 s22, s4  }
0x9e: {  	[timem:s8], [sflag:s23] =	dma.local [hbm:s6], s21  }
0x9f: {  	_ =	swait.ge [sflag:s23], s21  }
0xa0: {  	s5 =	ssub.s32 $0x0, s21;
	[sflag:s23] =	ssyncset.done $0x0  }
0xa1: {  	[sflag:s23] =	ssyncadd.s32 s5;
	_ =	sdelay $0x1  }
0xa2: {  	s24 =	simm.s32 $0x1B8B  }
0xa3: {  	_ =	swait.ge [sflag:s24], $0x1  }
0xa4: {  	[sflag:s24] =	ssyncset.done $0x0  }
0xa5: {  	s25 =	simm.s32 $0x1B8E;
	[sflag:s24] =	ssyncadd.s32 $0xFFFFFFFF  }
0xa6: {  	s26 =	simm.s32 $execute0_lowered;
	[smem:$0x3FD2] =	sst s25  }
0xa7: {  	s5 =	sshll.u32 s26, $0x1;
	_ =	strace $0x80000046;
	[dreg:$0x1] =	wrdreg $0xFFFFFFFF  }
0xa8: {  	s28 =	simm.s32 $_size_execute0_lowered;
	s4 =	sadd.s32 s4, s5;
	[dreg:$0x0] =	wrdreg $0x0  }
0xa9: {  	s5 =	sshll.u32 s28, $0x1;
	[dreg:$0x2] =	wrdreg s4  }
0xaa: {  	[dreg:$0x3] =	wrdreg s5  }
0xab: {  	[dreg:$0x4] =	wrdreg $0xC0  }
0xac: {  	_ =	task [dreg:s8], $0x5FFFF  }
0xad: {  	[dreg:$0x1] =	wrdreg $0xFFFFFFFF  }
0xae: {  	[dreg:$0x0] =	wrdreg $0x60  }
0xaf: {  	[dreg:$0x2] =	wrdreg s2  }
0xb0: {  	[dreg:$0x3] =	wrdreg s19  }
0xb1: {  	[dreg:$0x4] =	wrdreg $0x9  }
0xb2: {  	_ =	task.clear_ibuf [dreg:s8], $0x5FFFF;
	_ =	strace $0x90000046  }
0xb3: {  	s29 =	simm.s32 $0x9;
	_ =	strace $0x80000048  }
0xb4: {  	_ =	swait.ge [sflag:s29], $0x1  }
0xb5: {  	[sflag:s29] =	ssyncadd.s32 $0xFFFFFFFF  }
0xb6: {  	_ =	strace $0x90000048  }
0xb7: {  	_ =	sfence  }
0xb8: {  	s30 =	sld [smem:$0x0];
	_ =	sdelay $0x2  }
0xb9: {  	s31 =	sshll.u32 s1, $0xD;
	s1 =	sshrl.u32 s1, $0x2  }
0xba: {  	s3 =	sand.u32 $0x4000, s31;
	s1 =	sadd.s32 s1, s30  }
0xbb: {  	s0 =	sor.u32 s3, s0;
	s1 =	sshll.u32 s1, $0x11  }
0xbc: {  	s0 =	sor.u32 s1, s0  }
0xbd: {  	s0 =	sadd.s32 $0x8F2B, s0  }
0xbe: {  	[sflag:s0] =	ssyncadd.remote.s32 $0x1  }
0xbf: {  	_ =	sfence.sel $0xFFFF  }
0xc0: {  	[dreg:$0x0] =	wrdreg $0xFFFFFFFF;
	(pc) =	sbr.abs _section_cstart, $3  }
0xc1: {  	[dreg:$0x1] =	wrdreg $0xFFFFFFFF  }
0xc2: {  	_ =	task.clear_ibuf [dreg:s8], $0x2FFFF;
	_ =	strace $0x9FFFFFFF  }
0xc3: {  	(tm) =	ssettm $0x7FFFFFFF  }
tec
execute0_lowered:
.L_overlay_start_1:
0x0: {  	(tag) =	ssettag $0x1  }
0x1: {  	s3 =	rddreg [dreg:$0x0]  }
0x2: {  	s7 =	rddreg [dreg:$0x1]  }
0x3: {  	s0 =	rddreg [dreg:$0x2]  }
0x4: {  	s4 =	srdreg.scid;
	s1 =	stileid.u32;
	s2 =	simm.s32 $0x0  }
0x5: {  	s12 =	simm.s32 $0x1400;
	s13 =	simm.s32 $0x1;
	s14 =	simm.s32 $0x2800  }
0x6: {  	s15 =	simm.s32 $0x2;
	s16 =	simm.s32 $0x3;
	s17 =	simm.s32 $0x4  }
0x7: {  	s18 =	simm.s32 $0x400;
	s19 =	simm.s32 $0x5;
	s20 =	simm.s32 $0x0  }
0x8: {  	s4 =	sand.u32 $0x1, s4;
	s5 =	sshll.u32 s1, $0x1;
	[smem:$0x7FF] =	sst s2  }
0x9: {  	s30 =	sshrl.u32 s1, $0x2;
	s6 =	ssub.s32 $0x2, s4;
	s9 =	sor.u32 s4, s5  }
0xa: {  	_ =	strace $0x80000047;
	s28 =	sshrl.u32 s6, $0x1;
	s5 =	smul.u32 $0x1400, s9  }
0xb: {  	s29 =	smul.u32 $0x280, s9;
	s10 =	sshll.u32 s9, $0x7;
	p0 =	sgt.u32 s9, $0x1C  }
0xc: {  	s9 =	simm.s32 $0x80;
	s8 =	ssub.s32 s6, s28;
	s6 =	smul.u32 $0x14000, s30  }
.Ltmp0:
0xd: {  	s31 =	sand.u32 $0x380, s10;
	s5 =	sshrl.u32 s5, $0x3;
	(pc) =	sbr.rel .LBB2_1-.Ltmp0, $4  }
0xe: {  	s4 =	sadd.s32 s29, s3;
	s8 =	smax.u32 s8, $0x1;
	s11 =	sadd.s32 s3, s5  }
0xf: {  	s3 =	sadd.s32 $0x10, s4;
	s10 =	sor.u32 s6, s31;
	s4 =	sadd.s32 $0x5010, s11  }
0x10: {  	s5 =	sadd.s32 $0xA010, s11;
	s6 =	sadd.s32 $0xF010, s11;
	s10 =	sshrl.u32 s10, $0x3  }
0x11: {  	v0 =	vimm.f32 $0.0e+00;
	v1 =	vimm.f32 $1.000000000e+00;
	s11 =	simm.s32 $0xA00;
	s7 =	sadd.s32 s7, s10;
	s10 =	simm.s32 $0x100  }
.LBB2_12:
0x12: {  	v2 =	vld [tilespmem:s22+$0x1E00];
	_ =	sdelay $0x7  }
0x13: {  	[tilespmem:v2+s14+$0x0] =	vst.idx.add.f32.msk $0xffff, v1  }
.LBB2_13:
0x14: {  	s20 =	sadd.s32 $0x1, s20  }
0x15: {  	p1 =	sne.s32 s20, s8  }
.Ltmp1:
0x16: {  	_ = 	snop;
	(pc) =	sbr.rel @!p1 .LBB2_14-.Ltmp1, $4  }
0x17: {  	[hbm4b:s7+s9] =	stream.strided.scatter [tilespmem:s14], [sflag:$0x5], $0x2800, s18, s9, $0x38;
	[tilespmem:$0x5000] =	vst v63  }
0x18: {  	_ =	swait.ge [sflag:s19], $0x2800  }
0x19: {  	[sflag:s19] =	ssyncset.done $0x0  }
0x1a: {  	[sflag:s19] =	ssyncadd.s32 $0xFFFFD800  }
.LBB2_1:
0x1b: {  	[tilespmem:s2], [sflag:$0x1] =	stream.strided.gather [hbm4b:s3+s9], $0xA00, s10, s9, $0x38;
	[tilespmem:$0x5000] =	vst v63  }
0x1c: {  	_ = 	snop  }
0x1d: {  	[tilespmem:s11], [sflag:$0x2] =	stream.strided.gather [hbm4b:s4+s9], $0xA00, s10, s9, $0x38;
	[tilespmem:$0x5000] =	vst v63  }
0x1e: {  	_ = 	snop  }
0x1f: {  	[tilespmem:s12], [sflag:$0x3] =	stream.strided.gather [hbm4b:s5+s9], $0xA00, s10, s9, $0x38;
	[tilespmem:$0x5000] =	vst v63  }
0x20: {  	s21 =	simm.s32 @!p0 $0x80;
	s22 =	simm.s32 @!p0 $0x100;
	s23 =	simm.s32 @!p0 $0x1E00  }
0x21: {  	[tilespmem:s23], [sflag:$0x4] =	stream.strided.gather @!p0 [hbm4b:s6+s21], $0xA00, s22, s21, $0x38;
	[tilespmem:$0x5000] =	vst v63  }
0x22: {  	s21 =	simm.s32 $0x40;
	s22 =	simm.s32 $0x0  }
.LBB2_2:
0x23: {  	p1 =	sne.s32 s21, $0x9FC0;
	[tilespmem:s22+$0x2800] =	vst v0;
	s22 =	smov.u32 s21;
	s21 =	sadd.s32 $0x40, s21  }
.Ltmp2:
0x24: {  	(pc) =	sbr.rel @p1 .LBB2_2-.Ltmp2, $2  }
0x25: {  	_ =	sdelay $0x2  }
0x26: {  	s22 =	sshra.s32 s22, $0x2  }
0x27: {  	[tilespmem:s22+$0x2800] =	vst v0  }
0x28: {  	_ =	swait.ge [sflag:s13], $0xA00  }
0x29: {  	[sflag:s13] =	ssyncset.done $0x0  }
0x2a: {  	s22 =	simm.s32 $0x0;
	s21 =	simm.s32 $0x40;
	[sflag:s13] =	ssyncadd.s32 $0xFFFFF600  }
.LBB2_4:
0x2b: {  	p1 =	sne.s32 s21, $0x27C0;
	v2 =	vld [tilespmem:s22+$0x0];
	_ =	sdelay $0x3  }
.Ltmp3:
0x2c: {  	(pc) =	sbr.rel @p1 .LBB2_4-.Ltmp3, $2  }
0x2d: {  	_ =	sdelay $0x2  }
0x2e: {  	s22 =	sshra.s32 s21, $0x2;
	s21 =	sadd.s32 $0x40, s21;
	[tilespmem:v2+s14+$0x0] =	vst.idx.add.f32.msk $0xffff, v1  }
0x2f: {  	v2 =	vld [tilespmem:s22+$0x0];
	_ =	sdelay $0x7  }
0x30: {  	[tilespmem:v2+s14+$0x0] =	vst.idx.add.f32.msk $0xffff, v1  }
0x31: {  	_ =	swait.ge [sflag:s15], $0xA00  }
0x32: {  	[sflag:s15] =	ssyncset.done $0x0  }
0x33: {  	s22 =	simm.s32 $0x0;
	s21 =	simm.s32 $0x40;
	[sflag:s15] =	ssyncadd.s32 $0xFFFFF600  }
.LBB2_6:
0x34: {  	p1 =	sne.s32 s21, $0x27C0;
	v2 =	vld [tilespmem:s22+$0xA00];
	_ =	sdelay $0x3  }
.Ltmp4:
0x35: {  	(pc) =	sbr.rel @p1 .LBB2_6-.Ltmp4, $2  }
0x36: {  	_ =	sdelay $0x2  }
0x37: {  	s22 =	sshra.s32 s21, $0x2;
	s21 =	sadd.s32 $0x40, s21;
	[tilespmem:v2+s14+$0x0] =	vst.idx.add.f32.msk $0xffff, v1  }
0x38: {  	v2 =	vld [tilespmem:s22+$0xA00];
	_ =	sdelay $0x7  }
0x39: {  	[tilespmem:v2+s14+$0x0] =	vst.idx.add.f32.msk $0xffff, v1  }
0x3a: {  	_ =	swait.ge [sflag:s16], $0xA00  }
0x3b: {  	[sflag:s16] =	ssyncset.done $0x0  }
0x3c: {  	s22 =	simm.s32 $0x0;
	s21 =	simm.s32 $0x40;
	[sflag:s16] =	ssyncadd.s32 $0xFFFFF600  }
.LBB2_8:
0x3d: {  	p1 =	sne.s32 s21, $0x27C0;
	v2 =	vld [tilespmem:s22+$0x1400];
	_ =	sdelay $0x3  }
.Ltmp5:
0x3e: {  	(pc) =	sbr.rel @p1 .LBB2_8-.Ltmp5, $2  }
0x3f: {  	_ =	sdelay $0x2  }
0x40: {  	s22 =	sshra.s32 s21, $0x2;
	s21 =	sadd.s32 $0x40, s21;
	[tilespmem:v2+s14+$0x0] =	vst.idx.add.f32.msk $0xffff, v1  }
0x41: {  	v2 =	vld [tilespmem:s22+$0x1400];
	_ =	sdelay $0x3  }
.Ltmp6:
0x42: {  	_ = 	snop;
	(pc) =	sbr.rel @p0 .LBB2_13-.Ltmp6, $2  }
0x43: {  	_ =	sdelay $0x2  }
0x44: {  	[tilespmem:v2+s14+$0x0] =	vst.idx.add.f32.msk $0xffff, v1  }
0x45: {  	_ =	swait.ge [sflag:s17], $0xA00  }
0x46: {  	[sflag:s17] =	ssyncset.done $0x0  }
0x47: {  	s22 =	simm.s32 $0x0;
	s21 =	simm.s32 $0x40;
	[sflag:s17] =	ssyncadd.s32 $0xFFFFF600  }
.LBB2_11:
0x48: {  	p1 =	sne.s32 s21, $0x27C0;
	v2 =	vld [tilespmem:s22+$0x1E00];
	_ =	sdelay $0x3  }
.Ltmp7:
0x49: {  	(pc) =	sbr.rel @p1 .LBB2_11-.Ltmp7, $2  }
0x4a: {  	_ =	sdelay $0x2  }
0x4b: {  	s22 =	sshra.s32 s21, $0x2;
	s21 =	sadd.s32 $0x40, s21;
	[tilespmem:v2+s14+$0x0] =	vst.idx.add.f32.msk $0xffff, v1  }
.Ltmp8:
0x4c: {  	_ = 	snop;
	(pc) =	sbr.rel .LBB2_12-.Ltmp8, $1  }
0x4d: {  	_ =	sdelay $0x3  }
.LBB2_14:
0x4e: {  	_ =	sfence.sel $0x180000  }
0x4f: {  	[bflag:$0x0] =	sbarrier.arrive $0xFFFF  }
0x50: {  	p0 =	sne.s32 s1, $0x0;
	_ =	strace $0x90000047  }
0x51: {  	s0 =	sadd.s32 @!p0 $0x100000, s0;
	[bflag:$0x2] =	sbarrier.arrive $0xFFFF  }
0x52: {  	[sflag:s0] =	ssyncadd.tile.s32 @!p0 $0x1;
	_ =	shalt  }
.Lfunc_end2:
_tile_overlayer_lowered:
.L_overlay_start_2:
0x53: {  	(tag) =	ssettag $0x2  }
0x54: {  	s0 =	rddreg [dreg:$0x0];
	s2 =	stileid.u32  }
0x55: {  	s1 =	rddreg [dreg:$0x1];
	p0 =	sne.s32 s2, $0x0  }
0x56: {  	s3 =	rddreg [dreg:$0x2];
	[bflag:$0x3] =	sbarrier.arrive $0xFFFF;
	s2 =	simm.s32 @!p0 $0x1C05  }
0x57: {  	[timem:s3], [sflag:s2] =	dma.local @!p0 [hbm:s0], s1  }
0x58: {  	s0 =	simm.s32 @!p0 $0x5  }
0x59: {  	_ =	swait.ge @!p0 [sflag:s0], s1  }
0x5a: {  	s1 =	ssub.s32 @!p0 $0x0, s1;
	[sflag:s0] =	ssyncset.done @!p0 $0x0  }
0x5b: {  	[sflag:s0] =	ssyncadd.s32 @!p0 s1  }
0x5c: {  	[bflag:$0x3] =	sbarrier.arrive $0xFFFF  }
0x5d: {  	_ =	shalt  }

</sc_bundles>
